<compile_context>
chip_gen: v7x
topology: tpu7x:2x2x1
jax: 0.10.2.dev20260603
libtpu: 0.0.44.dev20260713+nightly
codegen_flags: <defaults>
</compile_context>

<pallas_src>
import functools

import jax
import jax.numpy as jnp
from jax import lax
from jax.experimental import pallas as pl
from jax.experimental.pallas import tpu as pltpu
from jax.experimental.pallas import tpu_sc as plsc

N = 10000
E = 160000
NUM_FEAT = 128
DIM = 32
NGRAPH = 64

LW = 128
NW = 32
CHUNK = 128
CPW = 40
EP = NW * CPW * CHUNK
NPAD = N + 16
RPT = NPAD // 16
GRP = 8
EPW = CPW * CHUNK

_SC_PARAMS = pltpu.CompilerParams(use_tc_tiling_on_sc=False)

_f32 = jnp.float32
_bf16 = jnp.bfloat16
_i32 = jnp.int32



def _sc_gather(table, idx2d):
    mesh = plsc.VectorSubcoreMesh(core_axis_name="c", subcore_axis_name="s")

    @functools.partial(
        pl.kernel, mesh=mesh, compiler_params=_SC_PARAMS,
        out_type=jax.ShapeDtypeStruct((EP, LW), _f32),
        scratch_types=[
            pltpu.VMEM((CPW, CHUNK), _i32),
            pltpu.VMEM((GRP * CHUNK, DIM), _f32),
            pltpu.SemaphoreType.DMA,
        ],
    )
    def k(table_hbm, idx_hbm, out_hbm, idx_v, rows_v, sem):
        c = lax.axis_index("c")
        s = lax.axis_index("s")
        wid = s * 2 + c
        pltpu.sync_copy(idx_hbm.at[pl.ds(wid * CPW, CPW)], idx_v)

        def body(j, carry):
            cps = [
                pltpu.async_copy(
                    table_hbm.at[idx_v.at[j * GRP + b]],
                    rows_v.at[pl.ds(b * CHUNK, CHUNK)],
                    sem,
                )
                for b in range(GRP)
            ]
            for cp in cps:
                cp.wait()
            pltpu.sync_copy(
                rows_v,
                out_hbm.at[pl.ds(wid * EPW + j * GRP * CHUNK, GRP * CHUNK),
                           pl.ds(0, DIM)],
            )
            return carry

        lax.fori_loop(0, CPW // GRP, body, 0)

    return k(table, idx2d)


def _sc_scatter(msg, idx2d, zeros_tab):
    mesh = plsc.VectorSubcoreMesh(core_axis_name="c", subcore_axis_name="s")
    ot = jax.ShapeDtypeStruct((NPAD, LW), _f32)

    @functools.partial(
        pl.kernel, mesh=mesh, compiler_params=_SC_PARAMS,
        out_type=(ot, ot),
        scratch_types=[
            pltpu.VMEM((CPW, CHUNK), _i32),
            pltpu.VMEM((GRP * CHUNK, 2 * DIM), _f32),
            pltpu.VMEM_SHARED((NPAD, 2 * DIM), _f32),
            pltpu.SemaphoreType.DMA,
            pltpu.SemaphoreType.DMA,
        ],
    )
    def k(msg_hbm, idx_hbm, zer_hbm, o0, o1, idx_v, msg_v, acc_sh, sem,
          sem2):
        c = lax.axis_index("c")
        s = lax.axis_index("s")
        wid = s * 2 + c
        pltpu.sync_copy(zer_hbm.at[pl.ds(s * RPT, RPT), pl.ds(0, 2 * DIM)],
                        acc_sh.at[pl.ds(s * RPT, RPT)])
        pltpu.sync_copy(idx_hbm.at[pl.ds(wid * CPW, CPW)], idx_v)
        plsc.subcore_barrier()

        def body(j, carry):
            cps = [
                pltpu.async_copy(
                    msg_hbm.at[pl.ds(wid * EPW + (j * GRP + b) * CHUNK, CHUNK),
                               pl.ds(0, 2 * DIM)],
                    msg_v.at[pl.ds(b * CHUNK, CHUNK)],
                    sem,
                )
                for b in range(GRP)
            ]
            for cp in cps:
                cp.wait()
            adds = [
                pltpu.async_copy(msg_v.at[pl.ds(b * CHUNK, CHUNK)],
                                 acc_sh.at[idx_v.at[j * GRP + b]], sem2,
                                 add=True)
                for b in range(GRP)
            ]
            for cp in adds:
                cp.wait()
            return carry

        lax.fori_loop(0, CPW // GRP, body, 0)
        plsc.subcore_barrier()

        @pl.when(c == 0)
        def _():
            pltpu.sync_copy(acc_sh.at[pl.ds(s * RPT, RPT)],
                            o0.at[pl.ds(s * RPT, RPT), pl.ds(0, 2 * DIM)])

        @pl.when(c == 1)
        def _():
            pltpu.sync_copy(acc_sh.at[pl.ds(s * RPT, RPT)],
                            o1.at[pl.ds(s * RPT, RPT), pl.ds(0, 2 * DIM)])

    return k(msg, idx2d, zeros_tab)



def _lin0_body(x_ref, w_ref, b_ref, o_ref):
    acc = jnp.dot(x_ref[...], w_ref[...], preferred_element_type=_f32)
    o_ref[...] = jnp.maximum(acc + b_ref[...], 0.0)


def _lin0(x, w_t, b_row):
    return pl.pallas_call(
        _lin0_body,
        out_shape=jax.ShapeDtypeStruct((NPAD, DIM), _f32),
    )(x, w_t, b_row)


_TE = 1280


def _msg_body(ea_ref, os_ref, w1t_ref, b1_ref, w2t_ref, r_ref, bm_ref, o_ref):
    h1 = jnp.dot(ea_ref[...], w1t_ref[...], preferred_element_type=_f32)
    h1 = jnp.maximum(h1 + b1_ref[...], 0.0).astype(_bf16)
    w = jnp.dot(h1, w2t_ref[...], preferred_element_type=_f32)
    osrc = os_ref[...][:, 0:DIM]
    os_hi = osrc.astype(_bf16)
    os_lo = (osrc - os_hi.astype(_f32)).astype(_bf16)
    oshl = jnp.concatenate([os_hi, os_lo], axis=1)
    ose = jnp.dot(oshl, r_ref[...], preferred_element_type=_f32)
    q = ose[:, 0:128] * w[:, 0:128]
    for a in range(1, 8):
        q = q + ose[:, a * 128:(a + 1) * 128] * w[:, a * 128:(a + 1) * 128]
    msg = q[:, 0:32] + q[:, 32:64] + q[:, 64:96] + q[:, 96:128]
    msg = msg + jnp.dot(osrc, bm_ref[...], preferred_element_type=_f32)
    o_ref[...] = jnp.concatenate(
        [msg, jnp.ones((_TE, DIM), _f32), jnp.zeros((_TE, 2 * DIM), _f32)],
        axis=1)


def _msg(eap, osrc, w1t, b1, w2t, rmat, bmat):
    grid = (E // _TE,)
    full = lambda shape: pl.BlockSpec(shape, lambda i: (0, 0))
    return pl.pallas_call(
        _msg_body,
        grid=grid,
        in_specs=[
            pl.BlockSpec((_TE, 4), lambda i: (i, 0)),
            pl.BlockSpec((_TE, LW), lambda i: (i, 0)),
            full((4, NUM_FEAT)),
            full((1, NUM_FEAT)),
            full((NUM_FEAT, DIM * DIM)),
            full((2 * DIM, DIM * DIM)),
            full((DIM, DIM)),
        ],
        out_specs=pl.BlockSpec((_TE, LW), lambda i: (i, 0)),
        out_shape=jax.ShapeDtypeStruct((EP, LW), _f32),
    )(eap, osrc, w1t, b1, w2t, rmat, bmat)


def _sigm(x):
    return 1.0 / (1.0 + jnp.exp(-x))


_TN = 2504


def _gru_body(p0_ref, p1_ref, h_ref, rw_ref, cb_ref,
              wih_ref, whh_ref, bih_ref, bhh_ref, o_ref):
    h = h_ref[...]
    p0 = p0_ref[...]
    p1 = p1_ref[...]
    cnt = jnp.maximum(p0[:, DIM:2 * DIM] + p1[:, DIM:2 * DIM], 1.0)
    agg = (p0[:, 0:DIM] + p1[:, 0:DIM]) / cnt
    m = agg + jnp.dot(h, rw_ref[...], preferred_element_type=_f32) + cb_ref[...]
    m = jnp.maximum(m, 0.0)
    gi = jnp.dot(m, wih_ref[...], preferred_element_type=_f32) + bih_ref[...]
    gh = jnp.dot(h, whh_ref[...], preferred_element_type=_f32) + bhh_ref[...]
    r = _sigm(gi[:, 0:DIM] + gh[:, 0:DIM])
    z = _sigm(gi[:, DIM:2 * DIM] + gh[:, DIM:2 * DIM])
    n = jnp.tanh(gi[:, 2 * DIM:3 * DIM] + r * gh[:, 2 * DIM:3 * DIM])
    o_ref[...] = (1.0 - z) * n + z * h


def _gru(p0, p1, h, root_w, conv_b_row, wih_t, whh_t, bih_row, bhh_row):
    grid = (NPAD // _TN,)
    full = lambda shape: pl.BlockSpec(shape, lambda i: (0, 0))
    return pl.pallas_call(
        _gru_body,
        grid=grid,
        in_specs=[
            pl.BlockSpec((_TN, LW), lambda i: (i, 0)),
            pl.BlockSpec((_TN, LW), lambda i: (i, 0)),
            pl.BlockSpec((_TN, DIM), lambda i: (i, 0)),
            full((DIM, DIM)),
            full((1, DIM)),
            full((DIM, 3 * DIM)),
            full((DIM, 3 * DIM)),
            full((1, 3 * DIM)),
            full((1, 3 * DIM)),
        ],
        out_specs=pl.BlockSpec((_TN, DIM), lambda i: (i, 0)),
        out_shape=jax.ShapeDtypeStruct((NPAD, DIM), _f32),
    )(p0, p1, h, root_w, conv_b_row, wih_t, whh_t, bih_row, bhh_row)


def _s2s_body(out_ref, bcol_ref, brow_ref, wih_ref, whh_ref, bsum_ref,
              l1_ref, l1b_ref, l2_ref, l2b_ref, g_ref):
    out = out_ref[...]
    bcol = bcol_ref[...]
    brow = brow_ref[...]
    gid_row = lax.broadcasted_iota(_i32, (1, NGRAPH), 1)
    gid_col = lax.broadcasted_iota(_i32, (NGRAPH, 1), 0)
    maskb = bcol == gid_row
    mask = maskb.astype(_f32)
    mask_t = (brow == gid_col).astype(_f32)
    valid = (bcol < NGRAPH).astype(_f32)

    q_star = jnp.zeros((NGRAPH, 2 * DIM), _f32)
    hh = jnp.zeros((NGRAPH, DIM), _f32)
    cc = jnp.zeros((NGRAPH, DIM), _f32)
    for _ in range(3):
        gates = (jnp.dot(q_star, wih_ref[...], preferred_element_type=_f32)
                 + jnp.dot(hh, whh_ref[...], preferred_element_type=_f32)
                 + bsum_ref[...])
        ig = _sigm(gates[:, 0:DIM])
        fg = _sigm(gates[:, DIM:2 * DIM])
        gg = jnp.tanh(gates[:, 2 * DIM:3 * DIM])
        og = _sigm(gates[:, 3 * DIM:4 * DIM])
        cc = fg * cc + ig * gg
        hh = og * jnp.tanh(cc)
        qn = jnp.dot(mask, hh, preferred_element_type=_f32)
        e = jnp.sum(out * qn, axis=1, keepdims=True)
        ems = jnp.max(jnp.where(maskb, e, -1e30), axis=0, keepdims=True)
        ems = jnp.where(ems < -1e29, 0.0, ems)
        emax_pn = jnp.sum(mask * ems, axis=1, keepdims=True)
        anum = jnp.exp(e - emax_pn) * valid
        aden_row = jnp.sum(mask * anum, axis=0, keepdims=True)
        aden_pn = jnp.sum(mask * aden_row, axis=1, keepdims=True)
        a = anum / (aden_pn + 1e-16)
        rr = jnp.dot(mask_t, a * out, preferred_element_type=_f32)
        q_star = jnp.concatenate([hh, rr], axis=1)
    g1 = jnp.dot(q_star, l1_ref[...], preferred_element_type=_f32) + l1b_ref[...]
    g1 = jnp.maximum(g1, 0.0)
    g_ref[...] = jnp.dot(g1, l2_ref[...], preferred_element_type=_f32) + l2b_ref[...]


def _s2s(out, bcol, brow, wih_t, whh_t, bsum, l1_t, l1b, l2_t, l2b):
    return pl.pallas_call(
        _s2s_body,
        out_shape=jax.ShapeDtypeStruct((NGRAPH, 1), _f32),
    )(out, bcol, brow, wih_t, whh_t, bsum, l1_t, l1b, l2_t, l2b)



def kernel(x, edge_index, edge_attr, batch, lin0_W, lin0_b, nn1_W, nn1_b,
           nn2_W, nn2_b, root_W, conv_b, gru_wih, gru_whh, gru_bih, gru_bhh,
           lstm_wih, lstm_whh, lstm_bih, lstm_bhh, lin1_W, lin1_b,
           lin2_W, lin2_b):
    src = edge_index[0].astype(_i32)
    dst = edge_index[1].astype(_i32)
    npad = EP - E
    src_p = jnp.concatenate([src, jnp.zeros((npad,), _i32)])
    dst_p = jnp.concatenate(
        [dst, N + (jnp.arange(npad, dtype=_i32) % 16)])
    src2d = src_p.reshape(EP // CHUNK, CHUNK)
    dst2d = dst_p.reshape(EP // CHUNK, CHUNK)
    zeros_tab = jnp.zeros((NPAD, LW), _f32)
    x_p = jnp.concatenate([x, jnp.zeros((NPAD - N, NUM_FEAT), _f32)])
    batch_p = jnp.concatenate(
        [batch.astype(_i32), jnp.full((NPAD - N,), NGRAPH, _i32)])

    w1t = nn1_W.T
    b1 = nn1_b.reshape(1, NUM_FEAT)
    w2t = nn2_W.T.astype(_bf16)
    rkron = jnp.kron(jnp.eye(DIM, dtype=_f32), jnp.ones((1, DIM), _f32))
    bmat = nn2_b.reshape(DIM, DIM)
    rmat = jnp.concatenate([rkron, rkron], axis=0).astype(_bf16)
    conv_b_row = conv_b.reshape(1, DIM)
    wih_t = gru_wih.T
    whh_t = gru_whh.T
    bih_row = gru_bih.reshape(1, 3 * DIM)
    bhh_row = gru_bhh.reshape(1, 3 * DIM)

    out = _lin0(x_p, lin0_W.T, lin0_b.reshape(1, DIM))

    for _ in range(3):
        osrc = _sc_gather(out, src2d)
        msg = _msg(edge_attr, osrc, w1t, b1, w2t, rmat, bmat)
        p0, p1 = _sc_scatter(msg, dst2d, zeros_tab)
        out = _gru(p0, p1, out, root_W, conv_b_row,
                   wih_t, whh_t, bih_row, bhh_row)

    g = _s2s(out,
             batch_p.reshape(NPAD, 1),
             batch_p.reshape(1, NPAD),
             lstm_wih.T, lstm_whh.T,
             (lstm_bih + lstm_bhh).reshape(1, 4 * DIM),
             lin1_W.T, lin1_b.reshape(1, DIM),
             lin2_W.T, lin2_b.reshape(1, 1))
    return (g.reshape(-1), out[:N])

# --- scband reference (transcript-rebuilt; emitter-appended) ---
"""Pipeline reference for scband-mpnnet-6408091205706 (READ-ONLY COPY).

The authoritative reference and input builder live on the scoring server;
editing this copy changes nothing except your own understanding.
"""

import jax, jax.numpy as jnp
import numpy as np

N = 10000
E = 160000
NUM_FEAT = 128
DIM = 32
NGRAPH = 64


def _uni(key, shape, fan_in):
    b = 1.0 / np.sqrt(fan_in)
    return jax.random.uniform(key, shape, minval=-b, maxval=b, dtype=jnp.float32)


def setup_inputs(seed: int = 0):
    key = jax.random.key(seed)
    ks = jax.random.split(key, 30)
    inp = {}
    inp["x"] = jax.random.normal(ks[0], (N, NUM_FEAT), dtype=jnp.float32)
    inp["edge_index"] = jax.random.randint(ks[1], (2, E), 0, N)
    inp["edge_attr"] = jax.random.uniform(ks[2], (E, 4), dtype=jnp.float32)
    inp["batch"] = jnp.sort(jax.random.randint(ks[3], (N,), 0, NGRAPH))
    inp["lin0_W"] = _uni(ks[4], (DIM, NUM_FEAT), NUM_FEAT)
    inp["lin0_b"] = _uni(ks[5], (DIM,), NUM_FEAT)
    inp["nn1_W"] = _uni(ks[6], (128, 4), 4)
    inp["nn1_b"] = _uni(ks[7], (128,), 4)
    inp["nn2_W"] = _uni(ks[8], (DIM * DIM, 128), 128)
    inp["nn2_b"] = _uni(ks[9], (DIM * DIM,), 128)
    inp["root_W"] = _uni(ks[10], (DIM, DIM), DIM)
    inp["conv_b"] = _uni(ks[11], (DIM,), DIM)
    inp["gru_wih"] = _uni(ks[12], (3 * DIM, DIM), DIM)
    inp["gru_whh"] = _uni(ks[13], (3 * DIM, DIM), DIM)
    inp["gru_bih"] = _uni(ks[14], (3 * DIM,), DIM)
    inp["gru_bhh"] = _uni(ks[15], (3 * DIM,), DIM)
    inp["lstm_wih"] = _uni(ks[16], (4 * DIM, 2 * DIM), DIM)
    inp["lstm_whh"] = _uni(ks[17], (4 * DIM, DIM), DIM)
    inp["lstm_bih"] = _uni(ks[18], (4 * DIM,), DIM)
    inp["lstm_bhh"] = _uni(ks[19], (4 * DIM,), DIM)
    inp["lin1_W"] = _uni(ks[20], (DIM, 2 * DIM), 2 * DIM)
    inp["lin1_b"] = _uni(ks[21], (DIM,), 2 * DIM)
    inp["lin2_W"] = _uni(ks[22], (1, DIM), DIM)
    inp["lin2_b"] = _uni(ks[23], (1,), DIM)
    return inp


def _forward(x, edge_attr, lin0_W, lin0_b, nn1_W, nn1_b, nn2_W, nn2_b, root_W, conv_b,
             gru_wih, gru_whh, gru_bih, gru_bhh, lstm_wih, lstm_whh, lstm_bih, lstm_bhh,
             lin1_W, lin1_b, lin2_W, lin2_b, edge_index, batch):
    src = edge_index[0]
    dst = edge_index[1]
    # NNConv dynamic edge weights: Linear(4,128)->ReLU->Linear(128, DIM*DIM)
    w = jax.nn.relu(edge_attr @ nn1_W.T + nn1_b)
    w = (w @ nn2_W.T + nn2_b).reshape(E, DIM, DIM)
    out = jax.nn.relu(x @ lin0_W.T + lin0_b)
    h = out
    ones = jnp.ones((E,), dtype=jnp.float32)
    cnt = jax.ops.segment_sum(ones, dst, num_segments=N)
    cnt = jnp.clip(cnt, 1.0, None)
    for _ in range(3):
        msg = jnp.einsum('ei,eio->eo', out[src], w)
        agg = jax.ops.segment_sum(msg, dst, num_segments=N) / cnt[:, None]
        m = jax.nn.relu(agg + out @ root_W + conv_b)
        # GRU cell (PyTorch gate order: r, z, n)
        gi = m @ gru_wih.T + gru_bih
        gh = h @ gru_whh.T + gru_bhh
        i_r, i_z, i_n = jnp.split(gi, 3, axis=-1)
        h_r, h_z, h_n = jnp.split(gh, 3, axis=-1)
        r = jax.nn.sigmoid(i_r + h_r)
        z = jax.nn.sigmoid(i_z + h_z)
        n = jnp.tanh(i_n + r * h_n)
        h = (1.0 - z) * n + z * h
        out = h
    per_atom_out = out
    # Set2Set with processing_steps=3 (LSTM: gate order i, f, g, o)
    B = NGRAPH
    q_star = jnp.zeros((B, 2 * DIM), dtype=jnp.float32)
    hh = jnp.zeros((B, DIM), dtype=jnp.float32)
    cc = jnp.zeros((B, DIM), dtype=jnp.float32)
    for _ in range(3):
        gates = q_star @ lstm_wih.T + lstm_bih + hh @ lstm_whh.T + lstm_bhh
        gi_, gf_, gg_, go_ = jnp.split(gates, 4, axis=-1)
        ig = jax.nn.sigmoid(gi_)
        fg = jax.nn.sigmoid(gf_)
        gg = jnp.tanh(gg_)
        og = jax.nn.sigmoid(go_)
        cc = fg * cc + ig * gg
        hh = og * jnp.tanh(cc)
        q = hh
        e = jnp.sum(out * q[batch], axis=-1)
        emax = jax.ops.segment_max(e, batch, num_segments=B)
        emax = jnp.where(jnp.isfinite(emax), emax, 0.0)
        anum = jnp.exp(e - emax[batch])
        aden = jax.ops.segment_sum(anum, batch, num_segments=B)
        a = anum / (aden[batch] + 1e-16)
        rr = jax.ops.segment_sum(a[:, None] * out, batch, num_segments=B)
        q_star = jnp.concatenate([q, rr], axis=-1)
    g = jax.nn.relu(q_star @ lin1_W.T + lin1_b)
    g = (g @ lin2_W.T + lin2_b).reshape(-1)
    return (g, per_atom_out)


def reference(x, edge_index, edge_attr, batch, lin0_W, lin0_b, nn1_W, nn1_b, nn2_W, nn2_b,
              root_W, conv_b, gru_wih, gru_whh, gru_bih, gru_bhh,
              lstm_wih, lstm_whh, lstm_bih, lstm_bhh, lin1_W, lin1_b, lin2_W, lin2_b):
    return _forward(x, edge_attr, lin0_W, lin0_b, nn1_W, nn1_b, nn2_W, nn2_b, root_W, conv_b,
                    gru_wih, gru_whh, gru_bih, gru_bhh, lstm_wih, lstm_whh, lstm_bih, lstm_bhh,
                    lin1_W, lin1_b, lin2_W, lin2_b, edge_index, batch)

if __name__ == "__main__":
    import jax
    _d = setup_inputs()
    print(jax.jit(kernel)(*tuple(_d.values())))

</pallas_src>

<mosaic_0001>
#map = affine_map<(d0, d1) -> (0, 0)>
module attributes {stable_mosaic.version = 14 : i64} {
  func.func @k(%arg0: i32, %arg1: i32, %arg2: memref<10016x32xf32, #tpu.memory_space<hbm>>, %arg3: memref<1280x128xi32, #tpu.memory_space<hbm>>, %arg4: memref<163840x128xf32, #tpu.memory_space<hbm>>, %arg5: memref<40x128xi32, #tpu.memory_space<vmem>>, %arg6: memref<1024x32xf32, #tpu.memory_space<vmem>>, %arg7: memref<!tpu.dma_semaphore, #tpu.memory_space<semaphore_mem>>) attributes {dimension_semantics = [#tpu.dimension_semantics<core_parallel>, #tpu.dimension_semantics<subcore_parallel>], iteration_bounds = array<i64: 2, 16>, scalar_prefetch = 0 : i64, scratch_operands = 3 : i64, tpu.core_type = #tpu.core_type<sc_vector_subcore>, window_params = [{transform_indices = #map}, {transform_indices = #map}, {transform_indices = #map}]} {
    %mul3A = arith.constant 2 : i32
    %mul3A_0 = arith.muli %arg1, %mul3A : i32
    %add3A = arith.addi %mul3A_0, %arg0 : i32
    %mul3A_1 = arith.constant 40 : i32
    %mul3A_2 = arith.muli %add3A, %mul3A_1 : i32
    "tpu.region"() ({
      %run_scoped3A = tpu.sem_alloc : memref<!tpu.dma_semaphore, #tpu.memory_space<semaphore_mem>>
      %dma_start3A = arith.constant 0 : i32
      %dma_start3A_8 = tpu.memref_slice %arg3[%mul3A_2, %dma_start3A] : memref<1280x128xi32, #tpu.memory_space<hbm>> -> memref<40x128xi32, #tpu.memory_space<hbm>>
      %dma_start3A_9 = arith.constant 0 : i32
      %dma_start3A_10 = tpu.memref_slice %arg3[%mul3A_2, %dma_start3A_9] : memref<1280x128xi32, #tpu.memory_space<hbm>> -> memref<40x128xi32, #tpu.memory_space<hbm>>
      tpu.enqueue_dma source(%dma_start3A_10 : memref<40x128xi32, #tpu.memory_space<hbm>>) target(%arg5 : memref<40x128xi32, #tpu.memory_space<vmem>>) target_semaphore(%run_scoped3A : memref<!tpu.dma_semaphore, #tpu.memory_space<semaphore_mem>>)
      %dma_wait3A = arith.constant 0 : i32
      %dma_wait3A_11 = tpu.memref_slice %arg3[%mul3A_2, %dma_wait3A] : memref<1280x128xi32, #tpu.memory_space<hbm>> -> memref<40x128xi32, #tpu.memory_space<hbm>>
      %dma_wait3A_12 = arith.constant 0 : i32
      %dma_wait3A_13 = tpu.memref_slice %arg3[%mul3A_2, %dma_wait3A_12] : memref<1280x128xi32, #tpu.memory_space<hbm>> -> memref<40x128xi32, #tpu.memory_space<hbm>>
      tpu.wait_dma2 semaphore(%run_scoped3A : memref<!tpu.dma_semaphore, #tpu.memory_space<semaphore_mem>>) src(%dma_wait3A_13 : memref<40x128xi32, #tpu.memory_space<hbm>>) dst(%arg5 : memref<40x128xi32, #tpu.memory_space<vmem>>)
      tpu.yield
    }) : () -> ()
    %scan3A = arith.constant 0 : i32
    %scan3A_3 = arith.constant 0 : i32
    %scan3A_4 = arith.constant 5 : i32
    %scan3A_5 = arith.addi %scan3A_3, %scan3A_4 : i32
    %scan3A_6 = arith.constant 1 : i32
    scf.for %scan3A_8 = %scan3A_3 to %scan3A_5 step %scan3A_6  : i32 {
      %mul3A_9 = arith.constant 8 : i32
      %mul3A_10 = arith.muli %scan3A_8, %mul3A_9 : i32
      %add3A_11 = arith.constant 0 : i32
      %add3A_12 = arith.addi %mul3A_10, %add3A_11 : i32
      %dma_start3A = arith.constant 0 : i32
      %dma_start3A_13 = arith.constant 0 : i32
      %dma_start3A_14 = tpu.memref_slice %arg6[%dma_start3A, %dma_start3A_13] : memref<1024x32xf32, #tpu.memory_space<vmem>> -> memref<128x32xf32, #tpu.memory_space<vmem>>
      %dma_start3A_15 = arith.constant 0 : i32
      %dma_start3A_16 = tpu.memref_slice %arg5[%add3A_12, %dma_start3A_15] : memref<40x128xi32, #tpu.memory_space<vmem>> -> memref<1x128xi32, #tpu.memory_space<vmem>>
      %dma_start3A_17 = tpu.memref_squeeze %dma_start3A_16 : memref<1x128xi32, #tpu.memory_space<vmem>> -> memref<128xi32, #tpu.memory_space<vmem>>
      %dma_start3A_18 = arith.constant 0 : i32
      %dma_start3A_19 = arith.constant 0 : i32
      %dma_start3A_20 = tpu.memref_slice %arg2[%dma_start3A_18, %dma_start3A_19] : memref<10016x32xf32, #tpu.memory_space<hbm>> -> memref<10016x32xf32, #tpu.memory_space<hbm>>
      tpu.enqueue_indirect_dma source(%dma_start3A_20 : memref<10016x32xf32, #tpu.memory_space<hbm>>) target(%dma_start3A_14 : memref<128x32xf32, #tpu.memory_space<vmem>>) offsets(%dma_start3A_17 : memref<128xi32, #tpu.memory_space<vmem>>) semaphore(%arg7 : memref<!tpu.dma_semaphore, #tpu.memory_space<semaphore_mem>>)
      %mul3A_21 = arith.constant 8 : i32
      %mul3A_22 = arith.muli %scan3A_8, %mul3A_21 : i32
      %add3A_23 = arith.constant 1 : i32
      %add3A_24 = arith.addi %mul3A_22, %add3A_23 : i32
      %dma_start3A_25 = arith.constant 128 : i32
      %dma_start3A_26 = arith.constant 0 : i32
      %dma_start3A_27 = tpu.memref_slice %arg6[%dma_start3A_25, %dma_start3A_26] : memref<1024x32xf32, #tpu.memory_space<vmem>> -> memref<128x32xf32, #tpu.memory_space<vmem>>
      %dma_start3A_28 = arith.constant 0 : i32
      %dma_start3A_29 = tpu.memref_slice %arg5[%add3A_24, %dma_start3A_28] : memref<40x128xi32, #tpu.memory_space<vmem>> -> memref<1x128xi32, #tpu.memory_space<vmem>>
      %dma_start3A_30 = tpu.memref_squeeze %dma_start3A_29 : memref<1x128xi32, #tpu.memory_space<vmem>> -> memref<128xi32, #tpu.memory_space<vmem>>
      %dma_start3A_31 = arith.constant 0 : i32
      %dma_start3A_32 = arith.constant 0 : i32
      %dma_start3A_33 = tpu.memref_slice %arg2[%dma_start3A_31, %dma_start3A_32] : memref<10016x32xf32, #tpu.memory_space<hbm>> -> memref<10016x32xf32, #tpu.memory_space<hbm>>
      tpu.enqueue_indirect_dma source(%dma_start3A_33 : memref<10016x32xf32, #tpu.memory_space<hbm>>) target(%dma_start3A_27 : memref<128x32xf32, #tpu.memory_space<vmem>>) offsets(%dma_start3A_30 : memref<128xi32, #tpu.memory_space<vmem>>) semaphore(%arg7 : memref<!tpu.dma_semaphore, #tpu.memory_space<semaphore_mem>>)
      %mul3A_34 = arith.constant 8 : i32
      %mul3A_35 = arith.muli %scan3A_8, %mul3A_34 : i32
      %add3A_36 = arith.constant 2 : i32
      %add3A_37 = arith.addi %mul3A_35, %add3A_36 : i32
      %dma_start3A_38 = arith.constant 256 : i32
      %dma_start3A_39 = arith.constant 0 : i32
      %dma_start3A_40 = tpu.memref_slice %arg6[%dma_start3A_38, %dma_start3A_39] : memref<1024x32xf32, #tpu.memory_space<vmem>> -> memref<128x32xf32, #tpu.memory_space<vmem>>
      %dma_start3A_41 = arith.constant 0 : i32
      %dma_start3A_42 = tpu.memref_slice %arg5[%add3A_37, %dma_start3A_41] : memref<40x128xi32, #tpu.memory_space<vmem>> -> memref<1x128xi32, #tpu.memory_space<vmem>>
      %dma_start3A_43 = tpu.memref_squeeze %dma_start3A_42 : memref<1x128xi32, #tpu.memory_space<vmem>> -> memref<128xi32, #tpu.memory_space<vmem>>
      %dma_start3A_44 = arith.constant 0 : i32
      %dma_start3A_45 = arith.constant 0 : i32
      %dma_start3A_46 = tpu.memref_slice %arg2[%dma_start3A_44, %dma_start3A_45] : memref<10016x32xf32, #tpu.memory_space<hbm>> -> memref<10016x32xf32, #tpu.memory_space<hbm>>
      tpu.enqueue_indirect_dma source(%dma_start3A_46 : memref<10016x32xf32, #tpu.memory_space<hbm>>) target(%dma_start3A_40 : memref<128x32xf32, #tpu.memory_space<vmem>>) offsets(%dma_start3A_43 : memref<128xi32, #tpu.memory_space<vmem>>) semaphore(%arg7 : memref<!tpu.dma_semaphore, #tpu.memory_space<semaphore_mem>>)
      %mul3A_47 = arith.constant 8 : i32
      %mul3A_48 = arith.muli %scan3A_8, %mul3A_47 : i32
      %add3A_49 = arith.constant 3 : i32
      %add3A_50 = arith.addi %mul3A_48, %add3A_49 : i32
      %dma_start3A_51 = arith.constant 384 : i32
      %dma_start3A_52 = arith.constant 0 : i32
      %dma_start3A_53 = tpu.memref_slice %arg6[%dma_start3A_51, %dma_start3A_52] : memref<1024x32xf32, #tpu.memory_space<vmem>> -> memref<128x32xf32, #tpu.memory_space<vmem>>
      %dma_start3A_54 = arith.constant 0 : i32
      %dma_start3A_55 = tpu.memref_slice %arg5[%add3A_50, %dma_start3A_54] : memref<40x128xi32, #tpu.memory_space<vmem>> -> memref<1x128xi32, #tpu.memory_space<vmem>>
      %dma_start3A_56 = tpu.memref_squeeze %dma_start3A_55 : memref<1x128xi32, #tpu.memory_space<vmem>> -> memref<128xi32, #tpu.memory_space<vmem>>
      %dma_start3A_57 = arith.constant 0 : i32
      %dma_start3A_58 = arith.constant 0 : i32
      %dma_start3A_59 = tpu.memref_slice %arg2[%dma_start3A_57, %dma_start3A_58] : memref<10016x32xf32, #tpu.memory_space<hbm>> -> memref<10016x32xf32, #tpu.memory_space<hbm>>
      tpu.enqueue_indirect_dma source(%dma_start3A_59 : memref<10016x32xf32, #tpu.memory_space<hbm>>) target(%dma_start3A_53 : memref<128x32xf32, #tpu.memory_space<vmem>>) offsets(%dma_start3A_56 : memref<128xi32, #tpu.memory_space<vmem>>) semaphore(%arg7 : memref<!tpu.dma_semaphore, #tpu.memory_space<semaphore_mem>>)
      %mul3A_60 = arith.constant 8 : i32
      %mul3A_61 = arith.muli %scan3A_8, %mul3A_60 : i32
      %add3A_62 = arith.constant 4 : i32
      %add3A_63 = arith.addi %mul3A_61, %add3A_62 : i32
      %dma_start3A_64 = arith.constant 512 : i32
      %dma_start3A_65 = arith.constant 0 : i32
      %dma_start3A_66 = tpu.memref_slice %arg6[%dma_start3A_64, %dma_start3A_65] : memref<1024x32xf32, #tpu.memory_space<vmem>> -> memref<128x32xf32, #tpu.memory_space<vmem>>
      %dma_start3A_67 = arith.constant 0 : i32
      %dma_start3A_68 = tpu.memref_slice %arg5[%add3A_63, %dma_start3A_67] : memref<40x128xi32, #tpu.memory_space<vmem>> -> memref<1x128xi32, #tpu.memory_space<vmem>>
      %dma_start3A_69 = tpu.memref_squeeze %dma_start3A_68 : memref<1x128xi32, #tpu.memory_space<vmem>> -> memref<128xi32, #tpu.memory_space<vmem>>
      %dma_start3A_70 = arith.constant 0 : i32
      %dma_start3A_71 = arith.constant 0 : i32
      %dma_start3A_72 = tpu.memref_slice %arg2[%dma_start3A_70, %dma_start3A_71] : memref<10016x32xf32, #tpu.memory_space<hbm>> -> memref<10016x32xf32, #tpu.memory_space<hbm>>
      tpu.enqueue_indirect_dma source(%dma_start3A_72 : memref<10016x32xf32, #tpu.memory_space<hbm>>) target(%dma_start3A_66 : memref<128x32xf32, #tpu.memory_space<vmem>>) offsets(%dma_start3A_69 : memref<128xi32, #tpu.memory_space<vmem>>) semaphore(%arg7 : memref<!tpu.dma_semaphore, #tpu.memory_space<semaphore_mem>>)
      %mul3A_73 = arith.constant 8 : i32
      %mul3A_74 = arith.muli %scan3A_8, %mul3A_73 : i32
      %add3A_75 = arith.constant 5 : i32
      %add3A_76 = arith.addi %mul3A_74, %add3A_75 : i32
      %dma_start3A_77 = arith.constant 640 : i32
      %dma_start3A_78 = arith.constant 0 : i32
      %dma_start3A_79 = tpu.memref_slice %arg6[%dma_start3A_77, %dma_start3A_78] : memref<1024x32xf32, #tpu.memory_space<vmem>> -> memref<128x32xf32, #tpu.memory_space<vmem>>
      %dma_start3A_80 = arith.constant 0 : i32
      %dma_start3A_81 = tpu.memref_slice %arg5[%add3A_76, %dma_start3A_80] : memref<40x128xi32, #tpu.memory_space<vmem>> -> memref<1x128xi32, #tpu.memory_space<vmem>>
      %dma_start3A_82 = tpu.memref_squeeze %dma_start3A_81 : memref<1x128xi32, #tpu.memory_space<vmem>> -> memref<128xi32, #tpu.memory_space<vmem>>
      %dma_start3A_83 = arith.constant 0 : i32
      %dma_start3A_84 = arith.constant 0 : i32
      %dma_start3A_85 = tpu.memref_slice %arg2[%dma_start3A_83, %dma_start3A_84] : memref<10016x32xf32, #tpu.memory_space<hbm>> -> memref<10016x32xf32, #tpu.memory_space<hbm>>
      tpu.enqueue_indirect_dma source(%dma_start3A_85 : memref<10016x32xf32, #tpu.memory_space<hbm>>) target(%dma_start3A_79 : memref<128x32xf32, #tpu.memory_space<vmem>>) offsets(%dma_start3A_82 : memref<128xi32, #tpu.memory_space<vmem>>) semaphore(%arg7 : memref<!tpu.dma_semaphore, #tpu.memory_space<semaphore_mem>>)
      %mul3A_86 = arith.constant 8 : i32
      %mul3A_87 = arith.muli %scan3A_8, %mul3A_86 : i32
      %add3A_88 = arith.constant 6 : i32
      %add3A_89 = arith.addi %mul3A_87, %add3A_88 : i32
      %dma_start3A_90 = arith.constant 768 : i32
      %dma_start3A_91 = arith.constant 0 : i32
      %dma_start3A_92 = tpu.memref_slice %arg6[%dma_start3A_90, %dma_start3A_91] : memref<1024x32xf32, #tpu.memory_space<vmem>> -> memref<128x32xf32, #tpu.memory_space<vmem>>
      %dma_start3A_93 = arith.constant 0 : i32
      %dma_start3A_94 = tpu.memref_slice %arg5[%add3A_89, %dma_start3A_93] : memref<40x128xi32, #tpu.memory_space<vmem>> -> memref<1x128xi32, #tpu.memory_space<vmem>>
      %dma_start3A_95 = tpu.memref_squeeze %dma_start3A_94 : memref<1x128xi32, #tpu.memory_space<vmem>> -> memref<128xi32, #tpu.memory_space<vmem>>
      %dma_start3A_96 = arith.constant 0 : i32
      %dma_start3A_97 = arith.constant 0 : i32
      %dma_start3A_98 = tpu.memref_slice %arg2[%dma_start3A_96, %dma_start3A_97] : memref<10016x32xf32, #tpu.memory_space<hbm>> -> memref<10016x32xf32, #tpu.memory_space<hbm>>
      tpu.enqueue_indirect_dma source(%dma_start3A_98 : memref<10016x32xf32, #tpu.memory_space<hbm>>) target(%dma_start3A_92 : memref<128x32xf32, #tpu.memory_space<vmem>>) offsets(%dma_start3A_95 : memref<128xi32, #tpu.memory_space<vmem>>) semaphore(%arg7 : memref<!tpu.dma_semaphore, #tpu.memory_space<semaphore_mem>>)
      %mul3A_99 = arith.constant 8 : i32
      %mul3A_100 = arith.muli %scan3A_8, %mul3A_99 : i32
      %add3A_101 = arith.constant 7 : i32
      %add3A_102 = arith.addi %mul3A_100, %add3A_101 : i32
      %dma_start3A_103 = arith.constant 896 : i32
      %dma_start3A_104 = arith.constant 0 : i32
      %dma_start3A_105 = tpu.memref_slice %arg6[%dma_start3A_103, %dma_start3A_104] : memref<1024x32xf32, #tpu.memory_space<vmem>> -> memref<128x32xf32, #tpu.memory_space<vmem>>
      %dma_start3A_106 = arith.constant 0 : i32
      %dma_start3A_107 = tpu.memref_slice %arg5[%add3A_102, %dma_start3A_106] : memref<40x128xi32, #tpu.memory_space<vmem>> -> memref<1x128xi32, #tpu.memory_space<vmem>>
      %dma_start3A_108 = tpu.memref_squeeze %dma_start3A_107 : memref<1x128xi32, #tpu.memory_space<vmem>> -> memref<128xi32, #tpu.memory_space<vmem>>
      %dma_start3A_109 = arith.constant 0 : i32
      %dma_start3A_110 = arith.constant 0 : i32
      %dma_start3A_111 = tpu.memref_slice %arg2[%dma_start3A_109, %dma_start3A_110] : memref<10016x32xf32, #tpu.memory_space<hbm>> -> memref<10016x32xf32, #tpu.memory_space<hbm>>
      tpu.enqueue_indirect_dma source(%dma_start3A_111 : memref<10016x32xf32, #tpu.memory_space<hbm>>) target(%dma_start3A_105 : memref<128x32xf32, #tpu.memory_space<vmem>>) offsets(%dma_start3A_108 : memref<128xi32, #tpu.memory_space<vmem>>) semaphore(%arg7 : memref<!tpu.dma_semaphore, #tpu.memory_space<semaphore_mem>>)
      %dma_wait3A = arith.constant 0 : i32
      %dma_wait3A_112 = arith.constant 0 : i32
      %dma_wait3A_113 = tpu.memref_slice %arg6[%dma_wait3A, %dma_wait3A_112] : memref<1024x32xf32, #tpu.memory_space<vmem>> -> memref<128x32xf32, #tpu.memory_space<vmem>>
      %dma_wait3A_114 = arith.constant 0 : i32
      %dma_wait3A_115 = tpu.memref_slice %arg5[%add3A_12, %dma_wait3A_114] : memref<40x128xi32, #tpu.memory_space<vmem>> -> memref<1x128xi32, #tpu.memory_space<vmem>>
      %dma_wait3A_116 = tpu.memref_squeeze %dma_wait3A_115 : memref<1x128xi32, #tpu.memory_space<vmem>> -> memref<128xi32, #tpu.memory_space<vmem>>
      %dma_wait3A_117 = arith.constant 0 : i32
      %dma_wait3A_118 = arith.constant 0 : i32
      %dma_wait3A_119 = tpu.memref_slice %arg2[%dma_wait3A_117, %dma_wait3A_118] : memref<10016x32xf32, #tpu.memory_space<hbm>> -> memref<10016x32xf32, #tpu.memory_space<hbm>>
      tpu.wait_indirect_dma semaphore(%arg7 : memref<!tpu.dma_semaphore, #tpu.memory_space<semaphore_mem>>) src(%dma_wait3A_119 : memref<10016x32xf32, #tpu.memory_space<hbm>>) dst(%dma_wait3A_113 : memref<128x32xf32, #tpu.memory_space<vmem>>)
      %dma_wait3A_120 = arith.constant 128 : i32
      %dma_wait3A_121 = arith.constant 0 : i32
      %dma_wait3A_122 = tpu.memref_slice %arg6[%dma_wait3A_120, %dma_wait3A_121] : memref<1024x32xf32, #tpu.memory_space<vmem>> -> memref<128x32xf32, #tpu.memory_space<vmem>>
      %dma_wait3A_123 = arith.constant 0 : i32
      %dma_wait3A_124 = tpu.memref_slice %arg5[%add3A_24, %dma_wait3A_123] : memref<40x128xi32, #tpu.memory_space<vmem>> -> memref<1x128xi32, #tpu.memory_space<vmem>>
      %dma_wait3A_125 = tpu.memref_squeeze %dma_wait3A_124 : memref<1x128xi32, #tpu.memory_space<vmem>> -> memref<128xi32, #tpu.memory_space<vmem>>
      %dma_wait3A_126 = arith.constant 0 : i32
      %dma_wait3A_127 = arith.constant 0 : i32
      %dma_wait3A_128 = tpu.memref_slice %arg2[%dma_wait3A_126, %dma_wait3A_127] : memref<10016x32xf32, #tpu.memory_space<hbm>> -> memref<10016x32xf32, #tpu.memory_space<hbm>>
      tpu.wait_indirect_dma semaphore(%arg7 : memref<!tpu.dma_semaphore, #tpu.memory_space<semaphore_mem>>) src(%dma_wait3A_128 : memref<10016x32xf32, #tpu.memory_space<hbm>>) dst(%dma_wait3A_122 : memref<128x32xf32, #tpu.memory_space<vmem>>)
      %dma_wait3A_129 = arith.constant 256 : i32
      %dma_wait3A_130 = arith.constant 0 : i32
      %dma_wait3A_131 = tpu.memref_slice %arg6[%dma_wait3A_129, %dma_wait3A_130] : memref<1024x32xf32, #tpu.memory_space<vmem>> -> memref<128x32xf32, #tpu.memory_space<vmem>>
      %dma_wait3A_132 = arith.constant 0 : i32
      %dma_wait3A_133 = tpu.memref_slice %arg5[%add3A_37, %dma_wait3A_132] : memref<40x128xi32, #tpu.memory_space<vmem>> -> memref<1x128xi32, #tpu.memory_space<vmem>>
      %dma_wait3A_134 = tpu.memref_squeeze %dma_wait3A_133 : memref<1x128xi32, #tpu.memory_space<vmem>> -> memref<128xi32, #tpu.memory_space<vmem>>
      %dma_wait3A_135 = arith.constant 0 : i32
      %dma_wait3A_136 = arith.constant 0 : i32
      %dma_wait3A_137 = tpu.memref_slice %arg2[%dma_wait3A_135, %dma_wait3A_136] : memref<10016x32xf32, #tpu.memory_space<hbm>> -> memref<10016x32xf32, #tpu.memory_space<hbm>>
      tpu.wait_indirect_dma semaphore(%arg7 : memref<!tpu.dma_semaphore, #tpu.memory_space<semaphore_mem>>) src(%dma_wait3A_137 : memref<10016x32xf32, #tpu.memory_space<hbm>>) dst(%dma_wait3A_131 : memref<128x32xf32, #tpu.memory_space<vmem>>)
      %dma_wait3A_138 = arith.constant 384 : i32
      %dma_wait3A_139 = arith.constant 0 : i32
      %dma_wait3A_140 = tpu.memref_slice %arg6[%dma_wait3A_138, %dma_wait3A_139] : memref<1024x32xf32, #tpu.memory_space<vmem>> -> memref<128x32xf32, #tpu.memory_space<vmem>>
      %dma_wait3A_141 = arith.constant 0 : i32
      %dma_wait3A_142 = tpu.memref_slice %arg5[%add3A_50, %dma_wait3A_141] : memref<40x128xi32, #tpu.memory_space<vmem>> -> memref<1x128xi32, #tpu.memory_space<vmem>>
      %dma_wait3A_143 = tpu.memref_squeeze %dma_wait3A_142 : memref<1x128xi32, #tpu.memory_space<vmem>> -> memref<128xi32, #tpu.memory_space<vmem>>
      %dma_wait3A_144 = arith.constant 0 : i32
      %dma_wait3A_145 = arith.constant 0 : i32
      %dma_wait3A_146 = tpu.memref_slice %arg2[%dma_wait3A_144, %dma_wait3A_145] : memref<10016x32xf32, #tpu.memory_space<hbm>> -> memref<10016x32xf32, #tpu.memory_space<hbm>>
      tpu.wait_indirect_dma semaphore(%arg7 : memref<!tpu.dma_semaphore, #tpu.memory_space<semaphore_mem>>) src(%dma_wait3A_146 : memref<10016x32xf32, #tpu.memory_space<hbm>>) dst(%dma_wait3A_140 : memref<128x32xf32, #tpu.memory_space<vmem>>)
      %dma_wait3A_147 = arith.constant 512 : i32
      %dma_wait3A_148 = arith.constant 0 : i32
      %dma_wait3A_149 = tpu.memref_slice %arg6[%dma_wait3A_147, %dma_wait3A_148] : memref<1024x32xf32, #tpu.memory_space<vmem>> -> memref<128x32xf32, #tpu.memory_space<vmem>>
      %dma_wait3A_150 = arith.constant 0 : i32
      %dma_wait3A_151 = tpu.memref_slice %arg5[%add3A_63, %dma_wait3A_150] : memref<40x128xi32, #tpu.memory_space<vmem>> -> memref<1x128xi32, #tpu.memory_space<vmem>>
      %dma_wait3A_152 = tpu.memref_squeeze %dma_wait3A_151 : memref<1x128xi32, #tpu.memory_space<vmem>> -> memref<128xi32, #tpu.memory_space<vmem>>
      %dma_wait3A_153 = arith.constant 0 : i32
      %dma_wait3A_154 = arith.constant 0 : i32
      %dma_wait3A_155 = tpu.memref_slice %arg2[%dma_wait3A_153, %dma_wait3A_154] : memref<10016x32xf32, #tpu.memory_space<hbm>> -> memref<10016x32xf32, #tpu.memory_space<hbm>>
      tpu.wait_indirect_dma semaphore(%arg7 : memref<!tpu.dma_semaphore, #tpu.memory_space<semaphore_mem>>) src(%dma_wait3A_155 : memref<10016x32xf32, #tpu.memory_space<hbm>>) dst(%dma_wait3A_149 : memref<128x32xf32, #tpu.memory_space<vmem>>)
      %dma_wait3A_156 = arith.constant 640 : i32
      %dma_wait3A_157 = arith.constant 0 : i32
      %dma_wait3A_158 = tpu.memref_slice %arg6[%dma_wait3A_156, %dma_wait3A_157] : memref<1024x32xf32, #tpu.memory_space<vmem>> -> memref<128x32xf32, #tpu.memory_space<vmem>>
      %dma_wait3A_159 = arith.constant 0 : i32
      %dma_wait3A_160 = tpu.memref_slice %arg5[%add3A_76, %dma_wait3A_159] : memref<40x128xi32, #tpu.memory_space<vmem>> -> memref<1x128xi32, #tpu.memory_space<vmem>>
      %dma_wait3A_161 = tpu.memref_squeeze %dma_wait3A_160 : memref<1x128xi32, #tpu.memory_space<vmem>> -> memref<128xi32, #tpu.memory_space<vmem>>
      %dma_wait3A_162 = arith.constant 0 : i32
      %dma_wait3A_163 = arith.constant 0 : i32
      %dma_wait3A_164 = tpu.memref_slice %arg2[%dma_wait3A_162, %dma_wait3A_163] : memref<10016x32xf32, #tpu.memory_space<hbm>> -> memref<10016x32xf32, #tpu.memory_space<hbm>>
      tpu.wait_indirect_dma semaphore(%arg7 : memref<!tpu.dma_semaphore, #tpu.memory_space<semaphore_mem>>) src(%dma_wait3A_164 : memref<10016x32xf32, #tpu.memory_space<hbm>>) dst(%dma_wait3A_158 : memref<128x32xf32, #tpu.memory_space<vmem>>)
      %dma_wait3A_165 = arith.constant 768 : i32
      %dma_wait3A_166 = arith.constant 0 : i32
      %dma_wait3A_167 = tpu.memref_slice %arg6[%dma_wait3A_165, %dma_wait3A_166] : memref<1024x32xf32, #tpu.memory_space<vmem>> -> memref<128x32xf32, #tpu.memory_space<vmem>>
      %dma_wait3A_168 = arith.constant 0 : i32
      %dma_wait3A_169 = tpu.memref_slice %arg5[%add3A_89, %dma_wait3A_168] : memref<40x128xi32, #tpu.memory_space<vmem>> -> memref<1x128xi32, #tpu.memory_space<vmem>>
      %dma_wait3A_170 = tpu.memref_squeeze %dma_wait3A_169 : memref<1x128xi32, #tpu.memory_space<vmem>> -> memref<128xi32, #tpu.memory_space<vmem>>
      %dma_wait3A_171 = arith.constant 0 : i32
      %dma_wait3A_172 = arith.constant 0 : i32
      %dma_wait3A_173 = tpu.memref_slice %arg2[%dma_wait3A_171, %dma_wait3A_172] : memref<10016x32xf32, #tpu.memory_space<hbm>> -> memref<10016x32xf32, #tpu.memory_space<hbm>>
      tpu.wait_indirect_dma semaphore(%arg7 : memref<!tpu.dma_semaphore, #tpu.memory_space<semaphore_mem>>) src(%dma_wait3A_173 : memref<10016x32xf32, #tpu.memory_space<hbm>>) dst(%dma_wait3A_167 : memref<128x32xf32, #tpu.memory_space<vmem>>)
      %dma_wait3A_174 = arith.constant 896 : i32
      %dma_wait3A_175 = arith.constant 0 : i32
      %dma_wait3A_176 = tpu.memref_slice %arg6[%dma_wait3A_174, %dma_wait3A_175] : memref<1024x32xf32, #tpu.memory_space<vmem>> -> memref<128x32xf32, #tpu.memory_space<vmem>>
      %dma_wait3A_177 = arith.constant 0 : i32
      %dma_wait3A_178 = tpu.memref_slice %arg5[%add3A_102, %dma_wait3A_177] : memref<40x128xi32, #tpu.memory_space<vmem>> -> memref<1x128xi32, #tpu.memory_space<vmem>>
      %dma_wait3A_179 = tpu.memref_squeeze %dma_wait3A_178 : memref<1x128xi32, #tpu.memory_space<vmem>> -> memref<128xi32, #tpu.memory_space<vmem>>
      %dma_wait3A_180 = arith.constant 0 : i32
      %dma_wait3A_181 = arith.constant 0 : i32
      %dma_wait3A_182 = tpu.memref_slice %arg2[%dma_wait3A_180, %dma_wait3A_181] : memref<10016x32xf32, #tpu.memory_space<hbm>> -> memref<10016x32xf32, #tpu.memory_space<hbm>>
      tpu.wait_indirect_dma semaphore(%arg7 : memref<!tpu.dma_semaphore, #tpu.memory_space<semaphore_mem>>) src(%dma_wait3A_182 : memref<10016x32xf32, #tpu.memory_space<hbm>>) dst(%dma_wait3A_176 : memref<128x32xf32, #tpu.memory_space<vmem>>)
      %mul3A_183 = arith.constant 5120 : i32
      %mul3A_184 = arith.muli %add3A, %mul3A_183 : i32
      %mul3A_185 = arith.constant 8 : i32
      %mul3A_186 = arith.muli %scan3A_8, %mul3A_185 : i32
      %mul3A_187 = arith.constant 128 : i32
      %mul3A_188 = arith.muli %mul3A_186, %mul3A_187 : i32
      %add3A_189 = arith.addi %mul3A_184, %mul3A_188 : i32
      "tpu.region"() ({
        %run_scoped3A = tpu.sem_alloc : memref<!tpu.dma_semaphore, #tpu.memory_space<semaphore_mem>>
        %dma_start3A_190 = arith.constant 0 : i32
        %dma_start3A_191 = tpu.memref_slice %arg4[%add3A_189, %dma_start3A_190] : memref<163840x128xf32, #tpu.memory_space<hbm>> -> memref<1024x32xf32, #tpu.memory_space<hbm>>
        %dma_start3A_192 = arith.constant 0 : i32
        %dma_start3A_193 = tpu.memref_slice %arg4[%add3A_189, %dma_start3A_192] : memref<163840x128xf32, #tpu.memory_space<hbm>> -> memref<1024x32xf32, #tpu.memory_space<hbm>>
        tpu.enqueue_dma source(%arg6 : memref<1024x32xf32, #tpu.memory_space<vmem>>) target(%dma_start3A_193 : memref<1024x32xf32, #tpu.memory_space<hbm>>) target_semaphore(%run_scoped3A : memref<!tpu.dma_semaphore, #tpu.memory_space<semaphore_mem>>)
        %dma_wait3A_194 = arith.constant 0 : i32
        %dma_wait3A_195 = tpu.memref_slice %arg4[%add3A_189, %dma_wait3A_194] : memref<163840x128xf32, #tpu.memory_space<hbm>> -> memref<1024x32xf32, #tpu.memory_space<hbm>>
        %dma_wait3A_196 = arith.constant 0 : i32
        %dma_wait3A_197 = tpu.memref_slice %arg4[%add3A_189, %dma_wait3A_196] : memref<163840x128xf32, #tpu.memory_space<hbm>> -> memref<1024x32xf32, #tpu.memory_space<hbm>>
        tpu.wait_dma2 semaphore(%run_scoped3A : memref<!tpu.dma_semaphore, #tpu.memory_space<semaphore_mem>>) src(%arg6 : memref<1024x32xf32, #tpu.memory_space<vmem>>) dst(%dma_wait3A_197 : memref<1024x32xf32, #tpu.memory_space<hbm>>)
        tpu.yield
      }) : () -> ()
    }
    %scan3A_7 = arith.constant 5 : i32
    return
  }
}

#map = affine_map<(d0, d1) -> (0, 0)>
module attributes {stable_mosaic.version = 14 : i64} {
  func.func @k(%arg0: i32, %arg1: i32, %arg2: memref<10016x32xf32, #tpu.memory_space<hbm>>, %arg3: memref<1280x128xi32, #tpu.memory_space<hbm>>, %arg4: memref<163840x128xf32, #tpu.memory_space<hbm>>, %arg5: memref<40x128xi32, #tpu.memory_space<vmem>>, %arg6: memref<1024x32xf32, #tpu.memory_space<vmem>>, %arg7: memref<!tpu.dma_semaphore, #tpu.memory_space<semaphore_mem>>) attributes {dimension_semantics = [#tpu.dimension_semantics<core_parallel>, #tpu.dimension_semantics<subcore_parallel>], iteration_bounds = array<i64: 2, 16>, scalar_prefetch = 0 : i64, scratch_operands = 3 : i64, tpu.core_type = #tpu.core_type<sc_vector_subcore>, window_params = [{transform_indices = #map}, {transform_indices = #map}, {transform_indices = #map}]} {
    %mul3A = arith.constant 2 : i32
    %mul3A_0 = arith.muli %arg1, %mul3A : i32
    %add3A = arith.addi %mul3A_0, %arg0 : i32
    %mul3A_1 = arith.constant 40 : i32
    %mul3A_2 = arith.muli %add3A, %mul3A_1 : i32
    "tpu.region"() ({
      %run_scoped3A = tpu.sem_alloc : memref<!tpu.dma_semaphore, #tpu.memory_space<semaphore_mem>>
      %dma_start3A = arith.constant 0 : i32
      %dma_start3A_8 = tpu.memref_slice %arg3[%mul3A_2, %dma_start3A] : memref<1280x128xi32, #tpu.memory_space<hbm>> -> memref<40x128xi32, #tpu.memory_space<hbm>>
      %dma_start3A_9 = arith.constant 0 : i32
      %dma_start3A_10 = tpu.memref_slice %arg3[%mul3A_2, %dma_start3A_9] : memref<1280x128xi32, #tpu.memory_space<hbm>> -> memref<40x128xi32, #tpu.memory_space<hbm>>
      tpu.enqueue_dma source(%dma_start3A_10 : memref<40x128xi32, #tpu.memory_space<hbm>>) target(%arg5 : memref<40x128xi32, #tpu.memory_space<vmem>>) target_semaphore(%run_scoped3A : memref<!tpu.dma_semaphore, #tpu.memory_space<semaphore_mem>>)
      %dma_wait3A = arith.constant 0 : i32
      %dma_wait3A_11 = tpu.memref_slice %arg3[%mul3A_2, %dma_wait3A] : memref<1280x128xi32, #tpu.memory_space<hbm>> -> memref<40x128xi32, #tpu.memory_space<hbm>>
      %dma_wait3A_12 = arith.constant 0 : i32
      %dma_wait3A_13 = tpu.memref_slice %arg3[%mul3A_2, %dma_wait3A_12] : memref<1280x128xi32, #tpu.memory_space<hbm>> -> memref<40x128xi32, #tpu.memory_space<hbm>>
      tpu.wait_dma2 semaphore(%run_scoped3A : memref<!tpu.dma_semaphore, #tpu.memory_space<semaphore_mem>>) src(%dma_wait3A_13 : memref<40x128xi32, #tpu.memory_space<hbm>>) dst(%arg5 : memref<40x128xi32, #tpu.memory_space<vmem>>)
      tpu.yield
    }) : () -> ()
    %scan3A = arith.constant 0 : i32
    %scan3A_3 = arith.constant 0 : i32
    %scan3A_4 = arith.constant 5 : i32
    %scan3A_5 = arith.addi %scan3A_3, %scan3A_4 : i32
    %scan3A_6 = arith.constant 1 : i32
    scf.for %scan3A_8 = %scan3A_3 to %scan3A_5 step %scan3A_6  : i32 {
      %mul3A_9 = arith.constant 8 : i32
      %mul3A_10 = arith.muli %scan3A_8, %mul3A_9 : i32
      %add3A_11 = arith.constant 0 : i32
      %add3A_12 = arith.addi %mul3A_10, %add3A_11 : i32
      %dma_start3A = arith.constant 0 : i32
      %dma_start3A_13 = arith.constant 0 : i32
      %dma_start3A_14 = tpu.memref_slice %arg6[%dma_start3A, %dma_start3A_13] : memref<1024x32xf32, #tpu.memory_space<vmem>> -> memref<128x32xf32, #tpu.memory_space<vmem>>
      %dma_start3A_15 = arith.constant 0 : i32
      %dma_start3A_16 = tpu.memref_slice %arg5[%add3A_12, %dma_start3A_15] : memref<40x128xi32, #tpu.memory_space<vmem>> -> memref<1x128xi32, #tpu.memory_space<vmem>>
      %dma_start3A_17 = tpu.memref_squeeze %dma_start3A_16 : memref<1x128xi32, #tpu.memory_space<vmem>> -> memref<128xi32, #tpu.memory_space<vmem>>
      %dma_start3A_18 = arith.constant 0 : i32
      %dma_start3A_19 = arith.constant 0 : i32
      %dma_start3A_20 = tpu.memref_slice %arg2[%dma_start3A_18, %dma_start3A_19] : memref<10016x32xf32, #tpu.memory_space<hbm>> -> memref<10016x32xf32, #tpu.memory_space<hbm>>
      tpu.enqueue_indirect_dma source(%dma_start3A_20 : memref<10016x32xf32, #tpu.memory_space<hbm>>) target(%dma_start3A_14 : memref<128x32xf32, #tpu.memory_space<vmem>>) offsets(%dma_start3A_17 : memref<128xi32, #tpu.memory_space<vmem>>) semaphore(%arg7 : memref<!tpu.dma_semaphore, #tpu.memory_space<semaphore_mem>>)
      %mul3A_21 = arith.constant 8 : i32
      %mul3A_22 = arith.muli %scan3A_8, %mul3A_21 : i32
      %add3A_23 = arith.constant 1 : i32
      %add3A_24 = arith.addi %mul3A_22, %add3A_23 : i32
      %dma_start3A_25 = arith.constant 128 : i32
      %dma_start3A_26 = arith.constant 0 : i32
      %dma_start3A_27 = tpu.memref_slice %arg6[%dma_start3A_25, %dma_start3A_26] : memref<1024x32xf32, #tpu.memory_space<vmem>> -> memref<128x32xf32, #tpu.memory_space<vmem>>
      %dma_start3A_28 = arith.constant 0 : i32
      %dma_start3A_29 = tpu.memref_slice %arg5[%add3A_24, %dma_start3A_28] : memref<40x128xi32, #tpu.memory_space<vmem>> -> memref<1x128xi32, #tpu.memory_space<vmem>>
      %dma_start3A_30 = tpu.memref_squeeze %dma_start3A_29 : memref<1x128xi32, #tpu.memory_space<vmem>> -> memref<128xi32, #tpu.memory_space<vmem>>
      %dma_start3A_31 = arith.constant 0 : i32
      %dma_start3A_32 = arith.constant 0 : i32
      %dma_start3A_33 = tpu.memref_slice %arg2[%dma_start3A_31, %dma_start3A_32] : memref<10016x32xf32, #tpu.memory_space<hbm>> -> memref<10016x32xf32, #tpu.memory_space<hbm>>
      tpu.enqueue_indirect_dma source(%dma_start3A_33 : memref<10016x32xf32, #tpu.memory_space<hbm>>) target(%dma_start3A_27 : memref<128x32xf32, #tpu.memory_space<vmem>>) offsets(%dma_start3A_30 : memref<128xi32, #tpu.memory_space<vmem>>) semaphore(%arg7 : memref<!tpu.dma_semaphore, #tpu.memory_space<semaphore_mem>>)
      %mul3A_34 = arith.constant 8 : i32
      %mul3A_35 = arith.muli %scan3A_8, %mul3A_34 : i32
      %add3A_36 = arith.constant 2 : i32
      %add3A_37 = arith.addi %mul3A_35, %add3A_36 : i32
      %dma_start3A_38 = arith.constant 256 : i32
      %dma_start3A_39 = arith.constant 0 : i32
      %dma_start3A_40 = tpu.memref_slice %arg6[%dma_start3A_38, %dma_start3A_39] : memref<1024x32xf32, #tpu.memory_space<vmem>> -> memref<128x32xf32, #tpu.memory_space<vmem>>
      %dma_start3A_41 = arith.constant 0 : i32
      %dma_start3A_42 = tpu.memref_slice %arg5[%add3A_37, %dma_start3A_41] : memref<40x128xi32, #tpu.memory_space<vmem>> -> memref<1x128xi32, #tpu.memory_space<vmem>>
      %dma_start3A_43 = tpu.memref_squeeze %dma_start3A_42 : memref<1x128xi32, #tpu.memory_space<vmem>> -> memref<128xi32, #tpu.memory_space<vmem>>
      %dma_start3A_44 = arith.constant 0 : i32
      %dma_start3A_45 = arith.constant 0 : i32
      %dma_start3A_46 = tpu.memref_slice %arg2[%dma_start3A_44, %dma_start3A_45] : memref<10016x32xf32, #tpu.memory_space<hbm>> -> memref<10016x32xf32, #tpu.memory_space<hbm>>
      tpu.enqueue_indirect_dma source(%dma_start3A_46 : memref<10016x32xf32, #tpu.memory_space<hbm>>) target(%dma_start3A_40 : memref<128x32xf32, #tpu.memory_space<vmem>>) offsets(%dma_start3A_43 : memref<128xi32, #tpu.memory_space<vmem>>) semaphore(%arg7 : memref<!tpu.dma_semaphore, #tpu.memory_space<semaphore_mem>>)
      %mul3A_47 = arith.constant 8 : i32
      %mul3A_48 = arith.muli %scan3A_8, %mul3A_47 : i32
      %add3A_49 = arith.constant 3 : i32
      %add3A_50 = arith.addi %mul3A_48, %add3A_49 : i32
      %dma_start3A_51 = arith.constant 384 : i32
      %dma_start3A_52 = arith.constant 0 : i32
      %dma_start3A_53 = tpu.memref_slice %arg6[%dma_start3A_51, %dma_start3A_52] : memref<1024x32xf32, #tpu.memory_space<vmem>> -> memref<128x32xf32, #tpu.memory_space<vmem>>
      %dma_start3A_54 = arith.constant 0 : i32
      %dma_start3A_55 = tpu.memref_slice %arg5[%add3A_50, %dma_start3A_54] : memref<40x128xi32, #tpu.memory_space<vmem>> -> memref<1x128xi32, #tpu.memory_space<vmem>>
      %dma_start3A_56 = tpu.memref_squeeze %dma_start3A_55 : memref<1x128xi32, #tpu.memory_space<vmem>> -> memref<128xi32, #tpu.memory_space<vmem>>
      %dma_start3A_57 = arith.constant 0 : i32
      %dma_start3A_58 = arith.constant 0 : i32
      %dma_start3A_59 = tpu.memref_slice %arg2[%dma_start3A_57, %dma_start3A_58] : memref<10016x32xf32, #tpu.memory_space<hbm>> -> memref<10016x32xf32, #tpu.memory_space<hbm>>
      tpu.enqueue_indirect_dma source(%dma_start3A_59 : memref<10016x32xf32, #tpu.memory_space<hbm>>) target(%dma_start3A_53 : memref<128x32xf32, #tpu.memory_space<vmem>>) offsets(%dma_start3A_56 : memref<128xi32, #tpu.memory_space<vmem>>) semaphore(%arg7 : memref<!tpu.dma_semaphore, #tpu.memory_space<semaphore_mem>>)
      %mul3A_60 = arith.constant 8 : i32
      %mul3A_61 = arith.muli %scan3A_8, %mul3A_60 : i32
      %add3A_62 = arith.constant 4 : i32
      %add3A_63 = arith.addi %mul3A_61, %add3A_62 : i32
      %dma_start3A_64 = arith.constant 512 : i32
      %dma_start3A_65 = arith.constant 0 : i32
      %dma_start3A_66 = tpu.memref_slice %arg6[%dma_start3A_64, %dma_start3A_65] : memref<1024x32xf32, #tpu.memory_space<vmem>> -> memref<128x32xf32, #tpu.memory_space<vmem>>
      %dma_start3A_67 = arith.constant 0 : i32
      %dma_start3A_68 = tpu.memref_slice %arg5[%add3A_63, %dma_start3A_67] : memref<40x128xi32, #tpu.memory_space<vmem>> -> memref<1x128xi32, #tpu.memory_space<vmem>>
      %dma_start3A_69 = tpu.memref_squeeze %dma_start3A_68 : memref<1x128xi32, #tpu.memory_space<vmem>> -> memref<128xi32, #tpu.memory_space<vmem>>
      %dma_start3A_70 = arith.constant 0 : i32
      %dma_start3A_71 = arith.constant 0 : i32
      %dma_start3A_72 = tpu.memref_slice %arg2[%dma_start3A_70, %dma_start3A_71] : memref<10016x32xf32, #tpu.memory_space<hbm>> -> memref<10016x32xf32, #tpu.memory_space<hbm>>
      tpu.enqueue_indirect_dma source(%dma_start3A_72 : memref<10016x32xf32, #tpu.memory_space<hbm>>) target(%dma_start3A_66 : memref<128x32xf32, #tpu.memory_space<vmem>>) offsets(%dma_start3A_69 : memref<128xi32, #tpu.memory_space<vmem>>) semaphore(%arg7 : memref<!tpu.dma_semaphore, #tpu.memory_space<semaphore_mem>>)
      %mul3A_73 = arith.constant 8 : i32
      %mul3A_74 = arith.muli %scan3A_8, %mul3A_73 : i32
      %add3A_75 = arith.constant 5 : i32
      %add3A_76 = arith.addi %mul3A_74, %add3A_75 : i32
      %dma_start3A_77 = arith.constant 640 : i32
      %dma_start3A_78 = arith.constant 0 : i32
      %dma_start3A_79 = tpu.memref_slice %arg6[%dma_start3A_77, %dma_start3A_78] : memref<1024x32xf32, #tpu.memory_space<vmem>> -> memref<128x32xf32, #tpu.memory_space<vmem>>
      %dma_start3A_80 = arith.constant 0 : i32
      %dma_start3A_81 = tpu.memref_slice %arg5[%add3A_76, %dma_start3A_80] : memref<40x128xi32, #tpu.memory_space<vmem>> -> memref<1x128xi32, #tpu.memory_space<vmem>>
      %dma_start3A_82 = tpu.memref_squeeze %dma_start3A_81 : memref<1x128xi32, #tpu.memory_space<vmem>> -> memref<128xi32, #tpu.memory_space<vmem>>
      %dma_start3A_83 = arith.constant 0 : i32
      %dma_start3A_84 = arith.constant 0 : i32
      %dma_start3A_85 = tpu.memref_slice %arg2[%dma_start3A_83, %dma_start3A_84] : memref<10016x32xf32, #tpu.memory_space<hbm>> -> memref<10016x32xf32, #tpu.memory_space<hbm>>
      tpu.enqueue_indirect_dma source(%dma_start3A_85 : memref<10016x32xf32, #tpu.memory_space<hbm>>) target(%dma_start3A_79 : memref<128x32xf32, #tpu.memory_space<vmem>>) offsets(%dma_start3A_82 : memref<128xi32, #tpu.memory_space<vmem>>) semaphore(%arg7 : memref<!tpu.dma_semaphore, #tpu.memory_space<semaphore_mem>>)
      %mul3A_86 = arith.constant 8 : i32
      %mul3A_87 = arith.muli %scan3A_8, %mul3A_86 : i32
      %add3A_88 = arith.constant 6 : i32
      %add3A_89 = arith.addi %mul3A_87, %add3A_88 : i32
      %dma_start3A_90 = arith.constant 768 : i32
      %dma_start3A_91 = arith.constant 0 : i32
      %dma_start3A_92 = tpu.memref_slice %arg6[%dma_start3A_90, %dma_start3A_91] : memref<1024x32xf32, #tpu.memory_space<vmem>> -> memref<128x32xf32, #tpu.memory_space<vmem>>
      %dma_start3A_93 = arith.constant 0 : i32
      %dma_start3A_94 = tpu.memref_slice %arg5[%add3A_89, %dma_start3A_93] : memref<40x128xi32, #tpu.memory_space<vmem>> -> memref<1x128xi32, #tpu.memory_space<vmem>>
      %dma_start3A_95 = tpu.memref_squeeze %dma_start3A_94 : memref<1x128xi32, #tpu.memory_space<vmem>> -> memref<128xi32, #tpu.memory_space<vmem>>
      %dma_start3A_96 = arith.constant 0 : i32
      %dma_start3A_97 = arith.constant 0 : i32
      %dma_start3A_98 = tpu.memref_slice %arg2[%dma_start3A_96, %dma_start3A_97] : memref<10016x32xf32, #tpu.memory_space<hbm>> -> memref<10016x32xf32, #tpu.memory_space<hbm>>
      tpu.enqueue_indirect_dma source(%dma_start3A_98 : memref<10016x32xf32, #tpu.memory_space<hbm>>) target(%dma_start3A_92 : memref<128x32xf32, #tpu.memory_space<vmem>>) offsets(%dma_start3A_95 : memref<128xi32, #tpu.memory_space<vmem>>) semaphore(%arg7 : memref<!tpu.dma_semaphore, #tpu.memory_space<semaphore_mem>>)
      %mul3A_99 = arith.constant 8 : i32
      %mul3A_100 = arith.muli %scan3A_8, %mul3A_99 : i32
      %add3A_101 = arith.constant 7 : i32
      %add3A_102 = arith.addi %mul3A_100, %add3A_101 : i32
      %dma_start3A_103 = arith.constant 896 : i32
      %dma_start3A_104 = arith.constant 0 : i32
      %dma_start3A_105 = tpu.memref_slice %arg6[%dma_start3A_103, %dma_start3A_104] : memref<1024x32xf32, #tpu.memory_space<vmem>> -> memref<128x32xf32, #tpu.memory_space<vmem>>
      %dma_start3A_106 = arith.constant 0 : i32
      %dma_start3A_107 = tpu.memref_slice %arg5[%add3A_102, %dma_start3A_106] : memref<40x128xi32, #tpu.memory_space<vmem>> -> memref<1x128xi32, #tpu.memory_space<vmem>>
      %dma_start3A_108 = tpu.memref_squeeze %dma_start3A_107 : memref<1x128xi32, #tpu.memory_space<vmem>> -> memref<128xi32, #tpu.memory_space<vmem>>
      %dma_start3A_109 = arith.constant 0 : i32
      %dma_start3A_110 = arith.constant 0 : i32
      %dma_start3A_111 = tpu.memref_slice %arg2[%dma_start3A_109, %dma_start3A_110] : memref<10016x32xf32, #tpu.memory_space<hbm>> -> memref<10016x32xf32, #tpu.memory_space<hbm>>
      tpu.enqueue_indirect_dma source(%dma_start3A_111 : memref<10016x32xf32, #tpu.memory_space<hbm>>) target(%dma_start3A_105 : memref<128x32xf32, #tpu.memory_space<vmem>>) offsets(%dma_start3A_108 : memref<128xi32, #tpu.memory_space<vmem>>) semaphore(%arg7 : memref<!tpu.dma_semaphore, #tpu.memory_space<semaphore_mem>>)
      %dma_wait3A = arith.constant 0 : i32
      %dma_wait3A_112 = arith.constant 0 : i32
      %dma_wait3A_113 = tpu.memref_slice %arg6[%dma_wait3A, %dma_wait3A_112] : memref<1024x32xf32, #tpu.memory_space<vmem>> -> memref<128x32xf32, #tpu.memory_space<vmem>>
      %dma_wait3A_114 = arith.constant 0 : i32
      %dma_wait3A_115 = tpu.memref_slice %arg5[%add3A_12, %dma_wait3A_114] : memref<40x128xi32, #tpu.memory_space<vmem>> -> memref<1x128xi32, #tpu.memory_space<vmem>>
      %dma_wait3A_116 = tpu.memref_squeeze %dma_wait3A_115 : memref<1x128xi32, #tpu.memory_space<vmem>> -> memref<128xi32, #tpu.memory_space<vmem>>
      %dma_wait3A_117 = arith.constant 0 : i32
      %dma_wait3A_118 = arith.constant 0 : i32
      %dma_wait3A_119 = tpu.memref_slice %arg2[%dma_wait3A_117, %dma_wait3A_118] : memref<10016x32xf32, #tpu.memory_space<hbm>> -> memref<10016x32xf32, #tpu.memory_space<hbm>>
      tpu.wait_indirect_dma semaphore(%arg7 : memref<!tpu.dma_semaphore, #tpu.memory_space<semaphore_mem>>) src(%dma_wait3A_119 : memref<10016x32xf32, #tpu.memory_space<hbm>>) dst(%dma_wait3A_113 : memref<128x32xf32, #tpu.memory_space<vmem>>)
      %dma_wait3A_120 = arith.constant 128 : i32
      %dma_wait3A_121 = arith.constant 0 : i32
      %dma_wait3A_122 = tpu.memref_slice %arg6[%dma_wait3A_120, %dma_wait3A_121] : memref<1024x32xf32, #tpu.memory_space<vmem>> -> memref<128x32xf32, #tpu.memory_space<vmem>>
      %dma_wait3A_123 = arith.constant 0 : i32
      %dma_wait3A_124 = tpu.memref_slice %arg5[%add3A_24, %dma_wait3A_123] : memref<40x128xi32, #tpu.memory_space<vmem>> -> memref<1x128xi32, #tpu.memory_space<vmem>>
      %dma_wait3A_125 = tpu.memref_squeeze %dma_wait3A_124 : memref<1x128xi32, #tpu.memory_space<vmem>> -> memref<128xi32, #tpu.memory_space<vmem>>
      %dma_wait3A_126 = arith.constant 0 : i32
      %dma_wait3A_127 = arith.constant 0 : i32
      %dma_wait3A_128 = tpu.memref_slice %arg2[%dma_wait3A_126, %dma_wait3A_127] : memref<10016x32xf32, #tpu.memory_space<hbm>> -> memref<10016x32xf32, #tpu.memory_space<hbm>>
      tpu.wait_indirect_dma semaphore(%arg7 : memref<!tpu.dma_semaphore, #tpu.memory_space<semaphore_mem>>) src(%dma_wait3A_128 : memref<10016x32xf32, #tpu.memory_space<hbm>>) dst(%dma_wait3A_122 : memref<128x32xf32, #tpu.memory_space<vmem>>)
      %dma_wait3A_129 = arith.constant 256 : i32
      %dma_wait3A_130 = arith.constant 0 : i32
      %dma_wait3A_131 = tpu.memref_slice %arg6[%dma_wait3A_129, %dma_wait3A_130] : memref<1024x32xf32, #tpu.memory_space<vmem>> -> memref<128x32xf32, #tpu.memory_space<vmem>>
      %dma_wait3A_132 = arith.constant 0 : i32
      %dma_wait3A_133 = tpu.memref_slice %arg5[%add3A_37, %dma_wait3A_132] : memref<40x128xi32, #tpu.memory_space<vmem>> -> memref<1x128xi32, #tpu.memory_space<vmem>>
      %dma_wait3A_134 = tpu.memref_squeeze %dma_wait3A_133 : memref<1x128xi32, #tpu.memory_space<vmem>> -> memref<128xi32, #tpu.memory_space<vmem>>
      %dma_wait3A_135 = arith.constant 0 : i32
      %dma_wait3A_136 = arith.constant 0 : i32
      %dma_wait3A_137 = tpu.memref_slice %arg2[%dma_wait3A_135, %dma_wait3A_136] : memref<10016x32xf32, #tpu.memory_space<hbm>> -> memref<10016x32xf32, #tpu.memory_space<hbm>>
      tpu.wait_indirect_dma semaphore(%arg7 : memref<!tpu.dma_semaphore, #tpu.memory_space<semaphore_mem>>) src(%dma_wait3A_137 : memref<10016x32xf32, #tpu.memory_space<hbm>>) dst(%dma_wait3A_131 : memref<128x32xf32, #tpu.memory_space<vmem>>)
      %dma_wait3A_138 = arith.constant 384 : i32
      %dma_wait3A_139 = arith.constant 0 : i32
      %dma_wait3A_140 = tpu.memref_slice %arg6[%dma_wait3A_138, %dma_wait3A_139] : memref<1024x32xf32, #tpu.memory_space<vmem>> -> memref<128x32xf32, #tpu.memory_space<vmem>>
      %dma_wait3A_141 = arith.constant 0 : i32
      %dma_wait3A_142 = tpu.memref_slice %arg5[%add3A_50, %dma_wait3A_141] : memref<40x128xi32, #tpu.memory_space<vmem>> -> memref<1x128xi32, #tpu.memory_space<vmem>>
      %dma_wait3A_143 = tpu.memref_squeeze %dma_wait3A_142 : memref<1x128xi32, #tpu.memory_space<vmem>> -> memref<128xi32, #tpu.memory_space<vmem>>
      %dma_wait3A_144 = arith.constant 0 : i32
      %dma_wait3A_145 = arith.constant 0 : i32
      %dma_wait3A_146 = tpu.memref_slice %arg2[%dma_wait3A_144, %dma_wait3A_145] : memref<10016x32xf32, #tpu.memory_space<hbm>> -> memref<10016x32xf32, #tpu.memory_space<hbm>>
      tpu.wait_indirect_dma semaphore(%arg7 : memref<!tpu.dma_semaphore, #tpu.memory_space<semaphore_mem>>) src(%dma_wait3A_146 : memref<10016x32xf32, #tpu.memory_space<hbm>>) dst(%dma_wait3A_140 : memref<128x32xf32, #tpu.memory_space<vmem>>)
      %dma_wait3A_147 = arith.constant 512 : i32
      %dma_wait3A_148 = arith.constant 0 : i32
      %dma_wait3A_149 = tpu.memref_slice %arg6[%dma_wait3A_147, %dma_wait3A_148] : memref<1024x32xf32, #tpu.memory_space<vmem>> -> memref<128x32xf32, #tpu.memory_space<vmem>>
      %dma_wait3A_150 = arith.constant 0 : i32
      %dma_wait3A_151 = tpu.memref_slice %arg5[%add3A_63, %dma_wait3A_150] : memref<40x128xi32, #tpu.memory_space<vmem>> -> memref<1x128xi32, #tpu.memory_space<vmem>>
      %dma_wait3A_152 = tpu.memref_squeeze %dma_wait3A_151 : memref<1x128xi32, #tpu.memory_space<vmem>> -> memref<128xi32, #tpu.memory_space<vmem>>
      %dma_wait3A_153 = arith.constant 0 : i32
      %dma_wait3A_154 = arith.constant 0 : i32
      %dma_wait3A_155 = tpu.memref_slice %arg2[%dma_wait3A_153, %dma_wait3A_154] : memref<10016x32xf32, #tpu.memory_space<hbm>> -> memref<10016x32xf32, #tpu.memory_space<hbm>>
      tpu.wait_indirect_dma semaphore(%arg7 : memref<!tpu.dma_semaphore, #tpu.memory_space<semaphore_mem>>) src(%dma_wait3A_155 : memref<10016x32xf32, #tpu.memory_space<hbm>>) dst(%dma_wait3A_149 : memref<128x32xf32, #tpu.memory_space<vmem>>)
      %dma_wait3A_156 = arith.constant 640 : i32
      %dma_wait3A_157 = arith.constant 0 : i32
      %dma_wait3A_158 = tpu.memref_slice %arg6[%dma_wait3A_156, %dma_wait3A_157] : memref<1024x32xf32, #tpu.memory_space<vmem>> -> memref<128x32xf32, #tpu.memory_space<vmem>>
      %dma_wait3A_159 = arith.constant 0 : i32
      %dma_wait3A_160 = tpu.memref_slice %arg5[%add3A_76, %dma_wait3A_159] : memref<40x128xi32, #tpu.memory_space<vmem>> -> memref<1x128xi32, #tpu.memory_space<vmem>>
      %dma_wait3A_161 = tpu.memref_squeeze %dma_wait3A_160 : memref<1x128xi32, #tpu.memory_space<vmem>> -> memref<128xi32, #tpu.memory_space<vmem>>
      %dma_wait3A_162 = arith.constant 0 : i32
      %dma_wait3A_163 = arith.constant 0 : i32
      %dma_wait3A_164 = tpu.memref_slice %arg2[%dma_wait3A_162, %dma_wait3A_163] : memref<10016x32xf32, #tpu.memory_space<hbm>> -> memref<10016x32xf32, #tpu.memory_space<hbm>>
      tpu.wait_indirect_dma semaphore(%arg7 : memref<!tpu.dma_semaphore, #tpu.memory_space<semaphore_mem>>) src(%dma_wait3A_164 : memref<10016x32xf32, #tpu.memory_space<hbm>>) dst(%dma_wait3A_158 : memref<128x32xf32, #tpu.memory_space<vmem>>)
      %dma_wait3A_165 = arith.constant 768 : i32
      %dma_wait3A_166 = arith.constant 0 : i32
      %dma_wait3A_167 = tpu.memref_slice %arg6[%dma_wait3A_165, %dma_wait3A_166] : memref<1024x32xf32, #tpu.memory_space<vmem>> -> memref<128x32xf32, #tpu.memory_space<vmem>>
      %dma_wait3A_168 = arith.constant 0 : i32
      %dma_wait3A_169 = tpu.memref_slice %arg5[%add3A_89, %dma_wait3A_168] : memref<40x128xi32, #tpu.memory_space<vmem>> -> memref<1x128xi32, #tpu.memory_space<vmem>>
      %dma_wait3A_170 = tpu.memref_squeeze %dma_wait3A_169 : memref<1x128xi32, #tpu.memory_space<vmem>> -> memref<128xi32, #tpu.memory_space<vmem>>
      %dma_wait3A_171 = arith.constant 0 : i32
      %dma_wait3A_172 = arith.constant 0 : i32
      %dma_wait3A_173 = tpu.memref_slice %arg2[%dma_wait3A_171, %dma_wait3A_172] : memref<10016x32xf32, #tpu.memory_space<hbm>> -> memref<10016x32xf32, #tpu.memory_space<hbm>>
      tpu.wait_indirect_dma semaphore(%arg7 : memref<!tpu.dma_semaphore, #tpu.memory_space<semaphore_mem>>) src(%dma_wait3A_173 : memref<10016x32xf32, #tpu.memory_space<hbm>>) dst(%dma_wait3A_167 : memref<128x32xf32, #tpu.memory_space<vmem>>)
      %dma_wait3A_174 = arith.constant 896 : i32
      %dma_wait3A_175 = arith.constant 0 : i32
      %dma_wait3A_176 = tpu.memref_slice %arg6[%dma_wait3A_174, %dma_wait3A_175] : memref<1024x32xf32, #tpu.memory_space<vmem>> -> memref<128x32xf32, #tpu.memory_space<vmem>>
      %dma_wait3A_177 = arith.constant 0 : i32
      %dma_wait3A_178 = tpu.memref_slice %arg5[%add3A_102, %dma_wait3A_177] : memref<40x128xi32, #tpu.memory_space<vmem>> -> memref<1x128xi32, #tpu.memory_space<vmem>>
      %dma_wait3A_179 = tpu.memref_squeeze %dma_wait3A_178 : memref<1x128xi32, #tpu.memory_space<vmem>> -> memref<128xi32, #tpu.memory_space<vmem>>
      %dma_wait3A_180 = arith.constant 0 : i32
      %dma_wait3A_181 = arith.constant 0 : i32
      %dma_wait3A_182 = tpu.memref_slice %arg2[%dma_wait3A_180, %dma_wait3A_181] : memref<10016x32xf32, #tpu.memory_space<hbm>> -> memref<10016x32xf32, #tpu.memory_space<hbm>>
      tpu.wait_indirect_dma semaphore(%arg7 : memref<!tpu.dma_semaphore, #tpu.memory_space<semaphore_mem>>) src(%dma_wait3A_182 : memref<10016x32xf32, #tpu.memory_space<hbm>>) dst(%dma_wait3A_176 : memref<128x32xf32, #tpu.memory_space<vmem>>)
      %mul3A_183 = arith.constant 5120 : i32
      %mul3A_184 = arith.muli %add3A, %mul3A_183 : i32
      %mul3A_185 = arith.constant 8 : i32
      %mul3A_186 = arith.muli %scan3A_8, %mul3A_185 : i32
      %mul3A_187 = arith.constant 128 : i32
      %mul3A_188 = arith.muli %mul3A_186, %mul3A_187 : i32
      %add3A_189 = arith.addi %mul3A_184, %mul3A_188 : i32
      "tpu.region"() ({
        %run_scoped3A = tpu.sem_alloc : memref<!tpu.dma_semaphore, #tpu.memory_space<semaphore_mem>>
        %dma_start3A_190 = arith.constant 0 : i32
        %dma_start3A_191 = tpu.memref_slice %arg4[%add3A_189, %dma_start3A_190] : memref<163840x128xf32, #tpu.memory_space<hbm>> -> memref<1024x32xf32, #tpu.memory_space<hbm>>
        %dma_start3A_192 = arith.constant 0 : i32
        %dma_start3A_193 = tpu.memref_slice %arg4[%add3A_189, %dma_start3A_192] : memref<163840x128xf32, #tpu.memory_space<hbm>> -> memref<1024x32xf32, #tpu.memory_space<hbm>>
        tpu.enqueue_dma source(%arg6 : memref<1024x32xf32, #tpu.memory_space<vmem>>) target(%dma_start3A_193 : memref<1024x32xf32, #tpu.memory_space<hbm>>) target_semaphore(%run_scoped3A : memref<!tpu.dma_semaphore, #tpu.memory_space<semaphore_mem>>)
        %dma_wait3A_194 = arith.constant 0 : i32
        %dma_wait3A_195 = tpu.memref_slice %arg4[%add3A_189, %dma_wait3A_194] : memref<163840x128xf32, #tpu.memory_space<hbm>> -> memref<1024x32xf32, #tpu.memory_space<hbm>>
        %dma_wait3A_196 = arith.constant 0 : i32
        %dma_wait3A_197 = tpu.memref_slice %arg4[%add3A_189, %dma_wait3A_196] : memref<163840x128xf32, #tpu.memory_space<hbm>> -> memref<1024x32xf32, #tpu.memory_space<hbm>>
        tpu.wait_dma2 semaphore(%run_scoped3A : memref<!tpu.dma_semaphore, #tpu.memory_space<semaphore_mem>>) src(%arg6 : memref<1024x32xf32, #tpu.memory_space<vmem>>) dst(%dma_wait3A_197 : memref<1024x32xf32, #tpu.memory_space<hbm>>)
        tpu.yield
      }) : () -> ()
    }
    %scan3A_7 = arith.constant 5 : i32
    return
  }
}

#map = affine_map<(d0, d1) -> (0, 0)>
module attributes {stable_mosaic.version = 14 : i64} {
  func.func @k(%arg0: i32, %arg1: i32, %arg2: memref<163840x128xf32, #tpu.memory_space<hbm>>, %arg3: memref<1280x128xi32, #tpu.memory_space<hbm>>, %arg4: memref<10016x128xf32, #tpu.memory_space<hbm>>, %arg5: memref<10016x128xf32, #tpu.memory_space<hbm>>, %arg6: memref<10016x128xf32, #tpu.memory_space<hbm>>, %arg7: memref<40x128xi32, #tpu.memory_space<vmem>>, %arg8: memref<1024x64xf32, #tpu.memory_space<vmem>>, %arg9: memref<10016x64xf32, #tpu.memory_space<vmem_shared>>, %arg10: memref<!tpu.dma_semaphore, #tpu.memory_space<semaphore_mem>>, %arg11: memref<!tpu.dma_semaphore, #tpu.memory_space<semaphore_mem>>) attributes {dimension_semantics = [#tpu.dimension_semantics<core_parallel>, #tpu.dimension_semantics<subcore_parallel>], iteration_bounds = array<i64: 2, 16>, scalar_prefetch = 0 : i64, scratch_operands = 5 : i64, tpu.core_type = #tpu.core_type<sc_vector_subcore>, window_params = [{transform_indices = #map}, {transform_indices = #map}, {transform_indices = #map}, {transform_indices = #map}, {transform_indices = #map}]} {
    %mul3A = arith.constant 2 : i32
    %mul3A_0 = arith.muli %arg1, %mul3A : i32
    %add3A = arith.addi %mul3A_0, %arg0 : i32
    %mul3A_1 = arith.constant 626 : i32
    %mul3A_2 = arith.muli %arg1, %mul3A_1 : i32
    %mul3A_3 = arith.constant 626 : i32
    %mul3A_4 = arith.muli %arg1, %mul3A_3 : i32
    "tpu.region"() ({
      %run_scoped3A = tpu.sem_alloc : memref<!tpu.dma_semaphore, #tpu.memory_space<semaphore_mem>>
      %dma_start3A = arith.constant 0 : i32
      %dma_start3A_20 = tpu.memref_slice %arg9[%mul3A_4, %dma_start3A] : memref<10016x64xf32, #tpu.memory_space<vmem_shared>> -> memref<626x64xf32, #tpu.memory_space<vmem_shared>>
      %dma_start3A_21 = arith.constant 0 : i32
      %dma_start3A_22 = tpu.memref_slice %arg4[%mul3A_2, %dma_start3A_21] : memref<10016x128xf32, #tpu.memory_space<hbm>> -> memref<626x64xf32, #tpu.memory_space<hbm>>
      tpu.enqueue_dma source(%dma_start3A_22 : memref<626x64xf32, #tpu.memory_space<hbm>>) target(%dma_start3A_20 : memref<626x64xf32, #tpu.memory_space<vmem_shared>>) target_semaphore(%run_scoped3A : memref<!tpu.dma_semaphore, #tpu.memory_space<semaphore_mem>>)
      %dma_wait3A = arith.constant 0 : i32
      %dma_wait3A_23 = tpu.memref_slice %arg9[%mul3A_4, %dma_wait3A] : memref<10016x64xf32, #tpu.memory_space<vmem_shared>> -> memref<626x64xf32, #tpu.memory_space<vmem_shared>>
      %dma_wait3A_24 = arith.constant 0 : i32
      %dma_wait3A_25 = tpu.memref_slice %arg4[%mul3A_2, %dma_wait3A_24] : memref<10016x128xf32, #tpu.memory_space<hbm>> -> memref<626x64xf32, #tpu.memory_space<hbm>>
      tpu.wait_dma2 semaphore(%run_scoped3A : memref<!tpu.dma_semaphore, #tpu.memory_space<semaphore_mem>>) src(%dma_wait3A_25 : memref<626x64xf32, #tpu.memory_space<hbm>>) dst(%dma_wait3A_23 : memref<626x64xf32, #tpu.memory_space<vmem_shared>>)
      tpu.yield
    }) : () -> ()
    %mul3A_5 = arith.constant 40 : i32
    %mul3A_6 = arith.muli %add3A, %mul3A_5 : i32
    "tpu.region"() ({
      %run_scoped3A = tpu.sem_alloc : memref<!tpu.dma_semaphore, #tpu.memory_space<semaphore_mem>>
      %dma_start3A = arith.constant 0 : i32
      %dma_start3A_20 = tpu.memref_slice %arg3[%mul3A_6, %dma_start3A] : memref<1280x128xi32, #tpu.memory_space<hbm>> -> memref<40x128xi32, #tpu.memory_space<hbm>>
      %dma_start3A_21 = arith.constant 0 : i32
      %dma_start3A_22 = tpu.memref_slice %arg3[%mul3A_6, %dma_start3A_21] : memref<1280x128xi32, #tpu.memory_space<hbm>> -> memref<40x128xi32, #tpu.memory_space<hbm>>
      tpu.enqueue_dma source(%dma_start3A_22 : memref<40x128xi32, #tpu.memory_space<hbm>>) target(%arg7 : memref<40x128xi32, #tpu.memory_space<vmem>>) target_semaphore(%run_scoped3A : memref<!tpu.dma_semaphore, #tpu.memory_space<semaphore_mem>>)
      %dma_wait3A = arith.constant 0 : i32
      %dma_wait3A_23 = tpu.memref_slice %arg3[%mul3A_6, %dma_wait3A] : memref<1280x128xi32, #tpu.memory_space<hbm>> -> memref<40x128xi32, #tpu.memory_space<hbm>>
      %dma_wait3A_24 = arith.constant 0 : i32
      %dma_wait3A_25 = tpu.memref_slice %arg3[%mul3A_6, %dma_wait3A_24] : memref<1280x128xi32, #tpu.memory_space<hbm>> -> memref<40x128xi32, #tpu.memory_space<hbm>>
      tpu.wait_dma2 semaphore(%run_scoped3A : memref<!tpu.dma_semaphore, #tpu.memory_space<semaphore_mem>>) src(%dma_wait3A_25 : memref<40x128xi32, #tpu.memory_space<hbm>>) dst(%arg7 : memref<40x128xi32, #tpu.memory_space<vmem>>)
      tpu.yield
    }) : () -> ()
    %barrier3A = arith.constant 0 : index
    tpu.barrier barrier_id(%barrier3A)
    %scan3A = arith.constant 0 : i32
    %scan3A_7 = arith.constant 0 : i32
    %scan3A_8 = arith.constant 5 : i32
    %scan3A_9 = arith.addi %scan3A_7, %scan3A_8 : i32
    %scan3A_10 = arith.constant 1 : i32
    scf.for %scan3A_20 = %scan3A_7 to %scan3A_9 step %scan3A_10  : i32 {
      %mul3A_21 = arith.constant 5120 : i32
      %mul3A_22 = arith.muli %add3A, %mul3A_21 : i32
      %mul3A_23 = arith.constant 8 : i32
      %mul3A_24 = arith.muli %scan3A_20, %mul3A_23 : i32
      %add3A_25 = arith.constant 0 : i32
      %add3A_26 = arith.addi %mul3A_24, %add3A_25 : i32
      %mul3A_27 = arith.constant 128 : i32
      %mul3A_28 = arith.muli %add3A_26, %mul3A_27 : i32
      %add3A_29 = arith.addi %mul3A_22, %mul3A_28 : i32
      %dma_start3A = arith.constant 0 : i32
      %dma_start3A_30 = arith.constant 0 : i32
      %dma_start3A_31 = tpu.memref_slice %arg8[%dma_start3A, %dma_start3A_30] : memref<1024x64xf32, #tpu.memory_space<vmem>> -> memref<128x64xf32, #tpu.memory_space<vmem>>
      %dma_start3A_32 = arith.constant 0 : i32
      %dma_start3A_33 = tpu.memref_slice %arg2[%add3A_29, %dma_start3A_32] : memref<163840x128xf32, #tpu.memory_space<hbm>> -> memref<128x64xf32, #tpu.memory_space<hbm>>
      %dma_start3A_34 = arith.constant 0 : i32
      %dma_start3A_35 = arith.constant 0 : i32
      %dma_start3A_36 = tpu.memref_slice %arg8[%dma_start3A_34, %dma_start3A_35] : memref<1024x64xf32, #tpu.memory_space<vmem>> -> memref<128x64xf32, #tpu.memory_space<vmem>>
      %dma_start3A_37 = arith.constant 0 : i32
      %dma_start3A_38 = tpu.memref_slice %arg2[%add3A_29, %dma_start3A_37] : memref<163840x128xf32, #tpu.memory_space<hbm>> -> memref<128x64xf32, #tpu.memory_space<hbm>>
      tpu.enqueue_dma source(%dma_start3A_38 : memref<128x64xf32, #tpu.memory_space<hbm>>) target(%dma_start3A_36 : memref<128x64xf32, #tpu.memory_space<vmem>>) target_semaphore(%arg10 : memref<!tpu.dma_semaphore, #tpu.memory_space<semaphore_mem>>)
      %mul3A_39 = arith.constant 5120 : i32
      %mul3A_40 = arith.muli %add3A, %mul3A_39 : i32
      %mul3A_41 = arith.constant 8 : i32
      %mul3A_42 = arith.muli %scan3A_20, %mul3A_41 : i32
      %add3A_43 = arith.constant 1 : i32
      %add3A_44 = arith.addi %mul3A_42, %add3A_43 : i32
      %mul3A_45 = arith.constant 128 : i32
      %mul3A_46 = arith.muli %add3A_44, %mul3A_45 : i32
      %add3A_47 = arith.addi %mul3A_40, %mul3A_46 : i32
      %dma_start3A_48 = arith.constant 128 : i32
      %dma_start3A_49 = arith.constant 0 : i32
      %dma_start3A_50 = tpu.memref_slice %arg8[%dma_start3A_48, %dma_start3A_49] : memref<1024x64xf32, #tpu.memory_space<vmem>> -> memref<128x64xf32, #tpu.memory_space<vmem>>
      %dma_start3A_51 = arith.constant 0 : i32
      %dma_start3A_52 = tpu.memref_slice %arg2[%add3A_47, %dma_start3A_51] : memref<163840x128xf32, #tpu.memory_space<hbm>> -> memref<128x64xf32, #tpu.memory_space<hbm>>
      %dma_start3A_53 = arith.constant 128 : i32
      %dma_start3A_54 = arith.constant 0 : i32
      %dma_start3A_55 = tpu.memref_slice %arg8[%dma_start3A_53, %dma_start3A_54] : memref<1024x64xf32, #tpu.memory_space<vmem>> -> memref<128x64xf32, #tpu.memory_space<vmem>>
      %dma_start3A_56 = arith.constant 0 : i32
      %dma_start3A_57 = tpu.memref_slice %arg2[%add3A_47, %dma_start3A_56] : memref<163840x128xf32, #tpu.memory_space<hbm>> -> memref<128x64xf32, #tpu.memory_space<hbm>>
      tpu.enqueue_dma source(%dma_start3A_57 : memref<128x64xf32, #tpu.memory_space<hbm>>) target(%dma_start3A_55 : memref<128x64xf32, #tpu.memory_space<vmem>>) target_semaphore(%arg10 : memref<!tpu.dma_semaphore, #tpu.memory_space<semaphore_mem>>)
      %mul3A_58 = arith.constant 5120 : i32
      %mul3A_59 = arith.muli %add3A, %mul3A_58 : i32
      %mul3A_60 = arith.constant 8 : i32
      %mul3A_61 = arith.muli %scan3A_20, %mul3A_60 : i32
      %add3A_62 = arith.constant 2 : i32
      %add3A_63 = arith.addi %mul3A_61, %add3A_62 : i32
      %mul3A_64 = arith.constant 128 : i32
      %mul3A_65 = arith.muli %add3A_63, %mul3A_64 : i32
      %add3A_66 = arith.addi %mul3A_59, %mul3A_65 : i32
      %dma_start3A_67 = arith.constant 256 : i32
      %dma_start3A_68 = arith.constant 0 : i32
      %dma_start3A_69 = tpu.memref_slice %arg8[%dma_start3A_67, %dma_start3A_68] : memref<1024x64xf32, #tpu.memory_space<vmem>> -> memref<128x64xf32, #tpu.memory_space<vmem>>
      %dma_start3A_70 = arith.constant 0 : i32
      %dma_start3A_71 = tpu.memref_slice %arg2[%add3A_66, %dma_start3A_70] : memref<163840x128xf32, #tpu.memory_space<hbm>> -> memref<128x64xf32, #tpu.memory_space<hbm>>
      %dma_start3A_72 = arith.constant 256 : i32
      %dma_start3A_73 = arith.constant 0 : i32
      %dma_start3A_74 = tpu.memref_slice %arg8[%dma_start3A_72, %dma_start3A_73] : memref<1024x64xf32, #tpu.memory_space<vmem>> -> memref<128x64xf32, #tpu.memory_space<vmem>>
      %dma_start3A_75 = arith.constant 0 : i32
      %dma_start3A_76 = tpu.memref_slice %arg2[%add3A_66, %dma_start3A_75] : memref<163840x128xf32, #tpu.memory_space<hbm>> -> memref<128x64xf32, #tpu.memory_space<hbm>>
      tpu.enqueue_dma source(%dma_start3A_76 : memref<128x64xf32, #tpu.memory_space<hbm>>) target(%dma_start3A_74 : memref<128x64xf32, #tpu.memory_space<vmem>>) target_semaphore(%arg10 : memref<!tpu.dma_semaphore, #tpu.memory_space<semaphore_mem>>)
      %mul3A_77 = arith.constant 5120 : i32
      %mul3A_78 = arith.muli %add3A, %mul3A_77 : i32
      %mul3A_79 = arith.constant 8 : i32
      %mul3A_80 = arith.muli %scan3A_20, %mul3A_79 : i32
      %add3A_81 = arith.constant 3 : i32
      %add3A_82 = arith.addi %mul3A_80, %add3A_81 : i32
      %mul3A_83 = arith.constant 128 : i32
      %mul3A_84 = arith.muli %add3A_82, %mul3A_83 : i32
      %add3A_85 = arith.addi %mul3A_78, %mul3A_84 : i32
      %dma_start3A_86 = arith.constant 384 : i32
      %dma_start3A_87 = arith.constant 0 : i32
      %dma_start3A_88 = tpu.memref_slice %arg8[%dma_start3A_86, %dma_start3A_87] : memref<1024x64xf32, #tpu.memory_space<vmem>> -> memref<128x64xf32, #tpu.memory_space<vmem>>
      %dma_start3A_89 = arith.constant 0 : i32
      %dma_start3A_90 = tpu.memref_slice %arg2[%add3A_85, %dma_start3A_89] : memref<163840x128xf32, #tpu.memory_space<hbm>> -> memref<128x64xf32, #tpu.memory_space<hbm>>
      %dma_start3A_91 = arith.constant 384 : i32
      %dma_start3A_92 = arith.constant 0 : i32
      %dma_start3A_93 = tpu.memref_slice %arg8[%dma_start3A_91, %dma_start3A_92] : memref<1024x64xf32, #tpu.memory_space<vmem>> -> memref<128x64xf32, #tpu.memory_space<vmem>>
      %dma_start3A_94 = arith.constant 0 : i32
      %dma_start3A_95 = tpu.memref_slice %arg2[%add3A_85, %dma_start3A_94] : memref<163840x128xf32, #tpu.memory_space<hbm>> -> memref<128x64xf32, #tpu.memory_space<hbm>>
      tpu.enqueue_dma source(%dma_start3A_95 : memref<128x64xf32, #tpu.memory_space<hbm>>) target(%dma_start3A_93 : memref<128x64xf32, #tpu.memory_space<vmem>>) target_semaphore(%arg10 : memref<!tpu.dma_semaphore, #tpu.memory_space<semaphore_mem>>)
      %mul3A_96 = arith.constant 5120 : i32
      %mul3A_97 = arith.muli %add3A, %mul3A_96 : i32
      %mul3A_98 = arith.constant 8 : i32
      %mul3A_99 = arith.muli %scan3A_20, %mul3A_98 : i32
      %add3A_100 = arith.constant 4 : i32
      %add3A_101 = arith.addi %mul3A_99, %add3A_100 : i32
      %mul3A_102 = arith.constant 128 : i32
      %mul3A_103 = arith.muli %add3A_101, %mul3A_102 : i32
      %add3A_104 = arith.addi %mul3A_97, %mul3A_103 : i32
      %dma_start3A_105 = arith.constant 512 : i32
      %dma_start3A_106 = arith.constant 0 : i32
      %dma_start3A_107 = tpu.memref_slice %arg8[%dma_start3A_105, %dma_start3A_106] : memref<1024x64xf32, #tpu.memory_space<vmem>> -> memref<128x64xf32, #tpu.memory_space<vmem>>
      %dma_start3A_108 = arith.constant 0 : i32
      %dma_start3A_109 = tpu.memref_slice %arg2[%add3A_104, %dma_start3A_108] : memref<163840x128xf32, #tpu.memory_space<hbm>> -> memref<128x64xf32, #tpu.memory_space<hbm>>
      %dma_start3A_110 = arith.constant 512 : i32
      %dma_start3A_111 = arith.constant 0 : i32
      %dma_start3A_112 = tpu.memref_slice %arg8[%dma_start3A_110, %dma_start3A_111] : memref<1024x64xf32, #tpu.memory_space<vmem>> -> memref<128x64xf32, #tpu.memory_space<vmem>>
      %dma_start3A_113 = arith.constant 0 : i32
      %dma_start3A_114 = tpu.memref_slice %arg2[%add3A_104, %dma_start3A_113] : memref<163840x128xf32, #tpu.memory_space<hbm>> -> memref<128x64xf32, #tpu.memory_space<hbm>>
      tpu.enqueue_dma source(%dma_start3A_114 : memref<128x64xf32, #tpu.memory_space<hbm>>) target(%dma_start3A_112 : memref<128x64xf32, #tpu.memory_space<vmem>>) target_semaphore(%arg10 : memref<!tpu.dma_semaphore, #tpu.memory_space<semaphore_mem>>)
      %mul3A_115 = arith.constant 5120 : i32
      %mul3A_116 = arith.muli %add3A, %mul3A_115 : i32
      %mul3A_117 = arith.constant 8 : i32
      %mul3A_118 = arith.muli %scan3A_20, %mul3A_117 : i32
      %add3A_119 = arith.constant 5 : i32
      %add3A_120 = arith.addi %mul3A_118, %add3A_119 : i32
      %mul3A_121 = arith.constant 128 : i32
      %mul3A_122 = arith.muli %add3A_120, %mul3A_121 : i32
      %add3A_123 = arith.addi %mul3A_116, %mul3A_122 : i32
      %dma_start3A_124 = arith.constant 640 : i32
      %dma_start3A_125 = arith.constant 0 : i32
      %dma_start3A_126 = tpu.memref_slice %arg8[%dma_start3A_124, %dma_start3A_125] : memref<1024x64xf32, #tpu.memory_space<vmem>> -> memref<128x64xf32, #tpu.memory_space<vmem>>
      %dma_start3A_127 = arith.constant 0 : i32
      %dma_start3A_128 = tpu.memref_slice %arg2[%add3A_123, %dma_start3A_127] : memref<163840x128xf32, #tpu.memory_space<hbm>> -> memref<128x64xf32, #tpu.memory_space<hbm>>
      %dma_start3A_129 = arith.constant 640 : i32
      %dma_start3A_130 = arith.constant 0 : i32
      %dma_start3A_131 = tpu.memref_slice %arg8[%dma_start3A_129, %dma_start3A_130] : memref<1024x64xf32, #tpu.memory_space<vmem>> -> memref<128x64xf32, #tpu.memory_space<vmem>>
      %dma_start3A_132 = arith.constant 0 : i32
      %dma_start3A_133 = tpu.memref_slice %arg2[%add3A_123, %dma_start3A_132] : memref<163840x128xf32, #tpu.memory_space<hbm>> -> memref<128x64xf32, #tpu.memory_space<hbm>>
      tpu.enqueue_dma source(%dma_start3A_133 : memref<128x64xf32, #tpu.memory_space<hbm>>) target(%dma_start3A_131 : memref<128x64xf32, #tpu.memory_space<vmem>>) target_semaphore(%arg10 : memref<!tpu.dma_semaphore, #tpu.memory_space<semaphore_mem>>)
      %mul3A_134 = arith.constant 5120 : i32
      %mul3A_135 = arith.muli %add3A, %mul3A_134 : i32
      %mul3A_136 = arith.constant 8 : i32
      %mul3A_137 = arith.muli %scan3A_20, %mul3A_136 : i32
      %add3A_138 = arith.constant 6 : i32
      %add3A_139 = arith.addi %mul3A_137, %add3A_138 : i32
      %mul3A_140 = arith.constant 128 : i32
      %mul3A_141 = arith.muli %add3A_139, %mul3A_140 : i32
      %add3A_142 = arith.addi %mul3A_135, %mul3A_141 : i32
      %dma_start3A_143 = arith.constant 768 : i32
      %dma_start3A_144 = arith.constant 0 : i32
      %dma_start3A_145 = tpu.memref_slice %arg8[%dma_start3A_143, %dma_start3A_144] : memref<1024x64xf32, #tpu.memory_space<vmem>> -> memref<128x64xf32, #tpu.memory_space<vmem>>
      %dma_start3A_146 = arith.constant 0 : i32
      %dma_start3A_147 = tpu.memref_slice %arg2[%add3A_142, %dma_start3A_146] : memref<163840x128xf32, #tpu.memory_space<hbm>> -> memref<128x64xf32, #tpu.memory_space<hbm>>
      %dma_start3A_148 = arith.constant 768 : i32
      %dma_start3A_149 = arith.constant 0 : i32
      %dma_start3A_150 = tpu.memref_slice %arg8[%dma_start3A_148, %dma_start3A_149] : memref<1024x64xf32, #tpu.memory_space<vmem>> -> memref<128x64xf32, #tpu.memory_space<vmem>>
      %dma_start3A_151 = arith.constant 0 : i32
      %dma_start3A_152 = tpu.memref_slice %arg2[%add3A_142, %dma_start3A_151] : memref<163840x128xf32, #tpu.memory_space<hbm>> -> memref<128x64xf32, #tpu.memory_space<hbm>>
      tpu.enqueue_dma source(%dma_start3A_152 : memref<128x64xf32, #tpu.memory_space<hbm>>) target(%dma_start3A_150 : memref<128x64xf32, #tpu.memory_space<vmem>>) target_semaphore(%arg10 : memref<!tpu.dma_semaphore, #tpu.memory_space<semaphore_mem>>)
      %mul3A_153 = arith.constant 5120 : i32
      %mul3A_154 = arith.muli %add3A, %mul3A_153 : i32
      %mul3A_155 = arith.constant 8 : i32
      %mul3A_156 = arith.muli %scan3A_20, %mul3A_155 : i32
      %add3A_157 = arith.constant 7 : i32
      %add3A_158 = arith.addi %mul3A_156, %add3A_157 : i32
      %mul3A_159 = arith.constant 128 : i32
      %mul3A_160 = arith.muli %add3A_158, %mul3A_159 : i32
      %add3A_161 = arith.addi %mul3A_154, %mul3A_160 : i32
      %dma_start3A_162 = arith.constant 896 : i32
      %dma_start3A_163 = arith.constant 0 : i32
      %dma_start3A_164 = tpu.memref_slice %arg8[%dma_start3A_162, %dma_start3A_163] : memref<1024x64xf32, #tpu.memory_space<vmem>> -> memref<128x64xf32, #tpu.memory_space<vmem>>
      %dma_start3A_165 = arith.constant 0 : i32
      %dma_start3A_166 = tpu.memref_slice %arg2[%add3A_161, %dma_start3A_165] : memref<163840x128xf32, #tpu.memory_space<hbm>> -> memref<128x64xf32, #tpu.memory_space<hbm>>
      %dma_start3A_167 = arith.constant 896 : i32
      %dma_start3A_168 = arith.constant 0 : i32
      %dma_start3A_169 = tpu.memref_slice %arg8[%dma_start3A_167, %dma_start3A_168] : memref<1024x64xf32, #tpu.memory_space<vmem>> -> memref<128x64xf32, #tpu.memory_space<vmem>>
      %dma_start3A_170 = arith.constant 0 : i32
      %dma_start3A_171 = tpu.memref_slice %arg2[%add3A_161, %dma_start3A_170] : memref<163840x128xf32, #tpu.memory_space<hbm>> -> memref<128x64xf32, #tpu.memory_space<hbm>>
      tpu.enqueue_dma source(%dma_start3A_171 : memref<128x64xf32, #tpu.memory_space<hbm>>) target(%dma_start3A_169 : memref<128x64xf32, #tpu.memory_space<vmem>>) target_semaphore(%arg10 : memref<!tpu.dma_semaphore, #tpu.memory_space<semaphore_mem>>)
      %dma_wait3A = arith.constant 0 : i32
      %dma_wait3A_172 = arith.constant 0 : i32
      %dma_wait3A_173 = tpu.memref_slice %arg8[%dma_wait3A, %dma_wait3A_172] : memref<1024x64xf32, #tpu.memory_space<vmem>> -> memref<128x64xf32, #tpu.memory_space<vmem>>
      %dma_wait3A_174 = arith.constant 0 : i32
      %dma_wait3A_175 = tpu.memref_slice %arg2[%add3A_29, %dma_wait3A_174] : memref<163840x128xf32, #tpu.memory_space<hbm>> -> memref<128x64xf32, #tpu.memory_space<hbm>>
      %dma_wait3A_176 = arith.constant 0 : i32
      %dma_wait3A_177 = arith.constant 0 : i32
      %dma_wait3A_178 = tpu.memref_slice %arg8[%dma_wait3A_176, %dma_wait3A_177] : memref<1024x64xf32, #tpu.memory_space<vmem>> -> memref<128x64xf32, #tpu.memory_space<vmem>>
      %dma_wait3A_179 = arith.constant 0 : i32
      %dma_wait3A_180 = tpu.memref_slice %arg2[%add3A_29, %dma_wait3A_179] : memref<163840x128xf32, #tpu.memory_space<hbm>> -> memref<128x64xf32, #tpu.memory_space<hbm>>
      tpu.wait_dma2 semaphore(%arg10 : memref<!tpu.dma_semaphore, #tpu.memory_space<semaphore_mem>>) src(%dma_wait3A_180 : memref<128x64xf32, #tpu.memory_space<hbm>>) dst(%dma_wait3A_178 : memref<128x64xf32, #tpu.memory_space<vmem>>)
      %dma_wait3A_181 = arith.constant 128 : i32
      %dma_wait3A_182 = arith.constant 0 : i32
      %dma_wait3A_183 = tpu.memref_slice %arg8[%dma_wait3A_181, %dma_wait3A_182] : memref<1024x64xf32, #tpu.memory_space<vmem>> -> memref<128x64xf32, #tpu.memory_space<vmem>>
      %dma_wait3A_184 = arith.constant 0 : i32
      %dma_wait3A_185 = tpu.memref_slice %arg2[%add3A_47, %dma_wait3A_184] : memref<163840x128xf32, #tpu.memory_space<hbm>> -> memref<128x64xf32, #tpu.memory_space<hbm>>
      %dma_wait3A_186 = arith.constant 128 : i32
      %dma_wait3A_187 = arith.constant 0 : i32
      %dma_wait3A_188 = tpu.memref_slice %arg8[%dma_wait3A_186, %dma_wait3A_187] : memref<1024x64xf32, #tpu.memory_space<vmem>> -> memref<128x64xf32, #tpu.memory_space<vmem>>
      %dma_wait3A_189 = arith.constant 0 : i32
      %dma_wait3A_190 = tpu.memref_slice %arg2[%add3A_47, %dma_wait3A_189] : memref<163840x128xf32, #tpu.memory_space<hbm>> -> memref<128x64xf32, #tpu.memory_space<hbm>>
      tpu.wait_dma2 semaphore(%arg10 : memref<!tpu.dma_semaphore, #tpu.memory_space<semaphore_mem>>) src(%dma_wait3A_190 : memref<128x64xf32, #tpu.memory_space<hbm>>) dst(%dma_wait3A_188 : memref<128x64xf32, #tpu.memory_space<vmem>>)
      %dma_wait3A_191 = arith.constant 256 : i32
      %dma_wait3A_192 = arith.constant 0 : i32
      %dma_wait3A_193 = tpu.memref_slice %arg8[%dma_wait3A_191, %dma_wait3A_192] : memref<1024x64xf32, #tpu.memory_space<vmem>> -> memref<128x64xf32, #tpu.memory_space<vmem>>
      %dma_wait3A_194 = arith.constant 0 : i32
      %dma_wait3A_195 = tpu.memref_slice %arg2[%add3A_66, %dma_wait3A_194] : memref<163840x128xf32, #tpu.memory_space<hbm>> -> memref<128x64xf32, #tpu.memory_space<hbm>>
      %dma_wait3A_196 = arith.constant 256 : i32
      %dma_wait3A_197 = arith.constant 0 : i32
      %dma_wait3A_198 = tpu.memref_slice %arg8[%dma_wait3A_196, %dma_wait3A_197] : memref<1024x64xf32, #tpu.memory_space<vmem>> -> memref<128x64xf32, #tpu.memory_space<vmem>>
      %dma_wait3A_199 = arith.constant 0 : i32
      %dma_wait3A_200 = tpu.memref_slice %arg2[%add3A_66, %dma_wait3A_199] : memref<163840x128xf32, #tpu.memory_space<hbm>> -> memref<128x64xf32, #tpu.memory_space<hbm>>
      tpu.wait_dma2 semaphore(%arg10 : memref<!tpu.dma_semaphore, #tpu.memory_space<semaphore_mem>>) src(%dma_wait3A_200 : memref<128x64xf32, #tpu.memory_space<hbm>>) dst(%dma_wait3A_198 : memref<128x64xf32, #tpu.memory_space<vmem>>)
      %dma_wait3A_201 = arith.constant 384 : i32
      %dma_wait3A_202 = arith.constant 0 : i32
      %dma_wait3A_203 = tpu.memref_slice %arg8[%dma_wait3A_201, %dma_wait3A_202] : memref<1024x64xf32, #tpu.memory_space<vmem>> -> memref<128x64xf32, #tpu.memory_space<vmem>>
      %dma_wait3A_204 = arith.constant 0 : i32
      %dma_wait3A_205 = tpu.memref_slice %arg2[%add3A_85, %dma_wait3A_204] : memref<163840x128xf32, #tpu.memory_space<hbm>> -> memref<128x64xf32, #tpu.memory_space<hbm>>
      %dma_wait3A_206 = arith.constant 384 : i32
      %dma_wait3A_207 = arith.constant 0 : i32
      %dma_wait3A_208 = tpu.memref_slice %arg8[%dma_wait3A_206, %dma_wait3A_207] : memref<1024x64xf32, #tpu.memory_space<vmem>> -> memref<128x64xf32, #tpu.memory_space<vmem>>
      %dma_wait3A_209 = arith.constant 0 : i32
      %dma_wait3A_210 = tpu.memref_slice %arg2[%add3A_85, %dma_wait3A_209] : memref<163840x128xf32, #tpu.memory_space<hbm>> -> memref<128x64xf32, #tpu.memory_space<hbm>>
      tpu.wait_dma2 semaphore(%arg10 : memref<!tpu.dma_semaphore, #tpu.memory_space<semaphore_mem>>) src(%dma_wait3A_210 : memref<128x64xf32, #tpu.memory_space<hbm>>) dst(%dma_wait3A_208 : memref<128x64xf32, #tpu.memory_space<vmem>>)
      %dma_wait3A_211 = arith.constant 512 : i32
      %dma_wait3A_212 = arith.constant 0 : i32
      %dma_wait3A_213 = tpu.memref_slice %arg8[%dma_wait3A_211, %dma_wait3A_212] : memref<1024x64xf32, #tpu.memory_space<vmem>> -> memref<128x64xf32, #tpu.memory_space<vmem>>
      %dma_wait3A_214 = arith.constant 0 : i32
      %dma_wait3A_215 = tpu.memref_slice %arg2[%add3A_104, %dma_wait3A_214] : memref<163840x128xf32, #tpu.memory_space<hbm>> -> memref<128x64xf32, #tpu.memory_space<hbm>>
      %dma_wait3A_216 = arith.constant 512 : i32
      %dma_wait3A_217 = arith.constant 0 : i32
      %dma_wait3A_218 = tpu.memref_slice %arg8[%dma_wait3A_216, %dma_wait3A_217] : memref<1024x64xf32, #tpu.memory_space<vmem>> -> memref<128x64xf32, #tpu.memory_space<vmem>>
      %dma_wait3A_219 = arith.constant 0 : i32
      %dma_wait3A_220 = tpu.memref_slice %arg2[%add3A_104, %dma_wait3A_219] : memref<163840x128xf32, #tpu.memory_space<hbm>> -> memref<128x64xf32, #tpu.memory_space<hbm>>
      tpu.wait_dma2 semaphore(%arg10 : memref<!tpu.dma_semaphore, #tpu.memory_space<semaphore_mem>>) src(%dma_wait3A_220 : memref<128x64xf32, #tpu.memory_space<hbm>>) dst(%dma_wait3A_218 : memref<128x64xf32, #tpu.memory_space<vmem>>)
      %dma_wait3A_221 = arith.constant 640 : i32
      %dma_wait3A_222 = arith.constant 0 : i32
      %dma_wait3A_223 = tpu.memref_slice %arg8[%dma_wait3A_221, %dma_wait3A_222] : memref<1024x64xf32, #tpu.memory_space<vmem>> -> memref<128x64xf32, #tpu.memory_space<vmem>>
      %dma_wait3A_224 = arith.constant 0 : i32
      %dma_wait3A_225 = tpu.memref_slice %arg2[%add3A_123, %dma_wait3A_224] : memref<163840x128xf32, #tpu.memory_space<hbm>> -> memref<128x64xf32, #tpu.memory_space<hbm>>
      %dma_wait3A_226 = arith.constant 640 : i32
      %dma_wait3A_227 = arith.constant 0 : i32
      %dma_wait3A_228 = tpu.memref_slice %arg8[%dma_wait3A_226, %dma_wait3A_227] : memref<1024x64xf32, #tpu.memory_space<vmem>> -> memref<128x64xf32, #tpu.memory_space<vmem>>
      %dma_wait3A_229 = arith.constant 0 : i32
      %dma_wait3A_230 = tpu.memref_slice %arg2[%add3A_123, %dma_wait3A_229] : memref<163840x128xf32, #tpu.memory_space<hbm>> -> memref<128x64xf32, #tpu.memory_space<hbm>>
      tpu.wait_dma2 semaphore(%arg10 : memref<!tpu.dma_semaphore, #tpu.memory_space<semaphore_mem>>) src(%dma_wait3A_230 : memref<128x64xf32, #tpu.memory_space<hbm>>) dst(%dma_wait3A_228 : memref<128x64xf32, #tpu.memory_space<vmem>>)
      %dma_wait3A_231 = arith.constant 768 : i32
      %dma_wait3A_232 = arith.constant 0 : i32
      %dma_wait3A_233 = tpu.memref_slice %arg8[%dma_wait3A_231, %dma_wait3A_232] : memref<1024x64xf32, #tpu.memory_space<vmem>> -> memref<128x64xf32, #tpu.memory_space<vmem>>
      %dma_wait3A_234 = arith.constant 0 : i32
      %dma_wait3A_235 = tpu.memref_slice %arg2[%add3A_142, %dma_wait3A_234] : memref<163840x128xf32, #tpu.memory_space<hbm>> -> memref<128x64xf32, #tpu.memory_space<hbm>>
      %dma_wait3A_236 = arith.constant 768 : i32
      %dma_wait3A_237 = arith.constant 0 : i32
      %dma_wait3A_238 = tpu.memref_slice %arg8[%dma_wait3A_236, %dma_wait3A_237] : memref<1024x64xf32, #tpu.memory_space<vmem>> -> memref<128x64xf32, #tpu.memory_space<vmem>>
      %dma_wait3A_239 = arith.constant 0 : i32
      %dma_wait3A_240 = tpu.memref_slice %arg2[%add3A_142, %dma_wait3A_239] : memref<163840x128xf32, #tpu.memory_space<hbm>> -> memref<128x64xf32, #tpu.memory_space<hbm>>
      tpu.wait_dma2 semaphore(%arg10 : memref<!tpu.dma_semaphore, #tpu.memory_space<semaphore_mem>>) src(%dma_wait3A_240 : memref<128x64xf32, #tpu.memory_space<hbm>>) dst(%dma_wait3A_238 : memref<128x64xf32, #tpu.memory_space<vmem>>)
      %dma_wait3A_241 = arith.constant 896 : i32
      %dma_wait3A_242 = arith.constant 0 : i32
      %dma_wait3A_243 = tpu.memref_slice %arg8[%dma_wait3A_241, %dma_wait3A_242] : memref<1024x64xf32, #tpu.memory_space<vmem>> -> memref<128x64xf32, #tpu.memory_space<vmem>>
      %dma_wait3A_244 = arith.constant 0 : i32
      %dma_wait3A_245 = tpu.memref_slice %arg2[%add3A_161, %dma_wait3A_244] : memref<163840x128xf32, #tpu.memory_space<hbm>> -> memref<128x64xf32, #tpu.memory_space<hbm>>
      %dma_wait3A_246 = arith.constant 896 : i32
      %dma_wait3A_247 = arith.constant 0 : i32
      %dma_wait3A_248 = tpu.memref_slice %arg8[%dma_wait3A_246, %dma_wait3A_247] : memref<1024x64xf32, #tpu.memory_space<vmem>> -> memref<128x64xf32, #tpu.memory_space<vmem>>
      %dma_wait3A_249 = arith.constant 0 : i32
      %dma_wait3A_250 = tpu.memref_slice %arg2[%add3A_161, %dma_wait3A_249] : memref<163840x128xf32, #tpu.memory_space<hbm>> -> memref<128x64xf32, #tpu.memory_space<hbm>>
      tpu.wait_dma2 semaphore(%arg10 : memref<!tpu.dma_semaphore, #tpu.memory_space<semaphore_mem>>) src(%dma_wait3A_250 : memref<128x64xf32, #tpu.memory_space<hbm>>) dst(%dma_wait3A_248 : memref<128x64xf32, #tpu.memory_space<vmem>>)
      %mul3A_251 = arith.constant 8 : i32
      %mul3A_252 = arith.muli %scan3A_20, %mul3A_251 : i32
      %add3A_253 = arith.constant 0 : i32
      %add3A_254 = arith.addi %mul3A_252, %add3A_253 : i32
      %dma_start3A_255 = arith.constant 0 : i32
      %dma_start3A_256 = arith.constant 0 : i32
      %dma_start3A_257 = tpu.memref_slice %arg8[%dma_start3A_255, %dma_start3A_256] : memref<1024x64xf32, #tpu.memory_space<vmem>> -> memref<128x64xf32, #tpu.memory_space<vmem>>
      %dma_start3A_258 = arith.constant 0 : i32
      %dma_start3A_259 = tpu.memref_slice %arg7[%add3A_254, %dma_start3A_258] : memref<40x128xi32, #tpu.memory_space<vmem>> -> memref<1x128xi32, #tpu.memory_space<vmem>>
      %dma_start3A_260 = tpu.memref_squeeze %dma_start3A_259 : memref<1x128xi32, #tpu.memory_space<vmem>> -> memref<128xi32, #tpu.memory_space<vmem>>
      %dma_start3A_261 = arith.constant 0 : i32
      %dma_start3A_262 = arith.constant 0 : i32
      %dma_start3A_263 = tpu.memref_slice %arg9[%dma_start3A_261, %dma_start3A_262] : memref<10016x64xf32, #tpu.memory_space<vmem_shared>> -> memref<10016x64xf32, #tpu.memory_space<vmem_shared>>
      tpu.enqueue_indirect_dma source(%dma_start3A_257 : memref<128x64xf32, #tpu.memory_space<vmem>>) target(%dma_start3A_263 : memref<10016x64xf32, #tpu.memory_space<vmem_shared>>) offsets(%dma_start3A_260 : memref<128xi32, #tpu.memory_space<vmem>>) semaphore(%arg11 : memref<!tpu.dma_semaphore, #tpu.memory_space<semaphore_mem>>) {add = true}
      %mul3A_264 = arith.constant 8 : i32
      %mul3A_265 = arith.muli %scan3A_20, %mul3A_264 : i32
      %add3A_266 = arith.constant 1 : i32
      %add3A_267 = arith.addi %mul3A_265, %add3A_266 : i32
      %dma_start3A_268 = arith.constant 128 : i32
      %dma_start3A_269 = arith.constant 0 : i32
      %dma_start3A_270 = tpu.memref_slice %arg8[%dma_start3A_268, %dma_start3A_269] : memref<1024x64xf32, #tpu.memory_space<vmem>> -> memref<128x64xf32, #tpu.memory_space<vmem>>
      %dma_start3A_271 = arith.constant 0 : i32
      %dma_start3A_272 = tpu.memref_slice %arg7[%add3A_267, %dma_start3A_271] : memref<40x128xi32, #tpu.memory_space<vmem>> -> memref<1x128xi32, #tpu.memory_space<vmem>>
      %dma_start3A_273 = tpu.memref_squeeze %dma_start3A_272 : memref<1x128xi32, #tpu.memory_space<vmem>> -> memref<128xi32, #tpu.memory_space<vmem>>
      %dma_start3A_274 = arith.constant 0 : i32
      %dma_start3A_275 = arith.constant 0 : i32
      %dma_start3A_276 = tpu.memref_slice %arg9[%dma_start3A_274, %dma_start3A_275] : memref<10016x64xf32, #tpu.memory_space<vmem_shared>> -> memref<10016x64xf32, #tpu.memory_space<vmem_shared>>
      tpu.enqueue_indirect_dma source(%dma_start3A_270 : memref<128x64xf32, #tpu.memory_space<vmem>>) target(%dma_start3A_276 : memref<10016x64xf32, #tpu.memory_space<vmem_shared>>) offsets(%dma_start3A_273 : memref<128xi32, #tpu.memory_space<vmem>>) semaphore(%arg11 : memref<!tpu.dma_semaphore, #tpu.memory_space<semaphore_mem>>) {add = true}
      %mul3A_277 = arith.constant 8 : i32
      %mul3A_278 = arith.muli %scan3A_20, %mul3A_277 : i32
      %add3A_279 = arith.constant 2 : i32
      %add3A_280 = arith.addi %mul3A_278, %add3A_279 : i32
      %dma_start3A_281 = arith.constant 256 : i32
      %dma_start3A_282 = arith.constant 0 : i32
      %dma_start3A_283 = tpu.memref_slice %arg8[%dma_start3A_281, %dma_start3A_282] : memref<1024x64xf32, #tpu.memory_space<vmem>> -> memref<128x64xf32, #tpu.memory_space<vmem>>
      %dma_start3A_284 = arith.constant 0 : i32
      %dma_start3A_285 = tpu.memref_slice %arg7[%add3A_280, %dma_start3A_284] : memref<40x128xi32, #tpu.memory_space<vmem>> -> memref<1x128xi32, #tpu.memory_space<vmem>>
      %dma_start3A_286 = tpu.memref_squeeze %dma_start3A_285 : memref<1x128xi32, #tpu.memory_space<vmem>> -> memref<128xi32, #tpu.memory_space<vmem>>
      %dma_start3A_287 = arith.constant 0 : i32
      %dma_start3A_288 = arith.constant 0 : i32
      %dma_start3A_289 = tpu.memref_slice %arg9[%dma_start3A_287, %dma_start3A_288] : memref<10016x64xf32, #tpu.memory_space<vmem_shared>> -> memref<10016x64xf32, #tpu.memory_space<vmem_shared>>
      tpu.enqueue_indirect_dma source(%dma_start3A_283 : memref<128x64xf32, #tpu.memory_space<vmem>>) target(%dma_start3A_289 : memref<10016x64xf32, #tpu.memory_space<vmem_shared>>) offsets(%dma_start3A_286 : memref<128xi32, #tpu.memory_space<vmem>>) semaphore(%arg11 : memref<!tpu.dma_semaphore, #tpu.memory_space<semaphore_mem>>) {add = true}
      %mul3A_290 = arith.constant 8 : i32
      %mul3A_291 = arith.muli %scan3A_20, %mul3A_290 : i32
      %add3A_292 = arith.constant 3 : i32
      %add3A_293 = arith.addi %mul3A_291, %add3A_292 : i32
      %dma_start3A_294 = arith.constant 384 : i32
      %dma_start3A_295 = arith.constant 0 : i32
      %dma_start3A_296 = tpu.memref_slice %arg8[%dma_start3A_294, %dma_start3A_295] : memref<1024x64xf32, #tpu.memory_space<vmem>> -> memref<128x64xf32, #tpu.memory_space<vmem>>
      %dma_start3A_297 = arith.constant 0 : i32
      %dma_start3A_298 = tpu.memref_slice %arg7[%add3A_293, %dma_start3A_297] : memref<40x128xi32, #tpu.memory_space<vmem>> -> memref<1x128xi32, #tpu.memory_space<vmem>>
      %dma_start3A_299 = tpu.memref_squeeze %dma_start3A_298 : memref<1x128xi32, #tpu.memory_space<vmem>> -> memref<128xi32, #tpu.memory_space<vmem>>
      %dma_start3A_300 = arith.constant 0 : i32
      %dma_start3A_301 = arith.constant 0 : i32
      %dma_start3A_302 = tpu.memref_slice %arg9[%dma_start3A_300, %dma_start3A_301] : memref<10016x64xf32, #tpu.memory_space<vmem_shared>> -> memref<10016x64xf32, #tpu.memory_space<vmem_shared>>
      tpu.enqueue_indirect_dma source(%dma_start3A_296 : memref<128x64xf32, #tpu.memory_space<vmem>>) target(%dma_start3A_302 : memref<10016x64xf32, #tpu.memory_space<vmem_shared>>) offsets(%dma_start3A_299 : memref<128xi32, #tpu.memory_space<vmem>>) semaphore(%arg11 : memref<!tpu.dma_semaphore, #tpu.memory_space<semaphore_mem>>) {add = true}
      %mul3A_303 = arith.constant 8 : i32
      %mul3A_304 = arith.muli %scan3A_20, %mul3A_303 : i32
      %add3A_305 = arith.constant 4 : i32
      %add3A_306 = arith.addi %mul3A_304, %add3A_305 : i32
      %dma_start3A_307 = arith.constant 512 : i32
      %dma_start3A_308 = arith.constant 0 : i32
      %dma_start3A_309 = tpu.memref_slice %arg8[%dma_start3A_307, %dma_start3A_308] : memref<1024x64xf32, #tpu.memory_space<vmem>> -> memref<128x64xf32, #tpu.memory_space<vmem>>
      %dma_start3A_310 = arith.constant 0 : i32
      %dma_start3A_311 = tpu.memref_slice %arg7[%add3A_306, %dma_start3A_310] : memref<40x128xi32, #tpu.memory_space<vmem>> -> memref<1x128xi32, #tpu.memory_space<vmem>>
      %dma_start3A_312 = tpu.memref_squeeze %dma_start3A_311 : memref<1x128xi32, #tpu.memory_space<vmem>> -> memref<128xi32, #tpu.memory_space<vmem>>
      %dma_start3A_313 = arith.constant 0 : i32
      %dma_start3A_314 = arith.constant 0 : i32
      %dma_start3A_315 = tpu.memref_slice %arg9[%dma_start3A_313, %dma_start3A_314] : memref<10016x64xf32, #tpu.memory_space<vmem_shared>> -> memref<10016x64xf32, #tpu.memory_space<vmem_shared>>
      tpu.enqueue_indirect_dma source(%dma_start3A_309 : memref<128x64xf32, #tpu.memory_space<vmem>>) target(%dma_start3A_315 : memref<10016x64xf32, #tpu.memory_space<vmem_shared>>) offsets(%dma_start3A_312 : memref<128xi32, #tpu.memory_space<vmem>>) semaphore(%arg11 : memref<!tpu.dma_semaphore, #tpu.memory_space<semaphore_mem>>) {add = true}
      %mul3A_316 = arith.constant 8 : i32
      %mul3A_317 = arith.muli %scan3A_20, %mul3A_316 : i32
      %add3A_318 = arith.constant 5 : i32
      %add3A_319 = arith.addi %mul3A_317, %add3A_318 : i32
      %dma_start3A_320 = arith.constant 640 : i32
      %dma_start3A_321 = arith.constant 0 : i32
      %dma_start3A_322 = tpu.memref_slice %arg8[%dma_start3A_320, %dma_start3A_321] : memref<1024x64xf32, #tpu.memory_space<vmem>> -> memref<128x64xf32, #tpu.memory_space<vmem>>
      %dma_start3A_323 = arith.constant 0 : i32
      %dma_start3A_324 = tpu.memref_slice %arg7[%add3A_319, %dma_start3A_323] : memref<40x128xi32, #tpu.memory_space<vmem>> -> memref<1x128xi32, #tpu.memory_space<vmem>>
      %dma_start3A_325 = tpu.memref_squeeze %dma_start3A_324 : memref<1x128xi32, #tpu.memory_space<vmem>> -> memref<128xi32, #tpu.memory_space<vmem>>
      %dma_start3A_326 = arith.constant 0 : i32
      %dma_start3A_327 = arith.constant 0 : i32
      %dma_start3A_328 = tpu.memref_slice %arg9[%dma_start3A_326, %dma_start3A_327] : memref<10016x64xf32, #tpu.memory_space<vmem_shared>> -> memref<10016x64xf32, #tpu.memory_space<vmem_shared>>
      tpu.enqueue_indirect_dma source(%dma_start3A_322 : memref<128x64xf32, #tpu.memory_space<vmem>>) target(%dma_start3A_328 : memref<10016x64xf32, #tpu.memory_space<vmem_shared>>) offsets(%dma_start3A_325 : memref<128xi32, #tpu.memory_space<vmem>>) semaphore(%arg11 : memref<!tpu.dma_semaphore, #tpu.memory_space<semaphore_mem>>) {add = true}
      %mul3A_329 = arith.constant 8 : i32
      %mul3A_330 = arith.muli %scan3A_20, %mul3A_329 : i32
      %add3A_331 = arith.constant 6 : i32
      %add3A_332 = arith.addi %mul3A_330, %add3A_331 : i32
      %dma_start3A_333 = arith.constant 768 : i32
      %dma_start3A_334 = arith.constant 0 : i32
      %dma_start3A_335 = tpu.memref_slice %arg8[%dma_start3A_333, %dma_start3A_334] : memref<1024x64xf32, #tpu.memory_space<vmem>> -> memref<128x64xf32, #tpu.memory_space<vmem>>
      %dma_start3A_336 = arith.constant 0 : i32
      %dma_start3A_337 = tpu.memref_slice %arg7[%add3A_332, %dma_start3A_336] : memref<40x128xi32, #tpu.memory_space<vmem>> -> memref<1x128xi32, #tpu.memory_space<vmem>>
      %dma_start3A_338 = tpu.memref_squeeze %dma_start3A_337 : memref<1x128xi32, #tpu.memory_space<vmem>> -> memref<128xi32, #tpu.memory_space<vmem>>
      %dma_start3A_339 = arith.constant 0 : i32
      %dma_start3A_340 = arith.constant 0 : i32
      %dma_start3A_341 = tpu.memref_slice %arg9[%dma_start3A_339, %dma_start3A_340] : memref<10016x64xf32, #tpu.memory_space<vmem_shared>> -> memref<10016x64xf32, #tpu.memory_space<vmem_shared>>
      tpu.enqueue_indirect_dma source(%dma_start3A_335 : memref<128x64xf32, #tpu.memory_space<vmem>>) target(%dma_start3A_341 : memref<10016x64xf32, #tpu.memory_space<vmem_shared>>) offsets(%dma_start3A_338 : memref<128xi32, #tpu.memory_space<vmem>>) semaphore(%arg11 : memref<!tpu.dma_semaphore, #tpu.memory_space<semaphore_mem>>) {add = true}
      %mul3A_342 = arith.constant 8 : i32
      %mul3A_343 = arith.muli %scan3A_20, %mul3A_342 : i32
      %add3A_344 = arith.constant 7 : i32
      %add3A_345 = arith.addi %mul3A_343, %add3A_344 : i32
      %dma_start3A_346 = arith.constant 896 : i32
      %dma_start3A_347 = arith.constant 0 : i32
      %dma_start3A_348 = tpu.memref_slice %arg8[%dma_start3A_346, %dma_start3A_347] : memref<1024x64xf32, #tpu.memory_space<vmem>> -> memref<128x64xf32, #tpu.memory_space<vmem>>
      %dma_start3A_349 = arith.constant 0 : i32
      %dma_start3A_350 = tpu.memref_slice %arg7[%add3A_345, %dma_start3A_349] : memref<40x128xi32, #tpu.memory_space<vmem>> -> memref<1x128xi32, #tpu.memory_space<vmem>>
      %dma_start3A_351 = tpu.memref_squeeze %dma_start3A_350 : memref<1x128xi32, #tpu.memory_space<vmem>> -> memref<128xi32, #tpu.memory_space<vmem>>
      %dma_start3A_352 = arith.constant 0 : i32
      %dma_start3A_353 = arith.constant 0 : i32
      %dma_start3A_354 = tpu.memref_slice %arg9[%dma_start3A_352, %dma_start3A_353] : memref<10016x64xf32, #tpu.memory_space<vmem_shared>> -> memref<10016x64xf32, #tpu.memory_space<vmem_shared>>
      tpu.enqueue_indirect_dma source(%dma_start3A_348 : memref<128x64xf32, #tpu.memory_space<vmem>>) target(%dma_start3A_354 : memref<10016x64xf32, #tpu.memory_space<vmem_shared>>) offsets(%dma_start3A_351 : memref<128xi32, #tpu.memory_space<vmem>>) semaphore(%arg11 : memref<!tpu.dma_semaphore, #tpu.memory_space<semaphore_mem>>) {add = true}
      %dma_wait3A_355 = arith.constant 0 : i32
      %dma_wait3A_356 = arith.constant 0 : i32
      %dma_wait3A_357 = tpu.memref_slice %arg8[%dma_wait3A_355, %dma_wait3A_356] : memref<1024x64xf32, #tpu.memory_space<vmem>> -> memref<128x64xf32, #tpu.memory_space<vmem>>
      %dma_wait3A_358 = arith.constant 0 : i32
      %dma_wait3A_359 = tpu.memref_slice %arg7[%add3A_254, %dma_wait3A_358] : memref<40x128xi32, #tpu.memory_space<vmem>> -> memref<1x128xi32, #tpu.memory_space<vmem>>
      %dma_wait3A_360 = tpu.memref_squeeze %dma_wait3A_359 : memref<1x128xi32, #tpu.memory_space<vmem>> -> memref<128xi32, #tpu.memory_space<vmem>>
      %dma_wait3A_361 = arith.constant 0 : i32
      %dma_wait3A_362 = arith.constant 0 : i32
      %dma_wait3A_363 = tpu.memref_slice %arg9[%dma_wait3A_361, %dma_wait3A_362] : memref<10016x64xf32, #tpu.memory_space<vmem_shared>> -> memref<10016x64xf32, #tpu.memory_space<vmem_shared>>
      tpu.wait_indirect_dma semaphore(%arg11 : memref<!tpu.dma_semaphore, #tpu.memory_space<semaphore_mem>>) src(%dma_wait3A_357 : memref<128x64xf32, #tpu.memory_space<vmem>>) dst(%dma_wait3A_363 : memref<10016x64xf32, #tpu.memory_space<vmem_shared>>)
      %dma_wait3A_364 = arith.constant 128 : i32
      %dma_wait3A_365 = arith.constant 0 : i32
      %dma_wait3A_366 = tpu.memref_slice %arg8[%dma_wait3A_364, %dma_wait3A_365] : memref<1024x64xf32, #tpu.memory_space<vmem>> -> memref<128x64xf32, #tpu.memory_space<vmem>>
      %dma_wait3A_367 = arith.constant 0 : i32
      %dma_wait3A_368 = tpu.memref_slice %arg7[%add3A_267, %dma_wait3A_367] : memref<40x128xi32, #tpu.memory_space<vmem>> -> memref<1x128xi32, #tpu.memory_space<vmem>>
      %dma_wait3A_369 = tpu.memref_squeeze %dma_wait3A_368 : memref<1x128xi32, #tpu.memory_space<vmem>> -> memref<128xi32, #tpu.memory_space<vmem>>
      %dma_wait3A_370 = arith.constant 0 : i32
      %dma_wait3A_371 = arith.constant 0 : i32
      %dma_wait3A_372 = tpu.memref_slice %arg9[%dma_wait3A_370, %dma_wait3A_371] : memref<10016x64xf32, #tpu.memory_space<vmem_shared>> -> memref<10016x64xf32, #tpu.memory_space<vmem_shared>>
      tpu.wait_indirect_dma semaphore(%arg11 : memref<!tpu.dma_semaphore, #tpu.memory_space<semaphore_mem>>) src(%dma_wait3A_366 : memref<128x64xf32, #tpu.memory_space<vmem>>) dst(%dma_wait3A_372 : memref<10016x64xf32, #tpu.memory_space<vmem_shared>>)
      %dma_wait3A_373 = arith.constant 256 : i32
      %dma_wait3A_374 = arith.constant 0 : i32
      %dma_wait3A_375 = tpu.memref_slice %arg8[%dma_wait3A_373, %dma_wait3A_374] : memref<1024x64xf32, #tpu.memory_space<vmem>> -> memref<128x64xf32, #tpu.memory_space<vmem>>
      %dma_wait3A_376 = arith.constant 0 : i32
      %dma_wait3A_377 = tpu.memref_slice %arg7[%add3A_280, %dma_wait3A_376] : memref<40x128xi32, #tpu.memory_space<vmem>> -> memref<1x128xi32, #tpu.memory_space<vmem>>
      %dma_wait3A_378 = tpu.memref_squeeze %dma_wait3A_377 : memref<1x128xi32, #tpu.memory_space<vmem>> -> memref<128xi32, #tpu.memory_space<vmem>>
      %dma_wait3A_379 = arith.constant 0 : i32
      %dma_wait3A_380 = arith.constant 0 : i32
      %dma_wait3A_381 = tpu.memref_slice %arg9[%dma_wait3A_379, %dma_wait3A_380] : memref<10016x64xf32, #tpu.memory_space<vmem_shared>> -> memref<10016x64xf32, #tpu.memory_space<vmem_shared>>
      tpu.wait_indirect_dma semaphore(%arg11 : memref<!tpu.dma_semaphore, #tpu.memory_space<semaphore_mem>>) src(%dma_wait3A_375 : memref<128x64xf32, #tpu.memory_space<vmem>>) dst(%dma_wait3A_381 : memref<10016x64xf32, #tpu.memory_space<vmem_shared>>)
      %dma_wait3A_382 = arith.constant 384 : i32
      %dma_wait3A_383 = arith.constant 0 : i32
      %dma_wait3A_384 = tpu.memref_slice %arg8[%dma_wait3A_382, %dma_wait3A_383] : memref<1024x64xf32, #tpu.memory_space<vmem>> -> memref<128x64xf32, #tpu.memory_space<vmem>>
      %dma_wait3A_385 = arith.constant 0 : i32
      %dma_wait3A_386 = tpu.memref_slice %arg7[%add3A_293, %dma_wait3A_385] : memref<40x128xi32, #tpu.memory_space<vmem>> -> memref<1x128xi32, #tpu.memory_space<vmem>>
      %dma_wait3A_387 = tpu.memref_squeeze %dma_wait3A_386 : memref<1x128xi32, #tpu.memory_space<vmem>> -> memref<128xi32, #tpu.memory_space<vmem>>
      %dma_wait3A_388 = arith.constant 0 : i32
      %dma_wait3A_389 = arith.constant 0 : i32
      %dma_wait3A_390 = tpu.memref_slice %arg9[%dma_wait3A_388, %dma_wait3A_389] : memref<10016x64xf32, #tpu.memory_space<vmem_shared>> -> memref<10016x64xf32, #tpu.memory_space<vmem_shared>>
      tpu.wait_indirect_dma semaphore(%arg11 : memref<!tpu.dma_semaphore, #tpu.memory_space<semaphore_mem>>) src(%dma_wait3A_384 : memref<128x64xf32, #tpu.memory_space<vmem>>) dst(%dma_wait3A_390 : memref<10016x64xf32, #tpu.memory_space<vmem_shared>>)
      %dma_wait3A_391 = arith.constant 512 : i32
      %dma_wait3A_392 = arith.constant 0 : i32
      %dma_wait3A_393 = tpu.memref_slice %arg8[%dma_wait3A_391, %dma_wait3A_392] : memref<1024x64xf32, #tpu.memory_space<vmem>> -> memref<128x64xf32, #tpu.memory_space<vmem>>
      %dma_wait3A_394 = arith.constant 0 : i32
      %dma_wait3A_395 = tpu.memref_slice %arg7[%add3A_306, %dma_wait3A_394] : memref<40x128xi32, #tpu.memory_space<vmem>> -> memref<1x128xi32, #tpu.memory_space<vmem>>
      %dma_wait3A_396 = tpu.memref_squeeze %dma_wait3A_395 : memref<1x128xi32, #tpu.memory_space<vmem>> -> memref<128xi32, #tpu.memory_space<vmem>>
      %dma_wait3A_397 = arith.constant 0 : i32
      %dma_wait3A_398 = arith.constant 0 : i32
      %dma_wait3A_399 = tpu.memref_slice %arg9[%dma_wait3A_397, %dma_wait3A_398] : memref<10016x64xf32, #tpu.memory_space<vmem_shared>> -> memref<10016x64xf32, #tpu.memory_space<vmem_shared>>
      tpu.wait_indirect_dma semaphore(%arg11 : memref<!tpu.dma_semaphore, #tpu.memory_space<semaphore_mem>>) src(%dma_wait3A_393 : memref<128x64xf32, #tpu.memory_space<vmem>>) dst(%dma_wait3A_399 : memref<10016x64xf32, #tpu.memory_space<vmem_shared>>)
      %dma_wait3A_400 = arith.constant 640 : i32
      %dma_wait3A_401 = arith.constant 0 : i32
      %dma_wait3A_402 = tpu.memref_slice %arg8[%dma_wait3A_400, %dma_wait3A_401] : memref<1024x64xf32, #tpu.memory_space<vmem>> -> memref<128x64xf32, #tpu.memory_space<vmem>>
      %dma_wait3A_403 = arith.constant 0 : i32
      %dma_wait3A_404 = tpu.memref_slice %arg7[%add3A_319, %dma_wait3A_403] : memref<40x128xi32, #tpu.memory_space<vmem>> -> memref<1x128xi32, #tpu.memory_space<vmem>>
      %dma_wait3A_405 = tpu.memref_squeeze %dma_wait3A_404 : memref<1x128xi32, #tpu.memory_space<vmem>> -> memref<128xi32, #tpu.memory_space<vmem>>
      %dma_wait3A_406 = arith.constant 0 : i32
      %dma_wait3A_407 = arith.constant 0 : i32
      %dma_wait3A_408 = tpu.memref_slice %arg9[%dma_wait3A_406, %dma_wait3A_407] : memref<10016x64xf32, #tpu.memory_space<vmem_shared>> -> memref<10016x64xf32, #tpu.memory_space<vmem_shared>>
      tpu.wait_indirect_dma semaphore(%arg11 : memref<!tpu.dma_semaphore, #tpu.memory_space<semaphore_mem>>) src(%dma_wait3A_402 : memref<128x64xf32, #tpu.memory_space<vmem>>) dst(%dma_wait3A_408 : memref<10016x64xf32, #tpu.memory_space<vmem_shared>>)
      %dma_wait3A_409 = arith.constant 768 : i32
      %dma_wait3A_410 = arith.constant 0 : i32
      %dma_wait3A_411 = tpu.memref_slice %arg8[%dma_wait3A_409, %dma_wait3A_410] : memref<1024x64xf32, #tpu.memory_space<vmem>> -> memref<128x64xf32, #tpu.memory_space<vmem>>
      %dma_wait3A_412 = arith.constant 0 : i32
      %dma_wait3A_413 = tpu.memref_slice %arg7[%add3A_332, %dma_wait3A_412] : memref<40x128xi32, #tpu.memory_space<vmem>> -> memref<1x128xi32, #tpu.memory_space<vmem>>
      %dma_wait3A_414 = tpu.memref_squeeze %dma_wait3A_413 : memref<1x128xi32, #tpu.memory_space<vmem>> -> memref<128xi32, #tpu.memory_space<vmem>>
      %dma_wait3A_415 = arith.constant 0 : i32
      %dma_wait3A_416 = arith.constant 0 : i32
      %dma_wait3A_417 = tpu.memref_slice %arg9[%dma_wait3A_415, %dma_wait3A_416] : memref<10016x64xf32, #tpu.memory_space<vmem_shared>> -> memref<10016x64xf32, #tpu.memory_space<vmem_shared>>
      tpu.wait_indirect_dma semaphore(%arg11 : memref<!tpu.dma_semaphore, #tpu.memory_space<semaphore_mem>>) src(%dma_wait3A_411 : memref<128x64xf32, #tpu.memory_space<vmem>>) dst(%dma_wait3A_417 : memref<10016x64xf32, #tpu.memory_space<vmem_shared>>)
      %dma_wait3A_418 = arith.constant 896 : i32
      %dma_wait3A_419 = arith.constant 0 : i32
      %dma_wait3A_420 = tpu.memref_slice %arg8[%dma_wait3A_418, %dma_wait3A_419] : memref<1024x64xf32, #tpu.memory_space<vmem>> -> memref<128x64xf32, #tpu.memory_space<vmem>>
      %dma_wait3A_421 = arith.constant 0 : i32
      %dma_wait3A_422 = tpu.memref_slice %arg7[%add3A_345, %dma_wait3A_421] : memref<40x128xi32, #tpu.memory_space<vmem>> -> memref<1x128xi32, #tpu.memory_space<vmem>>
      %dma_wait3A_423 = tpu.memref_squeeze %dma_wait3A_422 : memref<1x128xi32, #tpu.memory_space<vmem>> -> memref<128xi32, #tpu.memory_space<vmem>>
      %dma_wait3A_424 = arith.constant 0 : i32
      %dma_wait3A_425 = arith.constant 0 : i32
      %dma_wait3A_426 = tpu.memref_slice %arg9[%dma_wait3A_424, %dma_wait3A_425] : memref<10016x64xf32, #tpu.memory_space<vmem_shared>> -> memref<10016x64xf32, #tpu.memory_space<vmem_shared>>
      tpu.wait_indirect_dma semaphore(%arg11 : memref<!tpu.dma_semaphore, #tpu.memory_space<semaphore_mem>>) src(%dma_wait3A_420 : memref<128x64xf32, #tpu.memory_space<vmem>>) dst(%dma_wait3A_426 : memref<10016x64xf32, #tpu.memory_space<vmem_shared>>)
    }
    %scan3A_11 = arith.constant 5 : i32
    %barrier3A_12 = arith.constant 0 : index
    tpu.barrier barrier_id(%barrier3A_12)
    %eq3A = arith.constant 0 : i32
    %eq3A_13 = arith.cmpi eq, %arg0, %eq3A : i32
    %convert_element_type3A = arith.extui %eq3A_13 : i1 to i32
    %cond3A = arith.constant 0 : i32
    %cond3A_14 = arith.cmpi ne, %convert_element_type3A, %cond3A : i32
    scf.if %cond3A_14 {
      %mul3A_20 = arith.constant 626 : i32
      %mul3A_21 = arith.muli %arg1, %mul3A_20 : i32
      %mul3A_22 = arith.constant 626 : i32
      %mul3A_23 = arith.muli %arg1, %mul3A_22 : i32
      "tpu.region"() ({
        %run_scoped3A = tpu.sem_alloc : memref<!tpu.dma_semaphore, #tpu.memory_space<semaphore_mem>>
        %dma_start3A = arith.constant 0 : i32
        %dma_start3A_24 = tpu.memref_slice %arg5[%mul3A_23, %dma_start3A] : memref<10016x128xf32, #tpu.memory_space<hbm>> -> memref<626x64xf32, #tpu.memory_space<hbm>>
        %dma_start3A_25 = arith.constant 0 : i32
        %dma_start3A_26 = tpu.memref_slice %arg9[%mul3A_21, %dma_start3A_25] : memref<10016x64xf32, #tpu.memory_space<vmem_shared>> -> memref<626x64xf32, #tpu.memory_space<vmem_shared>>
        tpu.enqueue_dma source(%dma_start3A_26 : memref<626x64xf32, #tpu.memory_space<vmem_shared>>) target(%dma_start3A_24 : memref<626x64xf32, #tpu.memory_space<hbm>>) target_semaphore(%run_scoped3A : memref<!tpu.dma_semaphore, #tpu.memory_space<semaphore_mem>>)
        %dma_wait3A = arith.constant 0 : i32
        %dma_wait3A_27 = tpu.memref_slice %arg5[%mul3A_23, %dma_wait3A] : memref<10016x128xf32, #tpu.memory_space<hbm>> -> memref<626x64xf32, #tpu.memory_space<hbm>>
        %dma_wait3A_28 = arith.constant 0 : i32
        %dma_wait3A_29 = tpu.memref_slice %arg9[%mul3A_21, %dma_wait3A_28] : memref<10016x64xf32, #tpu.memory_space<vmem_shared>> -> memref<626x64xf32, #tpu.memory_space<vmem_shared>>
        tpu.wait_dma2 semaphore(%run_scoped3A : memref<!tpu.dma_semaphore, #tpu.memory_space<semaphore_mem>>) src(%dma_wait3A_29 : memref<626x64xf32, #tpu.memory_space<vmem_shared>>) dst(%dma_wait3A_27 : memref<626x64xf32, #tpu.memory_space<hbm>>)
        tpu.yield
      }) : () -> ()
    } else {
    }
    %eq3A_15 = arith.constant 1 : i32
    %eq3A_16 = arith.cmpi eq, %arg0, %eq3A_15 : i32
    %convert_element_type3A_17 = arith.extui %eq3A_16 : i1 to i32
    %cond3A_18 = arith.constant 0 : i32
    %cond3A_19 = arith.cmpi ne, %convert_element_type3A_17, %cond3A_18 : i32
    scf.if %cond3A_19 {
      %mul3A_20 = arith.constant 626 : i32
      %mul3A_21 = arith.muli %arg1, %mul3A_20 : i32
      %mul3A_22 = arith.constant 626 : i32
      %mul3A_23 = arith.muli %arg1, %mul3A_22 : i32
      "tpu.region"() ({
        %run_scoped3A = tpu.sem_alloc : memref<!tpu.dma_semaphore, #tpu.memory_space<semaphore_mem>>
        %dma_start3A = arith.constant 0 : i32
        %dma_start3A_24 = tpu.memref_slice %arg6[%mul3A_23, %dma_start3A] : memref<10016x128xf32, #tpu.memory_space<hbm>> -> memref<626x64xf32, #tpu.memory_space<hbm>>
        %dma_start3A_25 = arith.constant 0 : i32
        %dma_start3A_26 = tpu.memref_slice %arg9[%mul3A_21, %dma_start3A_25] : memref<10016x64xf32, #tpu.memory_space<vmem_shared>> -> memref<626x64xf32, #tpu.memory_space<vmem_shared>>
        tpu.enqueue_dma source(%dma_start3A_26 : memref<626x64xf32, #tpu.memory_space<vmem_shared>>) target(%dma_start3A_24 : memref<626x64xf32, #tpu.memory_space<hbm>>) target_semaphore(%run_scoped3A : memref<!tpu.dma_semaphore, #tpu.memory_space<semaphore_mem>>)
        %dma_wait3A = arith.constant 0 : i32
        %dma_wait3A_27 = tpu.memref_slice %arg6[%mul3A_23, %dma_wait3A] : memref<10016x128xf32, #tpu.memory_space<hbm>> -> memref<626x64xf32, #tpu.memory_space<hbm>>
        %dma_wait3A_28 = arith.constant 0 : i32
        %dma_wait3A_29 = tpu.memref_slice %arg9[%mul3A_21, %dma_wait3A_28] : memref<10016x64xf32, #tpu.memory_space<vmem_shared>> -> memref<626x64xf32, #tpu.memory_space<vmem_shared>>
        tpu.wait_dma2 semaphore(%run_scoped3A : memref<!tpu.dma_semaphore, #tpu.memory_space<semaphore_mem>>) src(%dma_wait3A_29 : memref<626x64xf32, #tpu.memory_space<vmem_shared>>) dst(%dma_wait3A_27 : memref<626x64xf32, #tpu.memory_space<hbm>>)
        tpu.yield
      }) : () -> ()
    } else {
    }
    return
  }
}

#map = affine_map<(d0, d1) -> (0, 0)>
module attributes {stable_mosaic.version = 14 : i64} {
  func.func @k(%arg0: i32, %arg1: i32, %arg2: memref<163840x128xf32, #tpu.memory_space<hbm>>, %arg3: memref<1280x128xi32, #tpu.memory_space<hbm>>, %arg4: memref<10016x128xf32, #tpu.memory_space<hbm>>, %arg5: memref<10016x128xf32, #tpu.memory_space<hbm>>, %arg6: memref<10016x128xf32, #tpu.memory_space<hbm>>, %arg7: memref<40x128xi32, #tpu.memory_space<vmem>>, %arg8: memref<1024x64xf32, #tpu.memory_space<vmem>>, %arg9: memref<10016x64xf32, #tpu.memory_space<vmem_shared>>, %arg10: memref<!tpu.dma_semaphore, #tpu.memory_space<semaphore_mem>>, %arg11: memref<!tpu.dma_semaphore, #tpu.memory_space<semaphore_mem>>) attributes {dimension_semantics = [#tpu.dimension_semantics<core_parallel>, #tpu.dimension_semantics<subcore_parallel>], iteration_bounds = array<i64: 2, 16>, scalar_prefetch = 0 : i64, scratch_operands = 5 : i64, tpu.core_type = #tpu.core_type<sc_vector_subcore>, window_params = [{transform_indices = #map}, {transform_indices = #map}, {transform_indices = #map}, {transform_indices = #map}, {transform_indices = #map}]} {
    %mul3A = arith.constant 2 : i32
    %mul3A_0 = arith.muli %arg1, %mul3A : i32
    %add3A = arith.addi %mul3A_0, %arg0 : i32
    %mul3A_1 = arith.constant 626 : i32
    %mul3A_2 = arith.muli %arg1, %mul3A_1 : i32
    %mul3A_3 = arith.constant 626 : i32
    %mul3A_4 = arith.muli %arg1, %mul3A_3 : i32
    "tpu.region"() ({
      %run_scoped3A = tpu.sem_alloc : memref<!tpu.dma_semaphore, #tpu.memory_space<semaphore_mem>>
      %dma_start3A = arith.constant 0 : i32
      %dma_start3A_20 = tpu.memref_slice %arg9[%mul3A_4, %dma_start3A] : memref<10016x64xf32, #tpu.memory_space<vmem_shared>> -> memref<626x64xf32, #tpu.memory_space<vmem_shared>>
      %dma_start3A_21 = arith.constant 0 : i32
      %dma_start3A_22 = tpu.memref_slice %arg4[%mul3A_2, %dma_start3A_21] : memref<10016x128xf32, #tpu.memory_space<hbm>> -> memref<626x64xf32, #tpu.memory_space<hbm>>
      tpu.enqueue_dma source(%dma_start3A_22 : memref<626x64xf32, #tpu.memory_space<hbm>>) target(%dma_start3A_20 : memref<626x64xf32, #tpu.memory_space<vmem_shared>>) target_semaphore(%run_scoped3A : memref<!tpu.dma_semaphore, #tpu.memory_space<semaphore_mem>>)
      %dma_wait3A = arith.constant 0 : i32
      %dma_wait3A_23 = tpu.memref_slice %arg9[%mul3A_4, %dma_wait3A] : memref<10016x64xf32, #tpu.memory_space<vmem_shared>> -> memref<626x64xf32, #tpu.memory_space<vmem_shared>>
      %dma_wait3A_24 = arith.constant 0 : i32
      %dma_wait3A_25 = tpu.memref_slice %arg4[%mul3A_2, %dma_wait3A_24] : memref<10016x128xf32, #tpu.memory_space<hbm>> -> memref<626x64xf32, #tpu.memory_space<hbm>>
      tpu.wait_dma2 semaphore(%run_scoped3A : memref<!tpu.dma_semaphore, #tpu.memory_space<semaphore_mem>>) src(%dma_wait3A_25 : memref<626x64xf32, #tpu.memory_space<hbm>>) dst(%dma_wait3A_23 : memref<626x64xf32, #tpu.memory_space<vmem_shared>>)
      tpu.yield
    }) : () -> ()
    %mul3A_5 = arith.constant 40 : i32
    %mul3A_6 = arith.muli %add3A, %mul3A_5 : i32
    "tpu.region"() ({
      %run_scoped3A = tpu.sem_alloc : memref<!tpu.dma_semaphore, #tpu.memory_space<semaphore_mem>>
      %dma_start3A = arith.constant 0 : i32
      %dma_start3A_20 = tpu.memref_slice %arg3[%mul3A_6, %dma_start3A] : memref<1280x128xi32, #tpu.memory_space<hbm>> -> memref<40x128xi32, #tpu.memory_space<hbm>>
      %dma_start3A_21 = arith.constant 0 : i32
      %dma_start3A_22 = tpu.memref_slice %arg3[%mul3A_6, %dma_start3A_21] : memref<1280x128xi32, #tpu.memory_space<hbm>> -> memref<40x128xi32, #tpu.memory_space<hbm>>
      tpu.enqueue_dma source(%dma_start3A_22 : memref<40x128xi32, #tpu.memory_space<hbm>>) target(%arg7 : memref<40x128xi32, #tpu.memory_space<vmem>>) target_semaphore(%run_scoped3A : memref<!tpu.dma_semaphore, #tpu.memory_space<semaphore_mem>>)
      %dma_wait3A = arith.constant 0 : i32
      %dma_wait3A_23 = tpu.memref_slice %arg3[%mul3A_6, %dma_wait3A] : memref<1280x128xi32, #tpu.memory_space<hbm>> -> memref<40x128xi32, #tpu.memory_space<hbm>>
      %dma_wait3A_24 = arith.constant 0 : i32
      %dma_wait3A_25 = tpu.memref_slice %arg3[%mul3A_6, %dma_wait3A_24] : memref<1280x128xi32, #tpu.memory_space<hbm>> -> memref<40x128xi32, #tpu.memory_space<hbm>>
      tpu.wait_dma2 semaphore(%run_scoped3A : memref<!tpu.dma_semaphore, #tpu.memory_space<semaphore_mem>>) src(%dma_wait3A_25 : memref<40x128xi32, #tpu.memory_space<hbm>>) dst(%arg7 : memref<40x128xi32, #tpu.memory_space<vmem>>)
      tpu.yield
    }) : () -> ()
    %barrier3A = arith.constant 0 : index
    tpu.barrier barrier_id(%barrier3A)
    %scan3A = arith.constant 0 : i32
    %scan3A_7 = arith.constant 0 : i32
    %scan3A_8 = arith.constant 5 : i32
    %scan3A_9 = arith.addi %scan3A_7, %scan3A_8 : i32
    %scan3A_10 = arith.constant 1 : i32
    scf.for %scan3A_20 = %scan3A_7 to %scan3A_9 step %scan3A_10  : i32 {
      %mul3A_21 = arith.constant 5120 : i32
      %mul3A_22 = arith.muli %add3A, %mul3A_21 : i32
      %mul3A_23 = arith.constant 8 : i32
      %mul3A_24 = arith.muli %scan3A_20, %mul3A_23 : i32
      %add3A_25 = arith.constant 0 : i32
      %add3A_26 = arith.addi %mul3A_24, %add3A_25 : i32
      %mul3A_27 = arith.constant 128 : i32
      %mul3A_28 = arith.muli %add3A_26, %mul3A_27 : i32
      %add3A_29 = arith.addi %mul3A_22, %mul3A_28 : i32
      %dma_start3A = arith.constant 0 : i32
      %dma_start3A_30 = arith.constant 0 : i32
      %dma_start3A_31 = tpu.memref_slice %arg8[%dma_start3A, %dma_start3A_30] : memref<1024x64xf32, #tpu.memory_space<vmem>> -> memref<128x64xf32, #tpu.memory_space<vmem>>
      %dma_start3A_32 = arith.constant 0 : i32
      %dma_start3A_33 = tpu.memref_slice %arg2[%add3A_29, %dma_start3A_32] : memref<163840x128xf32, #tpu.memory_space<hbm>> -> memref<128x64xf32, #tpu.memory_space<hbm>>
      %dma_start3A_34 = arith.constant 0 : i32
      %dma_start3A_35 = arith.constant 0 : i32
      %dma_start3A_36 = tpu.memref_slice %arg8[%dma_start3A_34, %dma_start3A_35] : memref<1024x64xf32, #tpu.memory_space<vmem>> -> memref<128x64xf32, #tpu.memory_space<vmem>>
      %dma_start3A_37 = arith.constant 0 : i32
      %dma_start3A_38 = tpu.memref_slice %arg2[%add3A_29, %dma_start3A_37] : memref<163840x128xf32, #tpu.memory_space<hbm>> -> memref<128x64xf32, #tpu.memory_space<hbm>>
      tpu.enqueue_dma source(%dma_start3A_38 : memref<128x64xf32, #tpu.memory_space<hbm>>) target(%dma_start3A_36 : memref<128x64xf32, #tpu.memory_space<vmem>>) target_semaphore(%arg10 : memref<!tpu.dma_semaphore, #tpu.memory_space<semaphore_mem>>)
      %mul3A_39 = arith.constant 5120 : i32
      %mul3A_40 = arith.muli %add3A, %mul3A_39 : i32
      %mul3A_41 = arith.constant 8 : i32
      %mul3A_42 = arith.muli %scan3A_20, %mul3A_41 : i32
      %add3A_43 = arith.constant 1 : i32
      %add3A_44 = arith.addi %mul3A_42, %add3A_43 : i32
      %mul3A_45 = arith.constant 128 : i32
      %mul3A_46 = arith.muli %add3A_44, %mul3A_45 : i32
      %add3A_47 = arith.addi %mul3A_40, %mul3A_46 : i32
      %dma_start3A_48 = arith.constant 128 : i32
      %dma_start3A_49 = arith.constant 0 : i32
      %dma_start3A_50 = tpu.memref_slice %arg8[%dma_start3A_48, %dma_start3A_49] : memref<1024x64xf32, #tpu.memory_space<vmem>> -> memref<128x64xf32, #tpu.memory_space<vmem>>
      %dma_start3A_51 = arith.constant 0 : i32
      %dma_start3A_52 = tpu.memref_slice %arg2[%add3A_47, %dma_start3A_51] : memref<163840x128xf32, #tpu.memory_space<hbm>> -> memref<128x64xf32, #tpu.memory_space<hbm>>
      %dma_start3A_53 = arith.constant 128 : i32
      %dma_start3A_54 = arith.constant 0 : i32
      %dma_start3A_55 = tpu.memref_slice %arg8[%dma_start3A_53, %dma_start3A_54] : memref<1024x64xf32, #tpu.memory_space<vmem>> -> memref<128x64xf32, #tpu.memory_space<vmem>>
      %dma_start3A_56 = arith.constant 0 : i32
      %dma_start3A_57 = tpu.memref_slice %arg2[%add3A_47, %dma_start3A_56] : memref<163840x128xf32, #tpu.memory_space<hbm>> -> memref<128x64xf32, #tpu.memory_space<hbm>>
      tpu.enqueue_dma source(%dma_start3A_57 : memref<128x64xf32, #tpu.memory_space<hbm>>) target(%dma_start3A_55 : memref<128x64xf32, #tpu.memory_space<vmem>>) target_semaphore(%arg10 : memref<!tpu.dma_semaphore, #tpu.memory_space<semaphore_mem>>)
      %mul3A_58 = arith.constant 5120 : i32
      %mul3A_59 = arith.muli %add3A, %mul3A_58 : i32
      %mul3A_60 = arith.constant 8 : i32
      %mul3A_61 = arith.muli %scan3A_20, %mul3A_60 : i32
      %add3A_62 = arith.constant 2 : i32
      %add3A_63 = arith.addi %mul3A_61, %add3A_62 : i32
      %mul3A_64 = arith.constant 128 : i32
      %mul3A_65 = arith.muli %add3A_63, %mul3A_64 : i32
      %add3A_66 = arith.addi %mul3A_59, %mul3A_65 : i32
      %dma_start3A_67 = arith.constant 256 : i32
      %dma_start3A_68 = arith.constant 0 : i32
      %dma_start3A_69 = tpu.memref_slice %arg8[%dma_start3A_67, %dma_start3A_68] : memref<1024x64xf32, #tpu.memory_space<vmem>> -> memref<128x64xf32, #tpu.memory_space<vmem>>
      %dma_start3A_70 = arith.constant 0 : i32
      %dma_start3A_71 = tpu.memref_slice %arg2[%add3A_66, %dma_start3A_70] : memref<163840x128xf32, #tpu.memory_space<hbm>> -> memref<128x64xf32, #tpu.memory_space<hbm>>
      %dma_start3A_72 = arith.constant 256 : i32
      %dma_start3A_73 = arith.constant 0 : i32
      %dma_start3A_74 = tpu.memref_slice %arg8[%dma_start3A_72, %dma_start3A_73] : memref<1024x64xf32, #tpu.memory_space<vmem>> -> memref<128x64xf32, #tpu.memory_space<vmem>>
      %dma_start3A_75 = arith.constant 0 : i32
      %dma_start3A_76 = tpu.memref_slice %arg2[%add3A_66, %dma_start3A_75] : memref<163840x128xf32, #tpu.memory_space<hbm>> -> memref<128x64xf32, #tpu.memory_space<hbm>>
      tpu.enqueue_dma source(%dma_start3A_76 : memref<128x64xf32, #tpu.memory_space<hbm>>) target(%dma_start3A_74 : memref<128x64xf32, #tpu.memory_space<vmem>>) target_semaphore(%arg10 : memref<!tpu.dma_semaphore, #tpu.memory_space<semaphore_mem>>)
      %mul3A_77 = arith.constant 5120 : i32
      %mul3A_78 = arith.muli %add3A, %mul3A_77 : i32
      %mul3A_79 = arith.constant 8 : i32
      %mul3A_80 = arith.muli %scan3A_20, %mul3A_79 : i32
      %add3A_81 = arith.constant 3 : i32
      %add3A_82 = arith.addi %mul3A_80, %add3A_81 : i32
      %mul3A_83 = arith.constant 128 : i32
      %mul3A_84 = arith.muli %add3A_82, %mul3A_83 : i32
      %add3A_85 = arith.addi %mul3A_78, %mul3A_84 : i32
      %dma_start3A_86 = arith.constant 384 : i32
      %dma_start3A_87 = arith.constant 0 : i32
      %dma_start3A_88 = tpu.memref_slice %arg8[%dma_start3A_86, %dma_start3A_87] : memref<1024x64xf32, #tpu.memory_space<vmem>> -> memref<128x64xf32, #tpu.memory_space<vmem>>
      %dma_start3A_89 = arith.constant 0 : i32
      %dma_start3A_90 = tpu.memref_slice %arg2[%add3A_85, %dma_start3A_89] : memref<163840x128xf32, #tpu.memory_space<hbm>> -> memref<128x64xf32, #tpu.memory_space<hbm>>
      %dma_start3A_91 = arith.constant 384 : i32
      %dma_start3A_92 = arith.constant 0 : i32
      %dma_start3A_93 = tpu.memref_slice %arg8[%dma_start3A_91, %dma_start3A_92] : memref<1024x64xf32, #tpu.memory_space<vmem>> -> memref<128x64xf32, #tpu.memory_space<vmem>>
      %dma_start3A_94 = arith.constant 0 : i32
      %dma_start3A_95 = tpu.memref_slice %arg2[%add3A_85, %dma_start3A_94] : memref<163840x128xf32, #tpu.memory_space<hbm>> -> memref<128x64xf32, #tpu.memory_space<hbm>>
      tpu.enqueue_dma source(%dma_start3A_95 : memref<128x64xf32, #tpu.memory_space<hbm>>) target(%dma_start3A_93 : memref<128x64xf32, #tpu.memory_space<vmem>>) target_semaphore(%arg10 : memref<!tpu.dma_semaphore, #tpu.memory_space<semaphore_mem>>)
      %mul3A_96 = arith.constant 5120 : i32
      %mul3A_97 = arith.muli %add3A, %mul3A_96 : i32
      %mul3A_98 = arith.constant 8 : i32
      %mul3A_99 = arith.muli %scan3A_20, %mul3A_98 : i32
      %add3A_100 = arith.constant 4 : i32
      %add3A_101 = arith.addi %mul3A_99, %add3A_100 : i32
      %mul3A_102 = arith.constant 128 : i32
      %mul3A_103 = arith.muli %add3A_101, %mul3A_102 : i32
      %add3A_104 = arith.addi %mul3A_97, %mul3A_103 : i32
      %dma_start3A_105 = arith.constant 512 : i32
      %dma_start3A_106 = arith.constant 0 : i32
      %dma_start3A_107 = tpu.memref_slice %arg8[%dma_start3A_105, %dma_start3A_106] : memref<1024x64xf32, #tpu.memory_space<vmem>> -> memref<128x64xf32, #tpu.memory_space<vmem>>
      %dma_start3A_108 = arith.constant 0 : i32
      %dma_start3A_109 = tpu.memref_slice %arg2[%add3A_104, %dma_start3A_108] : memref<163840x128xf32, #tpu.memory_space<hbm>> -> memref<128x64xf32, #tpu.memory_space<hbm>>
      %dma_start3A_110 = arith.constant 512 : i32
      %dma_start3A_111 = arith.constant 0 : i32
      %dma_start3A_112 = tpu.memref_slice %arg8[%dma_start3A_110, %dma_start3A_111] : memref<1024x64xf32, #tpu.memory_space<vmem>> -> memref<128x64xf32, #tpu.memory_space<vmem>>
      %dma_start3A_113 = arith.constant 0 : i32
      %dma_start3A_114 = tpu.memref_slice %arg2[%add3A_104, %dma_start3A_113] : memref<163840x128xf32, #tpu.memory_space<hbm>> -> memref<128x64xf32, #tpu.memory_space<hbm>>
      tpu.enqueue_dma source(%dma_start3A_114 : memref<128x64xf32, #tpu.memory_space<hbm>>) target(%dma_start3A_112 : memref<128x64xf32, #tpu.memory_space<vmem>>) target_semaphore(%arg10 : memref<!tpu.dma_semaphore, #tpu.memory_space<semaphore_mem>>)
      %mul3A_115 = arith.constant 5120 : i32
      %mul3A_116 = arith.muli %add3A, %mul3A_115 : i32
      %mul3A_117 = arith.constant 8 : i32
      %mul3A_118 = arith.muli %scan3A_20, %mul3A_117 : i32
      %add3A_119 = arith.constant 5 : i32
      %add3A_120 = arith.addi %mul3A_118, %add3A_119 : i32
      %mul3A_121 = arith.constant 128 : i32
      %mul3A_122 = arith.muli %add3A_120, %mul3A_121 : i32
      %add3A_123 = arith.addi %mul3A_116, %mul3A_122 : i32
      %dma_start3A_124 = arith.constant 640 : i32
      %dma_start3A_125 = arith.constant 0 : i32
      %dma_start3A_126 = tpu.memref_slice %arg8[%dma_start3A_124, %dma_start3A_125] : memref<1024x64xf32, #tpu.memory_space<vmem>> -> memref<128x64xf32, #tpu.memory_space<vmem>>
      %dma_start3A_127 = arith.constant 0 : i32
      %dma_start3A_128 = tpu.memref_slice %arg2[%add3A_123, %dma_start3A_127] : memref<163840x128xf32, #tpu.memory_space<hbm>> -> memref<128x64xf32, #tpu.memory_space<hbm>>
      %dma_start3A_129 = arith.constant 640 : i32
      %dma_start3A_130 = arith.constant 0 : i32
      %dma_start3A_131 = tpu.memref_slice %arg8[%dma_start3A_129, %dma_start3A_130] : memref<1024x64xf32, #tpu.memory_space<vmem>> -> memref<128x64xf32, #tpu.memory_space<vmem>>
      %dma_start3A_132 = arith.constant 0 : i32
      %dma_start3A_133 = tpu.memref_slice %arg2[%add3A_123, %dma_start3A_132] : memref<163840x128xf32, #tpu.memory_space<hbm>> -> memref<128x64xf32, #tpu.memory_space<hbm>>
      tpu.enqueue_dma source(%dma_start3A_133 : memref<128x64xf32, #tpu.memory_space<hbm>>) target(%dma_start3A_131 : memref<128x64xf32, #tpu.memory_space<vmem>>) target_semaphore(%arg10 : memref<!tpu.dma_semaphore, #tpu.memory_space<semaphore_mem>>)
      %mul3A_134 = arith.constant 5120 : i32
      %mul3A_135 = arith.muli %add3A, %mul3A_134 : i32
      %mul3A_136 = arith.constant 8 : i32
      %mul3A_137 = arith.muli %scan3A_20, %mul3A_136 : i32
      %add3A_138 = arith.constant 6 : i32
      %add3A_139 = arith.addi %mul3A_137, %add3A_138 : i32
      %mul3A_140 = arith.constant 128 : i32
      %mul3A_141 = arith.muli %add3A_139, %mul3A_140 : i32
      %add3A_142 = arith.addi %mul3A_135, %mul3A_141 : i32
      %dma_start3A_143 = arith.constant 768 : i32
      %dma_start3A_144 = arith.constant 0 : i32
      %dma_start3A_145 = tpu.memref_slice %arg8[%dma_start3A_143, %dma_start3A_144] : memref<1024x64xf32, #tpu.memory_space<vmem>> -> memref<128x64xf32, #tpu.memory_space<vmem>>
      %dma_start3A_146 = arith.constant 0 : i32
      %dma_start3A_147 = tpu.memref_slice %arg2[%add3A_142, %dma_start3A_146] : memref<163840x128xf32, #tpu.memory_space<hbm>> -> memref<128x64xf32, #tpu.memory_space<hbm>>
      %dma_start3A_148 = arith.constant 768 : i32
      %dma_start3A_149 = arith.constant 0 : i32
      %dma_start3A_150 = tpu.memref_slice %arg8[%dma_start3A_148, %dma_start3A_149] : memref<1024x64xf32, #tpu.memory_space<vmem>> -> memref<128x64xf32, #tpu.memory_space<vmem>>
      %dma_start3A_151 = arith.constant 0 : i32
      %dma_start3A_152 = tpu.memref_slice %arg2[%add3A_142, %dma_start3A_151] : memref<163840x128xf32, #tpu.memory_space<hbm>> -> memref<128x64xf32, #tpu.memory_space<hbm>>
      tpu.enqueue_dma source(%dma_start3A_152 : memref<128x64xf32, #tpu.memory_space<hbm>>) target(%dma_start3A_150 : memref<128x64xf32, #tpu.memory_space<vmem>>) target_semaphore(%arg10 : memref<!tpu.dma_semaphore, #tpu.memory_space<semaphore_mem>>)
      %mul3A_153 = arith.constant 5120 : i32
      %mul3A_154 = arith.muli %add3A, %mul3A_153 : i32
      %mul3A_155 = arith.constant 8 : i32
      %mul3A_156 = arith.muli %scan3A_20, %mul3A_155 : i32
      %add3A_157 = arith.constant 7 : i32
      %add3A_158 = arith.addi %mul3A_156, %add3A_157 : i32
      %mul3A_159 = arith.constant 128 : i32
      %mul3A_160 = arith.muli %add3A_158, %mul3A_159 : i32
      %add3A_161 = arith.addi %mul3A_154, %mul3A_160 : i32
      %dma_start3A_162 = arith.constant 896 : i32
      %dma_start3A_163 = arith.constant 0 : i32
      %dma_start3A_164 = tpu.memref_slice %arg8[%dma_start3A_162, %dma_start3A_163] : memref<1024x64xf32, #tpu.memory_space<vmem>> -> memref<128x64xf32, #tpu.memory_space<vmem>>
      %dma_start3A_165 = arith.constant 0 : i32
      %dma_start3A_166 = tpu.memref_slice %arg2[%add3A_161, %dma_start3A_165] : memref<163840x128xf32, #tpu.memory_space<hbm>> -> memref<128x64xf32, #tpu.memory_space<hbm>>
      %dma_start3A_167 = arith.constant 896 : i32
      %dma_start3A_168 = arith.constant 0 : i32
      %dma_start3A_169 = tpu.memref_slice %arg8[%dma_start3A_167, %dma_start3A_168] : memref<1024x64xf32, #tpu.memory_space<vmem>> -> memref<128x64xf32, #tpu.memory_space<vmem>>
      %dma_start3A_170 = arith.constant 0 : i32
      %dma_start3A_171 = tpu.memref_slice %arg2[%add3A_161, %dma_start3A_170] : memref<163840x128xf32, #tpu.memory_space<hbm>> -> memref<128x64xf32, #tpu.memory_space<hbm>>
      tpu.enqueue_dma source(%dma_start3A_171 : memref<128x64xf32, #tpu.memory_space<hbm>>) target(%dma_start3A_169 : memref<128x64xf32, #tpu.memory_space<vmem>>) target_semaphore(%arg10 : memref<!tpu.dma_semaphore, #tpu.memory_space<semaphore_mem>>)
      %dma_wait3A = arith.constant 0 : i32
      %dma_wait3A_172 = arith.constant 0 : i32
      %dma_wait3A_173 = tpu.memref_slice %arg8[%dma_wait3A, %dma_wait3A_172] : memref<1024x64xf32, #tpu.memory_space<vmem>> -> memref<128x64xf32, #tpu.memory_space<vmem>>
      %dma_wait3A_174 = arith.constant 0 : i32
      %dma_wait3A_175 = tpu.memref_slice %arg2[%add3A_29, %dma_wait3A_174] : memref<163840x128xf32, #tpu.memory_space<hbm>> -> memref<128x64xf32, #tpu.memory_space<hbm>>
      %dma_wait3A_176 = arith.constant 0 : i32
      %dma_wait3A_177 = arith.constant 0 : i32
      %dma_wait3A_178 = tpu.memref_slice %arg8[%dma_wait3A_176, %dma_wait3A_177] : memref<1024x64xf32, #tpu.memory_space<vmem>> -> memref<128x64xf32, #tpu.memory_space<vmem>>
      %dma_wait3A_179 = arith.constant 0 : i32
      %dma_wait3A_180 = tpu.memref_slice %arg2[%add3A_29, %dma_wait3A_179] : memref<163840x128xf32, #tpu.memory_space<hbm>> -> memref<128x64xf32, #tpu.memory_space<hbm>>
      tpu.wait_dma2 semaphore(%arg10 : memref<!tpu.dma_semaphore, #tpu.memory_space<semaphore_mem>>) src(%dma_wait3A_180 : memref<128x64xf32, #tpu.memory_space<hbm>>) dst(%dma_wait3A_178 : memref<128x64xf32, #tpu.memory_space<vmem>>)
      %dma_wait3A_181 = arith.constant 128 : i32
      %dma_wait3A_182 = arith.constant 0 : i32
      %dma_wait3A_183 = tpu.memref_slice %arg8[%dma_wait3A_181, %dma_wait3A_182] : memref<1024x64xf32, #tpu.memory_space<vmem>> -> memref<128x64xf32, #tpu.memory_space<vmem>>
      %dma_wait3A_184 = arith.constant 0 : i32
      %dma_wait3A_185 = tpu.memref_slice %arg2[%add3A_47, %dma_wait3A_184] : memref<163840x128xf32, #tpu.memory_space<hbm>> -> memref<128x64xf32, #tpu.memory_space<hbm>>
      %dma_wait3A_186 = arith.constant 128 : i32
      %dma_wait3A_187 = arith.constant 0 : i32
      %dma_wait3A_188 = tpu.memref_slice %arg8[%dma_wait3A_186, %dma_wait3A_187] : memref<1024x64xf32, #tpu.memory_space<vmem>> -> memref<128x64xf32, #tpu.memory_space<vmem>>
      %dma_wait3A_189 = arith.constant 0 : i32
      %dma_wait3A_190 = tpu.memref_slice %arg2[%add3A_47, %dma_wait3A_189] : memref<163840x128xf32, #tpu.memory_space<hbm>> -> memref<128x64xf32, #tpu.memory_space<hbm>>
      tpu.wait_dma2 semaphore(%arg10 : memref<!tpu.dma_semaphore, #tpu.memory_space<semaphore_mem>>) src(%dma_wait3A_190 : memref<128x64xf32, #tpu.memory_space<hbm>>) dst(%dma_wait3A_188 : memref<128x64xf32, #tpu.memory_space<vmem>>)
      %dma_wait3A_191 = arith.constant 256 : i32
      %dma_wait3A_192 = arith.constant 0 : i32
      %dma_wait3A_193 = tpu.memref_slice %arg8[%dma_wait3A_191, %dma_wait3A_192] : memref<1024x64xf32, #tpu.memory_space<vmem>> -> memref<128x64xf32, #tpu.memory_space<vmem>>
      %dma_wait3A_194 = arith.constant 0 : i32
      %dma_wait3A_195 = tpu.memref_slice %arg2[%add3A_66, %dma_wait3A_194] : memref<163840x128xf32, #tpu.memory_space<hbm>> -> memref<128x64xf32, #tpu.memory_space<hbm>>
      %dma_wait3A_196 = arith.constant 256 : i32
      %dma_wait3A_197 = arith.constant 0 : i32
      %dma_wait3A_198 = tpu.memref_slice %arg8[%dma_wait3A_196, %dma_wait3A_197] : memref<1024x64xf32, #tpu.memory_space<vmem>> -> memref<128x64xf32, #tpu.memory_space<vmem>>
      %dma_wait3A_199 = arith.constant 0 : i32
      %dma_wait3A_200 = tpu.memref_slice %arg2[%add3A_66, %dma_wait3A_199] : memref<163840x128xf32, #tpu.memory_space<hbm>> -> memref<128x64xf32, #tpu.memory_space<hbm>>
      tpu.wait_dma2 semaphore(%arg10 : memref<!tpu.dma_semaphore, #tpu.memory_space<semaphore_mem>>) src(%dma_wait3A_200 : memref<128x64xf32, #tpu.memory_space<hbm>>) dst(%dma_wait3A_198 : memref<128x64xf32, #tpu.memory_space<vmem>>)
      %dma_wait3A_201 = arith.constant 384 : i32
      %dma_wait3A_202 = arith.constant 0 : i32
      %dma_wait3A_203 = tpu.memref_slice %arg8[%dma_wait3A_201, %dma_wait3A_202] : memref<1024x64xf32, #tpu.memory_space<vmem>> -> memref<128x64xf32, #tpu.memory_space<vmem>>
      %dma_wait3A_204 = arith.constant 0 : i32
      %dma_wait3A_205 = tpu.memref_slice %arg2[%add3A_85, %dma_wait3A_204] : memref<163840x128xf32, #tpu.memory_space<hbm>> -> memref<128x64xf32, #tpu.memory_space<hbm>>
      %dma_wait3A_206 = arith.constant 384 : i32
      %dma_wait3A_207 = arith.constant 0 : i32
      %dma_wait3A_208 = tpu.memref_slice %arg8[%dma_wait3A_206, %dma_wait3A_207] : memref<1024x64xf32, #tpu.memory_space<vmem>> -> memref<128x64xf32, #tpu.memory_space<vmem>>
      %dma_wait3A_209 = arith.constant 0 : i32
      %dma_wait3A_210 = tpu.memref_slice %arg2[%add3A_85, %dma_wait3A_209] : memref<163840x128xf32, #tpu.memory_space<hbm>> -> memref<128x64xf32, #tpu.memory_space<hbm>>
      tpu.wait_dma2 semaphore(%arg10 : memref<!tpu.dma_semaphore, #tpu.memory_space<semaphore_mem>>) src(%dma_wait3A_210 : memref<128x64xf32, #tpu.memory_space<hbm>>) dst(%dma_wait3A_208 : memref<128x64xf32, #tpu.memory_space<vmem>>)
      %dma_wait3A_211 = arith.constant 512 : i32
      %dma_wait3A_212 = arith.constant 0 : i32
      %dma_wait3A_213 = tpu.memref_slice %arg8[%dma_wait3A_211, %dma_wait3A_212] : memref<1024x64xf32, #tpu.memory_space<vmem>> -> memref<128x64xf32, #tpu.memory_space<vmem>>
      %dma_wait3A_214 = arith.constant 0 : i32
      %dma_wait3A_215 = tpu.memref_slice %arg2[%add3A_104, %dma_wait3A_214] : memref<163840x128xf32, #tpu.memory_space<hbm>> -> memref<128x64xf32, #tpu.memory_space<hbm>>
      %dma_wait3A_216 = arith.constant 512 : i32
      %dma_wait3A_217 = arith.constant 0 : i32
      %dma_wait3A_218 = tpu.memref_slice %arg8[%dma_wait3A_216, %dma_wait3A_217] : memref<1024x64xf32, #tpu.memory_space<vmem>> -> memref<128x64xf32, #tpu.memory_space<vmem>>
      %dma_wait3A_219 = arith.constant 0 : i32
      %dma_wait3A_220 = tpu.memref_slice %arg2[%add3A_104, %dma_wait3A_219] : memref<163840x128xf32, #tpu.memory_space<hbm>> -> memref<128x64xf32, #tpu.memory_space<hbm>>
      tpu.wait_dma2 semaphore(%arg10 : memref<!tpu.dma_semaphore, #tpu.memory_space<semaphore_mem>>) src(%dma_wait3A_220 : memref<128x64xf32, #tpu.memory_space<hbm>>) dst(%dma_wait3A_218 : memref<128x64xf32, #tpu.memory_space<vmem>>)
      %dma_wait3A_221 = arith.constant 640 : i32
      %dma_wait3A_222 = arith.constant 0 : i32
      %dma_wait3A_223 = tpu.memref_slice %arg8[%dma_wait3A_221, %dma_wait3A_222] : memref<1024x64xf32, #tpu.memory_space<vmem>> -> memref<128x64xf32, #tpu.memory_space<vmem>>
      %dma_wait3A_224 = arith.constant 0 : i32
      %dma_wait3A_225 = tpu.memref_slice %arg2[%add3A_123, %dma_wait3A_224] : memref<163840x128xf32, #tpu.memory_space<hbm>> -> memref<128x64xf32, #tpu.memory_space<hbm>>
      %dma_wait3A_226 = arith.constant 640 : i32
      %dma_wait3A_227 = arith.constant 0 : i32
      %dma_wait3A_228 = tpu.memref_slice %arg8[%dma_wait3A_226, %dma_wait3A_227] : memref<1024x64xf32, #tpu.memory_space<vmem>> -> memref<128x64xf32, #tpu.memory_space<vmem>>
      %dma_wait3A_229 = arith.constant 0 : i32
      %dma_wait3A_230 = tpu.memref_slice %arg2[%add3A_123, %dma_wait3A_229] : memref<163840x128xf32, #tpu.memory_space<hbm>> -> memref<128x64xf32, #tpu.memory_space<hbm>>
      tpu.wait_dma2 semaphore(%arg10 : memref<!tpu.dma_semaphore, #tpu.memory_space<semaphore_mem>>) src(%dma_wait3A_230 : memref<128x64xf32, #tpu.memory_space<hbm>>) dst(%dma_wait3A_228 : memref<128x64xf32, #tpu.memory_space<vmem>>)
      %dma_wait3A_231 = arith.constant 768 : i32
      %dma_wait3A_232 = arith.constant 0 : i32
      %dma_wait3A_233 = tpu.memref_slice %arg8[%dma_wait3A_231, %dma_wait3A_232] : memref<1024x64xf32, #tpu.memory_space<vmem>> -> memref<128x64xf32, #tpu.memory_space<vmem>>
      %dma_wait3A_234 = arith.constant 0 : i32
      %dma_wait3A_235 = tpu.memref_slice %arg2[%add3A_142, %dma_wait3A_234] : memref<163840x128xf32, #tpu.memory_space<hbm>> -> memref<128x64xf32, #tpu.memory_space<hbm>>
      %dma_wait3A_236 = arith.constant 768 : i32
      %dma_wait3A_237 = arith.constant 0 : i32
      %dma_wait3A_238 = tpu.memref_slice %arg8[%dma_wait3A_236, %dma_wait3A_237] : memref<1024x64xf32, #tpu.memory_space<vmem>> -> memref<128x64xf32, #tpu.memory_space<vmem>>
      %dma_wait3A_239 = arith.constant 0 : i32
      %dma_wait3A_240 = tpu.memref_slice %arg2[%add3A_142, %dma_wait3A_239] : memref<163840x128xf32, #tpu.memory_space<hbm>> -> memref<128x64xf32, #tpu.memory_space<hbm>>
      tpu.wait_dma2 semaphore(%arg10 : memref<!tpu.dma_semaphore, #tpu.memory_space<semaphore_mem>>) src(%dma_wait3A_240 : memref<128x64xf32, #tpu.memory_space<hbm>>) dst(%dma_wait3A_238 : memref<128x64xf32, #tpu.memory_space<vmem>>)
      %dma_wait3A_241 = arith.constant 896 : i32
      %dma_wait3A_242 = arith.constant 0 : i32
      %dma_wait3A_243 = tpu.memref_slice %arg8[%dma_wait3A_241, %dma_wait3A_242] : memref<1024x64xf32, #tpu.memory_space<vmem>> -> memref<128x64xf32, #tpu.memory_space<vmem>>
      %dma_wait3A_244 = arith.constant 0 : i32
      %dma_wait3A_245 = tpu.memref_slice %arg2[%add3A_161, %dma_wait3A_244] : memref<163840x128xf32, #tpu.memory_space<hbm>> -> memref<128x64xf32, #tpu.memory_space<hbm>>
      %dma_wait3A_246 = arith.constant 896 : i32
      %dma_wait3A_247 = arith.constant 0 : i32
      %dma_wait3A_248 = tpu.memref_slice %arg8[%dma_wait3A_246, %dma_wait3A_247] : memref<1024x64xf32, #tpu.memory_space<vmem>> -> memref<128x64xf32, #tpu.memory_space<vmem>>
      %dma_wait3A_249 = arith.constant 0 : i32
      %dma_wait3A_250 = tpu.memref_slice %arg2[%add3A_161, %dma_wait3A_249] : memref<163840x128xf32, #tpu.memory_space<hbm>> -> memref<128x64xf32, #tpu.memory_space<hbm>>
      tpu.wait_dma2 semaphore(%arg10 : memref<!tpu.dma_semaphore, #tpu.memory_space<semaphore_mem>>) src(%dma_wait3A_250 : memref<128x64xf32, #tpu.memory_space<hbm>>) dst(%dma_wait3A_248 : memref<128x64xf32, #tpu.memory_space<vmem>>)
      %mul3A_251 = arith.constant 8 : i32
      %mul3A_252 = arith.muli %scan3A_20, %mul3A_251 : i32
      %add3A_253 = arith.constant 0 : i32
      %add3A_254 = arith.addi %mul3A_252, %add3A_253 : i32
      %dma_start3A_255 = arith.constant 0 : i32
      %dma_start3A_256 = arith.constant 0 : i32
      %dma_start3A_257 = tpu.memref_slice %arg8[%dma_start3A_255, %dma_start3A_256] : memref<1024x64xf32, #tpu.memory_space<vmem>> -> memref<128x64xf32, #tpu.memory_space<vmem>>
      %dma_start3A_258 = arith.constant 0 : i32
      %dma_start3A_259 = tpu.memref_slice %arg7[%add3A_254, %dma_start3A_258] : memref<40x128xi32, #tpu.memory_space<vmem>> -> memref<1x128xi32, #tpu.memory_space<vmem>>
      %dma_start3A_260 = tpu.memref_squeeze %dma_start3A_259 : memref<1x128xi32, #tpu.memory_space<vmem>> -> memref<128xi32, #tpu.memory_space<vmem>>
      %dma_start3A_261 = arith.constant 0 : i32
      %dma_start3A_262 = arith.constant 0 : i32
      %dma_start3A_263 = tpu.memref_slice %arg9[%dma_start3A_261, %dma_start3A_262] : memref<10016x64xf32, #tpu.memory_space<vmem_shared>> -> memref<10016x64xf32, #tpu.memory_space<vmem_shared>>
      tpu.enqueue_indirect_dma source(%dma_start3A_257 : memref<128x64xf32, #tpu.memory_space<vmem>>) target(%dma_start3A_263 : memref<10016x64xf32, #tpu.memory_space<vmem_shared>>) offsets(%dma_start3A_260 : memref<128xi32, #tpu.memory_space<vmem>>) semaphore(%arg11 : memref<!tpu.dma_semaphore, #tpu.memory_space<semaphore_mem>>) {add = true}
      %mul3A_264 = arith.constant 8 : i32
      %mul3A_265 = arith.muli %scan3A_20, %mul3A_264 : i32
      %add3A_266 = arith.constant 1 : i32
      %add3A_267 = arith.addi %mul3A_265, %add3A_266 : i32
      %dma_start3A_268 = arith.constant 128 : i32
      %dma_start3A_269 = arith.constant 0 : i32
      %dma_start3A_270 = tpu.memref_slice %arg8[%dma_start3A_268, %dma_start3A_269] : memref<1024x64xf32, #tpu.memory_space<vmem>> -> memref<128x64xf32, #tpu.memory_space<vmem>>
      %dma_start3A_271 = arith.constant 0 : i32
      %dma_start3A_272 = tpu.memref_slice %arg7[%add3A_267, %dma_start3A_271] : memref<40x128xi32, #tpu.memory_space<vmem>> -> memref<1x128xi32, #tpu.memory_space<vmem>>
      %dma_start3A_273 = tpu.memref_squeeze %dma_start3A_272 : memref<1x128xi32, #tpu.memory_space<vmem>> -> memref<128xi32, #tpu.memory_space<vmem>>
      %dma_start3A_274 = arith.constant 0 : i32
      %dma_start3A_275 = arith.constant 0 : i32
      %dma_start3A_276 = tpu.memref_slice %arg9[%dma_start3A_274, %dma_start3A_275] : memref<10016x64xf32, #tpu.memory_space<vmem_shared>> -> memref<10016x64xf32, #tpu.memory_space<vmem_shared>>
      tpu.enqueue_indirect_dma source(%dma_start3A_270 : memref<128x64xf32, #tpu.memory_space<vmem>>) target(%dma_start3A_276 : memref<10016x64xf32, #tpu.memory_space<vmem_shared>>) offsets(%dma_start3A_273 : memref<128xi32, #tpu.memory_space<vmem>>) semaphore(%arg11 : memref<!tpu.dma_semaphore, #tpu.memory_space<semaphore_mem>>) {add = true}
      %mul3A_277 = arith.constant 8 : i32
      %mul3A_278 = arith.muli %scan3A_20, %mul3A_277 : i32
      %add3A_279 = arith.constant 2 : i32
      %add3A_280 = arith.addi %mul3A_278, %add3A_279 : i32
      %dma_start3A_281 = arith.constant 256 : i32
      %dma_start3A_282 = arith.constant 0 : i32
      %dma_start3A_283 = tpu.memref_slice %arg8[%dma_start3A_281, %dma_start3A_282] : memref<1024x64xf32, #tpu.memory_space<vmem>> -> memref<128x64xf32, #tpu.memory_space<vmem>>
      %dma_start3A_284 = arith.constant 0 : i32
      %dma_start3A_285 = tpu.memref_slice %arg7[%add3A_280, %dma_start3A_284] : memref<40x128xi32, #tpu.memory_space<vmem>> -> memref<1x128xi32, #tpu.memory_space<vmem>>
      %dma_start3A_286 = tpu.memref_squeeze %dma_start3A_285 : memref<1x128xi32, #tpu.memory_space<vmem>> -> memref<128xi32, #tpu.memory_space<vmem>>
      %dma_start3A_287 = arith.constant 0 : i32
      %dma_start3A_288 = arith.constant 0 : i32
      %dma_start3A_289 = tpu.memref_slice %arg9[%dma_start3A_287, %dma_start3A_288] : memref<10016x64xf32, #tpu.memory_space<vmem_shared>> -> memref<10016x64xf32, #tpu.memory_space<vmem_shared>>
      tpu.enqueue_indirect_dma source(%dma_start3A_283 : memref<128x64xf32, #tpu.memory_space<vmem>>) target(%dma_start3A_289 : memref<10016x64xf32, #tpu.memory_space<vmem_shared>>) offsets(%dma_start3A_286 : memref<128xi32, #tpu.memory_space<vmem>>) semaphore(%arg11 : memref<!tpu.dma_semaphore, #tpu.memory_space<semaphore_mem>>) {add = true}
      %mul3A_290 = arith.constant 8 : i32
      %mul3A_291 = arith.muli %scan3A_20, %mul3A_290 : i32
      %add3A_292 = arith.constant 3 : i32
      %add3A_293 = arith.addi %mul3A_291, %add3A_292 : i32
      %dma_start3A_294 = arith.constant 384 : i32
      %dma_start3A_295 = arith.constant 0 : i32
      %dma_start3A_296 = tpu.memref_slice %arg8[%dma_start3A_294, %dma_start3A_295] : memref<1024x64xf32, #tpu.memory_space<vmem>> -> memref<128x64xf32, #tpu.memory_space<vmem>>
      %dma_start3A_297 = arith.constant 0 : i32
      %dma_start3A_298 = tpu.memref_slice %arg7[%add3A_293, %dma_start3A_297] : memref<40x128xi32, #tpu.memory_space<vmem>> -> memref<1x128xi32, #tpu.memory_space<vmem>>
      %dma_start3A_299 = tpu.memref_squeeze %dma_start3A_298 : memref<1x128xi32, #tpu.memory_space<vmem>> -> memref<128xi32, #tpu.memory_space<vmem>>
      %dma_start3A_300 = arith.constant 0 : i32
      %dma_start3A_301 = arith.constant 0 : i32
      %dma_start3A_302 = tpu.memref_slice %arg9[%dma_start3A_300, %dma_start3A_301] : memref<10016x64xf32, #tpu.memory_space<vmem_shared>> -> memref<10016x64xf32, #tpu.memory_space<vmem_shared>>
      tpu.enqueue_indirect_dma source(%dma_start3A_296 : memref<128x64xf32, #tpu.memory_space<vmem>>) target(%dma_start3A_302 : memref<10016x64xf32, #tpu.memory_space<vmem_shared>>) offsets(%dma_start3A_299 : memref<128xi32, #tpu.memory_space<vmem>>) semaphore(%arg11 : memref<!tpu.dma_semaphore, #tpu.memory_space<semaphore_mem>>) {add = true}
      %mul3A_303 = arith.constant 8 : i32
      %mul3A_304 = arith.muli %scan3A_20, %mul3A_303 : i32
      %add3A_305 = arith.constant 4 : i32
      %add3A_306 = arith.addi %mul3A_304, %add3A_305 : i32
      %dma_start3A_307 = arith.constant 512 : i32
      %dma_start3A_308 = arith.constant 0 : i32
      %dma_start3A_309 = tpu.memref_slice %arg8[%dma_start3A_307, %dma_start3A_308] : memref<1024x64xf32, #tpu.memory_space<vmem>> -> memref<128x64xf32, #tpu.memory_space<vmem>>
      %dma_start3A_310 = arith.constant 0 : i32
      %dma_start3A_311 = tpu.memref_slice %arg7[%add3A_306, %dma_start3A_310] : memref<40x128xi32, #tpu.memory_space<vmem>> -> memref<1x128xi32, #tpu.memory_space<vmem>>
      %dma_start3A_312 = tpu.memref_squeeze %dma_start3A_311 : memref<1x128xi32, #tpu.memory_space<vmem>> -> memref<128xi32, #tpu.memory_space<vmem>>
      %dma_start3A_313 = arith.constant 0 : i32
      %dma_start3A_314 = arith.constant 0 : i32
      %dma_start3A_315 = tpu.memref_slice %arg9[%dma_start3A_313, %dma_start3A_314] : memref<10016x64xf32, #tpu.memory_space<vmem_shared>> -> memref<10016x64xf32, #tpu.memory_space<vmem_shared>>
      tpu.enqueue_indirect_dma source(%dma_start3A_309 : memref<128x64xf32, #tpu.memory_space<vmem>>) target(%dma_start3A_315 : memref<10016x64xf32, #tpu.memory_space<vmem_shared>>) offsets(%dma_start3A_312 : memref<128xi32, #tpu.memory_space<vmem>>) semaphore(%arg11 : memref<!tpu.dma_semaphore, #tpu.memory_space<semaphore_mem>>) {add = true}
      %mul3A_316 = arith.constant 8 : i32
      %mul3A_317 = arith.muli %scan3A_20, %mul3A_316 : i32
      %add3A_318 = arith.constant 5 : i32
      %add3A_319 = arith.addi %mul3A_317, %add3A_318 : i32
      %dma_start3A_320 = arith.constant 640 : i32
      %dma_start3A_321 = arith.constant 0 : i32
      %dma_start3A_322 = tpu.memref_slice %arg8[%dma_start3A_320, %dma_start3A_321] : memref<1024x64xf32, #tpu.memory_space<vmem>> -> memref<128x64xf32, #tpu.memory_space<vmem>>
      %dma_start3A_323 = arith.constant 0 : i32
      %dma_start3A_324 = tpu.memref_slice %arg7[%add3A_319, %dma_start3A_323] : memref<40x128xi32, #tpu.memory_space<vmem>> -> memref<1x128xi32, #tpu.memory_space<vmem>>
      %dma_start3A_325 = tpu.memref_squeeze %dma_start3A_324 : memref<1x128xi32, #tpu.memory_space<vmem>> -> memref<128xi32, #tpu.memory_space<vmem>>
      %dma_start3A_326 = arith.constant 0 : i32
      %dma_start3A_327 = arith.constant 0 : i32
      %dma_start3A_328 = tpu.memref_slice %arg9[%dma_start3A_326, %dma_start3A_327] : memref<10016x64xf32, #tpu.memory_space<vmem_shared>> -> memref<10016x64xf32, #tpu.memory_space<vmem_shared>>
      tpu.enqueue_indirect_dma source(%dma_start3A_322 : memref<128x64xf32, #tpu.memory_space<vmem>>) target(%dma_start3A_328 : memref<10016x64xf32, #tpu.memory_space<vmem_shared>>) offsets(%dma_start3A_325 : memref<128xi32, #tpu.memory_space<vmem>>) semaphore(%arg11 : memref<!tpu.dma_semaphore, #tpu.memory_space<semaphore_mem>>) {add = true}
      %mul3A_329 = arith.constant 8 : i32
      %mul3A_330 = arith.muli %scan3A_20, %mul3A_329 : i32
      %add3A_331 = arith.constant 6 : i32
      %add3A_332 = arith.addi %mul3A_330, %add3A_331 : i32
      %dma_start3A_333 = arith.constant 768 : i32
      %dma_start3A_334 = arith.constant 0 : i32
      %dma_start3A_335 = tpu.memref_slice %arg8[%dma_start3A_333, %dma_start3A_334] : memref<1024x64xf32, #tpu.memory_space<vmem>> -> memref<128x64xf32, #tpu.memory_space<vmem>>
      %dma_start3A_336 = arith.constant 0 : i32
      %dma_start3A_337 = tpu.memref_slice %arg7[%add3A_332, %dma_start3A_336] : memref<40x128xi32, #tpu.memory_space<vmem>> -> memref<1x128xi32, #tpu.memory_space<vmem>>
      %dma_start3A_338 = tpu.memref_squeeze %dma_start3A_337 : memref<1x128xi32, #tpu.memory_space<vmem>> -> memref<128xi32, #tpu.memory_space<vmem>>
      %dma_start3A_339 = arith.constant 0 : i32
      %dma_start3A_340 = arith.constant 0 : i32
      %dma_start3A_341 = tpu.memref_slice %arg9[%dma_start3A_339, %dma_start3A_340] : memref<10016x64xf32, #tpu.memory_space<vmem_shared>> -> memref<10016x64xf32, #tpu.memory_space<vmem_shared>>
      tpu.enqueue_indirect_dma source(%dma_start3A_335 : memref<128x64xf32, #tpu.memory_space<vmem>>) target(%dma_start3A_341 : memref<10016x64xf32, #tpu.memory_space<vmem_shared>>) offsets(%dma_start3A_338 : memref<128xi32, #tpu.memory_space<vmem>>) semaphore(%arg11 : memref<!tpu.dma_semaphore, #tpu.memory_space<semaphore_mem>>) {add = true}
      %mul3A_342 = arith.constant 8 : i32
      %mul3A_343 = arith.muli %scan3A_20, %mul3A_342 : i32
      %add3A_344 = arith.constant 7 : i32
      %add3A_345 = arith.addi %mul3A_343, %add3A_344 : i32
      %dma_start3A_346 = arith.constant 896 : i32
      %dma_start3A_347 = arith.constant 0 : i32
      %dma_start3A_348 = tpu.memref_slice %arg8[%dma_start3A_346, %dma_start3A_347] : memref<1024x64xf32, #tpu.memory_space<vmem>> -> memref<128x64xf32, #tpu.memory_space<vmem>>
      %dma_start3A_349 = arith.constant 0 : i32
      %dma_start3A_350 = tpu.memref_slice %arg7[%add3A_345, %dma_start3A_349] : memref<40x128xi32, #tpu.memory_space<vmem>> -> memref<1x128xi32, #tpu.memory_space<vmem>>
      %dma_start3A_351 = tpu.memref_squeeze %dma_start3A_350 : memref<1x128xi32, #tpu.memory_space<vmem>> -> memref<128xi32, #tpu.memory_space<vmem>>
      %dma_start3A_352 = arith.constant 0 : i32
      %dma_start3A_353 = arith.constant 0 : i32
      %dma_start3A_354 = tpu.memref_slice %arg9[%dma_start3A_352, %dma_start3A_353] : memref<10016x64xf32, #tpu.memory_space<vmem_shared>> -> memref<10016x64xf32, #tpu.memory_space<vmem_shared>>
      tpu.enqueue_indirect_dma source(%dma_start3A_348 : memref<128x64xf32, #tpu.memory_space<vmem>>) target(%dma_start3A_354 : memref<10016x64xf32, #tpu.memory_space<vmem_shared>>) offsets(%dma_start3A_351 : memref<128xi32, #tpu.memory_space<vmem>>) semaphore(%arg11 : memref<!tpu.dma_semaphore, #tpu.memory_space<semaphore_mem>>) {add = true}
      %dma_wait3A_355 = arith.constant 0 : i32
      %dma_wait3A_356 = arith.constant 0 : i32
      %dma_wait3A_357 = tpu.memref_slice %arg8[%dma_wait3A_355, %dma_wait3A_356] : memref<1024x64xf32, #tpu.memory_space<vmem>> -> memref<128x64xf32, #tpu.memory_space<vmem>>
      %dma_wait3A_358 = arith.constant 0 : i32
      %dma_wait3A_359 = tpu.memref_slice %arg7[%add3A_254, %dma_wait3A_358] : memref<40x128xi32, #tpu.memory_space<vmem>> -> memref<1x128xi32, #tpu.memory_space<vmem>>
      %dma_wait3A_360 = tpu.memref_squeeze %dma_wait3A_359 : memref<1x128xi32, #tpu.memory_space<vmem>> -> memref<128xi32, #tpu.memory_space<vmem>>
      %dma_wait3A_361 = arith.constant 0 : i32
      %dma_wait3A_362 = arith.constant 0 : i32
      %dma_wait3A_363 = tpu.memref_slice %arg9[%dma_wait3A_361, %dma_wait3A_362] : memref<10016x64xf32, #tpu.memory_space<vmem_shared>> -> memref<10016x64xf32, #tpu.memory_space<vmem_shared>>
      tpu.wait_indirect_dma semaphore(%arg11 : memref<!tpu.dma_semaphore, #tpu.memory_space<semaphore_mem>>) src(%dma_wait3A_357 : memref<128x64xf32, #tpu.memory_space<vmem>>) dst(%dma_wait3A_363 : memref<10016x64xf32, #tpu.memory_space<vmem_shared>>)
      %dma_wait3A_364 = arith.constant 128 : i32
      %dma_wait3A_365 = arith.constant 0 : i32
      %dma_wait3A_366 = tpu.memref_slice %arg8[%dma_wait3A_364, %dma_wait3A_365] : memref<1024x64xf32, #tpu.memory_space<vmem>> -> memref<128x64xf32, #tpu.memory_space<vmem>>
      %dma_wait3A_367 = arith.constant 0 : i32
      %dma_wait3A_368 = tpu.memref_slice %arg7[%add3A_267, %dma_wait3A_367] : memref<40x128xi32, #tpu.memory_space<vmem>> -> memref<1x128xi32, #tpu.memory_space<vmem>>
      %dma_wait3A_369 = tpu.memref_squeeze %dma_wait3A_368 : memref<1x128xi32, #tpu.memory_space<vmem>> -> memref<128xi32, #tpu.memory_space<vmem>>
      %dma_wait3A_370 = arith.constant 0 : i32
      %dma_wait3A_371 = arith.constant 0 : i32
      %dma_wait3A_372 = tpu.memref_slice %arg9[%dma_wait3A_370, %dma_wait3A_371] : memref<10016x64xf32, #tpu.memory_space<vmem_shared>> -> memref<10016x64xf32, #tpu.memory_space<vmem_shared>>
      tpu.wait_indirect_dma semaphore(%arg11 : memref<!tpu.dma_semaphore, #tpu.memory_space<semaphore_mem>>) src(%dma_wait3A_366 : memref<128x64xf32, #tpu.memory_space<vmem>>) dst(%dma_wait3A_372 : memref<10016x64xf32, #tpu.memory_space<vmem_shared>>)
      %dma_wait3A_373 = arith.constant 256 : i32
      %dma_wait3A_374 = arith.constant 0 : i32
      %dma_wait3A_375 = tpu.memref_slice %arg8[%dma_wait3A_373, %dma_wait3A_374] : memref<1024x64xf32, #tpu.memory_space<vmem>> -> memref<128x64xf32, #tpu.memory_space<vmem>>
      %dma_wait3A_376 = arith.constant 0 : i32
      %dma_wait3A_377 = tpu.memref_slice %arg7[%add3A_280, %dma_wait3A_376] : memref<40x128xi32, #tpu.memory_space<vmem>> -> memref<1x128xi32, #tpu.memory_space<vmem>>
      %dma_wait3A_378 = tpu.memref_squeeze %dma_wait3A_377 : memref<1x128xi32, #tpu.memory_space<vmem>> -> memref<128xi32, #tpu.memory_space<vmem>>
      %dma_wait3A_379 = arith.constant 0 : i32
      %dma_wait3A_380 = arith.constant 0 : i32
      %dma_wait3A_381 = tpu.memref_slice %arg9[%dma_wait3A_379, %dma_wait3A_380] : memref<10016x64xf32, #tpu.memory_space<vmem_shared>> -> memref<10016x64xf32, #tpu.memory_space<vmem_shared>>
      tpu.wait_indirect_dma semaphore(%arg11 : memref<!tpu.dma_semaphore, #tpu.memory_space<semaphore_mem>>) src(%dma_wait3A_375 : memref<128x64xf32, #tpu.memory_space<vmem>>) dst(%dma_wait3A_381 : memref<10016x64xf32, #tpu.memory_space<vmem_shared>>)
      %dma_wait3A_382 = arith.constant 384 : i32
      %dma_wait3A_383 = arith.constant 0 : i32
      %dma_wait3A_384 = tpu.memref_slice %arg8[%dma_wait3A_382, %dma_wait3A_383] : memref<1024x64xf32, #tpu.memory_space<vmem>> -> memref<128x64xf32, #tpu.memory_space<vmem>>
      %dma_wait3A_385 = arith.constant 0 : i32
      %dma_wait3A_386 = tpu.memref_slice %arg7[%add3A_293, %dma_wait3A_385] : memref<40x128xi32, #tpu.memory_space<vmem>> -> memref<1x128xi32, #tpu.memory_space<vmem>>
      %dma_wait3A_387 = tpu.memref_squeeze %dma_wait3A_386 : memref<1x128xi32, #tpu.memory_space<vmem>> -> memref<128xi32, #tpu.memory_space<vmem>>
      %dma_wait3A_388 = arith.constant 0 : i32
      %dma_wait3A_389 = arith.constant 0 : i32
      %dma_wait3A_390 = tpu.memref_slice %arg9[%dma_wait3A_388, %dma_wait3A_389] : memref<10016x64xf32, #tpu.memory_space<vmem_shared>> -> memref<10016x64xf32, #tpu.memory_space<vmem_shared>>
      tpu.wait_indirect_dma semaphore(%arg11 : memref<!tpu.dma_semaphore, #tpu.memory_space<semaphore_mem>>) src(%dma_wait3A_384 : memref<128x64xf32, #tpu.memory_space<vmem>>) dst(%dma_wait3A_390 : memref<10016x64xf32, #tpu.memory_space<vmem_shared>>)
      %dma_wait3A_391 = arith.constant 512 : i32
      %dma_wait3A_392 = arith.constant 0 : i32
      %dma_wait3A_393 = tpu.memref_slice %arg8[%dma_wait3A_391, %dma_wait3A_392] : memref<1024x64xf32, #tpu.memory_space<vmem>> -> memref<128x64xf32, #tpu.memory_space<vmem>>
      %dma_wait3A_394 = arith.constant 0 : i32
      %dma_wait3A_395 = tpu.memref_slice %arg7[%add3A_306, %dma_wait3A_394] : memref<40x128xi32, #tpu.memory_space<vmem>> -> memref<1x128xi32, #tpu.memory_space<vmem>>
      %dma_wait3A_396 = tpu.memref_squeeze %dma_wait3A_395 : memref<1x128xi32, #tpu.memory_space<vmem>> -> memref<128xi32, #tpu.memory_space<vmem>>
      %dma_wait3A_397 = arith.constant 0 : i32
      %dma_wait3A_398 = arith.constant 0 : i32
      %dma_wait3A_399 = tpu.memref_slice %arg9[%dma_wait3A_397, %dma_wait3A_398] : memref<10016x64xf32, #tpu.memory_space<vmem_shared>> -> memref<10016x64xf32, #tpu.memory_space<vmem_shared>>
      tpu.wait_indirect_dma semaphore(%arg11 : memref<!tpu.dma_semaphore, #tpu.memory_space<semaphore_mem>>) src(%dma_wait3A_393 : memref<128x64xf32, #tpu.memory_space<vmem>>) dst(%dma_wait3A_399 : memref<10016x64xf32, #tpu.memory_space<vmem_shared>>)
      %dma_wait3A_400 = arith.constant 640 : i32
      %dma_wait3A_401 = arith.constant 0 : i32
      %dma_wait3A_402 = tpu.memref_slice %arg8[%dma_wait3A_400, %dma_wait3A_401] : memref<1024x64xf32, #tpu.memory_space<vmem>> -> memref<128x64xf32, #tpu.memory_space<vmem>>
      %dma_wait3A_403 = arith.constant 0 : i32
      %dma_wait3A_404 = tpu.memref_slice %arg7[%add3A_319, %dma_wait3A_403] : memref<40x128xi32, #tpu.memory_space<vmem>> -> memref<1x128xi32, #tpu.memory_space<vmem>>
      %dma_wait3A_405 = tpu.memref_squeeze %dma_wait3A_404 : memref<1x128xi32, #tpu.memory_space<vmem>> -> memref<128xi32, #tpu.memory_space<vmem>>
      %dma_wait3A_406 = arith.constant 0 : i32
      %dma_wait3A_407 = arith.constant 0 : i32
      %dma_wait3A_408 = tpu.memref_slice %arg9[%dma_wait3A_406, %dma_wait3A_407] : memref<10016x64xf32, #tpu.memory_space<vmem_shared>> -> memref<10016x64xf32, #tpu.memory_space<vmem_shared>>
      tpu.wait_indirect_dma semaphore(%arg11 : memref<!tpu.dma_semaphore, #tpu.memory_space<semaphore_mem>>) src(%dma_wait3A_402 : memref<128x64xf32, #tpu.memory_space<vmem>>) dst(%dma_wait3A_408 : memref<10016x64xf32, #tpu.memory_space<vmem_shared>>)
      %dma_wait3A_409 = arith.constant 768 : i32
      %dma_wait3A_410 = arith.constant 0 : i32
      %dma_wait3A_411 = tpu.memref_slice %arg8[%dma_wait3A_409, %dma_wait3A_410] : memref<1024x64xf32, #tpu.memory_space<vmem>> -> memref<128x64xf32, #tpu.memory_space<vmem>>
      %dma_wait3A_412 = arith.constant 0 : i32
      %dma_wait3A_413 = tpu.memref_slice %arg7[%add3A_332, %dma_wait3A_412] : memref<40x128xi32, #tpu.memory_space<vmem>> -> memref<1x128xi32, #tpu.memory_space<vmem>>
      %dma_wait3A_414 = tpu.memref_squeeze %dma_wait3A_413 : memref<1x128xi32, #tpu.memory_space<vmem>> -> memref<128xi32, #tpu.memory_space<vmem>>
      %dma_wait3A_415 = arith.constant 0 : i32
      %dma_wait3A_416 = arith.constant 0 : i32
      %dma_wait3A_417 = tpu.memref_slice %arg9[%dma_wait3A_415, %dma_wait3A_416] : memref<10016x64xf32, #tpu.memory_space<vmem_shared>> -> memref<10016x64xf32, #tpu.memory_space<vmem_shared>>
      tpu.wait_indirect_dma semaphore(%arg11 : memref<!tpu.dma_semaphore, #tpu.memory_space<semaphore_mem>>) src(%dma_wait3A_411 : memref<128x64xf32, #tpu.memory_space<vmem>>) dst(%dma_wait3A_417 : memref<10016x64xf32, #tpu.memory_space<vmem_shared>>)
      %dma_wait3A_418 = arith.constant 896 : i32
      %dma_wait3A_419 = arith.constant 0 : i32
      %dma_wait3A_420 = tpu.memref_slice %arg8[%dma_wait3A_418, %dma_wait3A_419] : memref<1024x64xf32, #tpu.memory_space<vmem>> -> memref<128x64xf32, #tpu.memory_space<vmem>>
      %dma_wait3A_421 = arith.constant 0 : i32
      %dma_wait3A_422 = tpu.memref_slice %arg7[%add3A_345, %dma_wait3A_421] : memref<40x128xi32, #tpu.memory_space<vmem>> -> memref<1x128xi32, #tpu.memory_space<vmem>>
      %dma_wait3A_423 = tpu.memref_squeeze %dma_wait3A_422 : memref<1x128xi32, #tpu.memory_space<vmem>> -> memref<128xi32, #tpu.memory_space<vmem>>
      %dma_wait3A_424 = arith.constant 0 : i32
      %dma_wait3A_425 = arith.constant 0 : i32
      %dma_wait3A_426 = tpu.memref_slice %arg9[%dma_wait3A_424, %dma_wait3A_425] : memref<10016x64xf32, #tpu.memory_space<vmem_shared>> -> memref<10016x64xf32, #tpu.memory_space<vmem_shared>>
      tpu.wait_indirect_dma semaphore(%arg11 : memref<!tpu.dma_semaphore, #tpu.memory_space<semaphore_mem>>) src(%dma_wait3A_420 : memref<128x64xf32, #tpu.memory_space<vmem>>) dst(%dma_wait3A_426 : memref<10016x64xf32, #tpu.memory_space<vmem_shared>>)
    }
    %scan3A_11 = arith.constant 5 : i32
    %barrier3A_12 = arith.constant 0 : index
    tpu.barrier barrier_id(%barrier3A_12)
    %eq3A = arith.constant 0 : i32
    %eq3A_13 = arith.cmpi eq, %arg0, %eq3A : i32
    %convert_element_type3A = arith.extui %eq3A_13 : i1 to i32
    %cond3A = arith.constant 0 : i32
    %cond3A_14 = arith.cmpi ne, %convert_element_type3A, %cond3A : i32
    scf.if %cond3A_14 {
      %mul3A_20 = arith.constant 626 : i32
      %mul3A_21 = arith.muli %arg1, %mul3A_20 : i32
      %mul3A_22 = arith.constant 626 : i32
      %mul3A_23 = arith.muli %arg1, %mul3A_22 : i32
      "tpu.region"() ({
        %run_scoped3A = tpu.sem_alloc : memref<!tpu.dma_semaphore, #tpu.memory_space<semaphore_mem>>
        %dma_start3A = arith.constant 0 : i32
        %dma_start3A_24 = tpu.memref_slice %arg5[%mul3A_23, %dma_start3A] : memref<10016x128xf32, #tpu.memory_space<hbm>> -> memref<626x64xf32, #tpu.memory_space<hbm>>
        %dma_start3A_25 = arith.constant 0 : i32
        %dma_start3A_26 = tpu.memref_slice %arg9[%mul3A_21, %dma_start3A_25] : memref<10016x64xf32, #tpu.memory_space<vmem_shared>> -> memref<626x64xf32, #tpu.memory_space<vmem_shared>>
        tpu.enqueue_dma source(%dma_start3A_26 : memref<626x64xf32, #tpu.memory_space<vmem_shared>>) target(%dma_start3A_24 : memref<626x64xf32, #tpu.memory_space<hbm>>) target_semaphore(%run_scoped3A : memref<!tpu.dma_semaphore, #tpu.memory_space<semaphore_mem>>)
        %dma_wait3A = arith.constant 0 : i32
        %dma_wait3A_27 = tpu.memref_slice %arg5[%mul3A_23, %dma_wait3A] : memref<10016x128xf32, #tpu.memory_space<hbm>> -> memref<626x64xf32, #tpu.memory_space<hbm>>
        %dma_wait3A_28 = arith.constant 0 : i32
        %dma_wait3A_29 = tpu.memref_slice %arg9[%mul3A_21, %dma_wait3A_28] : memref<10016x64xf32, #tpu.memory_space<vmem_shared>> -> memref<626x64xf32, #tpu.memory_space<vmem_shared>>
        tpu.wait_dma2 semaphore(%run_scoped3A : memref<!tpu.dma_semaphore, #tpu.memory_space<semaphore_mem>>) src(%dma_wait3A_29 : memref<626x64xf32, #tpu.memory_space<vmem_shared>>) dst(%dma_wait3A_27 : memref<626x64xf32, #tpu.memory_space<hbm>>)
        tpu.yield
      }) : () -> ()
    } else {
    }
    %eq3A_15 = arith.constant 1 : i32
    %eq3A_16 = arith.cmpi eq, %arg0, %eq3A_15 : i32
    %convert_element_type3A_17 = arith.extui %eq3A_16 : i1 to i32
    %cond3A_18 = arith.constant 0 : i32
    %cond3A_19 = arith.cmpi ne, %convert_element_type3A_17, %cond3A_18 : i32
    scf.if %cond3A_19 {
      %mul3A_20 = arith.constant 626 : i32
      %mul3A_21 = arith.muli %arg1, %mul3A_20 : i32
      %mul3A_22 = arith.constant 626 : i32
      %mul3A_23 = arith.muli %arg1, %mul3A_22 : i32
      "tpu.region"() ({
        %run_scoped3A = tpu.sem_alloc : memref<!tpu.dma_semaphore, #tpu.memory_space<semaphore_mem>>
        %dma_start3A = arith.constant 0 : i32
        %dma_start3A_24 = tpu.memref_slice %arg6[%mul3A_23, %dma_start3A] : memref<10016x128xf32, #tpu.memory_space<hbm>> -> memref<626x64xf32, #tpu.memory_space<hbm>>
        %dma_start3A_25 = arith.constant 0 : i32
        %dma_start3A_26 = tpu.memref_slice %arg9[%mul3A_21, %dma_start3A_25] : memref<10016x64xf32, #tpu.memory_space<vmem_shared>> -> memref<626x64xf32, #tpu.memory_space<vmem_shared>>
        tpu.enqueue_dma source(%dma_start3A_26 : memref<626x64xf32, #tpu.memory_space<vmem_shared>>) target(%dma_start3A_24 : memref<626x64xf32, #tpu.memory_space<hbm>>) target_semaphore(%run_scoped3A : memref<!tpu.dma_semaphore, #tpu.memory_space<semaphore_mem>>)
        %dma_wait3A = arith.constant 0 : i32
        %dma_wait3A_27 = tpu.memref_slice %arg6[%mul3A_23, %dma_wait3A] : memref<10016x128xf32, #tpu.memory_space<hbm>> -> memref<626x64xf32, #tpu.memory_space<hbm>>
        %dma_wait3A_28 = arith.constant 0 : i32
        %dma_wait3A_29 = tpu.memref_slice %arg9[%mul3A_21, %dma_wait3A_28] : memref<10016x64xf32, #tpu.memory_space<vmem_shared>> -> memref<626x64xf32, #tpu.memory_space<vmem_shared>>
        tpu.wait_dma2 semaphore(%run_scoped3A : memref<!tpu.dma_semaphore, #tpu.memory_space<semaphore_mem>>) src(%dma_wait3A_29 : memref<626x64xf32, #tpu.memory_space<vmem_shared>>) dst(%dma_wait3A_27 : memref<626x64xf32, #tpu.memory_space<hbm>>)
        tpu.yield
      }) : () -> ()
    } else {
    }
    return
  }
}

#map = affine_map<(d0, d1) -> (0, 0)>
module attributes {stable_mosaic.version = 14 : i64} {
  func.func @k(%arg0: i32, %arg1: i32, %arg2: memref<10016x32xf32, #tpu.memory_space<hbm>>, %arg3: memref<1280x128xi32, #tpu.memory_space<hbm>>, %arg4: memref<163840x128xf32, #tpu.memory_space<hbm>>, %arg5: memref<40x128xi32, #tpu.memory_space<vmem>>, %arg6: memref<1024x32xf32, #tpu.memory_space<vmem>>, %arg7: memref<!tpu.dma_semaphore, #tpu.memory_space<semaphore_mem>>) attributes {dimension_semantics = [#tpu.dimension_semantics<core_parallel>, #tpu.dimension_semantics<subcore_parallel>], iteration_bounds = array<i64: 2, 16>, scalar_prefetch = 0 : i64, scratch_operands = 3 : i64, tpu.core_type = #tpu.core_type<sc_vector_subcore>, window_params = [{transform_indices = #map}, {transform_indices = #map}, {transform_indices = #map}]} {
    %mul3A = arith.constant 2 : i32
    %mul3A_0 = arith.muli %arg1, %mul3A : i32
    %add3A = arith.addi %mul3A_0, %arg0 : i32
    %mul3A_1 = arith.constant 40 : i32
    %mul3A_2 = arith.muli %add3A, %mul3A_1 : i32
    "tpu.region"() ({
      %run_scoped3A = tpu.sem_alloc : memref<!tpu.dma_semaphore, #tpu.memory_space<semaphore_mem>>
      %dma_start3A = arith.constant 0 : i32
      %dma_start3A_8 = tpu.memref_slice %arg3[%mul3A_2, %dma_start3A] : memref<1280x128xi32, #tpu.memory_space<hbm>> -> memref<40x128xi32, #tpu.memory_space<hbm>>
      %dma_start3A_9 = arith.constant 0 : i32
      %dma_start3A_10 = tpu.memref_slice %arg3[%mul3A_2, %dma_start3A_9] : memref<1280x128xi32, #tpu.memory_space<hbm>> -> memref<40x128xi32, #tpu.memory_space<hbm>>
      tpu.enqueue_dma source(%dma_start3A_10 : memref<40x128xi32, #tpu.memory_space<hbm>>) target(%arg5 : memref<40x128xi32, #tpu.memory_space<vmem>>) target_semaphore(%run_scoped3A : memref<!tpu.dma_semaphore, #tpu.memory_space<semaphore_mem>>)
      %dma_wait3A = arith.constant 0 : i32
      %dma_wait3A_11 = tpu.memref_slice %arg3[%mul3A_2, %dma_wait3A] : memref<1280x128xi32, #tpu.memory_space<hbm>> -> memref<40x128xi32, #tpu.memory_space<hbm>>
      %dma_wait3A_12 = arith.constant 0 : i32
      %dma_wait3A_13 = tpu.memref_slice %arg3[%mul3A_2, %dma_wait3A_12] : memref<1280x128xi32, #tpu.memory_space<hbm>> -> memref<40x128xi32, #tpu.memory_space<hbm>>
      tpu.wait_dma2 semaphore(%run_scoped3A : memref<!tpu.dma_semaphore, #tpu.memory_space<semaphore_mem>>) src(%dma_wait3A_13 : memref<40x128xi32, #tpu.memory_space<hbm>>) dst(%arg5 : memref<40x128xi32, #tpu.memory_space<vmem>>)
      tpu.yield
    }) : () -> ()
    %scan3A = arith.constant 0 : i32
    %scan3A_3 = arith.constant 0 : i32
    %scan3A_4 = arith.constant 5 : i32
    %scan3A_5 = arith.addi %scan3A_3, %scan3A_4 : i32
    %scan3A_6 = arith.constant 1 : i32
    scf.for %scan3A_8 = %scan3A_3 to %scan3A_5 step %scan3A_6  : i32 {
      %mul3A_9 = arith.constant 8 : i32
      %mul3A_10 = arith.muli %scan3A_8, %mul3A_9 : i32
      %add3A_11 = arith.constant 0 : i32
      %add3A_12 = arith.addi %mul3A_10, %add3A_11 : i32
      %dma_start3A = arith.constant 0 : i32
      %dma_start3A_13 = arith.constant 0 : i32
      %dma_start3A_14 = tpu.memref_slice %arg6[%dma_start3A, %dma_start3A_13] : memref<1024x32xf32, #tpu.memory_space<vmem>> -> memref<128x32xf32, #tpu.memory_space<vmem>>
      %dma_start3A_15 = arith.constant 0 : i32
      %dma_start3A_16 = tpu.memref_slice %arg5[%add3A_12, %dma_start3A_15] : memref<40x128xi32, #tpu.memory_space<vmem>> -> memref<1x128xi32, #tpu.memory_space<vmem>>
      %dma_start3A_17 = tpu.memref_squeeze %dma_start3A_16 : memref<1x128xi32, #tpu.memory_space<vmem>> -> memref<128xi32, #tpu.memory_space<vmem>>
      %dma_start3A_18 = arith.constant 0 : i32
      %dma_start3A_19 = arith.constant 0 : i32
      %dma_start3A_20 = tpu.memref_slice %arg2[%dma_start3A_18, %dma_start3A_19] : memref<10016x32xf32, #tpu.memory_space<hbm>> -> memref<10016x32xf32, #tpu.memory_space<hbm>>
      tpu.enqueue_indirect_dma source(%dma_start3A_20 : memref<10016x32xf32, #tpu.memory_space<hbm>>) target(%dma_start3A_14 : memref<128x32xf32, #tpu.memory_space<vmem>>) offsets(%dma_start3A_17 : memref<128xi32, #tpu.memory_space<vmem>>) semaphore(%arg7 : memref<!tpu.dma_semaphore, #tpu.memory_space<semaphore_mem>>)
      %mul3A_21 = arith.constant 8 : i32
      %mul3A_22 = arith.muli %scan3A_8, %mul3A_21 : i32
      %add3A_23 = arith.constant 1 : i32
      %add3A_24 = arith.addi %mul3A_22, %add3A_23 : i32
      %dma_start3A_25 = arith.constant 128 : i32
      %dma_start3A_26 = arith.constant 0 : i32
      %dma_start3A_27 = tpu.memref_slice %arg6[%dma_start3A_25, %dma_start3A_26] : memref<1024x32xf32, #tpu.memory_space<vmem>> -> memref<128x32xf32, #tpu.memory_space<vmem>>
      %dma_start3A_28 = arith.constant 0 : i32
      %dma_start3A_29 = tpu.memref_slice %arg5[%add3A_24, %dma_start3A_28] : memref<40x128xi32, #tpu.memory_space<vmem>> -> memref<1x128xi32, #tpu.memory_space<vmem>>
      %dma_start3A_30 = tpu.memref_squeeze %dma_start3A_29 : memref<1x128xi32, #tpu.memory_space<vmem>> -> memref<128xi32, #tpu.memory_space<vmem>>
      %dma_start3A_31 = arith.constant 0 : i32
      %dma_start3A_32 = arith.constant 0 : i32
      %dma_start3A_33 = tpu.memref_slice %arg2[%dma_start3A_31, %dma_start3A_32] : memref<10016x32xf32, #tpu.memory_space<hbm>> -> memref<10016x32xf32, #tpu.memory_space<hbm>>
      tpu.enqueue_indirect_dma source(%dma_start3A_33 : memref<10016x32xf32, #tpu.memory_space<hbm>>) target(%dma_start3A_27 : memref<128x32xf32, #tpu.memory_space<vmem>>) offsets(%dma_start3A_30 : memref<128xi32, #tpu.memory_space<vmem>>) semaphore(%arg7 : memref<!tpu.dma_semaphore, #tpu.memory_space<semaphore_mem>>)
      %mul3A_34 = arith.constant 8 : i32
      %mul3A_35 = arith.muli %scan3A_8, %mul3A_34 : i32
      %add3A_36 = arith.constant 2 : i32
      %add3A_37 = arith.addi %mul3A_35, %add3A_36 : i32
      %dma_start3A_38 = arith.constant 256 : i32
      %dma_start3A_39 = arith.constant 0 : i32
      %dma_start3A_40 = tpu.memref_slice %arg6[%dma_start3A_38, %dma_start3A_39] : memref<1024x32xf32, #tpu.memory_space<vmem>> -> memref<128x32xf32, #tpu.memory_space<vmem>>
      %dma_start3A_41 = arith.constant 0 : i32
      %dma_start3A_42 = tpu.memref_slice %arg5[%add3A_37, %dma_start3A_41] : memref<40x128xi32, #tpu.memory_space<vmem>> -> memref<1x128xi32, #tpu.memory_space<vmem>>
      %dma_start3A_43 = tpu.memref_squeeze %dma_start3A_42 : memref<1x128xi32, #tpu.memory_space<vmem>> -> memref<128xi32, #tpu.memory_space<vmem>>
      %dma_start3A_44 = arith.constant 0 : i32
      %dma_start3A_45 = arith.constant 0 : i32
      %dma_start3A_46 = tpu.memref_slice %arg2[%dma_start3A_44, %dma_start3A_45] : memref<10016x32xf32, #tpu.memory_space<hbm>> -> memref<10016x32xf32, #tpu.memory_space<hbm>>
      tpu.enqueue_indirect_dma source(%dma_start3A_46 : memref<10016x32xf32, #tpu.memory_space<hbm>>) target(%dma_start3A_40 : memref<128x32xf32, #tpu.memory_space<vmem>>) offsets(%dma_start3A_43 : memref<128xi32, #tpu.memory_space<vmem>>) semaphore(%arg7 : memref<!tpu.dma_semaphore, #tpu.memory_space<semaphore_mem>>)
      %mul3A_47 = arith.constant 8 : i32
      %mul3A_48 = arith.muli %scan3A_8, %mul3A_47 : i32
      %add3A_49 = arith.constant 3 : i32
      %add3A_50 = arith.addi %mul3A_48, %add3A_49 : i32
      %dma_start3A_51 = arith.constant 384 : i32
      %dma_start3A_52 = arith.constant 0 : i32
      %dma_start3A_53 = tpu.memref_slice %arg6[%dma_start3A_51, %dma_start3A_52] : memref<1024x32xf32, #tpu.memory_space<vmem>> -> memref<128x32xf32, #tpu.memory_space<vmem>>
      %dma_start3A_54 = arith.constant 0 : i32
      %dma_start3A_55 = tpu.memref_slice %arg5[%add3A_50, %dma_start3A_54] : memref<40x128xi32, #tpu.memory_space<vmem>> -> memref<1x128xi32, #tpu.memory_space<vmem>>
      %dma_start3A_56 = tpu.memref_squeeze %dma_start3A_55 : memref<1x128xi32, #tpu.memory_space<vmem>> -> memref<128xi32, #tpu.memory_space<vmem>>
      %dma_start3A_57 = arith.constant 0 : i32
      %dma_start3A_58 = arith.constant 0 : i32
      %dma_start3A_59 = tpu.memref_slice %arg2[%dma_start3A_57, %dma_start3A_58] : memref<10016x32xf32, #tpu.memory_space<hbm>> -> memref<10016x32xf32, #tpu.memory_space<hbm>>
      tpu.enqueue_indirect_dma source(%dma_start3A_59 : memref<10016x32xf32, #tpu.memory_space<hbm>>) target(%dma_start3A_53 : memref<128x32xf32, #tpu.memory_space<vmem>>) offsets(%dma_start3A_56 : memref<128xi32, #tpu.memory_space<vmem>>) semaphore(%arg7 : memref<!tpu.dma_semaphore, #tpu.memory_space<semaphore_mem>>)
      %mul3A_60 = arith.constant 8 : i32
      %mul3A_61 = arith.muli %scan3A_8, %mul3A_60 : i32
      %add3A_62 = arith.constant 4 : i32
      %add3A_63 = arith.addi %mul3A_61, %add3A_62 : i32
      %dma_start3A_64 = arith.constant 512 : i32
      %dma_start3A_65 = arith.constant 0 : i32
      %dma_start3A_66 = tpu.memref_slice %arg6[%dma_start3A_64, %dma_start3A_65] : memref<1024x32xf32, #tpu.memory_space<vmem>> -> memref<128x32xf32, #tpu.memory_space<vmem>>
      %dma_start3A_67 = arith.constant 0 : i32
      %dma_start3A_68 = tpu.memref_slice %arg5[%add3A_63, %dma_start3A_67] : memref<40x128xi32, #tpu.memory_space<vmem>> -> memref<1x128xi32, #tpu.memory_space<vmem>>
      %dma_start3A_69 = tpu.memref_squeeze %dma_start3A_68 : memref<1x128xi32, #tpu.memory_space<vmem>> -> memref<128xi32, #tpu.memory_space<vmem>>
      %dma_start3A_70 = arith.constant 0 : i32
      %dma_start3A_71 = arith.constant 0 : i32
      %dma_start3A_72 = tpu.memref_slice %arg2[%dma_start3A_70, %dma_start3A_71] : memref<10016x32xf32, #tpu.memory_space<hbm>> -> memref<10016x32xf32, #tpu.memory_space<hbm>>
      tpu.enqueue_indirect_dma source(%dma_start3A_72 : memref<10016x32xf32, #tpu.memory_space<hbm>>) target(%dma_start3A_66 : memref<128x32xf32, #tpu.memory_space<vmem>>) offsets(%dma_start3A_69 : memref<128xi32, #tpu.memory_space<vmem>>) semaphore(%arg7 : memref<!tpu.dma_semaphore, #tpu.memory_space<semaphore_mem>>)
      %mul3A_73 = arith.constant 8 : i32
      %mul3A_74 = arith.muli %scan3A_8, %mul3A_73 : i32
      %add3A_75 = arith.constant 5 : i32
      %add3A_76 = arith.addi %mul3A_74, %add3A_75 : i32
      %dma_start3A_77 = arith.constant 640 : i32
      %dma_start3A_78 = arith.constant 0 : i32
      %dma_start3A_79 = tpu.memref_slice %arg6[%dma_start3A_77, %dma_start3A_78] : memref<1024x32xf32, #tpu.memory_space<vmem>> -> memref<128x32xf32, #tpu.memory_space<vmem>>
      %dma_start3A_80 = arith.constant 0 : i32
      %dma_start3A_81 = tpu.memref_slice %arg5[%add3A_76, %dma_start3A_80] : memref<40x128xi32, #tpu.memory_space<vmem>> -> memref<1x128xi32, #tpu.memory_space<vmem>>
      %dma_start3A_82 = tpu.memref_squeeze %dma_start3A_81 : memref<1x128xi32, #tpu.memory_space<vmem>> -> memref<128xi32, #tpu.memory_space<vmem>>
      %dma_start3A_83 = arith.constant 0 : i32
      %dma_start3A_84 = arith.constant 0 : i32
      %dma_start3A_85 = tpu.memref_slice %arg2[%dma_start3A_83, %dma_start3A_84] : memref<10016x32xf32, #tpu.memory_space<hbm>> -> memref<10016x32xf32, #tpu.memory_space<hbm>>
      tpu.enqueue_indirect_dma source(%dma_start3A_85 : memref<10016x32xf32, #tpu.memory_space<hbm>>) target(%dma_start3A_79 : memref<128x32xf32, #tpu.memory_space<vmem>>) offsets(%dma_start3A_82 : memref<128xi32, #tpu.memory_space<vmem>>) semaphore(%arg7 : memref<!tpu.dma_semaphore, #tpu.memory_space<semaphore_mem>>)
      %mul3A_86 = arith.constant 8 : i32
      %mul3A_87 = arith.muli %scan3A_8, %mul3A_86 : i32
      %add3A_88 = arith.constant 6 : i32
      %add3A_89 = arith.addi %mul3A_87, %add3A_88 : i32
      %dma_start3A_90 = arith.constant 768 : i32
      %dma_start3A_91 = arith.constant 0 : i32
      %dma_start3A_92 = tpu.memref_slice %arg6[%dma_start3A_90, %dma_start3A_91] : memref<1024x32xf32, #tpu.memory_space<vmem>> -> memref<128x32xf32, #tpu.memory_space<vmem>>
      %dma_start3A_93 = arith.constant 0 : i32
      %dma_start3A_94 = tpu.memref_slice %arg5[%add3A_89, %dma_start3A_93] : memref<40x128xi32, #tpu.memory_space<vmem>> -> memref<1x128xi32, #tpu.memory_space<vmem>>
      %dma_start3A_95 = tpu.memref_squeeze %dma_start3A_94 : memref<1x128xi32, #tpu.memory_space<vmem>> -> memref<128xi32, #tpu.memory_space<vmem>>
      %dma_start3A_96 = arith.constant 0 : i32
      %dma_start3A_97 = arith.constant 0 : i32
      %dma_start3A_98 = tpu.memref_slice %arg2[%dma_start3A_96, %dma_start3A_97] : memref<10016x32xf32, #tpu.memory_space<hbm>> -> memref<10016x32xf32, #tpu.memory_space<hbm>>
      tpu.enqueue_indirect_dma source(%dma_start3A_98 : memref<10016x32xf32, #tpu.memory_space<hbm>>) target(%dma_start3A_92 : memref<128x32xf32, #tpu.memory_space<vmem>>) offsets(%dma_start3A_95 : memref<128xi32, #tpu.memory_space<vmem>>) semaphore(%arg7 : memref<!tpu.dma_semaphore, #tpu.memory_space<semaphore_mem>>)
      %mul3A_99 = arith.constant 8 : i32
      %mul3A_100 = arith.muli %scan3A_8, %mul3A_99 : i32
      %add3A_101 = arith.constant 7 : i32
      %add3A_102 = arith.addi %mul3A_100, %add3A_101 : i32
      %dma_start3A_103 = arith.constant 896 : i32
      %dma_start3A_104 = arith.constant 0 : i32
      %dma_start3A_105 = tpu.memref_slice %arg6[%dma_start3A_103, %dma_start3A_104] : memref<1024x32xf32, #tpu.memory_space<vmem>> -> memref<128x32xf32, #tpu.memory_space<vmem>>
      %dma_start3A_106 = arith.constant 0 : i32
      %dma_start3A_107 = tpu.memref_slice %arg5[%add3A_102, %dma_start3A_106] : memref<40x128xi32, #tpu.memory_space<vmem>> -> memref<1x128xi32, #tpu.memory_space<vmem>>
      %dma_start3A_108 = tpu.memref_squeeze %dma_start3A_107 : memref<1x128xi32, #tpu.memory_space<vmem>> -> memref<128xi32, #tpu.memory_space<vmem>>
      %dma_start3A_109 = arith.constant 0 : i32
      %dma_start3A_110 = arith.constant 0 : i32
      %dma_start3A_111 = tpu.memref_slice %arg2[%dma_start3A_109, %dma_start3A_110] : memref<10016x32xf32, #tpu.memory_space<hbm>> -> memref<10016x32xf32, #tpu.memory_space<hbm>>
      tpu.enqueue_indirect_dma source(%dma_start3A_111 : memref<10016x32xf32, #tpu.memory_space<hbm>>) target(%dma_start3A_105 : memref<128x32xf32, #tpu.memory_space<vmem>>) offsets(%dma_start3A_108 : memref<128xi32, #tpu.memory_space<vmem>>) semaphore(%arg7 : memref<!tpu.dma_semaphore, #tpu.memory_space<semaphore_mem>>)
      %dma_wait3A = arith.constant 0 : i32
      %dma_wait3A_112 = arith.constant 0 : i32
      %dma_wait3A_113 = tpu.memref_slice %arg6[%dma_wait3A, %dma_wait3A_112] : memref<1024x32xf32, #tpu.memory_space<vmem>> -> memref<128x32xf32, #tpu.memory_space<vmem>>
      %dma_wait3A_114 = arith.constant 0 : i32
      %dma_wait3A_115 = tpu.memref_slice %arg5[%add3A_12, %dma_wait3A_114] : memref<40x128xi32, #tpu.memory_space<vmem>> -> memref<1x128xi32, #tpu.memory_space<vmem>>
      %dma_wait3A_116 = tpu.memref_squeeze %dma_wait3A_115 : memref<1x128xi32, #tpu.memory_space<vmem>> -> memref<128xi32, #tpu.memory_space<vmem>>
      %dma_wait3A_117 = arith.constant 0 : i32
      %dma_wait3A_118 = arith.constant 0 : i32
      %dma_wait3A_119 = tpu.memref_slice %arg2[%dma_wait3A_117, %dma_wait3A_118] : memref<10016x32xf32, #tpu.memory_space<hbm>> -> memref<10016x32xf32, #tpu.memory_space<hbm>>
      tpu.wait_indirect_dma semaphore(%arg7 : memref<!tpu.dma_semaphore, #tpu.memory_space<semaphore_mem>>) src(%dma_wait3A_119 : memref<10016x32xf32, #tpu.memory_space<hbm>>) dst(%dma_wait3A_113 : memref<128x32xf32, #tpu.memory_space<vmem>>)
      %dma_wait3A_120 = arith.constant 128 : i32
      %dma_wait3A_121 = arith.constant 0 : i32
      %dma_wait3A_122 = tpu.memref_slice %arg6[%dma_wait3A_120, %dma_wait3A_121] : memref<1024x32xf32, #tpu.memory_space<vmem>> -> memref<128x32xf32, #tpu.memory_space<vmem>>
      %dma_wait3A_123 = arith.constant 0 : i32
      %dma_wait3A_124 = tpu.memref_slice %arg5[%add3A_24, %dma_wait3A_123] : memref<40x128xi32, #tpu.memory_space<vmem>> -> memref<1x128xi32, #tpu.memory_space<vmem>>
      %dma_wait3A_125 = tpu.memref_squeeze %dma_wait3A_124 : memref<1x128xi32, #tpu.memory_space<vmem>> -> memref<128xi32, #tpu.memory_space<vmem>>
      %dma_wait3A_126 = arith.constant 0 : i32
      %dma_wait3A_127 = arith.constant 0 : i32
      %dma_wait3A_128 = tpu.memref_slice %arg2[%dma_wait3A_126, %dma_wait3A_127] : memref<10016x32xf32, #tpu.memory_space<hbm>> -> memref<10016x32xf32, #tpu.memory_space<hbm>>
      tpu.wait_indirect_dma semaphore(%arg7 : memref<!tpu.dma_semaphore, #tpu.memory_space<semaphore_mem>>) src(%dma_wait3A_128 : memref<10016x32xf32, #tpu.memory_space<hbm>>) dst(%dma_wait3A_122 : memref<128x32xf32, #tpu.memory_space<vmem>>)
      %dma_wait3A_129 = arith.constant 256 : i32
      %dma_wait3A_130 = arith.constant 0 : i32
      %dma_wait3A_131 = tpu.memref_slice %arg6[%dma_wait3A_129, %dma_wait3A_130] : memref<1024x32xf32, #tpu.memory_space<vmem>> -> memref<128x32xf32, #tpu.memory_space<vmem>>
      %dma_wait3A_132 = arith.constant 0 : i32
      %dma_wait3A_133 = tpu.memref_slice %arg5[%add3A_37, %dma_wait3A_132] : memref<40x128xi32, #tpu.memory_space<vmem>> -> memref<1x128xi32, #tpu.memory_space<vmem>>
      %dma_wait3A_134 = tpu.memref_squeeze %dma_wait3A_133 : memref<1x128xi32, #tpu.memory_space<vmem>> -> memref<128xi32, #tpu.memory_space<vmem>>
      %dma_wait3A_135 = arith.constant 0 : i32
      %dma_wait3A_136 = arith.constant 0 : i32
      %dma_wait3A_137 = tpu.memref_slice %arg2[%dma_wait3A_135, %dma_wait3A_136] : memref<10016x32xf32, #tpu.memory_space<hbm>> -> memref<10016x32xf32, #tpu.memory_space<hbm>>
      tpu.wait_indirect_dma semaphore(%arg7 : memref<!tpu.dma_semaphore, #tpu.memory_space<semaphore_mem>>) src(%dma_wait3A_137 : memref<10016x32xf32, #tpu.memory_space<hbm>>) dst(%dma_wait3A_131 : memref<128x32xf32, #tpu.memory_space<vmem>>)
      %dma_wait3A_138 = arith.constant 384 : i32
      %dma_wait3A_139 = arith.constant 0 : i32
      %dma_wait3A_140 = tpu.memref_slice %arg6[%dma_wait3A_138, %dma_wait3A_139] : memref<1024x32xf32, #tpu.memory_space<vmem>> -> memref<128x32xf32, #tpu.memory_space<vmem>>
      %dma_wait3A_141 = arith.constant 0 : i32
      %dma_wait3A_142 = tpu.memref_slice %arg5[%add3A_50, %dma_wait3A_141] : memref<40x128xi32, #tpu.memory_space<vmem>> -> memref<1x128xi32, #tpu.memory_space<vmem>>
      %dma_wait3A_143 = tpu.memref_squeeze %dma_wait3A_142 : memref<1x128xi32, #tpu.memory_space<vmem>> -> memref<128xi32, #tpu.memory_space<vmem>>
      %dma_wait3A_144 = arith.constant 0 : i32
      %dma_wait3A_145 = arith.constant 0 : i32
      %dma_wait3A_146 = tpu.memref_slice %arg2[%dma_wait3A_144, %dma_wait3A_145] : memref<10016x32xf32, #tpu.memory_space<hbm>> -> memref<10016x32xf32, #tpu.memory_space<hbm>>
      tpu.wait_indirect_dma semaphore(%arg7 : memref<!tpu.dma_semaphore, #tpu.memory_space<semaphore_mem>>) src(%dma_wait3A_146 : memref<10016x32xf32, #tpu.memory_space<hbm>>) dst(%dma_wait3A_140 : memref<128x32xf32, #tpu.memory_space<vmem>>)
      %dma_wait3A_147 = arith.constant 512 : i32
      %dma_wait3A_148 = arith.constant 0 : i32
      %dma_wait3A_149 = tpu.memref_slice %arg6[%dma_wait3A_147, %dma_wait3A_148] : memref<1024x32xf32, #tpu.memory_space<vmem>> -> memref<128x32xf32, #tpu.memory_space<vmem>>
      %dma_wait3A_150 = arith.constant 0 : i32
      %dma_wait3A_151 = tpu.memref_slice %arg5[%add3A_63, %dma_wait3A_150] : memref<40x128xi32, #tpu.memory_space<vmem>> -> memref<1x128xi32, #tpu.memory_space<vmem>>
      %dma_wait3A_152 = tpu.memref_squeeze %dma_wait3A_151 : memref<1x128xi32, #tpu.memory_space<vmem>> -> memref<128xi32, #tpu.memory_space<vmem>>
      %dma_wait3A_153 = arith.constant 0 : i32
      %dma_wait3A_154 = arith.constant 0 : i32
      %dma_wait3A_155 = tpu.memref_slice %arg2[%dma_wait3A_153, %dma_wait3A_154] : memref<10016x32xf32, #tpu.memory_space<hbm>> -> memref<10016x32xf32, #tpu.memory_space<hbm>>
      tpu.wait_indirect_dma semaphore(%arg7 : memref<!tpu.dma_semaphore, #tpu.memory_space<semaphore_mem>>) src(%dma_wait3A_155 : memref<10016x32xf32, #tpu.memory_space<hbm>>) dst(%dma_wait3A_149 : memref<128x32xf32, #tpu.memory_space<vmem>>)
      %dma_wait3A_156 = arith.constant 640 : i32
      %dma_wait3A_157 = arith.constant 0 : i32
      %dma_wait3A_158 = tpu.memref_slice %arg6[%dma_wait3A_156, %dma_wait3A_157] : memref<1024x32xf32, #tpu.memory_space<vmem>> -> memref<128x32xf32, #tpu.memory_space<vmem>>
      %dma_wait3A_159 = arith.constant 0 : i32
      %dma_wait3A_160 = tpu.memref_slice %arg5[%add3A_76, %dma_wait3A_159] : memref<40x128xi32, #tpu.memory_space<vmem>> -> memref<1x128xi32, #tpu.memory_space<vmem>>
      %dma_wait3A_161 = tpu.memref_squeeze %dma_wait3A_160 : memref<1x128xi32, #tpu.memory_space<vmem>> -> memref<128xi32, #tpu.memory_space<vmem>>
      %dma_wait3A_162 = arith.constant 0 : i32
      %dma_wait3A_163 = arith.constant 0 : i32
      %dma_wait3A_164 = tpu.memref_slice %arg2[%dma_wait3A_162, %dma_wait3A_163] : memref<10016x32xf32, #tpu.memory_space<hbm>> -> memref<10016x32xf32, #tpu.memory_space<hbm>>
      tpu.wait_indirect_dma semaphore(%arg7 : memref<!tpu.dma_semaphore, #tpu.memory_space<semaphore_mem>>) src(%dma_wait3A_164 : memref<10016x32xf32, #tpu.memory_space<hbm>>) dst(%dma_wait3A_158 : memref<128x32xf32, #tpu.memory_space<vmem>>)
      %dma_wait3A_165 = arith.constant 768 : i32
      %dma_wait3A_166 = arith.constant 0 : i32
      %dma_wait3A_167 = tpu.memref_slice %arg6[%dma_wait3A_165, %dma_wait3A_166] : memref<1024x32xf32, #tpu.memory_space<vmem>> -> memref<128x32xf32, #tpu.memory_space<vmem>>
      %dma_wait3A_168 = arith.constant 0 : i32
      %dma_wait3A_169 = tpu.memref_slice %arg5[%add3A_89, %dma_wait3A_168] : memref<40x128xi32, #tpu.memory_space<vmem>> -> memref<1x128xi32, #tpu.memory_space<vmem>>
      %dma_wait3A_170 = tpu.memref_squeeze %dma_wait3A_169 : memref<1x128xi32, #tpu.memory_space<vmem>> -> memref<128xi32, #tpu.memory_space<vmem>>
      %dma_wait3A_171 = arith.constant 0 : i32
      %dma_wait3A_172 = arith.constant 0 : i32
      %dma_wait3A_173 = tpu.memref_slice %arg2[%dma_wait3A_171, %dma_wait3A_172] : memref<10016x32xf32, #tpu.memory_space<hbm>> -> memref<10016x32xf32, #tpu.memory_space<hbm>>
      tpu.wait_indirect_dma semaphore(%arg7 : memref<!tpu.dma_semaphore, #tpu.memory_space<semaphore_mem>>) src(%dma_wait3A_173 : memref<10016x32xf32, #tpu.memory_space<hbm>>) dst(%dma_wait3A_167 : memref<128x32xf32, #tpu.memory_space<vmem>>)
      %dma_wait3A_174 = arith.constant 896 : i32
      %dma_wait3A_175 = arith.constant 0 : i32
      %dma_wait3A_176 = tpu.memref_slice %arg6[%dma_wait3A_174, %dma_wait3A_175] : memref<1024x32xf32, #tpu.memory_space<vmem>> -> memref<128x32xf32, #tpu.memory_space<vmem>>
      %dma_wait3A_177 = arith.constant 0 : i32
      %dma_wait3A_178 = tpu.memref_slice %arg5[%add3A_102, %dma_wait3A_177] : memref<40x128xi32, #tpu.memory_space<vmem>> -> memref<1x128xi32, #tpu.memory_space<vmem>>
      %dma_wait3A_179 = tpu.memref_squeeze %dma_wait3A_178 : memref<1x128xi32, #tpu.memory_space<vmem>> -> memref<128xi32, #tpu.memory_space<vmem>>
      %dma_wait3A_180 = arith.constant 0 : i32
      %dma_wait3A_181 = arith.constant 0 : i32
      %dma_wait3A_182 = tpu.memref_slice %arg2[%dma_wait3A_180, %dma_wait3A_181] : memref<10016x32xf32, #tpu.memory_space<hbm>> -> memref<10016x32xf32, #tpu.memory_space<hbm>>
      tpu.wait_indirect_dma semaphore(%arg7 : memref<!tpu.dma_semaphore, #tpu.memory_space<semaphore_mem>>) src(%dma_wait3A_182 : memref<10016x32xf32, #tpu.memory_space<hbm>>) dst(%dma_wait3A_176 : memref<128x32xf32, #tpu.memory_space<vmem>>)
      %mul3A_183 = arith.constant 5120 : i32
      %mul3A_184 = arith.muli %add3A, %mul3A_183 : i32
      %mul3A_185 = arith.constant 8 : i32
      %mul3A_186 = arith.muli %scan3A_8, %mul3A_185 : i32
      %mul3A_187 = arith.constant 128 : i32
      %mul3A_188 = arith.muli %mul3A_186, %mul3A_187 : i32
      %add3A_189 = arith.addi %mul3A_184, %mul3A_188 : i32
      "tpu.region"() ({
        %run_scoped3A = tpu.sem_alloc : memref<!tpu.dma_semaphore, #tpu.memory_space<semaphore_mem>>
        %dma_start3A_190 = arith.constant 0 : i32
        %dma_start3A_191 = tpu.memref_slice %arg4[%add3A_189, %dma_start3A_190] : memref<163840x128xf32, #tpu.memory_space<hbm>> -> memref<1024x32xf32, #tpu.memory_space<hbm>>
        %dma_start3A_192 = arith.constant 0 : i32
        %dma_start3A_193 = tpu.memref_slice %arg4[%add3A_189, %dma_start3A_192] : memref<163840x128xf32, #tpu.memory_space<hbm>> -> memref<1024x32xf32, #tpu.memory_space<hbm>>
        tpu.enqueue_dma source(%arg6 : memref<1024x32xf32, #tpu.memory_space<vmem>>) target(%dma_start3A_193 : memref<1024x32xf32, #tpu.memory_space<hbm>>) target_semaphore(%run_scoped3A : memref<!tpu.dma_semaphore, #tpu.memory_space<semaphore_mem>>)
        %dma_wait3A_194 = arith.constant 0 : i32
        %dma_wait3A_195 = tpu.memref_slice %arg4[%add3A_189, %dma_wait3A_194] : memref<163840x128xf32, #tpu.memory_space<hbm>> -> memref<1024x32xf32, #tpu.memory_space<hbm>>
        %dma_wait3A_196 = arith.constant 0 : i32
        %dma_wait3A_197 = tpu.memref_slice %arg4[%add3A_189, %dma_wait3A_196] : memref<163840x128xf32, #tpu.memory_space<hbm>> -> memref<1024x32xf32, #tpu.memory_space<hbm>>
        tpu.wait_dma2 semaphore(%run_scoped3A : memref<!tpu.dma_semaphore, #tpu.memory_space<semaphore_mem>>) src(%arg6 : memref<1024x32xf32, #tpu.memory_space<vmem>>) dst(%dma_wait3A_197 : memref<1024x32xf32, #tpu.memory_space<hbm>>)
        tpu.yield
      }) : () -> ()
    }
    %scan3A_7 = arith.constant 5 : i32
    return
  }
}

#map = affine_map<(d0, d1) -> (0, 0)>
module attributes {stable_mosaic.version = 14 : i64} {
  func.func @k(%arg0: i32, %arg1: i32, %arg2: memref<163840x128xf32, #tpu.memory_space<hbm>>, %arg3: memref<1280x128xi32, #tpu.memory_space<hbm>>, %arg4: memref<10016x128xf32, #tpu.memory_space<hbm>>, %arg5: memref<10016x128xf32, #tpu.memory_space<hbm>>, %arg6: memref<10016x128xf32, #tpu.memory_space<hbm>>, %arg7: memref<40x128xi32, #tpu.memory_space<vmem>>, %arg8: memref<1024x64xf32, #tpu.memory_space<vmem>>, %arg9: memref<10016x64xf32, #tpu.memory_space<vmem_shared>>, %arg10: memref<!tpu.dma_semaphore, #tpu.memory_space<semaphore_mem>>, %arg11: memref<!tpu.dma_semaphore, #tpu.memory_space<semaphore_mem>>) attributes {dimension_semantics = [#tpu.dimension_semantics<core_parallel>, #tpu.dimension_semantics<subcore_parallel>], iteration_bounds = array<i64: 2, 16>, scalar_prefetch = 0 : i64, scratch_operands = 5 : i64, tpu.core_type = #tpu.core_type<sc_vector_subcore>, window_params = [{transform_indices = #map}, {transform_indices = #map}, {transform_indices = #map}, {transform_indices = #map}, {transform_indices = #map}]} {
    %mul3A = arith.constant 2 : i32
    %mul3A_0 = arith.muli %arg1, %mul3A : i32
    %add3A = arith.addi %mul3A_0, %arg0 : i32
    %mul3A_1 = arith.constant 626 : i32
    %mul3A_2 = arith.muli %arg1, %mul3A_1 : i32
    %mul3A_3 = arith.constant 626 : i32
    %mul3A_4 = arith.muli %arg1, %mul3A_3 : i32
    "tpu.region"() ({
      %run_scoped3A = tpu.sem_alloc : memref<!tpu.dma_semaphore, #tpu.memory_space<semaphore_mem>>
      %dma_start3A = arith.constant 0 : i32
      %dma_start3A_20 = tpu.memref_slice %arg9[%mul3A_4, %dma_start3A] : memref<10016x64xf32, #tpu.memory_space<vmem_shared>> -> memref<626x64xf32, #tpu.memory_space<vmem_shared>>
      %dma_start3A_21 = arith.constant 0 : i32
      %dma_start3A_22 = tpu.memref_slice %arg4[%mul3A_2, %dma_start3A_21] : memref<10016x128xf32, #tpu.memory_space<hbm>> -> memref<626x64xf32, #tpu.memory_space<hbm>>
      tpu.enqueue_dma source(%dma_start3A_22 : memref<626x64xf32, #tpu.memory_space<hbm>>) target(%dma_start3A_20 : memref<626x64xf32, #tpu.memory_space<vmem_shared>>) target_semaphore(%run_scoped3A : memref<!tpu.dma_semaphore, #tpu.memory_space<semaphore_mem>>)
      %dma_wait3A = arith.constant 0 : i32
      %dma_wait3A_23 = tpu.memref_slice %arg9[%mul3A_4, %dma_wait3A] : memref<10016x64xf32, #tpu.memory_space<vmem_shared>> -> memref<626x64xf32, #tpu.memory_space<vmem_shared>>
      %dma_wait3A_24 = arith.constant 0 : i32
      %dma_wait3A_25 = tpu.memref_slice %arg4[%mul3A_2, %dma_wait3A_24] : memref<10016x128xf32, #tpu.memory_space<hbm>> -> memref<626x64xf32, #tpu.memory_space<hbm>>
      tpu.wait_dma2 semaphore(%run_scoped3A : memref<!tpu.dma_semaphore, #tpu.memory_space<semaphore_mem>>) src(%dma_wait3A_25 : memref<626x64xf32, #tpu.memory_space<hbm>>) dst(%dma_wait3A_23 : memref<626x64xf32, #tpu.memory_space<vmem_shared>>)
      tpu.yield
    }) : () -> ()
    %mul3A_5 = arith.constant 40 : i32
    %mul3A_6 = arith.muli %add3A, %mul3A_5 : i32
    "tpu.region"() ({
      %run_scoped3A = tpu.sem_alloc : memref<!tpu.dma_semaphore, #tpu.memory_space<semaphore_mem>>
      %dma_start3A = arith.constant 0 : i32
      %dma_start3A_20 = tpu.memref_slice %arg3[%mul3A_6, %dma_start3A] : memref<1280x128xi32, #tpu.memory_space<hbm>> -> memref<40x128xi32, #tpu.memory_space<hbm>>
      %dma_start3A_21 = arith.constant 0 : i32
      %dma_start3A_22 = tpu.memref_slice %arg3[%mul3A_6, %dma_start3A_21] : memref<1280x128xi32, #tpu.memory_space<hbm>> -> memref<40x128xi32, #tpu.memory_space<hbm>>
      tpu.enqueue_dma source(%dma_start3A_22 : memref<40x128xi32, #tpu.memory_space<hbm>>) target(%arg7 : memref<40x128xi32, #tpu.memory_space<vmem>>) target_semaphore(%run_scoped3A : memref<!tpu.dma_semaphore, #tpu.memory_space<semaphore_mem>>)
      %dma_wait3A = arith.constant 0 : i32
      %dma_wait3A_23 = tpu.memref_slice %arg3[%mul3A_6, %dma_wait3A] : memref<1280x128xi32, #tpu.memory_space<hbm>> -> memref<40x128xi32, #tpu.memory_space<hbm>>
      %dma_wait3A_24 = arith.constant 0 : i32
      %dma_wait3A_25 = tpu.memref_slice %arg3[%mul3A_6, %dma_wait3A_24] : memref<1280x128xi32, #tpu.memory_space<hbm>> -> memref<40x128xi32, #tpu.memory_space<hbm>>
      tpu.wait_dma2 semaphore(%run_scoped3A : memref<!tpu.dma_semaphore, #tpu.memory_space<semaphore_mem>>) src(%dma_wait3A_25 : memref<40x128xi32, #tpu.memory_space<hbm>>) dst(%arg7 : memref<40x128xi32, #tpu.memory_space<vmem>>)
      tpu.yield
    }) : () -> ()
    %barrier3A = arith.constant 0 : index
    tpu.barrier barrier_id(%barrier3A)
    %scan3A = arith.constant 0 : i32
    %scan3A_7 = arith.constant 0 : i32
    %scan3A_8 = arith.constant 5 : i32
    %scan3A_9 = arith.addi %scan3A_7, %scan3A_8 : i32
    %scan3A_10 = arith.constant 1 : i32
    scf.for %scan3A_20 = %scan3A_7 to %scan3A_9 step %scan3A_10  : i32 {
      %mul3A_21 = arith.constant 5120 : i32
      %mul3A_22 = arith.muli %add3A, %mul3A_21 : i32
      %mul3A_23 = arith.constant 8 : i32
      %mul3A_24 = arith.muli %scan3A_20, %mul3A_23 : i32
      %add3A_25 = arith.constant 0 : i32
      %add3A_26 = arith.addi %mul3A_24, %add3A_25 : i32
      %mul3A_27 = arith.constant 128 : i32
      %mul3A_28 = arith.muli %add3A_26, %mul3A_27 : i32
      %add3A_29 = arith.addi %mul3A_22, %mul3A_28 : i32
      %dma_start3A = arith.constant 0 : i32
      %dma_start3A_30 = arith.constant 0 : i32
      %dma_start3A_31 = tpu.memref_slice %arg8[%dma_start3A, %dma_start3A_30] : memref<1024x64xf32, #tpu.memory_space<vmem>> -> memref<128x64xf32, #tpu.memory_space<vmem>>
      %dma_start3A_32 = arith.constant 0 : i32
      %dma_start3A_33 = tpu.memref_slice %arg2[%add3A_29, %dma_start3A_32] : memref<163840x128xf32, #tpu.memory_space<hbm>> -> memref<128x64xf32, #tpu.memory_space<hbm>>
      %dma_start3A_34 = arith.constant 0 : i32
      %dma_start3A_35 = arith.constant 0 : i32
      %dma_start3A_36 = tpu.memref_slice %arg8[%dma_start3A_34, %dma_start3A_35] : memref<1024x64xf32, #tpu.memory_space<vmem>> -> memref<128x64xf32, #tpu.memory_space<vmem>>
      %dma_start3A_37 = arith.constant 0 : i32
      %dma_start3A_38 = tpu.memref_slice %arg2[%add3A_29, %dma_start3A_37] : memref<163840x128xf32, #tpu.memory_space<hbm>> -> memref<128x64xf32, #tpu.memory_space<hbm>>
      tpu.enqueue_dma source(%dma_start3A_38 : memref<128x64xf32, #tpu.memory_space<hbm>>) target(%dma_start3A_36 : memref<128x64xf32, #tpu.memory_space<vmem>>) target_semaphore(%arg10 : memref<!tpu.dma_semaphore, #tpu.memory_space<semaphore_mem>>)
      %mul3A_39 = arith.constant 5120 : i32
      %mul3A_40 = arith.muli %add3A, %mul3A_39 : i32
      %mul3A_41 = arith.constant 8 : i32
      %mul3A_42 = arith.muli %scan3A_20, %mul3A_41 : i32
      %add3A_43 = arith.constant 1 : i32
      %add3A_44 = arith.addi %mul3A_42, %add3A_43 : i32
      %mul3A_45 = arith.constant 128 : i32
      %mul3A_46 = arith.muli %add3A_44, %mul3A_45 : i32
      %add3A_47 = arith.addi %mul3A_40, %mul3A_46 : i32
      %dma_start3A_48 = arith.constant 128 : i32
      %dma_start3A_49 = arith.constant 0 : i32
      %dma_start3A_50 = tpu.memref_slice %arg8[%dma_start3A_48, %dma_start3A_49] : memref<1024x64xf32, #tpu.memory_space<vmem>> -> memref<128x64xf32, #tpu.memory_space<vmem>>
      %dma_start3A_51 = arith.constant 0 : i32
      %dma_start3A_52 = tpu.memref_slice %arg2[%add3A_47, %dma_start3A_51] : memref<163840x128xf32, #tpu.memory_space<hbm>> -> memref<128x64xf32, #tpu.memory_space<hbm>>
      %dma_start3A_53 = arith.constant 128 : i32
      %dma_start3A_54 = arith.constant 0 : i32
      %dma_start3A_55 = tpu.memref_slice %arg8[%dma_start3A_53, %dma_start3A_54] : memref<1024x64xf32, #tpu.memory_space<vmem>> -> memref<128x64xf32, #tpu.memory_space<vmem>>
      %dma_start3A_56 = arith.constant 0 : i32
      %dma_start3A_57 = tpu.memref_slice %arg2[%add3A_47, %dma_start3A_56] : memref<163840x128xf32, #tpu.memory_space<hbm>> -> memref<128x64xf32, #tpu.memory_space<hbm>>
      tpu.enqueue_dma source(%dma_start3A_57 : memref<128x64xf32, #tpu.memory_space<hbm>>) target(%dma_start3A_55 : memref<128x64xf32, #tpu.memory_space<vmem>>) target_semaphore(%arg10 : memref<!tpu.dma_semaphore, #tpu.memory_space<semaphore_mem>>)
      %mul3A_58 = arith.constant 5120 : i32
      %mul3A_59 = arith.muli %add3A, %mul3A_58 : i32
      %mul3A_60 = arith.constant 8 : i32
      %mul3A_61 = arith.muli %scan3A_20, %mul3A_60 : i32
      %add3A_62 = arith.constant 2 : i32
      %add3A_63 = arith.addi %mul3A_61, %add3A_62 : i32
      %mul3A_64 = arith.constant 128 : i32
      %mul3A_65 = arith.muli %add3A_63, %mul3A_64 : i32
      %add3A_66 = arith.addi %mul3A_59, %mul3A_65 : i32
      %dma_start3A_67 = arith.constant 256 : i32
      %dma_start3A_68 = arith.constant 0 : i32
      %dma_start3A_69 = tpu.memref_slice %arg8[%dma_start3A_67, %dma_start3A_68] : memref<1024x64xf32, #tpu.memory_space<vmem>> -> memref<128x64xf32, #tpu.memory_space<vmem>>
      %dma_start3A_70 = arith.constant 0 : i32
      %dma_start3A_71 = tpu.memref_slice %arg2[%add3A_66, %dma_start3A_70] : memref<163840x128xf32, #tpu.memory_space<hbm>> -> memref<128x64xf32, #tpu.memory_space<hbm>>
      %dma_start3A_72 = arith.constant 256 : i32
      %dma_start3A_73 = arith.constant 0 : i32
      %dma_start3A_74 = tpu.memref_slice %arg8[%dma_start3A_72, %dma_start3A_73] : memref<1024x64xf32, #tpu.memory_space<vmem>> -> memref<128x64xf32, #tpu.memory_space<vmem>>
      %dma_start3A_75 = arith.constant 0 : i32
      %dma_start3A_76 = tpu.memref_slice %arg2[%add3A_66, %dma_start3A_75] : memref<163840x128xf32, #tpu.memory_space<hbm>> -> memref<128x64xf32, #tpu.memory_space<hbm>>
      tpu.enqueue_dma source(%dma_start3A_76 : memref<128x64xf32, #tpu.memory_space<hbm>>) target(%dma_start3A_74 : memref<128x64xf32, #tpu.memory_space<vmem>>) target_semaphore(%arg10 : memref<!tpu.dma_semaphore, #tpu.memory_space<semaphore_mem>>)
      %mul3A_77 = arith.constant 5120 : i32
      %mul3A_78 = arith.muli %add3A, %mul3A_77 : i32
      %mul3A_79 = arith.constant 8 : i32
      %mul3A_80 = arith.muli %scan3A_20, %mul3A_79 : i32
      %add3A_81 = arith.constant 3 : i32
      %add3A_82 = arith.addi %mul3A_80, %add3A_81 : i32
      %mul3A_83 = arith.constant 128 : i32
      %mul3A_84 = arith.muli %add3A_82, %mul3A_83 : i32
      %add3A_85 = arith.addi %mul3A_78, %mul3A_84 : i32
      %dma_start3A_86 = arith.constant 384 : i32
      %dma_start3A_87 = arith.constant 0 : i32
      %dma_start3A_88 = tpu.memref_slice %arg8[%dma_start3A_86, %dma_start3A_87] : memref<1024x64xf32, #tpu.memory_space<vmem>> -> memref<128x64xf32, #tpu.memory_space<vmem>>
      %dma_start3A_89 = arith.constant 0 : i32
      %dma_start3A_90 = tpu.memref_slice %arg2[%add3A_85, %dma_start3A_89] : memref<163840x128xf32, #tpu.memory_space<hbm>> -> memref<128x64xf32, #tpu.memory_space<hbm>>
      %dma_start3A_91 = arith.constant 384 : i32
      %dma_start3A_92 = arith.constant 0 : i32
      %dma_start3A_93 = tpu.memref_slice %arg8[%dma_start3A_91, %dma_start3A_92] : memref<1024x64xf32, #tpu.memory_space<vmem>> -> memref<128x64xf32, #tpu.memory_space<vmem>>
      %dma_start3A_94 = arith.constant 0 : i32
      %dma_start3A_95 = tpu.memref_slice %arg2[%add3A_85, %dma_start3A_94] : memref<163840x128xf32, #tpu.memory_space<hbm>> -> memref<128x64xf32, #tpu.memory_space<hbm>>
      tpu.enqueue_dma source(%dma_start3A_95 : memref<128x64xf32, #tpu.memory_space<hbm>>) target(%dma_start3A_93 : memref<128x64xf32, #tpu.memory_space<vmem>>) target_semaphore(%arg10 : memref<!tpu.dma_semaphore, #tpu.memory_space<semaphore_mem>>)
      %mul3A_96 = arith.constant 5120 : i32
      %mul3A_97 = arith.muli %add3A, %mul3A_96 : i32
      %mul3A_98 = arith.constant 8 : i32
      %mul3A_99 = arith.muli %scan3A_20, %mul3A_98 : i32
      %add3A_100 = arith.constant 4 : i32
      %add3A_101 = arith.addi %mul3A_99, %add3A_100 : i32
      %mul3A_102 = arith.constant 128 : i32
      %mul3A_103 = arith.muli %add3A_101, %mul3A_102 : i32
      %add3A_104 = arith.addi %mul3A_97, %mul3A_103 : i32
      %dma_start3A_105 = arith.constant 512 : i32
      %dma_start3A_106 = arith.constant 0 : i32
      %dma_start3A_107 = tpu.memref_slice %arg8[%dma_start3A_105, %dma_start3A_106] : memref<1024x64xf32, #tpu.memory_space<vmem>> -> memref<128x64xf32, #tpu.memory_space<vmem>>
      %dma_start3A_108 = arith.constant 0 : i32
      %dma_start3A_109 = tpu.memref_slice %arg2[%add3A_104, %dma_start3A_108] : memref<163840x128xf32, #tpu.memory_space<hbm>> -> memref<128x64xf32, #tpu.memory_space<hbm>>
      %dma_start3A_110 = arith.constant 512 : i32
      %dma_start3A_111 = arith.constant 0 : i32
      %dma_start3A_112 = tpu.memref_slice %arg8[%dma_start3A_110, %dma_start3A_111] : memref<1024x64xf32, #tpu.memory_space<vmem>> -> memref<128x64xf32, #tpu.memory_space<vmem>>
      %dma_start3A_113 = arith.constant 0 : i32
      %dma_start3A_114 = tpu.memref_slice %arg2[%add3A_104, %dma_start3A_113] : memref<163840x128xf32, #tpu.memory_space<hbm>> -> memref<128x64xf32, #tpu.memory_space<hbm>>
      tpu.enqueue_dma source(%dma_start3A_114 : memref<128x64xf32, #tpu.memory_space<hbm>>) target(%dma_start3A_112 : memref<128x64xf32, #tpu.memory_space<vmem>>) target_semaphore(%arg10 : memref<!tpu.dma_semaphore, #tpu.memory_space<semaphore_mem>>)
      %mul3A_115 = arith.constant 5120 : i32
      %mul3A_116 = arith.muli %add3A, %mul3A_115 : i32
      %mul3A_117 = arith.constant 8 : i32
      %mul3A_118 = arith.muli %scan3A_20, %mul3A_117 : i32
      %add3A_119 = arith.constant 5 : i32
      %add3A_120 = arith.addi %mul3A_118, %add3A_119 : i32
      %mul3A_121 = arith.constant 128 : i32
      %mul3A_122 = arith.muli %add3A_120, %mul3A_121 : i32
      %add3A_123 = arith.addi %mul3A_116, %mul3A_122 : i32
      %dma_start3A_124 = arith.constant 640 : i32
      %dma_start3A_125 = arith.constant 0 : i32
      %dma_start3A_126 = tpu.memref_slice %arg8[%dma_start3A_124, %dma_start3A_125] : memref<1024x64xf32, #tpu.memory_space<vmem>> -> memref<128x64xf32, #tpu.memory_space<vmem>>
      %dma_start3A_127 = arith.constant 0 : i32
      %dma_start3A_128 = tpu.memref_slice %arg2[%add3A_123, %dma_start3A_127] : memref<163840x128xf32, #tpu.memory_space<hbm>> -> memref<128x64xf32, #tpu.memory_space<hbm>>
      %dma_start3A_129 = arith.constant 640 : i32
      %dma_start3A_130 = arith.constant 0 : i32
      %dma_start3A_131 = tpu.memref_slice %arg8[%dma_start3A_129, %dma_start3A_130] : memref<1024x64xf32, #tpu.memory_space<vmem>> -> memref<128x64xf32, #tpu.memory_space<vmem>>
      %dma_start3A_132 = arith.constant 0 : i32
      %dma_start3A_133 = tpu.memref_slice %arg2[%add3A_123, %dma_start3A_132] : memref<163840x128xf32, #tpu.memory_space<hbm>> -> memref<128x64xf32, #tpu.memory_space<hbm>>
      tpu.enqueue_dma source(%dma_start3A_133 : memref<128x64xf32, #tpu.memory_space<hbm>>) target(%dma_start3A_131 : memref<128x64xf32, #tpu.memory_space<vmem>>) target_semaphore(%arg10 : memref<!tpu.dma_semaphore, #tpu.memory_space<semaphore_mem>>)
      %mul3A_134 = arith.constant 5120 : i32
      %mul3A_135 = arith.muli %add3A, %mul3A_134 : i32
      %mul3A_136 = arith.constant 8 : i32
      %mul3A_137 = arith.muli %scan3A_20, %mul3A_136 : i32
      %add3A_138 = arith.constant 6 : i32
      %add3A_139 = arith.addi %mul3A_137, %add3A_138 : i32
      %mul3A_140 = arith.constant 128 : i32
      %mul3A_141 = arith.muli %add3A_139, %mul3A_140 : i32
      %add3A_142 = arith.addi %mul3A_135, %mul3A_141 : i32
      %dma_start3A_143 = arith.constant 768 : i32
      %dma_start3A_144 = arith.constant 0 : i32
      %dma_start3A_145 = tpu.memref_slice %arg8[%dma_start3A_143, %dma_start3A_144] : memref<1024x64xf32, #tpu.memory_space<vmem>> -> memref<128x64xf32, #tpu.memory_space<vmem>>
      %dma_start3A_146 = arith.constant 0 : i32
      %dma_start3A_147 = tpu.memref_slice %arg2[%add3A_142, %dma_start3A_146] : memref<163840x128xf32, #tpu.memory_space<hbm>> -> memref<128x64xf32, #tpu.memory_space<hbm>>
      %dma_start3A_148 = arith.constant 768 : i32
      %dma_start3A_149 = arith.constant 0 : i32
      %dma_start3A_150 = tpu.memref_slice %arg8[%dma_start3A_148, %dma_start3A_149] : memref<1024x64xf32, #tpu.memory_space<vmem>> -> memref<128x64xf32, #tpu.memory_space<vmem>>
      %dma_start3A_151 = arith.constant 0 : i32
      %dma_start3A_152 = tpu.memref_slice %arg2[%add3A_142, %dma_start3A_151] : memref<163840x128xf32, #tpu.memory_space<hbm>> -> memref<128x64xf32, #tpu.memory_space<hbm>>
      tpu.enqueue_dma source(%dma_start3A_152 : memref<128x64xf32, #tpu.memory_space<hbm>>) target(%dma_start3A_150 : memref<128x64xf32, #tpu.memory_space<vmem>>) target_semaphore(%arg10 : memref<!tpu.dma_semaphore, #tpu.memory_space<semaphore_mem>>)
      %mul3A_153 = arith.constant 5120 : i32
      %mul3A_154 = arith.muli %add3A, %mul3A_153 : i32
      %mul3A_155 = arith.constant 8 : i32
      %mul3A_156 = arith.muli %scan3A_20, %mul3A_155 : i32
      %add3A_157 = arith.constant 7 : i32
      %add3A_158 = arith.addi %mul3A_156, %add3A_157 : i32
      %mul3A_159 = arith.constant 128 : i32
      %mul3A_160 = arith.muli %add3A_158, %mul3A_159 : i32
      %add3A_161 = arith.addi %mul3A_154, %mul3A_160 : i32
      %dma_start3A_162 = arith.constant 896 : i32
      %dma_start3A_163 = arith.constant 0 : i32
      %dma_start3A_164 = tpu.memref_slice %arg8[%dma_start3A_162, %dma_start3A_163] : memref<1024x64xf32, #tpu.memory_space<vmem>> -> memref<128x64xf32, #tpu.memory_space<vmem>>
      %dma_start3A_165 = arith.constant 0 : i32
      %dma_start3A_166 = tpu.memref_slice %arg2[%add3A_161, %dma_start3A_165] : memref<163840x128xf32, #tpu.memory_space<hbm>> -> memref<128x64xf32, #tpu.memory_space<hbm>>
      %dma_start3A_167 = arith.constant 896 : i32
      %dma_start3A_168 = arith.constant 0 : i32
      %dma_start3A_169 = tpu.memref_slice %arg8[%dma_start3A_167, %dma_start3A_168] : memref<1024x64xf32, #tpu.memory_space<vmem>> -> memref<128x64xf32, #tpu.memory_space<vmem>>
      %dma_start3A_170 = arith.constant 0 : i32
      %dma_start3A_171 = tpu.memref_slice %arg2[%add3A_161, %dma_start3A_170] : memref<163840x128xf32, #tpu.memory_space<hbm>> -> memref<128x64xf32, #tpu.memory_space<hbm>>
      tpu.enqueue_dma source(%dma_start3A_171 : memref<128x64xf32, #tpu.memory_space<hbm>>) target(%dma_start3A_169 : memref<128x64xf32, #tpu.memory_space<vmem>>) target_semaphore(%arg10 : memref<!tpu.dma_semaphore, #tpu.memory_space<semaphore_mem>>)
      %dma_wait3A = arith.constant 0 : i32
      %dma_wait3A_172 = arith.constant 0 : i32
      %dma_wait3A_173 = tpu.memref_slice %arg8[%dma_wait3A, %dma_wait3A_172] : memref<1024x64xf32, #tpu.memory_space<vmem>> -> memref<128x64xf32, #tpu.memory_space<vmem>>
      %dma_wait3A_174 = arith.constant 0 : i32
      %dma_wait3A_175 = tpu.memref_slice %arg2[%add3A_29, %dma_wait3A_174] : memref<163840x128xf32, #tpu.memory_space<hbm>> -> memref<128x64xf32, #tpu.memory_space<hbm>>
      %dma_wait3A_176 = arith.constant 0 : i32
      %dma_wait3A_177 = arith.constant 0 : i32
      %dma_wait3A_178 = tpu.memref_slice %arg8[%dma_wait3A_176, %dma_wait3A_177] : memref<1024x64xf32, #tpu.memory_space<vmem>> -> memref<128x64xf32, #tpu.memory_space<vmem>>
      %dma_wait3A_179 = arith.constant 0 : i32
      %dma_wait3A_180 = tpu.memref_slice %arg2[%add3A_29, %dma_wait3A_179] : memref<163840x128xf32, #tpu.memory_space<hbm>> -> memref<128x64xf32, #tpu.memory_space<hbm>>
      tpu.wait_dma2 semaphore(%arg10 : memref<!tpu.dma_semaphore, #tpu.memory_space<semaphore_mem>>) src(%dma_wait3A_180 : memref<128x64xf32, #tpu.memory_space<hbm>>) dst(%dma_wait3A_178 : memref<128x64xf32, #tpu.memory_space<vmem>>)
      %dma_wait3A_181 = arith.constant 128 : i32
      %dma_wait3A_182 = arith.constant 0 : i32
      %dma_wait3A_183 = tpu.memref_slice %arg8[%dma_wait3A_181, %dma_wait3A_182] : memref<1024x64xf32, #tpu.memory_space<vmem>> -> memref<128x64xf32, #tpu.memory_space<vmem>>
      %dma_wait3A_184 = arith.constant 0 : i32
      %dma_wait3A_185 = tpu.memref_slice %arg2[%add3A_47, %dma_wait3A_184] : memref<163840x128xf32, #tpu.memory_space<hbm>> -> memref<128x64xf32, #tpu.memory_space<hbm>>
      %dma_wait3A_186 = arith.constant 128 : i32
      %dma_wait3A_187 = arith.constant 0 : i32
      %dma_wait3A_188 = tpu.memref_slice %arg8[%dma_wait3A_186, %dma_wait3A_187] : memref<1024x64xf32, #tpu.memory_space<vmem>> -> memref<128x64xf32, #tpu.memory_space<vmem>>
      %dma_wait3A_189 = arith.constant 0 : i32
      %dma_wait3A_190 = tpu.memref_slice %arg2[%add3A_47, %dma_wait3A_189] : memref<163840x128xf32, #tpu.memory_space<hbm>> -> memref<128x64xf32, #tpu.memory_space<hbm>>
      tpu.wait_dma2 semaphore(%arg10 : memref<!tpu.dma_semaphore, #tpu.memory_space<semaphore_mem>>) src(%dma_wait3A_190 : memref<128x64xf32, #tpu.memory_space<hbm>>) dst(%dma_wait3A_188 : memref<128x64xf32, #tpu.memory_space<vmem>>)
      %dma_wait3A_191 = arith.constant 256 : i32
      %dma_wait3A_192 = arith.constant 0 : i32
      %dma_wait3A_193 = tpu.memref_slice %arg8[%dma_wait3A_191, %dma_wait3A_192] : memref<1024x64xf32, #tpu.memory_space<vmem>> -> memref<128x64xf32, #tpu.memory_space<vmem>>
      %dma_wait3A_194 = arith.constant 0 : i32
      %dma_wait3A_195 = tpu.memref_slice %arg2[%add3A_66, %dma_wait3A_194] : memref<163840x128xf32, #tpu.memory_space<hbm>> -> memref<128x64xf32, #tpu.memory_space<hbm>>
      %dma_wait3A_196 = arith.constant 256 : i32
      %dma_wait3A_197 = arith.constant 0 : i32
      %dma_wait3A_198 = tpu.memref_slice %arg8[%dma_wait3A_196, %dma_wait3A_197] : memref<1024x64xf32, #tpu.memory_space<vmem>> -> memref<128x64xf32, #tpu.memory_space<vmem>>
      %dma_wait3A_199 = arith.constant 0 : i32
      %dma_wait3A_200 = tpu.memref_slice %arg2[%add3A_66, %dma_wait3A_199] : memref<163840x128xf32, #tpu.memory_space<hbm>> -> memref<128x64xf32, #tpu.memory_space<hbm>>
      tpu.wait_dma2 semaphore(%arg10 : memref<!tpu.dma_semaphore, #tpu.memory_space<semaphore_mem>>) src(%dma_wait3A_200 : memref<128x64xf32, #tpu.memory_space<hbm>>) dst(%dma_wait3A_198 : memref<128x64xf32, #tpu.memory_space<vmem>>)
      %dma_wait3A_201 = arith.constant 384 : i32
      %dma_wait3A_202 = arith.constant 0 : i32
      %dma_wait3A_203 = tpu.memref_slice %arg8[%dma_wait3A_201, %dma_wait3A_202] : memref<1024x64xf32, #tpu.memory_space<vmem>> -> memref<128x64xf32, #tpu.memory_space<vmem>>
      %dma_wait3A_204 = arith.constant 0 : i32
      %dma_wait3A_205 = tpu.memref_slice %arg2[%add3A_85, %dma_wait3A_204] : memref<163840x128xf32, #tpu.memory_space<hbm>> -> memref<128x64xf32, #tpu.memory_space<hbm>>
      %dma_wait3A_206 = arith.constant 384 : i32
      %dma_wait3A_207 = arith.constant 0 : i32
      %dma_wait3A_208 = tpu.memref_slice %arg8[%dma_wait3A_206, %dma_wait3A_207] : memref<1024x64xf32, #tpu.memory_space<vmem>> -> memref<128x64xf32, #tpu.memory_space<vmem>>
      %dma_wait3A_209 = arith.constant 0 : i32
      %dma_wait3A_210 = tpu.memref_slice %arg2[%add3A_85, %dma_wait3A_209] : memref<163840x128xf32, #tpu.memory_space<hbm>> -> memref<128x64xf32, #tpu.memory_space<hbm>>
      tpu.wait_dma2 semaphore(%arg10 : memref<!tpu.dma_semaphore, #tpu.memory_space<semaphore_mem>>) src(%dma_wait3A_210 : memref<128x64xf32, #tpu.memory_space<hbm>>) dst(%dma_wait3A_208 : memref<128x64xf32, #tpu.memory_space<vmem>>)
      %dma_wait3A_211 = arith.constant 512 : i32
      %dma_wait3A_212 = arith.constant 0 : i32
      %dma_wait3A_213 = tpu.memref_slice %arg8[%dma_wait3A_211, %dma_wait3A_212] : memref<1024x64xf32, #tpu.memory_space<vmem>> -> memref<128x64xf32, #tpu.memory_space<vmem>>
      %dma_wait3A_214 = arith.constant 0 : i32
      %dma_wait3A_215 = tpu.memref_slice %arg2[%add3A_104, %dma_wait3A_214] : memref<163840x128xf32, #tpu.memory_space<hbm>> -> memref<128x64xf32, #tpu.memory_space<hbm>>
      %dma_wait3A_216 = arith.constant 512 : i32
      %dma_wait3A_217 = arith.constant 0 : i32
      %dma_wait3A_218 = tpu.memref_slice %arg8[%dma_wait3A_216, %dma_wait3A_217] : memref<1024x64xf32, #tpu.memory_space<vmem>> -> memref<128x64xf32, #tpu.memory_space<vmem>>
      %dma_wait3A_219 = arith.constant 0 : i32
      %dma_wait3A_220 = tpu.memref_slice %arg2[%add3A_104, %dma_wait3A_219] : memref<163840x128xf32, #tpu.memory_space<hbm>> -> memref<128x64xf32, #tpu.memory_space<hbm>>
      tpu.wait_dma2 semaphore(%arg10 : memref<!tpu.dma_semaphore, #tpu.memory_space<semaphore_mem>>) src(%dma_wait3A_220 : memref<128x64xf32, #tpu.memory_space<hbm>>) dst(%dma_wait3A_218 : memref<128x64xf32, #tpu.memory_space<vmem>>)
      %dma_wait3A_221 = arith.constant 640 : i32
      %dma_wait3A_222 = arith.constant 0 : i32
      %dma_wait3A_223 = tpu.memref_slice %arg8[%dma_wait3A_221, %dma_wait3A_222] : memref<1024x64xf32, #tpu.memory_space<vmem>> -> memref<128x64xf32, #tpu.memory_space<vmem>>
      %dma_wait3A_224 = arith.constant 0 : i32
      %dma_wait3A_225 = tpu.memref_slice %arg2[%add3A_123, %dma_wait3A_224] : memref<163840x128xf32, #tpu.memory_space<hbm>> -> memref<128x64xf32, #tpu.memory_space<hbm>>
      %dma_wait3A_226 = arith.constant 640 : i32
      %dma_wait3A_227 = arith.constant 0 : i32
      %dma_wait3A_228 = tpu.memref_slice %arg8[%dma_wait3A_226, %dma_wait3A_227] : memref<1024x64xf32, #tpu.memory_space<vmem>> -> memref<128x64xf32, #tpu.memory_space<vmem>>
      %dma_wait3A_229 = arith.constant 0 : i32
      %dma_wait3A_230 = tpu.memref_slice %arg2[%add3A_123, %dma_wait3A_229] : memref<163840x128xf32, #tpu.memory_space<hbm>> -> memref<128x64xf32, #tpu.memory_space<hbm>>
      tpu.wait_dma2 semaphore(%arg10 : memref<!tpu.dma_semaphore, #tpu.memory_space<semaphore_mem>>) src(%dma_wait3A_230 : memref<128x64xf32, #tpu.memory_space<hbm>>) dst(%dma_wait3A_228 : memref<128x64xf32, #tpu.memory_space<vmem>>)
      %dma_wait3A_231 = arith.constant 768 : i32
      %dma_wait3A_232 = arith.constant 0 : i32
      %dma_wait3A_233 = tpu.memref_slice %arg8[%dma_wait3A_231, %dma_wait3A_232] : memref<1024x64xf32, #tpu.memory_space<vmem>> -> memref<128x64xf32, #tpu.memory_space<vmem>>
      %dma_wait3A_234 = arith.constant 0 : i32
      %dma_wait3A_235 = tpu.memref_slice %arg2[%add3A_142, %dma_wait3A_234] : memref<163840x128xf32, #tpu.memory_space<hbm>> -> memref<128x64xf32, #tpu.memory_space<hbm>>
      %dma_wait3A_236 = arith.constant 768 : i32
      %dma_wait3A_237 = arith.constant 0 : i32
      %dma_wait3A_238 = tpu.memref_slice %arg8[%dma_wait3A_236, %dma_wait3A_237] : memref<1024x64xf32, #tpu.memory_space<vmem>> -> memref<128x64xf32, #tpu.memory_space<vmem>>
      %dma_wait3A_239 = arith.constant 0 : i32
      %dma_wait3A_240 = tpu.memref_slice %arg2[%add3A_142, %dma_wait3A_239] : memref<163840x128xf32, #tpu.memory_space<hbm>> -> memref<128x64xf32, #tpu.memory_space<hbm>>
      tpu.wait_dma2 semaphore(%arg10 : memref<!tpu.dma_semaphore, #tpu.memory_space<semaphore_mem>>) src(%dma_wait3A_240 : memref<128x64xf32, #tpu.memory_space<hbm>>) dst(%dma_wait3A_238 : memref<128x64xf32, #tpu.memory_space<vmem>>)
      %dma_wait3A_241 = arith.constant 896 : i32
      %dma_wait3A_242 = arith.constant 0 : i32
      %dma_wait3A_243 = tpu.memref_slice %arg8[%dma_wait3A_241, %dma_wait3A_242] : memref<1024x64xf32, #tpu.memory_space<vmem>> -> memref<128x64xf32, #tpu.memory_space<vmem>>
      %dma_wait3A_244 = arith.constant 0 : i32
      %dma_wait3A_245 = tpu.memref_slice %arg2[%add3A_161, %dma_wait3A_244] : memref<163840x128xf32, #tpu.memory_space<hbm>> -> memref<128x64xf32, #tpu.memory_space<hbm>>
      %dma_wait3A_246 = arith.constant 896 : i32
      %dma_wait3A_247 = arith.constant 0 : i32
      %dma_wait3A_248 = tpu.memref_slice %arg8[%dma_wait3A_246, %dma_wait3A_247] : memref<1024x64xf32, #tpu.memory_space<vmem>> -> memref<128x64xf32, #tpu.memory_space<vmem>>
      %dma_wait3A_249 = arith.constant 0 : i32
      %dma_wait3A_250 = tpu.memref_slice %arg2[%add3A_161, %dma_wait3A_249] : memref<163840x128xf32, #tpu.memory_space<hbm>> -> memref<128x64xf32, #tpu.memory_space<hbm>>
      tpu.wait_dma2 semaphore(%arg10 : memref<!tpu.dma_semaphore, #tpu.memory_space<semaphore_mem>>) src(%dma_wait3A_250 : memref<128x64xf32, #tpu.memory_space<hbm>>) dst(%dma_wait3A_248 : memref<128x64xf32, #tpu.memory_space<vmem>>)
      %mul3A_251 = arith.constant 8 : i32
      %mul3A_252 = arith.muli %scan3A_20, %mul3A_251 : i32
      %add3A_253 = arith.constant 0 : i32
      %add3A_254 = arith.addi %mul3A_252, %add3A_253 : i32
      %dma_start3A_255 = arith.constant 0 : i32
      %dma_start3A_256 = arith.constant 0 : i32
      %dma_start3A_257 = tpu.memref_slice %arg8[%dma_start3A_255, %dma_start3A_256] : memref<1024x64xf32, #tpu.memory_space<vmem>> -> memref<128x64xf32, #tpu.memory_space<vmem>>
      %dma_start3A_258 = arith.constant 0 : i32
      %dma_start3A_259 = tpu.memref_slice %arg7[%add3A_254, %dma_start3A_258] : memref<40x128xi32, #tpu.memory_space<vmem>> -> memref<1x128xi32, #tpu.memory_space<vmem>>
      %dma_start3A_260 = tpu.memref_squeeze %dma_start3A_259 : memref<1x128xi32, #tpu.memory_space<vmem>> -> memref<128xi32, #tpu.memory_space<vmem>>
      %dma_start3A_261 = arith.constant 0 : i32
      %dma_start3A_262 = arith.constant 0 : i32
      %dma_start3A_263 = tpu.memref_slice %arg9[%dma_start3A_261, %dma_start3A_262] : memref<10016x64xf32, #tpu.memory_space<vmem_shared>> -> memref<10016x64xf32, #tpu.memory_space<vmem_shared>>
      tpu.enqueue_indirect_dma source(%dma_start3A_257 : memref<128x64xf32, #tpu.memory_space<vmem>>) target(%dma_start3A_263 : memref<10016x64xf32, #tpu.memory_space<vmem_shared>>) offsets(%dma_start3A_260 : memref<128xi32, #tpu.memory_space<vmem>>) semaphore(%arg11 : memref<!tpu.dma_semaphore, #tpu.memory_space<semaphore_mem>>) {add = true}
      %mul3A_264 = arith.constant 8 : i32
      %mul3A_265 = arith.muli %scan3A_20, %mul3A_264 : i32
      %add3A_266 = arith.constant 1 : i32
      %add3A_267 = arith.addi %mul3A_265, %add3A_266 : i32
      %dma_start3A_268 = arith.constant 128 : i32
      %dma_start3A_269 = arith.constant 0 : i32
      %dma_start3A_270 = tpu.memref_slice %arg8[%dma_start3A_268, %dma_start3A_269] : memref<1024x64xf32, #tpu.memory_space<vmem>> -> memref<128x64xf32, #tpu.memory_space<vmem>>
      %dma_start3A_271 = arith.constant 0 : i32
      %dma_start3A_272 = tpu.memref_slice %arg7[%add3A_267, %dma_start3A_271] : memref<40x128xi32, #tpu.memory_space<vmem>> -> memref<1x128xi32, #tpu.memory_space<vmem>>
      %dma_start3A_273 = tpu.memref_squeeze %dma_start3A_272 : memref<1x128xi32, #tpu.memory_space<vmem>> -> memref<128xi32, #tpu.memory_space<vmem>>
      %dma_start3A_274 = arith.constant 0 : i32
      %dma_start3A_275 = arith.constant 0 : i32
      %dma_start3A_276 = tpu.memref_slice %arg9[%dma_start3A_274, %dma_start3A_275] : memref<10016x64xf32, #tpu.memory_space<vmem_shared>> -> memref<10016x64xf32, #tpu.memory_space<vmem_shared>>
      tpu.enqueue_indirect_dma source(%dma_start3A_270 : memref<128x64xf32, #tpu.memory_space<vmem>>) target(%dma_start3A_276 : memref<10016x64xf32, #tpu.memory_space<vmem_shared>>) offsets(%dma_start3A_273 : memref<128xi32, #tpu.memory_space<vmem>>) semaphore(%arg11 : memref<!tpu.dma_semaphore, #tpu.memory_space<semaphore_mem>>) {add = true}
      %mul3A_277 = arith.constant 8 : i32
      %mul3A_278 = arith.muli %scan3A_20, %mul3A_277 : i32
      %add3A_279 = arith.constant 2 : i32
      %add3A_280 = arith.addi %mul3A_278, %add3A_279 : i32
      %dma_start3A_281 = arith.constant 256 : i32
      %dma_start3A_282 = arith.constant 0 : i32
      %dma_start3A_283 = tpu.memref_slice %arg8[%dma_start3A_281, %dma_start3A_282] : memref<1024x64xf32, #tpu.memory_space<vmem>> -> memref<128x64xf32, #tpu.memory_space<vmem>>
      %dma_start3A_284 = arith.constant 0 : i32
      %dma_start3A_285 = tpu.memref_slice %arg7[%add3A_280, %dma_start3A_284] : memref<40x128xi32, #tpu.memory_space<vmem>> -> memref<1x128xi32, #tpu.memory_space<vmem>>
      %dma_start3A_286 = tpu.memref_squeeze %dma_start3A_285 : memref<1x128xi32, #tpu.memory_space<vmem>> -> memref<128xi32, #tpu.memory_space<vmem>>
      %dma_start3A_287 = arith.constant 0 : i32
      %dma_start3A_288 = arith.constant 0 : i32
      %dma_start3A_289 = tpu.memref_slice %arg9[%dma_start3A_287, %dma_start3A_288] : memref<10016x64xf32, #tpu.memory_space<vmem_shared>> -> memref<10016x64xf32, #tpu.memory_space<vmem_shared>>
      tpu.enqueue_indirect_dma source(%dma_start3A_283 : memref<128x64xf32, #tpu.memory_space<vmem>>) target(%dma_start3A_289 : memref<10016x64xf32, #tpu.memory_space<vmem_shared>>) offsets(%dma_start3A_286 : memref<128xi32, #tpu.memory_space<vmem>>) semaphore(%arg11 : memref<!tpu.dma_semaphore, #tpu.memory_space<semaphore_mem>>) {add = true}
      %mul3A_290 = arith.constant 8 : i32
      %mul3A_291 = arith.muli %scan3A_20, %mul3A_290 : i32
      %add3A_292 = arith.constant 3 : i32
      %add3A_293 = arith.addi %mul3A_291, %add3A_292 : i32
      %dma_start3A_294 = arith.constant 384 : i32
      %dma_start3A_295 = arith.constant 0 : i32
      %dma_start3A_296 = tpu.memref_slice %arg8[%dma_start3A_294, %dma_start3A_295] : memref<1024x64xf32, #tpu.memory_space<vmem>> -> memref<128x64xf32, #tpu.memory_space<vmem>>
      %dma_start3A_297 = arith.constant 0 : i32
      %dma_start3A_298 = tpu.memref_slice %arg7[%add3A_293, %dma_start3A_297] : memref<40x128xi32, #tpu.memory_space<vmem>> -> memref<1x128xi32, #tpu.memory_space<vmem>>
      %dma_start3A_299 = tpu.memref_squeeze %dma_start3A_298 : memref<1x128xi32, #tpu.memory_space<vmem>> -> memref<128xi32, #tpu.memory_space<vmem>>
      %dma_start3A_300 = arith.constant 0 : i32
      %dma_start3A_301 = arith.constant 0 : i32
      %dma_start3A_302 = tpu.memref_slice %arg9[%dma_start3A_300, %dma_start3A_301] : memref<10016x64xf32, #tpu.memory_space<vmem_shared>> -> memref<10016x64xf32, #tpu.memory_space<vmem_shared>>
      tpu.enqueue_indirect_dma source(%dma_start3A_296 : memref<128x64xf32, #tpu.memory_space<vmem>>) target(%dma_start3A_302 : memref<10016x64xf32, #tpu.memory_space<vmem_shared>>) offsets(%dma_start3A_299 : memref<128xi32, #tpu.memory_space<vmem>>) semaphore(%arg11 : memref<!tpu.dma_semaphore, #tpu.memory_space<semaphore_mem>>) {add = true}
      %mul3A_303 = arith.constant 8 : i32
      %mul3A_304 = arith.muli %scan3A_20, %mul3A_303 : i32
      %add3A_305 = arith.constant 4 : i32
      %add3A_306 = arith.addi %mul3A_304, %add3A_305 : i32
      %dma_start3A_307 = arith.constant 512 : i32
      %dma_start3A_308 = arith.constant 0 : i32
      %dma_start3A_309 = tpu.memref_slice %arg8[%dma_start3A_307, %dma_start3A_308] : memref<1024x64xf32, #tpu.memory_space<vmem>> -> memref<128x64xf32, #tpu.memory_space<vmem>>
      %dma_start3A_310 = arith.constant 0 : i32
      %dma_start3A_311 = tpu.memref_slice %arg7[%add3A_306, %dma_start3A_310] : memref<40x128xi32, #tpu.memory_space<vmem>> -> memref<1x128xi32, #tpu.memory_space<vmem>>
      %dma_start3A_312 = tpu.memref_squeeze %dma_start3A_311 : memref<1x128xi32, #tpu.memory_space<vmem>> -> memref<128xi32, #tpu.memory_space<vmem>>
      %dma_start3A_313 = arith.constant 0 : i32
      %dma_start3A_314 = arith.constant 0 : i32
      %dma_start3A_315 = tpu.memref_slice %arg9[%dma_start3A_313, %dma_start3A_314] : memref<10016x64xf32, #tpu.memory_space<vmem_shared>> -> memref<10016x64xf32, #tpu.memory_space<vmem_shared>>
      tpu.enqueue_indirect_dma source(%dma_start3A_309 : memref<128x64xf32, #tpu.memory_space<vmem>>) target(%dma_start3A_315 : memref<10016x64xf32, #tpu.memory_space<vmem_shared>>) offsets(%dma_start3A_312 : memref<128xi32, #tpu.memory_space<vmem>>) semaphore(%arg11 : memref<!tpu.dma_semaphore, #tpu.memory_space<semaphore_mem>>) {add = true}
      %mul3A_316 = arith.constant 8 : i32
      %mul3A_317 = arith.muli %scan3A_20, %mul3A_316 : i32
      %add3A_318 = arith.constant 5 : i32
      %add3A_319 = arith.addi %mul3A_317, %add3A_318 : i32
      %dma_start3A_320 = arith.constant 640 : i32
      %dma_start3A_321 = arith.constant 0 : i32
      %dma_start3A_322 = tpu.memref_slice %arg8[%dma_start3A_320, %dma_start3A_321] : memref<1024x64xf32, #tpu.memory_space<vmem>> -> memref<128x64xf32, #tpu.memory_space<vmem>>
      %dma_start3A_323 = arith.constant 0 : i32
      %dma_start3A_324 = tpu.memref_slice %arg7[%add3A_319, %dma_start3A_323] : memref<40x128xi32, #tpu.memory_space<vmem>> -> memref<1x128xi32, #tpu.memory_space<vmem>>
      %dma_start3A_325 = tpu.memref_squeeze %dma_start3A_324 : memref<1x128xi32, #tpu.memory_space<vmem>> -> memref<128xi32, #tpu.memory_space<vmem>>
      %dma_start3A_326 = arith.constant 0 : i32
      %dma_start3A_327 = arith.constant 0 : i32
      %dma_start3A_328 = tpu.memref_slice %arg9[%dma_start3A_326, %dma_start3A_327] : memref<10016x64xf32, #tpu.memory_space<vmem_shared>> -> memref<10016x64xf32, #tpu.memory_space<vmem_shared>>
      tpu.enqueue_indirect_dma source(%dma_start3A_322 : memref<128x64xf32, #tpu.memory_space<vmem>>) target(%dma_start3A_328 : memref<10016x64xf32, #tpu.memory_space<vmem_shared>>) offsets(%dma_start3A_325 : memref<128xi32, #tpu.memory_space<vmem>>) semaphore(%arg11 : memref<!tpu.dma_semaphore, #tpu.memory_space<semaphore_mem>>) {add = true}
      %mul3A_329 = arith.constant 8 : i32
      %mul3A_330 = arith.muli %scan3A_20, %mul3A_329 : i32
      %add3A_331 = arith.constant 6 : i32
      %add3A_332 = arith.addi %mul3A_330, %add3A_331 : i32
      %dma_start3A_333 = arith.constant 768 : i32
      %dma_start3A_334 = arith.constant 0 : i32
      %dma_start3A_335 = tpu.memref_slice %arg8[%dma_start3A_333, %dma_start3A_334] : memref<1024x64xf32, #tpu.memory_space<vmem>> -> memref<128x64xf32, #tpu.memory_space<vmem>>
      %dma_start3A_336 = arith.constant 0 : i32
      %dma_start3A_337 = tpu.memref_slice %arg7[%add3A_332, %dma_start3A_336] : memref<40x128xi32, #tpu.memory_space<vmem>> -> memref<1x128xi32, #tpu.memory_space<vmem>>
      %dma_start3A_338 = tpu.memref_squeeze %dma_start3A_337 : memref<1x128xi32, #tpu.memory_space<vmem>> -> memref<128xi32, #tpu.memory_space<vmem>>
      %dma_start3A_339 = arith.constant 0 : i32
      %dma_start3A_340 = arith.constant 0 : i32
      %dma_start3A_341 = tpu.memref_slice %arg9[%dma_start3A_339, %dma_start3A_340] : memref<10016x64xf32, #tpu.memory_space<vmem_shared>> -> memref<10016x64xf32, #tpu.memory_space<vmem_shared>>
      tpu.enqueue_indirect_dma source(%dma_start3A_335 : memref<128x64xf32, #tpu.memory_space<vmem>>) target(%dma_start3A_341 : memref<10016x64xf32, #tpu.memory_space<vmem_shared>>) offsets(%dma_start3A_338 : memref<128xi32, #tpu.memory_space<vmem>>) semaphore(%arg11 : memref<!tpu.dma_semaphore, #tpu.memory_space<semaphore_mem>>) {add = true}
      %mul3A_342 = arith.constant 8 : i32
      %mul3A_343 = arith.muli %scan3A_20, %mul3A_342 : i32
      %add3A_344 = arith.constant 7 : i32
      %add3A_345 = arith.addi %mul3A_343, %add3A_344 : i32
      %dma_start3A_346 = arith.constant 896 : i32
      %dma_start3A_347 = arith.constant 0 : i32
      %dma_start3A_348 = tpu.memref_slice %arg8[%dma_start3A_346, %dma_start3A_347] : memref<1024x64xf32, #tpu.memory_space<vmem>> -> memref<128x64xf32, #tpu.memory_space<vmem>>
      %dma_start3A_349 = arith.constant 0 : i32
      %dma_start3A_350 = tpu.memref_slice %arg7[%add3A_345, %dma_start3A_349] : memref<40x128xi32, #tpu.memory_space<vmem>> -> memref<1x128xi32, #tpu.memory_space<vmem>>
      %dma_start3A_351 = tpu.memref_squeeze %dma_start3A_350 : memref<1x128xi32, #tpu.memory_space<vmem>> -> memref<128xi32, #tpu.memory_space<vmem>>
      %dma_start3A_352 = arith.constant 0 : i32
      %dma_start3A_353 = arith.constant 0 : i32
      %dma_start3A_354 = tpu.memref_slice %arg9[%dma_start3A_352, %dma_start3A_353] : memref<10016x64xf32, #tpu.memory_space<vmem_shared>> -> memref<10016x64xf32, #tpu.memory_space<vmem_shared>>
      tpu.enqueue_indirect_dma source(%dma_start3A_348 : memref<128x64xf32, #tpu.memory_space<vmem>>) target(%dma_start3A_354 : memref<10016x64xf32, #tpu.memory_space<vmem_shared>>) offsets(%dma_start3A_351 : memref<128xi32, #tpu.memory_space<vmem>>) semaphore(%arg11 : memref<!tpu.dma_semaphore, #tpu.memory_space<semaphore_mem>>) {add = true}
      %dma_wait3A_355 = arith.constant 0 : i32
      %dma_wait3A_356 = arith.constant 0 : i32
      %dma_wait3A_357 = tpu.memref_slice %arg8[%dma_wait3A_355, %dma_wait3A_356] : memref<1024x64xf32, #tpu.memory_space<vmem>> -> memref<128x64xf32, #tpu.memory_space<vmem>>
      %dma_wait3A_358 = arith.constant 0 : i32
      %dma_wait3A_359 = tpu.memref_slice %arg7[%add3A_254, %dma_wait3A_358] : memref<40x128xi32, #tpu.memory_space<vmem>> -> memref<1x128xi32, #tpu.memory_space<vmem>>
      %dma_wait3A_360 = tpu.memref_squeeze %dma_wait3A_359 : memref<1x128xi32, #tpu.memory_space<vmem>> -> memref<128xi32, #tpu.memory_space<vmem>>
      %dma_wait3A_361 = arith.constant 0 : i32
      %dma_wait3A_362 = arith.constant 0 : i32
      %dma_wait3A_363 = tpu.memref_slice %arg9[%dma_wait3A_361, %dma_wait3A_362] : memref<10016x64xf32, #tpu.memory_space<vmem_shared>> -> memref<10016x64xf32, #tpu.memory_space<vmem_shared>>
      tpu.wait_indirect_dma semaphore(%arg11 : memref<!tpu.dma_semaphore, #tpu.memory_space<semaphore_mem>>) src(%dma_wait3A_357 : memref<128x64xf32, #tpu.memory_space<vmem>>) dst(%dma_wait3A_363 : memref<10016x64xf32, #tpu.memory_space<vmem_shared>>)
      %dma_wait3A_364 = arith.constant 128 : i32
      %dma_wait3A_365 = arith.constant 0 : i32
      %dma_wait3A_366 = tpu.memref_slice %arg8[%dma_wait3A_364, %dma_wait3A_365] : memref<1024x64xf32, #tpu.memory_space<vmem>> -> memref<128x64xf32, #tpu.memory_space<vmem>>
      %dma_wait3A_367 = arith.constant 0 : i32
      %dma_wait3A_368 = tpu.memref_slice %arg7[%add3A_267, %dma_wait3A_367] : memref<40x128xi32, #tpu.memory_space<vmem>> -> memref<1x128xi32, #tpu.memory_space<vmem>>
      %dma_wait3A_369 = tpu.memref_squeeze %dma_wait3A_368 : memref<1x128xi32, #tpu.memory_space<vmem>> -> memref<128xi32, #tpu.memory_space<vmem>>
      %dma_wait3A_370 = arith.constant 0 : i32
      %dma_wait3A_371 = arith.constant 0 : i32
      %dma_wait3A_372 = tpu.memref_slice %arg9[%dma_wait3A_370, %dma_wait3A_371] : memref<10016x64xf32, #tpu.memory_space<vmem_shared>> -> memref<10016x64xf32, #tpu.memory_space<vmem_shared>>
      tpu.wait_indirect_dma semaphore(%arg11 : memref<!tpu.dma_semaphore, #tpu.memory_space<semaphore_mem>>) src(%dma_wait3A_366 : memref<128x64xf32, #tpu.memory_space<vmem>>) dst(%dma_wait3A_372 : memref<10016x64xf32, #tpu.memory_space<vmem_shared>>)
      %dma_wait3A_373 = arith.constant 256 : i32
      %dma_wait3A_374 = arith.constant 0 : i32
      %dma_wait3A_375 = tpu.memref_slice %arg8[%dma_wait3A_373, %dma_wait3A_374] : memref<1024x64xf32, #tpu.memory_space<vmem>> -> memref<128x64xf32, #tpu.memory_space<vmem>>
      %dma_wait3A_376 = arith.constant 0 : i32
      %dma_wait3A_377 = tpu.memref_slice %arg7[%add3A_280, %dma_wait3A_376] : memref<40x128xi32, #tpu.memory_space<vmem>> -> memref<1x128xi32, #tpu.memory_space<vmem>>
      %dma_wait3A_378 = tpu.memref_squeeze %dma_wait3A_377 : memref<1x128xi32, #tpu.memory_space<vmem>> -> memref<128xi32, #tpu.memory_space<vmem>>
      %dma_wait3A_379 = arith.constant 0 : i32
      %dma_wait3A_380 = arith.constant 0 : i32
      %dma_wait3A_381 = tpu.memref_slice %arg9[%dma_wait3A_379, %dma_wait3A_380] : memref<10016x64xf32, #tpu.memory_space<vmem_shared>> -> memref<10016x64xf32, #tpu.memory_space<vmem_shared>>
      tpu.wait_indirect_dma semaphore(%arg11 : memref<!tpu.dma_semaphore, #tpu.memory_space<semaphore_mem>>) src(%dma_wait3A_375 : memref<128x64xf32, #tpu.memory_space<vmem>>) dst(%dma_wait3A_381 : memref<10016x64xf32, #tpu.memory_space<vmem_shared>>)
      %dma_wait3A_382 = arith.constant 384 : i32
      %dma_wait3A_383 = arith.constant 0 : i32
      %dma_wait3A_384 = tpu.memref_slice %arg8[%dma_wait3A_382, %dma_wait3A_383] : memref<1024x64xf32, #tpu.memory_space<vmem>> -> memref<128x64xf32, #tpu.memory_space<vmem>>
      %dma_wait3A_385 = arith.constant 0 : i32
      %dma_wait3A_386 = tpu.memref_slice %arg7[%add3A_293, %dma_wait3A_385] : memref<40x128xi32, #tpu.memory_space<vmem>> -> memref<1x128xi32, #tpu.memory_space<vmem>>
      %dma_wait3A_387 = tpu.memref_squeeze %dma_wait3A_386 : memref<1x128xi32, #tpu.memory_space<vmem>> -> memref<128xi32, #tpu.memory_space<vmem>>
      %dma_wait3A_388 = arith.constant 0 : i32
      %dma_wait3A_389 = arith.constant 0 : i32
      %dma_wait3A_390 = tpu.memref_slice %arg9[%dma_wait3A_388, %dma_wait3A_389] : memref<10016x64xf32, #tpu.memory_space<vmem_shared>> -> memref<10016x64xf32, #tpu.memory_space<vmem_shared>>
      tpu.wait_indirect_dma semaphore(%arg11 : memref<!tpu.dma_semaphore, #tpu.memory_space<semaphore_mem>>) src(%dma_wait3A_384 : memref<128x64xf32, #tpu.memory_space<vmem>>) dst(%dma_wait3A_390 : memref<10016x64xf32, #tpu.memory_space<vmem_shared>>)
      %dma_wait3A_391 = arith.constant 512 : i32
      %dma_wait3A_392 = arith.constant 0 : i32
      %dma_wait3A_393 = tpu.memref_slice %arg8[%dma_wait3A_391, %dma_wait3A_392] : memref<1024x64xf32, #tpu.memory_space<vmem>> -> memref<128x64xf32, #tpu.memory_space<vmem>>
      %dma_wait3A_394 = arith.constant 0 : i32
      %dma_wait3A_395 = tpu.memref_slice %arg7[%add3A_306, %dma_wait3A_394] : memref<40x128xi32, #tpu.memory_space<vmem>> -> memref<1x128xi32, #tpu.memory_space<vmem>>
      %dma_wait3A_396 = tpu.memref_squeeze %dma_wait3A_395 : memref<1x128xi32, #tpu.memory_space<vmem>> -> memref<128xi32, #tpu.memory_space<vmem>>
      %dma_wait3A_397 = arith.constant 0 : i32
      %dma_wait3A_398 = arith.constant 0 : i32
      %dma_wait3A_399 = tpu.memref_slice %arg9[%dma_wait3A_397, %dma_wait3A_398] : memref<10016x64xf32, #tpu.memory_space<vmem_shared>> -> memref<10016x64xf32, #tpu.memory_space<vmem_shared>>
      tpu.wait_indirect_dma semaphore(%arg11 : memref<!tpu.dma_semaphore, #tpu.memory_space<semaphore_mem>>) src(%dma_wait3A_393 : memref<128x64xf32, #tpu.memory_space<vmem>>) dst(%dma_wait3A_399 : memref<10016x64xf32, #tpu.memory_space<vmem_shared>>)
      %dma_wait3A_400 = arith.constant 640 : i32
      %dma_wait3A_401 = arith.constant 0 : i32
      %dma_wait3A_402 = tpu.memref_slice %arg8[%dma_wait3A_400, %dma_wait3A_401] : memref<1024x64xf32, #tpu.memory_space<vmem>> -> memref<128x64xf32, #tpu.memory_space<vmem>>
      %dma_wait3A_403 = arith.constant 0 : i32
      %dma_wait3A_404 = tpu.memref_slice %arg7[%add3A_319, %dma_wait3A_403] : memref<40x128xi32, #tpu.memory_space<vmem>> -> memref<1x128xi32, #tpu.memory_space<vmem>>
      %dma_wait3A_405 = tpu.memref_squeeze %dma_wait3A_404 : memref<1x128xi32, #tpu.memory_space<vmem>> -> memref<128xi32, #tpu.memory_space<vmem>>
      %dma_wait3A_406 = arith.constant 0 : i32
      %dma_wait3A_407 = arith.constant 0 : i32
      %dma_wait3A_408 = tpu.memref_slice %arg9[%dma_wait3A_406, %dma_wait3A_407] : memref<10016x64xf32, #tpu.memory_space<vmem_shared>> -> memref<10016x64xf32, #tpu.memory_space<vmem_shared>>
      tpu.wait_indirect_dma semaphore(%arg11 : memref<!tpu.dma_semaphore, #tpu.memory_space<semaphore_mem>>) src(%dma_wait3A_402 : memref<128x64xf32, #tpu.memory_space<vmem>>) dst(%dma_wait3A_408 : memref<10016x64xf32, #tpu.memory_space<vmem_shared>>)
      %dma_wait3A_409 = arith.constant 768 : i32
      %dma_wait3A_410 = arith.constant 0 : i32
      %dma_wait3A_411 = tpu.memref_slice %arg8[%dma_wait3A_409, %dma_wait3A_410] : memref<1024x64xf32, #tpu.memory_space<vmem>> -> memref<128x64xf32, #tpu.memory_space<vmem>>
      %dma_wait3A_412 = arith.constant 0 : i32
      %dma_wait3A_413 = tpu.memref_slice %arg7[%add3A_332, %dma_wait3A_412] : memref<40x128xi32, #tpu.memory_space<vmem>> -> memref<1x128xi32, #tpu.memory_space<vmem>>
      %dma_wait3A_414 = tpu.memref_squeeze %dma_wait3A_413 : memref<1x128xi32, #tpu.memory_space<vmem>> -> memref<128xi32, #tpu.memory_space<vmem>>
      %dma_wait3A_415 = arith.constant 0 : i32
      %dma_wait3A_416 = arith.constant 0 : i32
      %dma_wait3A_417 = tpu.memref_slice %arg9[%dma_wait3A_415, %dma_wait3A_416] : memref<10016x64xf32, #tpu.memory_space<vmem_shared>> -> memref<10016x64xf32, #tpu.memory_space<vmem_shared>>
      tpu.wait_indirect_dma semaphore(%arg11 : memref<!tpu.dma_semaphore, #tpu.memory_space<semaphore_mem>>) src(%dma_wait3A_411 : memref<128x64xf32, #tpu.memory_space<vmem>>) dst(%dma_wait3A_417 : memref<10016x64xf32, #tpu.memory_space<vmem_shared>>)
      %dma_wait3A_418 = arith.constant 896 : i32
      %dma_wait3A_419 = arith.constant 0 : i32
      %dma_wait3A_420 = tpu.memref_slice %arg8[%dma_wait3A_418, %dma_wait3A_419] : memref<1024x64xf32, #tpu.memory_space<vmem>> -> memref<128x64xf32, #tpu.memory_space<vmem>>
      %dma_wait3A_421 = arith.constant 0 : i32
      %dma_wait3A_422 = tpu.memref_slice %arg7[%add3A_345, %dma_wait3A_421] : memref<40x128xi32, #tpu.memory_space<vmem>> -> memref<1x128xi32, #tpu.memory_space<vmem>>
      %dma_wait3A_423 = tpu.memref_squeeze %dma_wait3A_422 : memref<1x128xi32, #tpu.memory_space<vmem>> -> memref<128xi32, #tpu.memory_space<vmem>>
      %dma_wait3A_424 = arith.constant 0 : i32
      %dma_wait3A_425 = arith.constant 0 : i32
      %dma_wait3A_426 = tpu.memref_slice %arg9[%dma_wait3A_424, %dma_wait3A_425] : memref<10016x64xf32, #tpu.memory_space<vmem_shared>> -> memref<10016x64xf32, #tpu.memory_space<vmem_shared>>
      tpu.wait_indirect_dma semaphore(%arg11 : memref<!tpu.dma_semaphore, #tpu.memory_space<semaphore_mem>>) src(%dma_wait3A_420 : memref<128x64xf32, #tpu.memory_space<vmem>>) dst(%dma_wait3A_426 : memref<10016x64xf32, #tpu.memory_space<vmem_shared>>)
    }
    %scan3A_11 = arith.constant 5 : i32
    %barrier3A_12 = arith.constant 0 : index
    tpu.barrier barrier_id(%barrier3A_12)
    %eq3A = arith.constant 0 : i32
    %eq3A_13 = arith.cmpi eq, %arg0, %eq3A : i32
    %convert_element_type3A = arith.extui %eq3A_13 : i1 to i32
    %cond3A = arith.constant 0 : i32
    %cond3A_14 = arith.cmpi ne, %convert_element_type3A, %cond3A : i32
    scf.if %cond3A_14 {
      %mul3A_20 = arith.constant 626 : i32
      %mul3A_21 = arith.muli %arg1, %mul3A_20 : i32
      %mul3A_22 = arith.constant 626 : i32
      %mul3A_23 = arith.muli %arg1, %mul3A_22 : i32
      "tpu.region"() ({
        %run_scoped3A = tpu.sem_alloc : memref<!tpu.dma_semaphore, #tpu.memory_space<semaphore_mem>>
        %dma_start3A = arith.constant 0 : i32
        %dma_start3A_24 = tpu.memref_slice %arg5[%mul3A_23, %dma_start3A] : memref<10016x128xf32, #tpu.memory_space<hbm>> -> memref<626x64xf32, #tpu.memory_space<hbm>>
        %dma_start3A_25 = arith.constant 0 : i32
        %dma_start3A_26 = tpu.memref_slice %arg9[%mul3A_21, %dma_start3A_25] : memref<10016x64xf32, #tpu.memory_space<vmem_shared>> -> memref<626x64xf32, #tpu.memory_space<vmem_shared>>
        tpu.enqueue_dma source(%dma_start3A_26 : memref<626x64xf32, #tpu.memory_space<vmem_shared>>) target(%dma_start3A_24 : memref<626x64xf32, #tpu.memory_space<hbm>>) target_semaphore(%run_scoped3A : memref<!tpu.dma_semaphore, #tpu.memory_space<semaphore_mem>>)
        %dma_wait3A = arith.constant 0 : i32
        %dma_wait3A_27 = tpu.memref_slice %arg5[%mul3A_23, %dma_wait3A] : memref<10016x128xf32, #tpu.memory_space<hbm>> -> memref<626x64xf32, #tpu.memory_space<hbm>>
        %dma_wait3A_28 = arith.constant 0 : i32
        %dma_wait3A_29 = tpu.memref_slice %arg9[%mul3A_21, %dma_wait3A_28] : memref<10016x64xf32, #tpu.memory_space<vmem_shared>> -> memref<626x64xf32, #tpu.memory_space<vmem_shared>>
        tpu.wait_dma2 semaphore(%run_scoped3A : memref<!tpu.dma_semaphore, #tpu.memory_space<semaphore_mem>>) src(%dma_wait3A_29 : memref<626x64xf32, #tpu.memory_space<vmem_shared>>) dst(%dma_wait3A_27 : memref<626x64xf32, #tpu.memory_space<hbm>>)
        tpu.yield
      }) : () -> ()
    } else {
    }
    %eq3A_15 = arith.constant 1 : i32
    %eq3A_16 = arith.cmpi eq, %arg0, %eq3A_15 : i32
    %convert_element_type3A_17 = arith.extui %eq3A_16 : i1 to i32
    %cond3A_18 = arith.constant 0 : i32
    %cond3A_19 = arith.cmpi ne, %convert_element_type3A_17, %cond3A_18 : i32
    scf.if %cond3A_19 {
      %mul3A_20 = arith.constant 626 : i32
      %mul3A_21 = arith.muli %arg1, %mul3A_20 : i32
      %mul3A_22 = arith.constant 626 : i32
      %mul3A_23 = arith.muli %arg1, %mul3A_22 : i32
      "tpu.region"() ({
        %run_scoped3A = tpu.sem_alloc : memref<!tpu.dma_semaphore, #tpu.memory_space<semaphore_mem>>
        %dma_start3A = arith.constant 0 : i32
        %dma_start3A_24 = tpu.memref_slice %arg6[%mul3A_23, %dma_start3A] : memref<10016x128xf32, #tpu.memory_space<hbm>> -> memref<626x64xf32, #tpu.memory_space<hbm>>
        %dma_start3A_25 = arith.constant 0 : i32
        %dma_start3A_26 = tpu.memref_slice %arg9[%mul3A_21, %dma_start3A_25] : memref<10016x64xf32, #tpu.memory_space<vmem_shared>> -> memref<626x64xf32, #tpu.memory_space<vmem_shared>>
        tpu.enqueue_dma source(%dma_start3A_26 : memref<626x64xf32, #tpu.memory_space<vmem_shared>>) target(%dma_start3A_24 : memref<626x64xf32, #tpu.memory_space<hbm>>) target_semaphore(%run_scoped3A : memref<!tpu.dma_semaphore, #tpu.memory_space<semaphore_mem>>)
        %dma_wait3A = arith.constant 0 : i32
        %dma_wait3A_27 = tpu.memref_slice %arg6[%mul3A_23, %dma_wait3A] : memref<10016x128xf32, #tpu.memory_space<hbm>> -> memref<626x64xf32, #tpu.memory_space<hbm>>
        %dma_wait3A_28 = arith.constant 0 : i32
        %dma_wait3A_29 = tpu.memref_slice %arg9[%mul3A_21, %dma_wait3A_28] : memref<10016x64xf32, #tpu.memory_space<vmem_shared>> -> memref<626x64xf32, #tpu.memory_space<vmem_shared>>
        tpu.wait_dma2 semaphore(%run_scoped3A : memref<!tpu.dma_semaphore, #tpu.memory_space<semaphore_mem>>) src(%dma_wait3A_29 : memref<626x64xf32, #tpu.memory_space<vmem_shared>>) dst(%dma_wait3A_27 : memref<626x64xf32, #tpu.memory_space<hbm>>)
        tpu.yield
      }) : () -> ()
    } else {
    }
    return
  }
}

module attributes {stable_mosaic.version = 14 : i64} {
  func.func @_lin0_body(%arg0: memref<10016x128xf32, #tpu.memory_space<vmem>>, %arg1: memref<128x32xf32, #tpu.memory_space<vmem>>, %arg2: memref<1x32xf32, #tpu.memory_space<vmem>>, %arg3: memref<10016x32xf32, #tpu.memory_space<vmem>>) attributes {dimension_semantics = [], scalar_prefetch = 0 : i64, scratch_operands = 0 : i64, tpu.core_type = #tpu.core_type<tc>} {
    %get3A = arith.constant 0 : index
    %get3A_0 = arith.constant 0 : index
    %get3A_1 = vector.load %arg0[%get3A, %get3A_0] : memref<10016x128xf32, #tpu.memory_space<vmem>>, vector<10016x128xf32>
    %get3A_2 = arith.constant 0 : index
    %get3A_3 = arith.constant 0 : index
    %get3A_4 = vector.load %arg1[%get3A_2, %get3A_3] : memref<128x32xf32, #tpu.memory_space<vmem>>, vector<128x32xf32>
    %dot_general3A = arith.constant dense<0.000000e+00> : vector<10016x32xf32>
    %dot_general3A_5 = tpu.matmul %get3A_1, %get3A_4, %dot_general3A {dimension_numbers = #tpu.dot_dimension_numbers<[1], [0], [0], [1], [0, 0, 1, 1], [], []>, transpose_lhs_hint = false} : vector<10016x128xf32>, vector<128x32xf32>, vector<10016x32xf32> -> vector<10016x32xf32>
    %get3A_6 = arith.constant 0 : index
    %get3A_7 = arith.constant 0 : index
    %get3A_8 = vector.load %arg2[%get3A_6, %get3A_7] : memref<1x32xf32, #tpu.memory_space<vmem>>, vector<1x32xf32>
    %add3A = vector.broadcast %get3A_8 : vector<1x32xf32> to vector<10016x32xf32>
    %add3A_9 = arith.addf %dot_general3A_5, %add3A : vector<10016x32xf32>
    %max3A = arith.constant 0.000000e+00 : f32
    %max3A_10 = vector.broadcast %max3A : f32 to vector<10016x32xf32>
    %max3A_11 = arith.maximumf %add3A_9, %max3A_10 : vector<10016x32xf32>
    %swap3A = arith.constant 0 : index
    %swap3A_12 = arith.constant 0 : index
    %swap3A_13 = vector.load %arg3[%swap3A, %swap3A_12] : memref<10016x32xf32, #tpu.memory_space<vmem>>, vector<10016x32xf32>
    tpu.vector_store %arg3[%swap3A, %swap3A_12], %max3A_11 {strides = array<i32>} : memref<10016x32xf32, #tpu.memory_space<vmem>>, vector<10016x32xf32>,
    return
  }
}

module attributes {stable_mosaic.version = 14 : i64} {
  func.func @_msg_body(%arg0: i32, %arg1: memref<1280x4xf32, #tpu.memory_space<vmem>>, %arg2: memref<1280x128xf32, #tpu.memory_space<vmem>>, %arg3: memref<4x128xf32, #tpu.memory_space<vmem>>, %arg4: memref<1x128xf32, #tpu.memory_space<vmem>>, %arg5: memref<128x1024xbf16, #tpu.memory_space<vmem>>, %arg6: memref<64x1024xbf16, #tpu.memory_space<vmem>>, %arg7: memref<32x32xf32, #tpu.memory_space<vmem>>, %arg8: memref<1280x128xf32, #tpu.memory_space<vmem>>) attributes {dimension_semantics = [#tpu.dimension_semantics<arbitrary>], iteration_bounds = array<i64: 125>, scalar_prefetch = 0 : i64, scratch_operands = 0 : i64, tpu.core_type = #tpu.core_type<tc>, window_params = [{transform_indices = @transform_0, window_bounds = array<i64: 1280, 4>}, {transform_indices = @transform_1, window_bounds = array<i64: 1280, 128>}, {pipeline_mode = #tpu.pipeline_mode<synchronous>, transform_indices = @transform_2, window_bounds = array<i64: 4, 128>}, {pipeline_mode = #tpu.pipeline_mode<synchronous>, transform_indices = @transform_3, window_bounds = array<i64: 1, 128>}, {pipeline_mode = #tpu.pipeline_mode<synchronous>, transform_indices = @transform_4, window_bounds = array<i64: 128, 1024>}, {pipeline_mode = #tpu.pipeline_mode<synchronous>, transform_indices = @transform_5, window_bounds = array<i64: 64, 1024>}, {pipeline_mode = #tpu.pipeline_mode<synchronous>, transform_indices = @transform_6, window_bounds = array<i64: 32, 32>}, {transform_indices = @transform_7, window_bounds = array<i64: 1280, 128>}]} {
    %get3A = arith.constant 0 : index
    %get3A_0 = arith.constant 0 : index
    %get3A_1 = vector.load %arg1[%get3A, %get3A_0] : memref<1280x4xf32, #tpu.memory_space<vmem>>, vector<1280x4xf32>
    %get3A_2 = arith.constant 0 : index
    %get3A_3 = arith.constant 0 : index
    %get3A_4 = vector.load %arg3[%get3A_2, %get3A_3] : memref<4x128xf32, #tpu.memory_space<vmem>>, vector<4x128xf32>
    %dot_general3A = arith.constant dense<0.000000e+00> : vector<1280x128xf32>
    %dot_general3A_5 = tpu.matmul %get3A_1, %get3A_4, %dot_general3A {dimension_numbers = #tpu.dot_dimension_numbers<[1], [0], [0], [1], [0, 0, 1, 1], [], []>, transpose_lhs_hint = false} : vector<1280x4xf32>, vector<4x128xf32>, vector<1280x128xf32> -> vector<1280x128xf32>
    %get3A_6 = arith.constant 0 : index
    %get3A_7 = arith.constant 0 : index
    %get3A_8 = vector.load %arg4[%get3A_6, %get3A_7] : memref<1x128xf32, #tpu.memory_space<vmem>>, vector<1x128xf32>
    %add3A = vector.broadcast %get3A_8 : vector<1x128xf32> to vector<1280x128xf32>
    %add3A_9 = arith.addf %dot_general3A_5, %add3A : vector<1280x128xf32>
    %max3A = arith.constant 0.000000e+00 : f32
    %max3A_10 = vector.broadcast %max3A : f32 to vector<1280x128xf32>
    %max3A_11 = arith.maximumf %add3A_9, %max3A_10 : vector<1280x128xf32>
    %convert_element_type3A = arith.truncf %max3A_11 : vector<1280x128xf32> to vector<1280x128xbf16>
    %get3A_12 = arith.constant 0 : index
    %get3A_13 = arith.constant 0 : index
    %get3A_14 = vector.load %arg5[%get3A_12, %get3A_13] : memref<128x1024xbf16, #tpu.memory_space<vmem>>, vector<128x1024xbf16>
    %dot_general3A_15 = arith.constant dense<0.000000e+00> : vector<1280x1024xf32>
    %dot_general3A_16 = tpu.matmul %convert_element_type3A, %get3A_14, %dot_general3A_15 {dimension_numbers = #tpu.dot_dimension_numbers<[1], [0], [0], [1], [0, 0, 1, 1], [], []>, transpose_lhs_hint = false} : vector<1280x128xbf16>, vector<128x1024xbf16>, vector<1280x1024xf32> -> vector<1280x1024xf32>
    %get3A_17 = arith.constant 0 : index
    %get3A_18 = arith.constant 0 : index
    %get3A_19 = vector.load %arg2[%get3A_17, %get3A_18] : memref<1280x128xf32, #tpu.memory_space<vmem>>, vector<1280x128xf32>
    %slice3A = vector.extract_strided_slice %get3A_19 {offsets = [0, 0], sizes = [1280, 32], strides = [1, 1]} : vector<1280x128xf32> to vector<1280x32xf32>
    %convert_element_type3A_20 = arith.truncf %slice3A : vector<1280x32xf32> to vector<1280x32xbf16>
    %convert_element_type3A_21 = arith.extf %convert_element_type3A_20 : vector<1280x32xbf16> to vector<1280x32xf32>
    %sub3A = arith.subf %slice3A, %convert_element_type3A_21 : vector<1280x32xf32>
    %convert_element_type3A_22 = arith.truncf %sub3A : vector<1280x32xf32> to vector<1280x32xbf16>
    %concatenate3A = tpu.concatenate %convert_element_type3A_20, %convert_element_type3A_22 in 1 : vector<1280x32xbf16>, vector<1280x32xbf16> -> vector<1280x64xbf16>
    %get3A_23 = arith.constant 0 : index
    %get3A_24 = arith.constant 0 : index
    %get3A_25 = vector.load %arg6[%get3A_23, %get3A_24] : memref<64x1024xbf16, #tpu.memory_space<vmem>>, vector<64x1024xbf16>
    %dot_general3A_26 = arith.constant dense<0.000000e+00> : vector<1280x1024xf32>
    %dot_general3A_27 = tpu.matmul %concatenate3A, %get3A_25, %dot_general3A_26 {dimension_numbers = #tpu.dot_dimension_numbers<[1], [0], [0], [1], [0, 0, 1, 1], [], []>, transpose_lhs_hint = false} : vector<1280x64xbf16>, vector<64x1024xbf16>, vector<1280x1024xf32> -> vector<1280x1024xf32>
    %slice3A_28 = vector.extract_strided_slice %dot_general3A_27 {offsets = [0, 0], sizes = [1280, 128], strides = [1, 1]} : vector<1280x1024xf32> to vector<1280x128xf32>
    %slice3A_29 = vector.extract_strided_slice %dot_general3A_16 {offsets = [0, 0], sizes = [1280, 128], strides = [1, 1]} : vector<1280x1024xf32> to vector<1280x128xf32>
    %mul3A = arith.mulf %slice3A_28, %slice3A_29 : vector<1280x128xf32>
    %slice3A_30 = vector.extract_strided_slice %dot_general3A_27 {offsets = [0, 128], sizes = [1280, 128], strides = [1, 1]} : vector<1280x1024xf32> to vector<1280x128xf32>
    %slice3A_31 = vector.extract_strided_slice %dot_general3A_16 {offsets = [0, 128], sizes = [1280, 128], strides = [1, 1]} : vector<1280x1024xf32> to vector<1280x128xf32>
    %mul3A_32 = arith.mulf %slice3A_30, %slice3A_31 : vector<1280x128xf32>
    %add3A_33 = arith.addf %mul3A, %mul3A_32 : vector<1280x128xf32>
    %slice3A_34 = vector.extract_strided_slice %dot_general3A_27 {offsets = [0, 256], sizes = [1280, 128], strides = [1, 1]} : vector<1280x1024xf32> to vector<1280x128xf32>
    %slice3A_35 = vector.extract_strided_slice %dot_general3A_16 {offsets = [0, 256], sizes = [1280, 128], strides = [1, 1]} : vector<1280x1024xf32> to vector<1280x128xf32>
    %mul3A_36 = arith.mulf %slice3A_34, %slice3A_35 : vector<1280x128xf32>
    %add3A_37 = arith.addf %add3A_33, %mul3A_36 : vector<1280x128xf32>
    %slice3A_38 = vector.extract_strided_slice %dot_general3A_27 {offsets = [0, 384], sizes = [1280, 128], strides = [1, 1]} : vector<1280x1024xf32> to vector<1280x128xf32>
    %slice3A_39 = vector.extract_strided_slice %dot_general3A_16 {offsets = [0, 384], sizes = [1280, 128], strides = [1, 1]} : vector<1280x1024xf32> to vector<1280x128xf32>
    %mul3A_40 = arith.mulf %slice3A_38, %slice3A_39 : vector<1280x128xf32>
    %add3A_41 = arith.addf %add3A_37, %mul3A_40 : vector<1280x128xf32>
    %slice3A_42 = vector.extract_strided_slice %dot_general3A_27 {offsets = [0, 512], sizes = [1280, 128], strides = [1, 1]} : vector<1280x1024xf32> to vector<1280x128xf32>
    %slice3A_43 = vector.extract_strided_slice %dot_general3A_16 {offsets = [0, 512], sizes = [1280, 128], strides = [1, 1]} : vector<1280x1024xf32> to vector<1280x128xf32>
    %mul3A_44 = arith.mulf %slice3A_42, %slice3A_43 : vector<1280x128xf32>
    %add3A_45 = arith.addf %add3A_41, %mul3A_44 : vector<1280x128xf32>
    %slice3A_46 = vector.extract_strided_slice %dot_general3A_27 {offsets = [0, 640], sizes = [1280, 128], strides = [1, 1]} : vector<1280x1024xf32> to vector<1280x128xf32>
    %slice3A_47 = vector.extract_strided_slice %dot_general3A_16 {offsets = [0, 640], sizes = [1280, 128], strides = [1, 1]} : vector<1280x1024xf32> to vector<1280x128xf32>
    %mul3A_48 = arith.mulf %slice3A_46, %slice3A_47 : vector<1280x128xf32>
    %add3A_49 = arith.addf %add3A_45, %mul3A_48 : vector<1280x128xf32>
    %slice3A_50 = vector.extract_strided_slice %dot_general3A_27 {offsets = [0, 768], sizes = [1280, 128], strides = [1, 1]} : vector<1280x1024xf32> to vector<1280x128xf32>
    %slice3A_51 = vector.extract_strided_slice %dot_general3A_16 {offsets = [0, 768], sizes = [1280, 128], strides = [1, 1]} : vector<1280x1024xf32> to vector<1280x128xf32>
    %mul3A_52 = arith.mulf %slice3A_50, %slice3A_51 : vector<1280x128xf32>
    %add3A_53 = arith.addf %add3A_49, %mul3A_52 : vector<1280x128xf32>
    %slice3A_54 = vector.extract_strided_slice %dot_general3A_27 {offsets = [0, 896], sizes = [1280, 128], strides = [1, 1]} : vector<1280x1024xf32> to vector<1280x128xf32>
    %slice3A_55 = vector.extract_strided_slice %dot_general3A_16 {offsets = [0, 896], sizes = [1280, 128], strides = [1, 1]} : vector<1280x1024xf32> to vector<1280x128xf32>
    %mul3A_56 = arith.mulf %slice3A_54, %slice3A_55 : vector<1280x128xf32>
    %add3A_57 = arith.addf %add3A_53, %mul3A_56 : vector<1280x128xf32>
    %slice3A_58 = vector.extract_strided_slice %add3A_57 {offsets = [0, 0], sizes = [1280, 32], strides = [1, 1]} : vector<1280x128xf32> to vector<1280x32xf32>
    %slice3A_59 = vector.extract_strided_slice %add3A_57 {offsets = [0, 32], sizes = [1280, 32], strides = [1, 1]} : vector<1280x128xf32> to vector<1280x32xf32>
    %add3A_60 = arith.addf %slice3A_58, %slice3A_59 : vector<1280x32xf32>
    %slice3A_61 = vector.extract_strided_slice %add3A_57 {offsets = [0, 64], sizes = [1280, 32], strides = [1, 1]} : vector<1280x128xf32> to vector<1280x32xf32>
    %add3A_62 = arith.addf %add3A_60, %slice3A_61 : vector<1280x32xf32>
    %slice3A_63 = vector.extract_strided_slice %add3A_57 {offsets = [0, 96], sizes = [1280, 32], strides = [1, 1]} : vector<1280x128xf32> to vector<1280x32xf32>
    %add3A_64 = arith.addf %add3A_62, %slice3A_63 : vector<1280x32xf32>
    %get3A_65 = arith.constant 0 : index
    %get3A_66 = arith.constant 0 : index
    %get3A_67 = vector.load %arg7[%get3A_65, %get3A_66] : memref<32x32xf32, #tpu.memory_space<vmem>>, vector<32x32xf32>
    %dot_general3A_68 = arith.constant dense<0.000000e+00> : vector<1280x32xf32>
    %dot_general3A_69 = tpu.matmul %slice3A, %get3A_67, %dot_general3A_68 {dimension_numbers = #tpu.dot_dimension_numbers<[1], [0], [0], [1], [0, 0, 1, 1], [], []>, transpose_lhs_hint = false} : vector<1280x32xf32>, vector<32x32xf32>, vector<1280x32xf32> -> vector<1280x32xf32>
    %add3A_70 = arith.addf %add3A_64, %dot_general3A_69 : vector<1280x32xf32>
    %broadcast_in_dim3A = arith.constant 1.000000e+00 : f32
    %broadcast_in_dim3A_71 = vector.broadcast %broadcast_in_dim3A : f32 to vector<1280x32xf32>
    %broadcast_in_dim3A_72 = arith.constant 0.000000e+00 : f32
    %broadcast_in_dim3A_73 = vector.broadcast %broadcast_in_dim3A_72 : f32 to vector<1280x64xf32>
    %concatenate3A_74 = tpu.concatenate %add3A_70, %broadcast_in_dim3A_71, %broadcast_in_dim3A_73 in 1 : vector<1280x32xf32>, vector<1280x32xf32>, vector<1280x64xf32> -> vector<1280x128xf32>
    %swap3A = arith.constant 0 : index
    %swap3A_75 = arith.constant 0 : index
    %swap3A_76 = vector.load %arg8[%swap3A, %swap3A_75] : memref<1280x128xf32, #tpu.memory_space<vmem>>, vector<1280x128xf32>
    tpu.vector_store %arg8[%swap3A, %swap3A_75], %concatenate3A_74 {strides = array<i32>} : memref<1280x128xf32, #tpu.memory_space<vmem>>, vector<1280x128xf32>,
    return
  }
  func.func @transform_0(%arg0: i32) -> (i32, i32) {
    %c0_i32 = arith.constant 0 : i32
    %c0_i32_0 = arith.constant 0 : i32
    return %arg0, %c0_i32 : i32, i32
  }
  func.func @transform_1(%arg0: i32) -> (i32, i32) {
    %c0_i32 = arith.constant 0 : i32
    %c0_i32_0 = arith.constant 0 : i32
    return %arg0, %c0_i32 : i32, i32
  }
  func.func @transform_2(%arg0: i32) -> (i32, i32) {
    %c0_i32 = arith.constant 0 : i32
    %c0_i32_0 = arith.constant 0 : i32
    %c0_i32_1 = arith.constant 0 : i32
    return %c0_i32, %c0_i32_0 : i32, i32
  }
  func.func @transform_3(%arg0: i32) -> (i32, i32) {
    %c0_i32 = arith.constant 0 : i32
    %c0_i32_0 = arith.constant 0 : i32
    %c0_i32_1 = arith.constant 0 : i32
    return %c0_i32, %c0_i32_0 : i32, i32
  }
  func.func @transform_4(%arg0: i32) -> (i32, i32) {
    %c0_i32 = arith.constant 0 : i32
    %c0_i32_0 = arith.constant 0 : i32
    %c0_i32_1 = arith.constant 0 : i32
    return %c0_i32, %c0_i32_0 : i32, i32
  }
  func.func @transform_5(%arg0: i32) -> (i32, i32) {
    %c0_i32 = arith.constant 0 : i32
    %c0_i32_0 = arith.constant 0 : i32
    %c0_i32_1 = arith.constant 0 : i32
    return %c0_i32, %c0_i32_0 : i32, i32
  }
  func.func @transform_6(%arg0: i32) -> (i32, i32) {
    %c0_i32 = arith.constant 0 : i32
    %c0_i32_0 = arith.constant 0 : i32
    %c0_i32_1 = arith.constant 0 : i32
    return %c0_i32, %c0_i32_0 : i32, i32
  }
  func.func @transform_7(%arg0: i32) -> (i32, i32) {
    %c0_i32 = arith.constant 0 : i32
    %c0_i32_0 = arith.constant 0 : i32
    return %arg0, %c0_i32 : i32, i32
  }
}

module attributes {stable_mosaic.version = 14 : i64} {
  func.func @_gru_body(%arg0: i32, %arg1: memref<2504x128xf32, #tpu.memory_space<vmem>>, %arg2: memref<2504x128xf32, #tpu.memory_space<vmem>>, %arg3: memref<2504x32xf32, #tpu.memory_space<vmem>>, %arg4: memref<32x32xf32, #tpu.memory_space<vmem>>, %arg5: memref<1x32xf32, #tpu.memory_space<vmem>>, %arg6: memref<32x96xf32, #tpu.memory_space<vmem>>, %arg7: memref<32x96xf32, #tpu.memory_space<vmem>>, %arg8: memref<1x96xf32, #tpu.memory_space<vmem>>, %arg9: memref<1x96xf32, #tpu.memory_space<vmem>>, %arg10: memref<2504x32xf32, #tpu.memory_space<vmem>>) attributes {dimension_semantics = [#tpu.dimension_semantics<arbitrary>], iteration_bounds = array<i64: 4>, scalar_prefetch = 0 : i64, scratch_operands = 0 : i64, tpu.core_type = #tpu.core_type<tc>, window_params = [{transform_indices = @transform_0, window_bounds = array<i64: 2504, 128>}, {transform_indices = @transform_1, window_bounds = array<i64: 2504, 128>}, {transform_indices = @transform_2, window_bounds = array<i64: 2504, 32>}, {pipeline_mode = #tpu.pipeline_mode<synchronous>, transform_indices = @transform_3, window_bounds = array<i64: 32, 32>}, {pipeline_mode = #tpu.pipeline_mode<synchronous>, transform_indices = @transform_4, window_bounds = array<i64: 1, 32>}, {pipeline_mode = #tpu.pipeline_mode<synchronous>, transform_indices = @transform_5, window_bounds = array<i64: 32, 96>}, {pipeline_mode = #tpu.pipeline_mode<synchronous>, transform_indices = @transform_6, window_bounds = array<i64: 32, 96>}, {pipeline_mode = #tpu.pipeline_mode<synchronous>, transform_indices = @transform_7, window_bounds = array<i64: 1, 96>}, {pipeline_mode = #tpu.pipeline_mode<synchronous>, transform_indices = @transform_8, window_bounds = array<i64: 1, 96>}, {transform_indices = @transform_9, window_bounds = array<i64: 2504, 32>}]} {
    %get3A = arith.constant 0 : index
    %get3A_0 = arith.constant 0 : index
    %get3A_1 = vector.load %arg3[%get3A, %get3A_0] : memref<2504x32xf32, #tpu.memory_space<vmem>>, vector<2504x32xf32>
    %get3A_2 = arith.constant 0 : index
    %get3A_3 = arith.constant 0 : index
    %get3A_4 = vector.load %arg1[%get3A_2, %get3A_3] : memref<2504x128xf32, #tpu.memory_space<vmem>>, vector<2504x128xf32>
    %get3A_5 = arith.constant 0 : index
    %get3A_6 = arith.constant 0 : index
    %get3A_7 = vector.load %arg2[%get3A_5, %get3A_6] : memref<2504x128xf32, #tpu.memory_space<vmem>>, vector<2504x128xf32>
    %slice3A = vector.extract_strided_slice %get3A_4 {offsets = [0, 32], sizes = [2504, 32], strides = [1, 1]} : vector<2504x128xf32> to vector<2504x32xf32>
    %slice3A_8 = vector.extract_strided_slice %get3A_7 {offsets = [0, 32], sizes = [2504, 32], strides = [1, 1]} : vector<2504x128xf32> to vector<2504x32xf32>
    %add3A = arith.addf %slice3A, %slice3A_8 : vector<2504x32xf32>
    %max3A = arith.constant 1.000000e+00 : f32
    %max3A_9 = vector.broadcast %max3A : f32 to vector<2504x32xf32>
    %max3A_10 = arith.maximumf %add3A, %max3A_9 : vector<2504x32xf32>
    %slice3A_11 = vector.extract_strided_slice %get3A_4 {offsets = [0, 0], sizes = [2504, 32], strides = [1, 1]} : vector<2504x128xf32> to vector<2504x32xf32>
    %slice3A_12 = vector.extract_strided_slice %get3A_7 {offsets = [0, 0], sizes = [2504, 32], strides = [1, 1]} : vector<2504x128xf32> to vector<2504x32xf32>
    %add3A_13 = arith.addf %slice3A_11, %slice3A_12 : vector<2504x32xf32>
    %div3A = arith.divf %add3A_13, %max3A_10 : vector<2504x32xf32>
    %get3A_14 = arith.constant 0 : index
    %get3A_15 = arith.constant 0 : index
    %get3A_16 = vector.load %arg4[%get3A_14, %get3A_15] : memref<32x32xf32, #tpu.memory_space<vmem>>, vector<32x32xf32>
    %dot_general3A = arith.constant dense<0.000000e+00> : vector<2504x32xf32>
    %dot_general3A_17 = tpu.matmul %get3A_1, %get3A_16, %dot_general3A {dimension_numbers = #tpu.dot_dimension_numbers<[1], [0], [0], [1], [0, 0, 1, 1], [], []>, transpose_lhs_hint = false} : vector<2504x32xf32>, vector<32x32xf32>, vector<2504x32xf32> -> vector<2504x32xf32>
    %add3A_18 = arith.addf %div3A, %dot_general3A_17 : vector<2504x32xf32>
    %get3A_19 = arith.constant 0 : index
    %get3A_20 = arith.constant 0 : index
    %get3A_21 = vector.load %arg5[%get3A_19, %get3A_20] : memref<1x32xf32, #tpu.memory_space<vmem>>, vector<1x32xf32>
    %add3A_22 = vector.broadcast %get3A_21 : vector<1x32xf32> to vector<2504x32xf32>
    %add3A_23 = arith.addf %add3A_18, %add3A_22 : vector<2504x32xf32>
    %max3A_24 = arith.constant 0.000000e+00 : f32
    %max3A_25 = vector.broadcast %max3A_24 : f32 to vector<2504x32xf32>
    %max3A_26 = arith.maximumf %add3A_23, %max3A_25 : vector<2504x32xf32>
    %get3A_27 = arith.constant 0 : index
    %get3A_28 = arith.constant 0 : index
    %get3A_29 = vector.load %arg6[%get3A_27, %get3A_28] : memref<32x96xf32, #tpu.memory_space<vmem>>, vector<32x96xf32>
    %dot_general3A_30 = arith.constant dense<0.000000e+00> : vector<2504x96xf32>
    %dot_general3A_31 = tpu.matmul %max3A_26, %get3A_29, %dot_general3A_30 {dimension_numbers = #tpu.dot_dimension_numbers<[1], [0], [0], [1], [0, 0, 1, 1], [], []>, transpose_lhs_hint = false} : vector<2504x32xf32>, vector<32x96xf32>, vector<2504x96xf32> -> vector<2504x96xf32>
    %get3A_32 = arith.constant 0 : index
    %get3A_33 = arith.constant 0 : index
    %get3A_34 = vector.load %arg8[%get3A_32, %get3A_33] : memref<1x96xf32, #tpu.memory_space<vmem>>, vector<1x96xf32>
    %add3A_35 = vector.broadcast %get3A_34 : vector<1x96xf32> to vector<2504x96xf32>
    %add3A_36 = arith.addf %dot_general3A_31, %add3A_35 : vector<2504x96xf32>
    %get3A_37 = arith.constant 0 : index
    %get3A_38 = arith.constant 0 : index
    %get3A_39 = vector.load %arg7[%get3A_37, %get3A_38] : memref<32x96xf32, #tpu.memory_space<vmem>>, vector<32x96xf32>
    %dot_general3A_40 = arith.constant dense<0.000000e+00> : vector<2504x96xf32>
    %dot_general3A_41 = tpu.matmul %get3A_1, %get3A_39, %dot_general3A_40 {dimension_numbers = #tpu.dot_dimension_numbers<[1], [0], [0], [1], [0, 0, 1, 1], [], []>, transpose_lhs_hint = false} : vector<2504x32xf32>, vector<32x96xf32>, vector<2504x96xf32> -> vector<2504x96xf32>
    %get3A_42 = arith.constant 0 : index
    %get3A_43 = arith.constant 0 : index
    %get3A_44 = vector.load %arg9[%get3A_42, %get3A_43] : memref<1x96xf32, #tpu.memory_space<vmem>>, vector<1x96xf32>
    %add3A_45 = vector.broadcast %get3A_44 : vector<1x96xf32> to vector<2504x96xf32>
    %add3A_46 = arith.addf %dot_general3A_41, %add3A_45 : vector<2504x96xf32>
    %slice3A_47 = vector.extract_strided_slice %add3A_36 {offsets = [0, 0], sizes = [2504, 32], strides = [1, 1]} : vector<2504x96xf32> to vector<2504x32xf32>
    %slice3A_48 = vector.extract_strided_slice %add3A_46 {offsets = [0, 0], sizes = [2504, 32], strides = [1, 1]} : vector<2504x96xf32> to vector<2504x32xf32>
    %add3A_49 = arith.addf %slice3A_47, %slice3A_48 : vector<2504x32xf32>
    %neg3A = arith.constant 0.000000e+00 : f32
    %neg3A_50 = vector.broadcast %neg3A : f32 to vector<2504x32xf32>
    %neg3A_51 = arith.subf %neg3A_50, %add3A_49 : vector<2504x32xf32>
    %exp3A = math.exp %neg3A_51 : vector<2504x32xf32>
    %add3A_52 = arith.constant 1.000000e+00 : f32
    %add3A_53 = vector.broadcast %add3A_52 : f32 to vector<2504x32xf32>
    %add3A_54 = arith.addf %add3A_53, %exp3A : vector<2504x32xf32>
    %div3A_55 = arith.constant 1.000000e+00 : f32
    %div3A_56 = vector.broadcast %div3A_55 : f32 to vector<2504x32xf32>
    %div3A_57 = arith.divf %div3A_56, %add3A_54 : vector<2504x32xf32>
    %slice3A_58 = vector.extract_strided_slice %add3A_36 {offsets = [0, 32], sizes = [2504, 32], strides = [1, 1]} : vector<2504x96xf32> to vector<2504x32xf32>
    %slice3A_59 = vector.extract_strided_slice %add3A_46 {offsets = [0, 32], sizes = [2504, 32], strides = [1, 1]} : vector<2504x96xf32> to vector<2504x32xf32>
    %add3A_60 = arith.addf %slice3A_58, %slice3A_59 : vector<2504x32xf32>
    %neg3A_61 = arith.constant 0.000000e+00 : f32
    %neg3A_62 = vector.broadcast %neg3A_61 : f32 to vector<2504x32xf32>
    %neg3A_63 = arith.subf %neg3A_62, %add3A_60 : vector<2504x32xf32>
    %exp3A_64 = math.exp %neg3A_63 : vector<2504x32xf32>
    %add3A_65 = arith.constant 1.000000e+00 : f32
    %add3A_66 = vector.broadcast %add3A_65 : f32 to vector<2504x32xf32>
    %add3A_67 = arith.addf %add3A_66, %exp3A_64 : vector<2504x32xf32>
    %div3A_68 = arith.constant 1.000000e+00 : f32
    %div3A_69 = vector.broadcast %div3A_68 : f32 to vector<2504x32xf32>
    %div3A_70 = arith.divf %div3A_69, %add3A_67 : vector<2504x32xf32>
    %slice3A_71 = vector.extract_strided_slice %add3A_36 {offsets = [0, 64], sizes = [2504, 32], strides = [1, 1]} : vector<2504x96xf32> to vector<2504x32xf32>
    %slice3A_72 = vector.extract_strided_slice %add3A_46 {offsets = [0, 64], sizes = [2504, 32], strides = [1, 1]} : vector<2504x96xf32> to vector<2504x32xf32>
    %mul3A = arith.mulf %div3A_57, %slice3A_72 : vector<2504x32xf32>
    %add3A_73 = arith.addf %slice3A_71, %mul3A : vector<2504x32xf32>
    %tanh3A = math.tanh %add3A_73 : vector<2504x32xf32>
    %sub3A = arith.constant 1.000000e+00 : f32
    %sub3A_74 = vector.broadcast %sub3A : f32 to vector<2504x32xf32>
    %sub3A_75 = arith.subf %sub3A_74, %div3A_70 : vector<2504x32xf32>
    %mul3A_76 = arith.mulf %sub3A_75, %tanh3A : vector<2504x32xf32>
    %mul3A_77 = arith.mulf %div3A_70, %get3A_1 : vector<2504x32xf32>
    %add3A_78 = arith.addf %mul3A_76, %mul3A_77 : vector<2504x32xf32>
    %swap3A = arith.constant 0 : index
    %swap3A_79 = arith.constant 0 : index
    %swap3A_80 = vector.load %arg10[%swap3A, %swap3A_79] : memref<2504x32xf32, #tpu.memory_space<vmem>>, vector<2504x32xf32>
    tpu.vector_store %arg10[%swap3A, %swap3A_79], %add3A_78 {strides = array<i32>} : memref<2504x32xf32, #tpu.memory_space<vmem>>, vector<2504x32xf32>,
    return
  }
  func.func @transform_0(%arg0: i32) -> (i32, i32) {
    %c0_i32 = arith.constant 0 : i32
    %c0_i32_0 = arith.constant 0 : i32
    return %arg0, %c0_i32 : i32, i32
  }
  func.func @transform_1(%arg0: i32) -> (i32, i32) {
    %c0_i32 = arith.constant 0 : i32
    %c0_i32_0 = arith.constant 0 : i32
    return %arg0, %c0_i32 : i32, i32
  }
  func.func @transform_2(%arg0: i32) -> (i32, i32) {
    %c0_i32 = arith.constant 0 : i32
    %c0_i32_0 = arith.constant 0 : i32
    return %arg0, %c0_i32 : i32, i32
  }
  func.func @transform_3(%arg0: i32) -> (i32, i32) {
    %c0_i32 = arith.constant 0 : i32
    %c0_i32_0 = arith.constant 0 : i32
    %c0_i32_1 = arith.constant 0 : i32
    return %c0_i32, %c0_i32_0 : i32, i32
  }
  func.func @transform_4(%arg0: i32) -> (i32, i32) {
    %c0_i32 = arith.constant 0 : i32
    %c0_i32_0 = arith.constant 0 : i32
    %c0_i32_1 = arith.constant 0 : i32
    return %c0_i32, %c0_i32_0 : i32, i32
  }
  func.func @transform_5(%arg0: i32) -> (i32, i32) {
    %c0_i32 = arith.constant 0 : i32
    %c0_i32_0 = arith.constant 0 : i32
    %c0_i32_1 = arith.constant 0 : i32
    return %c0_i32, %c0_i32_0 : i32, i32
  }
  func.func @transform_6(%arg0: i32) -> (i32, i32) {
    %c0_i32 = arith.constant 0 : i32
    %c0_i32_0 = arith.constant 0 : i32
    %c0_i32_1 = arith.constant 0 : i32
    return %c0_i32, %c0_i32_0 : i32, i32
  }
  func.func @transform_7(%arg0: i32) -> (i32, i32) {
    %c0_i32 = arith.constant 0 : i32
    %c0_i32_0 = arith.constant 0 : i32
    %c0_i32_1 = arith.constant 0 : i32
    return %c0_i32, %c0_i32_0 : i32, i32
  }
  func.func @transform_8(%arg0: i32) -> (i32, i32) {
    %c0_i32 = arith.constant 0 : i32
    %c0_i32_0 = arith.constant 0 : i32
    %c0_i32_1 = arith.constant 0 : i32
    return %c0_i32, %c0_i32_0 : i32, i32
  }
  func.func @transform_9(%arg0: i32) -> (i32, i32) {
    %c0_i32 = arith.constant 0 : i32
    %c0_i32_0 = arith.constant 0 : i32
    return %arg0, %c0_i32 : i32, i32
  }
}

module attributes {stable_mosaic.version = 14 : i64} {
  func.func @_s2s_body(%arg0: memref<10016x32xf32, #tpu.memory_space<vmem>>, %arg1: memref<10016x1xi32, #tpu.memory_space<vmem>>, %arg2: memref<1x10016xi32, #tpu.memory_space<vmem>>, %arg3: memref<64x128xf32, #tpu.memory_space<vmem>>, %arg4: memref<32x128xf32, #tpu.memory_space<vmem>>, %arg5: memref<1x128xf32, #tpu.memory_space<vmem>>, %arg6: memref<64x32xf32, #tpu.memory_space<vmem>>, %arg7: memref<1x32xf32, #tpu.memory_space<vmem>>, %arg8: memref<32x1xf32, #tpu.memory_space<vmem>>, %arg9: memref<1x1xf32, #tpu.memory_space<vmem>>, %arg10: memref<64x1xf32, #tpu.memory_space<vmem>>) attributes {dimension_semantics = [], scalar_prefetch = 0 : i64, scratch_operands = 0 : i64, tpu.core_type = #tpu.core_type<tc>} {
    %get3A = arith.constant 0 : index
    %get3A_0 = arith.constant 0 : index
    %get3A_1 = vector.load %arg0[%get3A, %get3A_0] : memref<10016x32xf32, #tpu.memory_space<vmem>>, vector<10016x32xf32>
    %get3A_2 = arith.constant 0 : index
    %get3A_3 = arith.constant 0 : index
    %get3A_4 = vector.load %arg1[%get3A_2, %get3A_3] : memref<10016x1xi32, #tpu.memory_space<vmem>>, vector<10016x1xi32>
    %get3A_5 = arith.constant 0 : index
    %get3A_6 = arith.constant 0 : index
    %get3A_7 = vector.load %arg2[%get3A_5, %get3A_6] : memref<1x10016xi32, #tpu.memory_space<vmem>>, vector<1x10016xi32>
    %iota3A = tpu.iota {dimensions = array<i32: 1>} : vector<1x64xi32>
    %iota3A_8 = tpu.iota {dimensions = array<i32: 0>} : vector<64x1xi32>
    %eq3A = vector.broadcast %get3A_4 : vector<10016x1xi32> to vector<10016x64xi32>
    %eq3A_9 = vector.broadcast %iota3A : vector<1x64xi32> to vector<10016x64xi32>
    %eq3A_10 = arith.cmpi eq, %eq3A, %eq3A_9 : vector<10016x64xi32>
    %convert_element_type3A = arith.extui %eq3A_10 : vector<10016x64xi1> to vector<10016x64xi32>
    %convert_element_type3A_11 = arith.sitofp %convert_element_type3A : vector<10016x64xi32> to vector<10016x64xf32>
    %eq3A_12 = vector.broadcast %get3A_7 : vector<1x10016xi32> to vector<64x10016xi32>
    %eq3A_13 = vector.broadcast %iota3A_8 : vector<64x1xi32> to vector<64x10016xi32>
    %eq3A_14 = arith.cmpi eq, %eq3A_12, %eq3A_13 : vector<64x10016xi32>
    %convert_element_type3A_15 = arith.extui %eq3A_14 : vector<64x10016xi1> to vector<64x10016xi32>
    %convert_element_type3A_16 = arith.sitofp %convert_element_type3A_15 : vector<64x10016xi32> to vector<64x10016xf32>
    %lt3A = arith.constant 64 : i32
    %lt3A_17 = vector.broadcast %lt3A : i32 to vector<10016x1xi32>
    %lt3A_18 = arith.cmpi slt, %get3A_4, %lt3A_17 : vector<10016x1xi32>
    %convert_element_type3A_19 = arith.extui %lt3A_18 : vector<10016x1xi1> to vector<10016x1xi32>
    %convert_element_type3A_20 = arith.sitofp %convert_element_type3A_19 : vector<10016x1xi32> to vector<10016x1xf32>
    %broadcast_in_dim3A = arith.constant 0.000000e+00 : f32
    %broadcast_in_dim3A_21 = vector.broadcast %broadcast_in_dim3A : f32 to vector<64x64xf32>
    %broadcast_in_dim3A_22 = arith.constant 0.000000e+00 : f32
    %broadcast_in_dim3A_23 = vector.broadcast %broadcast_in_dim3A_22 : f32 to vector<64x32xf32>
    %broadcast_in_dim3A_24 = arith.constant 0.000000e+00 : f32
    %broadcast_in_dim3A_25 = vector.broadcast %broadcast_in_dim3A_24 : f32 to vector<64x32xf32>
    %get3A_26 = arith.constant 0 : index
    %get3A_27 = arith.constant 0 : index
    %get3A_28 = vector.load %arg3[%get3A_26, %get3A_27] : memref<64x128xf32, #tpu.memory_space<vmem>>, vector<64x128xf32>
    %dot_general3A = arith.constant dense<0.000000e+00> : vector<64x128xf32>
    %dot_general3A_29 = tpu.matmul %broadcast_in_dim3A_21, %get3A_28, %dot_general3A {dimension_numbers = #tpu.dot_dimension_numbers<[1], [0], [0], [1], [0, 0, 1, 1], [], []>, transpose_lhs_hint = false} : vector<64x64xf32>, vector<64x128xf32>, vector<64x128xf32> -> vector<64x128xf32>
    %get3A_30 = arith.constant 0 : index
    %get3A_31 = arith.constant 0 : index
    %get3A_32 = vector.load %arg4[%get3A_30, %get3A_31] : memref<32x128xf32, #tpu.memory_space<vmem>>, vector<32x128xf32>
    %dot_general3A_33 = arith.constant dense<0.000000e+00> : vector<64x128xf32>
    %dot_general3A_34 = tpu.matmul %broadcast_in_dim3A_23, %get3A_32, %dot_general3A_33 {dimension_numbers = #tpu.dot_dimension_numbers<[1], [0], [0], [1], [0, 0, 1, 1], [], []>, transpose_lhs_hint = false} : vector<64x32xf32>, vector<32x128xf32>, vector<64x128xf32> -> vector<64x128xf32>
    %add3A = arith.addf %dot_general3A_29, %dot_general3A_34 : vector<64x128xf32>
    %get3A_35 = arith.constant 0 : index
    %get3A_36 = arith.constant 0 : index
    %get3A_37 = vector.load %arg5[%get3A_35, %get3A_36] : memref<1x128xf32, #tpu.memory_space<vmem>>, vector<1x128xf32>
    %add3A_38 = vector.broadcast %get3A_37 : vector<1x128xf32> to vector<64x128xf32>
    %add3A_39 = arith.addf %add3A, %add3A_38 : vector<64x128xf32>
    %slice3A = vector.extract_strided_slice %add3A_39 {offsets = [0, 0], sizes = [64, 32], strides = [1, 1]} : vector<64x128xf32> to vector<64x32xf32>
    %neg3A = arith.constant 0.000000e+00 : f32
    %neg3A_40 = vector.broadcast %neg3A : f32 to vector<64x32xf32>
    %neg3A_41 = arith.subf %neg3A_40, %slice3A : vector<64x32xf32>
    %exp3A = math.exp %neg3A_41 : vector<64x32xf32>
    %add3A_42 = arith.constant 1.000000e+00 : f32
    %add3A_43 = vector.broadcast %add3A_42 : f32 to vector<64x32xf32>
    %add3A_44 = arith.addf %add3A_43, %exp3A : vector<64x32xf32>
    %div3A = arith.constant 1.000000e+00 : f32
    %div3A_45 = vector.broadcast %div3A : f32 to vector<64x32xf32>
    %div3A_46 = arith.divf %div3A_45, %add3A_44 : vector<64x32xf32>
    %slice3A_47 = vector.extract_strided_slice %add3A_39 {offsets = [0, 32], sizes = [64, 32], strides = [1, 1]} : vector<64x128xf32> to vector<64x32xf32>
    %neg3A_48 = arith.constant 0.000000e+00 : f32
    %neg3A_49 = vector.broadcast %neg3A_48 : f32 to vector<64x32xf32>
    %neg3A_50 = arith.subf %neg3A_49, %slice3A_47 : vector<64x32xf32>
    %exp3A_51 = math.exp %neg3A_50 : vector<64x32xf32>
    %add3A_52 = arith.constant 1.000000e+00 : f32
    %add3A_53 = vector.broadcast %add3A_52 : f32 to vector<64x32xf32>
    %add3A_54 = arith.addf %add3A_53, %exp3A_51 : vector<64x32xf32>
    %div3A_55 = arith.constant 1.000000e+00 : f32
    %div3A_56 = vector.broadcast %div3A_55 : f32 to vector<64x32xf32>
    %div3A_57 = arith.divf %div3A_56, %add3A_54 : vector<64x32xf32>
    %slice3A_58 = vector.extract_strided_slice %add3A_39 {offsets = [0, 64], sizes = [64, 32], strides = [1, 1]} : vector<64x128xf32> to vector<64x32xf32>
    %tanh3A = math.tanh %slice3A_58 : vector<64x32xf32>
    %slice3A_59 = vector.extract_strided_slice %add3A_39 {offsets = [0, 96], sizes = [64, 32], strides = [1, 1]} : vector<64x128xf32> to vector<64x32xf32>
    %neg3A_60 = arith.constant 0.000000e+00 : f32
    %neg3A_61 = vector.broadcast %neg3A_60 : f32 to vector<64x32xf32>
    %neg3A_62 = arith.subf %neg3A_61, %slice3A_59 : vector<64x32xf32>
    %exp3A_63 = math.exp %neg3A_62 : vector<64x32xf32>
    %add3A_64 = arith.constant 1.000000e+00 : f32
    %add3A_65 = vector.broadcast %add3A_64 : f32 to vector<64x32xf32>
    %add3A_66 = arith.addf %add3A_65, %exp3A_63 : vector<64x32xf32>
    %div3A_67 = arith.constant 1.000000e+00 : f32
    %div3A_68 = vector.broadcast %div3A_67 : f32 to vector<64x32xf32>
    %div3A_69 = arith.divf %div3A_68, %add3A_66 : vector<64x32xf32>
    %mul3A = arith.mulf %div3A_57, %broadcast_in_dim3A_25 : vector<64x32xf32>
    %mul3A_70 = arith.mulf %div3A_46, %tanh3A : vector<64x32xf32>
    %add3A_71 = arith.addf %mul3A, %mul3A_70 : vector<64x32xf32>
    %tanh3A_72 = math.tanh %add3A_71 : vector<64x32xf32>
    %mul3A_73 = arith.mulf %div3A_69, %tanh3A_72 : vector<64x32xf32>
    %dot_general3A_74 = arith.constant dense<0.000000e+00> : vector<10016x32xf32>
    %dot_general3A_75 = tpu.matmul %convert_element_type3A_11, %mul3A_73, %dot_general3A_74 {dimension_numbers = #tpu.dot_dimension_numbers<[1], [0], [0], [1], [0, 0, 1, 1], [], []>, transpose_lhs_hint = false} : vector<10016x64xf32>, vector<64x32xf32>, vector<10016x32xf32> -> vector<10016x32xf32>
    %mul3A_76 = arith.mulf %get3A_1, %dot_general3A_75 : vector<10016x32xf32>
    %reduce_sum3A = arith.constant dense<0.000000e+00> : vector<10016xf32>
    %reduce_sum3A_77 = vector.multi_reduction <add>, %mul3A_76, %reduce_sum3A [1] : vector<10016x32xf32> to vector<10016xf32>
    %broadcast_in_dim3A_78 = vector.shape_cast %reduce_sum3A_77 : vector<10016xf32> to vector<10016x1xf32>
    %jit3A = arith.constant -1.000000e+30 : f32
    %broadcast_in_dim3A_79 = vector.shape_cast %broadcast_in_dim3A_78 : vector<10016x1xf32> to vector<10016x1xf32>
    %broadcast_in_dim3A_80 = vector.broadcast %broadcast_in_dim3A_79 : vector<10016x1xf32> to vector<10016x64xf32>
    %broadcast_in_dim3A_81 = vector.broadcast %jit3A : f32 to vector<10016x64xf32>
    %select_n3A = arith.select %eq3A_10, %broadcast_in_dim3A_80, %broadcast_in_dim3A_81 : vector<10016x64xi1>, vector<10016x64xf32>
    %reduce_max3A = arith.constant dense<0xFF800000> : vector<64xf32>
    %reduce_max3A_82 = vector.multi_reduction <maximumf>, %select_n3A, %reduce_max3A [0] : vector<10016x64xf32> to vector<64xf32>
    %broadcast_in_dim3A_83 = vector.shape_cast %reduce_max3A_82 : vector<64xf32> to vector<1x64xf32>
    %lt3A_84 = arith.constant -1.000000e+29 : f32
    %lt3A_85 = vector.broadcast %lt3A_84 : f32 to vector<1x64xf32>
    %lt3A_86 = arith.cmpf olt, %broadcast_in_dim3A_83, %lt3A_85 : vector<1x64xf32>
    %jit3A_87 = arith.constant 0.000000e+00 : f32
    %broadcast_in_dim3A_88 = vector.broadcast %jit3A_87 : f32 to vector<1x64xf32>
    %select_n3A_89 = arith.select %lt3A_86, %broadcast_in_dim3A_88, %broadcast_in_dim3A_83 : vector<1x64xi1>, vector<1x64xf32>
    %mul3A_90 = vector.broadcast %select_n3A_89 : vector<1x64xf32> to vector<10016x64xf32>
    %mul3A_91 = arith.mulf %convert_element_type3A_11, %mul3A_90 : vector<10016x64xf32>
    %reduce_sum3A_92 = arith.constant dense<0.000000e+00> : vector<10016xf32>
    %reduce_sum3A_93 = vector.multi_reduction <add>, %mul3A_91, %reduce_sum3A_92 [1] : vector<10016x64xf32> to vector<10016xf32>
    %broadcast_in_dim3A_94 = vector.shape_cast %reduce_sum3A_93 : vector<10016xf32> to vector<10016x1xf32>
    %sub3A = arith.subf %broadcast_in_dim3A_78, %broadcast_in_dim3A_94 : vector<10016x1xf32>
    %exp3A_95 = math.exp %sub3A : vector<10016x1xf32>
    %mul3A_96 = arith.mulf %exp3A_95, %convert_element_type3A_20 : vector<10016x1xf32>
    %mul3A_97 = vector.broadcast %mul3A_96 : vector<10016x1xf32> to vector<10016x64xf32>
    %mul3A_98 = arith.mulf %convert_element_type3A_11, %mul3A_97 : vector<10016x64xf32>
    %reduce_sum3A_99 = arith.constant dense<0.000000e+00> : vector<64xf32>
    %reduce_sum3A_100 = vector.multi_reduction <add>, %mul3A_98, %reduce_sum3A_99 [0] : vector<10016x64xf32> to vector<64xf32>
    %broadcast_in_dim3A_101 = vector.shape_cast %reduce_sum3A_100 : vector<64xf32> to vector<1x64xf32>
    %mul3A_102 = vector.broadcast %broadcast_in_dim3A_101 : vector<1x64xf32> to vector<10016x64xf32>
    %mul3A_103 = arith.mulf %convert_element_type3A_11, %mul3A_102 : vector<10016x64xf32>
    %reduce_sum3A_104 = arith.constant dense<0.000000e+00> : vector<10016xf32>
    %reduce_sum3A_105 = vector.multi_reduction <add>, %mul3A_103, %reduce_sum3A_104 [1] : vector<10016x64xf32> to vector<10016xf32>
    %broadcast_in_dim3A_106 = vector.shape_cast %reduce_sum3A_105 : vector<10016xf32> to vector<10016x1xf32>
    %add3A_107 = arith.constant 1.000000e-16 : f32
    %add3A_108 = vector.broadcast %add3A_107 : f32 to vector<10016x1xf32>
    %add3A_109 = arith.addf %broadcast_in_dim3A_106, %add3A_108 : vector<10016x1xf32>
    %div3A_110 = arith.divf %mul3A_96, %add3A_109 : vector<10016x1xf32>
    %mul3A_111 = vector.broadcast %div3A_110 : vector<10016x1xf32> to vector<10016x32xf32>
    %mul3A_112 = arith.mulf %mul3A_111, %get3A_1 : vector<10016x32xf32>
    %dot_general3A_113 = arith.constant dense<0.000000e+00> : vector<64x32xf32>
    %dot_general3A_114 = tpu.matmul %convert_element_type3A_16, %mul3A_112, %dot_general3A_113 {dimension_numbers = #tpu.dot_dimension_numbers<[1], [0], [0], [1], [0, 0, 1, 1], [], []>, transpose_lhs_hint = false} : vector<64x10016xf32>, vector<10016x32xf32>, vector<64x32xf32> -> vector<64x32xf32>
    %concatenate3A = tpu.concatenate %mul3A_73, %dot_general3A_114 in 1 : vector<64x32xf32>, vector<64x32xf32> -> vector<64x64xf32>
    %get3A_115 = arith.constant 0 : index
    %get3A_116 = arith.constant 0 : index
    %get3A_117 = vector.load %arg3[%get3A_115, %get3A_116] : memref<64x128xf32, #tpu.memory_space<vmem>>, vector<64x128xf32>
    %dot_general3A_118 = arith.constant dense<0.000000e+00> : vector<64x128xf32>
    %dot_general3A_119 = tpu.matmul %concatenate3A, %get3A_117, %dot_general3A_118 {dimension_numbers = #tpu.dot_dimension_numbers<[1], [0], [0], [1], [0, 0, 1, 1], [], []>, transpose_lhs_hint = false} : vector<64x64xf32>, vector<64x128xf32>, vector<64x128xf32> -> vector<64x128xf32>
    %get3A_120 = arith.constant 0 : index
    %get3A_121 = arith.constant 0 : index
    %get3A_122 = vector.load %arg4[%get3A_120, %get3A_121] : memref<32x128xf32, #tpu.memory_space<vmem>>, vector<32x128xf32>
    %dot_general3A_123 = arith.constant dense<0.000000e+00> : vector<64x128xf32>
    %dot_general3A_124 = tpu.matmul %mul3A_73, %get3A_122, %dot_general3A_123 {dimension_numbers = #tpu.dot_dimension_numbers<[1], [0], [0], [1], [0, 0, 1, 1], [], []>, transpose_lhs_hint = false} : vector<64x32xf32>, vector<32x128xf32>, vector<64x128xf32> -> vector<64x128xf32>
    %add3A_125 = arith.addf %dot_general3A_119, %dot_general3A_124 : vector<64x128xf32>
    %get3A_126 = arith.constant 0 : index
    %get3A_127 = arith.constant 0 : index
    %get3A_128 = vector.load %arg5[%get3A_126, %get3A_127] : memref<1x128xf32, #tpu.memory_space<vmem>>, vector<1x128xf32>
    %add3A_129 = vector.broadcast %get3A_128 : vector<1x128xf32> to vector<64x128xf32>
    %add3A_130 = arith.addf %add3A_125, %add3A_129 : vector<64x128xf32>
    %slice3A_131 = vector.extract_strided_slice %add3A_130 {offsets = [0, 0], sizes = [64, 32], strides = [1, 1]} : vector<64x128xf32> to vector<64x32xf32>
    %neg3A_132 = arith.constant 0.000000e+00 : f32
    %neg3A_133 = vector.broadcast %neg3A_132 : f32 to vector<64x32xf32>
    %neg3A_134 = arith.subf %neg3A_133, %slice3A_131 : vector<64x32xf32>
    %exp3A_135 = math.exp %neg3A_134 : vector<64x32xf32>
    %add3A_136 = arith.constant 1.000000e+00 : f32
    %add3A_137 = vector.broadcast %add3A_136 : f32 to vector<64x32xf32>
    %add3A_138 = arith.addf %add3A_137, %exp3A_135 : vector<64x32xf32>
    %div3A_139 = arith.constant 1.000000e+00 : f32
    %div3A_140 = vector.broadcast %div3A_139 : f32 to vector<64x32xf32>
    %div3A_141 = arith.divf %div3A_140, %add3A_138 : vector<64x32xf32>
    %slice3A_142 = vector.extract_strided_slice %add3A_130 {offsets = [0, 32], sizes = [64, 32], strides = [1, 1]} : vector<64x128xf32> to vector<64x32xf32>
    %neg3A_143 = arith.constant 0.000000e+00 : f32
    %neg3A_144 = vector.broadcast %neg3A_143 : f32 to vector<64x32xf32>
    %neg3A_145 = arith.subf %neg3A_144, %slice3A_142 : vector<64x32xf32>
    %exp3A_146 = math.exp %neg3A_145 : vector<64x32xf32>
    %add3A_147 = arith.constant 1.000000e+00 : f32
    %add3A_148 = vector.broadcast %add3A_147 : f32 to vector<64x32xf32>
    %add3A_149 = arith.addf %add3A_148, %exp3A_146 : vector<64x32xf32>
    %div3A_150 = arith.constant 1.000000e+00 : f32
    %div3A_151 = vector.broadcast %div3A_150 : f32 to vector<64x32xf32>
    %div3A_152 = arith.divf %div3A_151, %add3A_149 : vector<64x32xf32>
    %slice3A_153 = vector.extract_strided_slice %add3A_130 {offsets = [0, 64], sizes = [64, 32], strides = [1, 1]} : vector<64x128xf32> to vector<64x32xf32>
    %tanh3A_154 = math.tanh %slice3A_153 : vector<64x32xf32>
    %slice3A_155 = vector.extract_strided_slice %add3A_130 {offsets = [0, 96], sizes = [64, 32], strides = [1, 1]} : vector<64x128xf32> to vector<64x32xf32>
    %neg3A_156 = arith.constant 0.000000e+00 : f32
    %neg3A_157 = vector.broadcast %neg3A_156 : f32 to vector<64x32xf32>
    %neg3A_158 = arith.subf %neg3A_157, %slice3A_155 : vector<64x32xf32>
    %exp3A_159 = math.exp %neg3A_158 : vector<64x32xf32>
    %add3A_160 = arith.constant 1.000000e+00 : f32
    %add3A_161 = vector.broadcast %add3A_160 : f32 to vector<64x32xf32>
    %add3A_162 = arith.addf %add3A_161, %exp3A_159 : vector<64x32xf32>
    %div3A_163 = arith.constant 1.000000e+00 : f32
    %div3A_164 = vector.broadcast %div3A_163 : f32 to vector<64x32xf32>
    %div3A_165 = arith.divf %div3A_164, %add3A_162 : vector<64x32xf32>
    %mul3A_166 = arith.mulf %div3A_152, %add3A_71 : vector<64x32xf32>
    %mul3A_167 = arith.mulf %div3A_141, %tanh3A_154 : vector<64x32xf32>
    %add3A_168 = arith.addf %mul3A_166, %mul3A_167 : vector<64x32xf32>
    %tanh3A_169 = math.tanh %add3A_168 : vector<64x32xf32>
    %mul3A_170 = arith.mulf %div3A_165, %tanh3A_169 : vector<64x32xf32>
    %dot_general3A_171 = arith.constant dense<0.000000e+00> : vector<10016x32xf32>
    %dot_general3A_172 = tpu.matmul %convert_element_type3A_11, %mul3A_170, %dot_general3A_171 {dimension_numbers = #tpu.dot_dimension_numbers<[1], [0], [0], [1], [0, 0, 1, 1], [], []>, transpose_lhs_hint = false} : vector<10016x64xf32>, vector<64x32xf32>, vector<10016x32xf32> -> vector<10016x32xf32>
    %mul3A_173 = arith.mulf %get3A_1, %dot_general3A_172 : vector<10016x32xf32>
    %reduce_sum3A_174 = arith.constant dense<0.000000e+00> : vector<10016xf32>
    %reduce_sum3A_175 = vector.multi_reduction <add>, %mul3A_173, %reduce_sum3A_174 [1] : vector<10016x32xf32> to vector<10016xf32>
    %broadcast_in_dim3A_176 = vector.shape_cast %reduce_sum3A_175 : vector<10016xf32> to vector<10016x1xf32>
    %jit3A_177 = arith.constant -1.000000e+30 : f32
    %broadcast_in_dim3A_178 = vector.shape_cast %broadcast_in_dim3A_176 : vector<10016x1xf32> to vector<10016x1xf32>
    %broadcast_in_dim3A_179 = vector.broadcast %broadcast_in_dim3A_178 : vector<10016x1xf32> to vector<10016x64xf32>
    %broadcast_in_dim3A_180 = vector.broadcast %jit3A_177 : f32 to vector<10016x64xf32>
    %select_n3A_181 = arith.select %eq3A_10, %broadcast_in_dim3A_179, %broadcast_in_dim3A_180 : vector<10016x64xi1>, vector<10016x64xf32>
    %reduce_max3A_182 = arith.constant dense<0xFF800000> : vector<64xf32>
    %reduce_max3A_183 = vector.multi_reduction <maximumf>, %select_n3A_181, %reduce_max3A_182 [0] : vector<10016x64xf32> to vector<64xf32>
    %broadcast_in_dim3A_184 = vector.shape_cast %reduce_max3A_183 : vector<64xf32> to vector<1x64xf32>
    %lt3A_185 = arith.constant -1.000000e+29 : f32
    %lt3A_186 = vector.broadcast %lt3A_185 : f32 to vector<1x64xf32>
    %lt3A_187 = arith.cmpf olt, %broadcast_in_dim3A_184, %lt3A_186 : vector<1x64xf32>
    %jit3A_188 = arith.constant 0.000000e+00 : f32
    %broadcast_in_dim3A_189 = vector.broadcast %jit3A_188 : f32 to vector<1x64xf32>
    %select_n3A_190 = arith.select %lt3A_187, %broadcast_in_dim3A_189, %broadcast_in_dim3A_184 : vector<1x64xi1>, vector<1x64xf32>
    %mul3A_191 = vector.broadcast %select_n3A_190 : vector<1x64xf32> to vector<10016x64xf32>
    %mul3A_192 = arith.mulf %convert_element_type3A_11, %mul3A_191 : vector<10016x64xf32>
    %reduce_sum3A_193 = arith.constant dense<0.000000e+00> : vector<10016xf32>
    %reduce_sum3A_194 = vector.multi_reduction <add>, %mul3A_192, %reduce_sum3A_193 [1] : vector<10016x64xf32> to vector<10016xf32>
    %broadcast_in_dim3A_195 = vector.shape_cast %reduce_sum3A_194 : vector<10016xf32> to vector<10016x1xf32>
    %sub3A_196 = arith.subf %broadcast_in_dim3A_176, %broadcast_in_dim3A_195 : vector<10016x1xf32>
    %exp3A_197 = math.exp %sub3A_196 : vector<10016x1xf32>
    %mul3A_198 = arith.mulf %exp3A_197, %convert_element_type3A_20 : vector<10016x1xf32>
    %mul3A_199 = vector.broadcast %mul3A_198 : vector<10016x1xf32> to vector<10016x64xf32>
    %mul3A_200 = arith.mulf %convert_element_type3A_11, %mul3A_199 : vector<10016x64xf32>
    %reduce_sum3A_201 = arith.constant dense<0.000000e+00> : vector<64xf32>
    %reduce_sum3A_202 = vector.multi_reduction <add>, %mul3A_200, %reduce_sum3A_201 [0] : vector<10016x64xf32> to vector<64xf32>
    %broadcast_in_dim3A_203 = vector.shape_cast %reduce_sum3A_202 : vector<64xf32> to vector<1x64xf32>
    %mul3A_204 = vector.broadcast %broadcast_in_dim3A_203 : vector<1x64xf32> to vector<10016x64xf32>
    %mul3A_205 = arith.mulf %convert_element_type3A_11, %mul3A_204 : vector<10016x64xf32>
    %reduce_sum3A_206 = arith.constant dense<0.000000e+00> : vector<10016xf32>
    %reduce_sum3A_207 = vector.multi_reduction <add>, %mul3A_205, %reduce_sum3A_206 [1] : vector<10016x64xf32> to vector<10016xf32>
    %broadcast_in_dim3A_208 = vector.shape_cast %reduce_sum3A_207 : vector<10016xf32> to vector<10016x1xf32>
    %add3A_209 = arith.constant 1.000000e-16 : f32
    %add3A_210 = vector.broadcast %add3A_209 : f32 to vector<10016x1xf32>
    %add3A_211 = arith.addf %broadcast_in_dim3A_208, %add3A_210 : vector<10016x1xf32>
    %div3A_212 = arith.divf %mul3A_198, %add3A_211 : vector<10016x1xf32>
    %mul3A_213 = vector.broadcast %div3A_212 : vector<10016x1xf32> to vector<10016x32xf32>
    %mul3A_214 = arith.mulf %mul3A_213, %get3A_1 : vector<10016x32xf32>
    %dot_general3A_215 = arith.constant dense<0.000000e+00> : vector<64x32xf32>
    %dot_general3A_216 = tpu.matmul %convert_element_type3A_16, %mul3A_214, %dot_general3A_215 {dimension_numbers = #tpu.dot_dimension_numbers<[1], [0], [0], [1], [0, 0, 1, 1], [], []>, transpose_lhs_hint = false} : vector<64x10016xf32>, vector<10016x32xf32>, vector<64x32xf32> -> vector<64x32xf32>
    %concatenate3A_217 = tpu.concatenate %mul3A_170, %dot_general3A_216 in 1 : vector<64x32xf32>, vector<64x32xf32> -> vector<64x64xf32>
    %get3A_218 = arith.constant 0 : index
    %get3A_219 = arith.constant 0 : index
    %get3A_220 = vector.load %arg3[%get3A_218, %get3A_219] : memref<64x128xf32, #tpu.memory_space<vmem>>, vector<64x128xf32>
    %dot_general3A_221 = arith.constant dense<0.000000e+00> : vector<64x128xf32>
    %dot_general3A_222 = tpu.matmul %concatenate3A_217, %get3A_220, %dot_general3A_221 {dimension_numbers = #tpu.dot_dimension_numbers<[1], [0], [0], [1], [0, 0, 1, 1], [], []>, transpose_lhs_hint = false} : vector<64x64xf32>, vector<64x128xf32>, vector<64x128xf32> -> vector<64x128xf32>
    %get3A_223 = arith.constant 0 : index
    %get3A_224 = arith.constant 0 : index
    %get3A_225 = vector.load %arg4[%get3A_223, %get3A_224] : memref<32x128xf32, #tpu.memory_space<vmem>>, vector<32x128xf32>
    %dot_general3A_226 = arith.constant dense<0.000000e+00> : vector<64x128xf32>
    %dot_general3A_227 = tpu.matmul %mul3A_170, %get3A_225, %dot_general3A_226 {dimension_numbers = #tpu.dot_dimension_numbers<[1], [0], [0], [1], [0, 0, 1, 1], [], []>, transpose_lhs_hint = false} : vector<64x32xf32>, vector<32x128xf32>, vector<64x128xf32> -> vector<64x128xf32>
    %add3A_228 = arith.addf %dot_general3A_222, %dot_general3A_227 : vector<64x128xf32>
    %get3A_229 = arith.constant 0 : index
    %get3A_230 = arith.constant 0 : index
    %get3A_231 = vector.load %arg5[%get3A_229, %get3A_230] : memref<1x128xf32, #tpu.memory_space<vmem>>, vector<1x128xf32>
    %add3A_232 = vector.broadcast %get3A_231 : vector<1x128xf32> to vector<64x128xf32>
    %add3A_233 = arith.addf %add3A_228, %add3A_232 : vector<64x128xf32>
    %slice3A_234 = vector.extract_strided_slice %add3A_233 {offsets = [0, 0], sizes = [64, 32], strides = [1, 1]} : vector<64x128xf32> to vector<64x32xf32>
    %neg3A_235 = arith.constant 0.000000e+00 : f32
    %neg3A_236 = vector.broadcast %neg3A_235 : f32 to vector<64x32xf32>
    %neg3A_237 = arith.subf %neg3A_236, %slice3A_234 : vector<64x32xf32>
    %exp3A_238 = math.exp %neg3A_237 : vector<64x32xf32>
    %add3A_239 = arith.constant 1.000000e+00 : f32
    %add3A_240 = vector.broadcast %add3A_239 : f32 to vector<64x32xf32>
    %add3A_241 = arith.addf %add3A_240, %exp3A_238 : vector<64x32xf32>
    %div3A_242 = arith.constant 1.000000e+00 : f32
    %div3A_243 = vector.broadcast %div3A_242 : f32 to vector<64x32xf32>
    %div3A_244 = arith.divf %div3A_243, %add3A_241 : vector<64x32xf32>
    %slice3A_245 = vector.extract_strided_slice %add3A_233 {offsets = [0, 32], sizes = [64, 32], strides = [1, 1]} : vector<64x128xf32> to vector<64x32xf32>
    %neg3A_246 = arith.constant 0.000000e+00 : f32
    %neg3A_247 = vector.broadcast %neg3A_246 : f32 to vector<64x32xf32>
    %neg3A_248 = arith.subf %neg3A_247, %slice3A_245 : vector<64x32xf32>
    %exp3A_249 = math.exp %neg3A_248 : vector<64x32xf32>
    %add3A_250 = arith.constant 1.000000e+00 : f32
    %add3A_251 = vector.broadcast %add3A_250 : f32 to vector<64x32xf32>
    %add3A_252 = arith.addf %add3A_251, %exp3A_249 : vector<64x32xf32>
    %div3A_253 = arith.constant 1.000000e+00 : f32
    %div3A_254 = vector.broadcast %div3A_253 : f32 to vector<64x32xf32>
    %div3A_255 = arith.divf %div3A_254, %add3A_252 : vector<64x32xf32>
    %slice3A_256 = vector.extract_strided_slice %add3A_233 {offsets = [0, 64], sizes = [64, 32], strides = [1, 1]} : vector<64x128xf32> to vector<64x32xf32>
    %tanh3A_257 = math.tanh %slice3A_256 : vector<64x32xf32>
    %slice3A_258 = vector.extract_strided_slice %add3A_233 {offsets = [0, 96], sizes = [64, 32], strides = [1, 1]} : vector<64x128xf32> to vector<64x32xf32>
    %neg3A_259 = arith.constant 0.000000e+00 : f32
    %neg3A_260 = vector.broadcast %neg3A_259 : f32 to vector<64x32xf32>
    %neg3A_261 = arith.subf %neg3A_260, %slice3A_258 : vector<64x32xf32>
    %exp3A_262 = math.exp %neg3A_261 : vector<64x32xf32>
    %add3A_263 = arith.constant 1.000000e+00 : f32
    %add3A_264 = vector.broadcast %add3A_263 : f32 to vector<64x32xf32>
    %add3A_265 = arith.addf %add3A_264, %exp3A_262 : vector<64x32xf32>
    %div3A_266 = arith.constant 1.000000e+00 : f32
    %div3A_267 = vector.broadcast %div3A_266 : f32 to vector<64x32xf32>
    %div3A_268 = arith.divf %div3A_267, %add3A_265 : vector<64x32xf32>
    %mul3A_269 = arith.mulf %div3A_255, %add3A_168 : vector<64x32xf32>
    %mul3A_270 = arith.mulf %div3A_244, %tanh3A_257 : vector<64x32xf32>
    %add3A_271 = arith.addf %mul3A_269, %mul3A_270 : vector<64x32xf32>
    %tanh3A_272 = math.tanh %add3A_271 : vector<64x32xf32>
    %mul3A_273 = arith.mulf %div3A_268, %tanh3A_272 : vector<64x32xf32>
    %dot_general3A_274 = arith.constant dense<0.000000e+00> : vector<10016x32xf32>
    %dot_general3A_275 = tpu.matmul %convert_element_type3A_11, %mul3A_273, %dot_general3A_274 {dimension_numbers = #tpu.dot_dimension_numbers<[1], [0], [0], [1], [0, 0, 1, 1], [], []>, transpose_lhs_hint = false} : vector<10016x64xf32>, vector<64x32xf32>, vector<10016x32xf32> -> vector<10016x32xf32>
    %mul3A_276 = arith.mulf %get3A_1, %dot_general3A_275 : vector<10016x32xf32>
    %reduce_sum3A_277 = arith.constant dense<0.000000e+00> : vector<10016xf32>
    %reduce_sum3A_278 = vector.multi_reduction <add>, %mul3A_276, %reduce_sum3A_277 [1] : vector<10016x32xf32> to vector<10016xf32>
    %broadcast_in_dim3A_279 = vector.shape_cast %reduce_sum3A_278 : vector<10016xf32> to vector<10016x1xf32>
    %jit3A_280 = arith.constant -1.000000e+30 : f32
    %broadcast_in_dim3A_281 = vector.shape_cast %broadcast_in_dim3A_279 : vector<10016x1xf32> to vector<10016x1xf32>
    %broadcast_in_dim3A_282 = vector.broadcast %broadcast_in_dim3A_281 : vector<10016x1xf32> to vector<10016x64xf32>
    %broadcast_in_dim3A_283 = vector.broadcast %jit3A_280 : f32 to vector<10016x64xf32>
    %select_n3A_284 = arith.select %eq3A_10, %broadcast_in_dim3A_282, %broadcast_in_dim3A_283 : vector<10016x64xi1>, vector<10016x64xf32>
    %reduce_max3A_285 = arith.constant dense<0xFF800000> : vector<64xf32>
    %reduce_max3A_286 = vector.multi_reduction <maximumf>, %select_n3A_284, %reduce_max3A_285 [0] : vector<10016x64xf32> to vector<64xf32>
    %broadcast_in_dim3A_287 = vector.shape_cast %reduce_max3A_286 : vector<64xf32> to vector<1x64xf32>
    %lt3A_288 = arith.constant -1.000000e+29 : f32
    %lt3A_289 = vector.broadcast %lt3A_288 : f32 to vector<1x64xf32>
    %lt3A_290 = arith.cmpf olt, %broadcast_in_dim3A_287, %lt3A_289 : vector<1x64xf32>
    %jit3A_291 = arith.constant 0.000000e+00 : f32
    %broadcast_in_dim3A_292 = vector.broadcast %jit3A_291 : f32 to vector<1x64xf32>
    %select_n3A_293 = arith.select %lt3A_290, %broadcast_in_dim3A_292, %broadcast_in_dim3A_287 : vector<1x64xi1>, vector<1x64xf32>
    %mul3A_294 = vector.broadcast %select_n3A_293 : vector<1x64xf32> to vector<10016x64xf32>
    %mul3A_295 = arith.mulf %convert_element_type3A_11, %mul3A_294 : vector<10016x64xf32>
    %reduce_sum3A_296 = arith.constant dense<0.000000e+00> : vector<10016xf32>
    %reduce_sum3A_297 = vector.multi_reduction <add>, %mul3A_295, %reduce_sum3A_296 [1] : vector<10016x64xf32> to vector<10016xf32>
    %broadcast_in_dim3A_298 = vector.shape_cast %reduce_sum3A_297 : vector<10016xf32> to vector<10016x1xf32>
    %sub3A_299 = arith.subf %broadcast_in_dim3A_279, %broadcast_in_dim3A_298 : vector<10016x1xf32>
    %exp3A_300 = math.exp %sub3A_299 : vector<10016x1xf32>
    %mul3A_301 = arith.mulf %exp3A_300, %convert_element_type3A_20 : vector<10016x1xf32>
    %mul3A_302 = vector.broadcast %mul3A_301 : vector<10016x1xf32> to vector<10016x64xf32>
    %mul3A_303 = arith.mulf %convert_element_type3A_11, %mul3A_302 : vector<10016x64xf32>
    %reduce_sum3A_304 = arith.constant dense<0.000000e+00> : vector<64xf32>
    %reduce_sum3A_305 = vector.multi_reduction <add>, %mul3A_303, %reduce_sum3A_304 [0] : vector<10016x64xf32> to vector<64xf32>
    %broadcast_in_dim3A_306 = vector.shape_cast %reduce_sum3A_305 : vector<64xf32> to vector<1x64xf32>
    %mul3A_307 = vector.broadcast %broadcast_in_dim3A_306 : vector<1x64xf32> to vector<10016x64xf32>
    %mul3A_308 = arith.mulf %convert_element_type3A_11, %mul3A_307 : vector<10016x64xf32>
    %reduce_sum3A_309 = arith.constant dense<0.000000e+00> : vector<10016xf32>
    %reduce_sum3A_310 = vector.multi_reduction <add>, %mul3A_308, %reduce_sum3A_309 [1] : vector<10016x64xf32> to vector<10016xf32>
    %broadcast_in_dim3A_311 = vector.shape_cast %reduce_sum3A_310 : vector<10016xf32> to vector<10016x1xf32>
    %add3A_312 = arith.constant 1.000000e-16 : f32
    %add3A_313 = vector.broadcast %add3A_312 : f32 to vector<10016x1xf32>
    %add3A_314 = arith.addf %broadcast_in_dim3A_311, %add3A_313 : vector<10016x1xf32>
    %div3A_315 = arith.divf %mul3A_301, %add3A_314 : vector<10016x1xf32>
    %mul3A_316 = vector.broadcast %div3A_315 : vector<10016x1xf32> to vector<10016x32xf32>
    %mul3A_317 = arith.mulf %mul3A_316, %get3A_1 : vector<10016x32xf32>
    %dot_general3A_318 = arith.constant dense<0.000000e+00> : vector<64x32xf32>
    %dot_general3A_319 = tpu.matmul %convert_element_type3A_16, %mul3A_317, %dot_general3A_318 {dimension_numbers = #tpu.dot_dimension_numbers<[1], [0], [0], [1], [0, 0, 1, 1], [], []>, transpose_lhs_hint = false} : vector<64x10016xf32>, vector<10016x32xf32>, vector<64x32xf32> -> vector<64x32xf32>
    %concatenate3A_320 = tpu.concatenate %mul3A_273, %dot_general3A_319 in 1 : vector<64x32xf32>, vector<64x32xf32> -> vector<64x64xf32>
    %get3A_321 = arith.constant 0 : index
    %get3A_322 = arith.constant 0 : index
    %get3A_323 = vector.load %arg6[%get3A_321, %get3A_322] : memref<64x32xf32, #tpu.memory_space<vmem>>, vector<64x32xf32>
    %dot_general3A_324 = arith.constant dense<0.000000e+00> : vector<64x32xf32>
    %dot_general3A_325 = tpu.matmul %concatenate3A_320, %get3A_323, %dot_general3A_324 {dimension_numbers = #tpu.dot_dimension_numbers<[1], [0], [0], [1], [0, 0, 1, 1], [], []>, transpose_lhs_hint = false} : vector<64x64xf32>, vector<64x32xf32>, vector<64x32xf32> -> vector<64x32xf32>
    %get3A_326 = arith.constant 0 : index
    %get3A_327 = arith.constant 0 : index
    %get3A_328 = vector.load %arg7[%get3A_326, %get3A_327] : memref<1x32xf32, #tpu.memory_space<vmem>>, vector<1x32xf32>
    %add3A_329 = vector.broadcast %get3A_328 : vector<1x32xf32> to vector<64x32xf32>
    %add3A_330 = arith.addf %dot_general3A_325, %add3A_329 : vector<64x32xf32>
    %max3A = arith.constant 0.000000e+00 : f32
    %max3A_331 = vector.broadcast %max3A : f32 to vector<64x32xf32>
    %max3A_332 = arith.maximumf %add3A_330, %max3A_331 : vector<64x32xf32>
    %get3A_333 = arith.constant 0 : index
    %get3A_334 = arith.constant 0 : index
    %get3A_335 = vector.load %arg8[%get3A_333, %get3A_334] : memref<32x1xf32, #tpu.memory_space<vmem>>, vector<32x1xf32>
    %dot_general3A_336 = arith.constant dense<0.000000e+00> : vector<64x1xf32>
    %dot_general3A_337 = tpu.matmul %max3A_332, %get3A_335, %dot_general3A_336 {dimension_numbers = #tpu.dot_dimension_numbers<[1], [0], [0], [1], [0, 0, 1, 1], [], []>, transpose_lhs_hint = false} : vector<64x32xf32>, vector<32x1xf32>, vector<64x1xf32> -> vector<64x1xf32>
    %get3A_338 = arith.constant 0 : index
    %get3A_339 = arith.constant 0 : index
    %get3A_340 = vector.load %arg9[%get3A_338, %get3A_339] : memref<1x1xf32, #tpu.memory_space<vmem>>, vector<1x1xf32>
    %add3A_341 = vector.broadcast %get3A_340 : vector<1x1xf32> to vector<64x1xf32>
    %add3A_342 = arith.addf %dot_general3A_337, %add3A_341 : vector<64x1xf32>
    %swap3A = arith.constant 0 : index
    %swap3A_343 = arith.constant 0 : index
    %swap3A_344 = vector.load %arg10[%swap3A, %swap3A_343] : memref<64x1xf32, #tpu.memory_space<vmem>>, vector<64x1xf32>
    tpu.vector_store %arg10[%swap3A, %swap3A_343], %add3A_342 {strides = array<i32>} : memref<64x1xf32, #tpu.memory_space<vmem>>, vector<64x1xf32>,
    return
  }
}

</mosaic_0001>

<sc_bundles>
// kernel: kernel.16.cloned.1.call-start
scs
__scs_entry_jumppad:
0x0: {  	(pc) =	sbr.rel $0x88, $3  }
0x1: {  	(tag) =	ssettag $0x0;
	lr =	simm.s32 $0x1  }
0x2: {  	[smem:$0x3F89] =	sst lr;
	_ =	strace $0xD0000000  }
0x3: {  	_ = 	snop  }
0x4: {  	_ = 	snop  }
0x5: {  	_ = 	snop  }
0x6: {  	_ = 	snop  }
0x7: {  	_ = 	snop  }
__scs_overlays_trampoline_lowered:
0x8: {  	[smem:$0x3F98] =	sst s0  }
0x9: {  	[smem:$0x3F99] =	sst s1  }
0xa: {  	[smem:$0x3F9A] =	sst s2  }
0xb: {  	[smem:$0x3F9B] =	sst s3  }
0xc: {  	[smem:$0x3F9C] =	sst s4  }
0xd: {  	[smem:$0x3F9D] =	sst s5  }
0xe: {  	[smem:$0x3F9E] =	sst s6  }
0xf: {  	[smem:$0x3F9F] =	sst s7  }
0x10: {  	[smem:$0x3FA0] =	sst s8  }
0x11: {  	[smem:$0x3FA1] =	sst s9;
	s0 =	simm.s32 @!p0 $0x0  }
0x12: {  	s1 =	sld [smem:$0x3F87];
	s0 =	simm.s32 @p0 $0x1  }
0x13: {  	[smem:$0x3FA2] =	sst s0;
	s0 =	simm.s32 @!p1 $0x0  }
0x14: {  	s2 =	sld [smem:$0x3F86];
	s0 =	simm.s32 @p1 $0x1  }
0x15: {  	[smem:$0x3FA3] =	sst s0;
	s0 =	simm.s32 @!p2 $0x0  }
0x16: {  	s3 =	sld [smem:$0x3FDB];
	s0 =	simm.s32 @p2 $0x1  }
0x17: {  	s4 =	simm.s32 $0x1BF5;
	[smem:$0x3FA5] =	sst s0  }
0x18: {  	s0 =	sld [smem:$0x3F88];
	_ =	swait.ge [sflag:s4], $0x0  }
0x19: {  	s7 =	sld [smem:$0x3F89]  }
0x1a: {  	s8 =	sadd.s32 $0xFFFFE003, lr  }
0x1b: {  	s9 =	sadd.s32 $0xFFFFFEF7, lr;
	s5 =	simm.s32 $0xFFFFFFFF;
	p2 =	slt.u32 s8, $0xFFFFF086  }
0x1c: {  	p1 =	slt.u32 s9, $0xF7A;
	s5 =	simm.s32 @!p2 $0x0  }
0x1d: {  	s5 =	simm.s32 @p1 $0x1;
	p0 =	seq.s32 s7, s2  }
0x1e: {  	s7 =	smul.u32 @!p0 $0xF7A, s2;
	p2 =	seq.s32 @!p0 s5, $0x0  }
0x1f: {  	s9 =	smul.u32 $0xF7A, s1;
	s8 =	simm.s32 @!p0 $0x1BF5;
	p2 =	por !p2, p0  }
0x20: {  	[sflag:s8] =	ssyncset.s32 @!p0 $0xFFFFF086;
	s6 =	sadd.s32 @!p0 s3, s7;
	s7 =	simm.s32 @!p0 $0x108  }
0x21: {  	s3 =	sadd.s32 s3, s9;
	s6 =	sadd.s32 @!p0 $0x88, s6;
	s7 =	simm.s32 @p2 $0x1082  }
0x22: {  	[simem:s7], [sflag:s8] =	dma.local @!p0 [hbm:s6], $0xF7A  }
0x23: {  	s9 =	sor.u32 $0xD0000000, s2;
	s6 =	simm.s32 $0x108;
	_ =	swait.ge @!p0 [sflag:s8], $0x0  }
0x24: {  	s3 =	sadd.s32 $0x88, s3;
	s6 =	simm.s32 @!p1 $0x1082;
	[sflag:s4] =	ssyncset.s32 $0xFFFFF086  }
0x25: {  	[simem:s6], [sflag:s4] =	dma.local [hbm:s3], $0xF7A  }
0x26: {  	[smem:$0x3F89] =	sst s1;
	(tag) =	ssettag s2;
	_ =	strace s9  }
0x27: {  	s1 =	sld [smem:$0x3F99]  }
0x28: {  	s2 =	sld [smem:$0x3F9A]  }
0x29: {  	s4 =	sld [smem:$0x3F9C]  }
0x2a: {  	p0 =	seq.s32 s5, $0x0;
	s5 =	sld [smem:$0x3F9D]  }
0x2b: {  	s6 =	sld [smem:$0x3F9E]  }
0x2c: {  	s7 =	sld [smem:$0x3F9F]  }
0x2d: {  	s3 =	simm.s32 $0x108;
	s8 =	sld [smem:$0x3FA0]  }
0x2e: {  	s3 =	simm.s32 @!p0 $0x1082;
	s9 =	sld [smem:$0x3FA1]  }
0x2f: {  	lr =	sadd.s32 s0, s3;
	s0 =	sld [smem:$0x3F98]  }
0x30: {  	s3 =	sld [smem:$0x3F9B]  }
0x31: {  	[smem:$0x3FA4] =	sst s10  }
0x32: {  	s10 =	sld [smem:$0x3FA2];
	_ =	sdelay $0x3  }
0x33: {  	p0 =	seq.s32 s10, $0x1;
	s10 =	sld [smem:$0x3FA4];
	_ =	sdelay $0x3  }
0x34: {  	[smem:$0x3FA4] =	sst s10  }
0x35: {  	s10 =	sld [smem:$0x3FA3];
	_ =	sdelay $0x3  }
0x36: {  	p1 =	seq.s32 s10, $0x1;
	s10 =	sld [smem:$0x3FA4];
	_ =	sdelay $0x3  }
0x37: {  	[smem:$0x3FA4] =	sst s10  }
0x38: {  	s10 =	sld [smem:$0x3FA5]  }
0x39: {  	_ = 	snop;
	(pc) =	sbr.ind lr, $3  }
0x3a: {  	_ = 	snop  }
0x3b: {  	_ = 	snop  }
0x3c: {  	p2 =	seq.s32 s10, $0x1;
	s10 =	sld [smem:$0x3FA4]  }
0x3d: {  	_ =	shalt  }
0x3e: {  	_ =	shalt  }
0x3f: {  	_ =	shalt  }
0x40: {  	_ =	shalt  }
0x41: {  	_ =	shalt  }
0x42: {  	_ =	shalt  }
0x43: {  	_ =	shalt  }
0x44: {  	_ =	shalt  }
0x45: {  	_ =	shalt  }
0x46: {  	_ =	shalt  }
0x47: {  	_ =	shalt  }
0x48: {  	_ =	shalt  }
0x49: {  	_ =	shalt  }
0x4a: {  	_ =	shalt  }
0x4b: {  	_ =	shalt  }
0x4c: {  	_ =	shalt  }
0x4d: {  	_ =	shalt  }
0x4e: {  	_ =	shalt  }
0x4f: {  	_ =	shalt  }
0x50: {  	_ =	shalt  }
0x51: {  	_ =	shalt  }
0x52: {  	_ =	shalt  }
0x53: {  	_ =	shalt  }
0x54: {  	_ =	shalt  }
0x55: {  	_ =	shalt  }
0x56: {  	_ =	shalt  }
0x57: {  	_ =	shalt  }
0x58: {  	_ =	shalt  }
0x59: {  	_ =	shalt  }
0x5a: {  	_ =	shalt  }
0x5b: {  	_ =	shalt  }
0x5c: {  	_ =	shalt  }
0x5d: {  	_ =	shalt  }
0x5e: {  	_ =	shalt  }
0x5f: {  	_ =	shalt  }
0x60: {  	_ =	shalt  }
0x61: {  	_ =	shalt  }
0x62: {  	_ =	shalt  }
0x63: {  	_ =	shalt  }
0x64: {  	_ =	shalt  }
0x65: {  	_ =	shalt  }
0x66: {  	_ =	shalt  }
0x67: {  	_ =	shalt  }
0x68: {  	_ =	shalt  }
0x69: {  	_ =	shalt  }
0x6a: {  	_ =	shalt  }
0x6b: {  	_ =	shalt  }
0x6c: {  	_ =	shalt  }
0x6d: {  	_ =	shalt  }
0x6e: {  	_ =	shalt  }
0x6f: {  	_ =	shalt  }
0x70: {  	_ =	shalt  }
0x71: {  	_ =	shalt  }
0x72: {  	_ =	shalt  }
0x73: {  	_ =	shalt  }
0x74: {  	_ =	shalt  }
0x75: {  	_ =	shalt  }
0x76: {  	_ =	shalt  }
0x77: {  	_ =	shalt  }
0x78: {  	_ =	shalt  }
0x79: {  	_ =	shalt  }
0x7a: {  	_ =	shalt  }
0x7b: {  	_ =	shalt  }
0x7c: {  	_ =	shalt  }
0x7d: {  	_ =	shalt  }
0x7e: {  	_ =	shalt  }
0x7f: {  	_ =	shalt  }
0x80: {  	_ =	shalt  }
0x81: {  	_ =	shalt  }
0x82: {  	_ =	shalt  }
0x83: {  	_ =	shalt  }
0x84: {  	_ =	shalt  }
0x85: {  	_ =	shalt  }
0x86: {  	_ =	shalt  }
0x87: {  	_ =	shalt  }
.Lfunc_end0:
.L_simem_size_0:
called_computation_lowered:
.L_overlay_start_0:
0x88: {  	s2 =	sld [smem:$0x3FD9]  }
0x89: {  	s3 =	sld [smem:$0x3FFE];
	_ =	sdelay $0x1  }
0x8a: {  	s1 =	srdreg.scid  }
0x8b: {  	s0 =	sand.u32 $0x1, s1  }
0x8c: {  	s14 =	sshll.u32 s0, $0xA;
	s2 =	sadd.s32 s3, s2  }
0x8d: {  	s2 =	sadd.s32 s2, s14  }
0x8e: {  	[smem:$0x3FB0] =	sst s2  }
0x8f: {  	_ = 	snop  }
0x90: {  	s2 =	sld [smem:$0x3FD0];
	_ =	sdelay $0x2  }
0x91: {  	s15 =	simm.s32 $0xA;
	s4 =	simm.s32 $0x10  }
0x92: {  	[smem:s4], [sflag:s15] =	dma.local [hbm:s2], $0x1  }
0x93: {  	_ =	swait.eq [sflag:s15], $0x1  }
0x94: {  	[sflag:s15] =	ssyncset.done $0x0  }
0x95: {  	[sflag:s15] =	ssyncadd.s32 $0xFFFFFFFF  }
0x96: {  	s16 =	sld [smem:$0x11];
	(tm) =	ssettm $0x1  }
0x97: {  	s17 =	sld [smem:$0x3FFB];
	_ =	sdelay $0x3  }
0x98: {  	_ =	strace s17  }
0x99: {  	s3 =	sld [smem:$0x3FFC];
	_ =	sdelay $0x3  }
0x9a: {  	_ =	strace s3  }
0x9b: {  	s3 =	sld [smem:$0x3FFD];
	_ =	sdelay $0x3  }
0x9c: {  	_ =	strace s3  }
0x9d: {  	_ =	strace $0x8FFFFFFF  }
0x9e: {  	s18 =	sld [smem:$0x3FDB];
	_ =	sdelay $0x1  }
0x9f: {  	s19 =	simm.s32 $_scs_section_size  }
0xa0: {  	s5 =	simm.s32 $_size__tile_overlayer_lowered;
	s6 =	simm.s32 $_tile_overlayer_lowered  }
0xa1: {  	s22 =	simm.s32 $0x1BFF;
	s21 =	sshll.u32 s6, $0x1;
	s3 =	sadd.s32 s19, s18  }
0xa2: {  	s7 =	simm.s32 $0x0;
	s20 =	sshll.u32 s5, $0x1;
	s5 =	sadd.s32 s21, s3  }
0xa3: {  	[timem:s7], [sflag:s22] =	dma.local [hbm:s5], s20  }
0xa4: {  	_ =	swait.ge [sflag:s22], s20  }
0xa5: {  	s4 =	ssub.s32 $0x0, s20;
	[sflag:s22] =	ssyncset.done $0x0  }
0xa6: {  	[sflag:s22] =	ssyncadd.s32 s4;
	_ =	sdelay $0x1  }
0xa7: {  	s23 =	simm.s32 $0x1B8B  }
0xa8: {  	_ =	swait.ge [sflag:s23], $0x1  }
0xa9: {  	[sflag:s23] =	ssyncset.done $0x0  }
0xaa: {  	s25 =	simm.s32 $0x1B8E;
	s24 =	sld [smem:$0x3FFE];
	[sflag:s23] =	ssyncadd.s32 $0xFFFFFFFF  }
0xab: {  	s26 =	simm.s32 $execute0_lowered;
	[smem:$0x3FD2] =	sst s25  }
0xac: {  	s5 =	sshll.u32 s26, $0x1;
	_ =	strace $0x80000046;
	[dreg:$0x1] =	wrdreg $0xFFFFFFFF  }
0xad: {  	s28 =	simm.s32 $_size_execute0_lowered;
	s3 =	sadd.s32 s3, s5;
	[dreg:$0x0] =	wrdreg $0x0  }
0xae: {  	s5 =	sshll.u32 s28, $0x1;
	[dreg:$0x2] =	wrdreg s3  }
0xaf: {  	[dreg:$0x3] =	wrdreg s5  }
0xb0: {  	[dreg:$0x4] =	wrdreg $0xC0  }
0xb1: {  	_ =	task [dreg:s7], $0x5FFFF  }
0xb2: {  	[dreg:$0x1] =	wrdreg $0xFFFFFFFF  }
0xb3: {  	[dreg:$0x0] =	wrdreg $0x60  }
0xb4: {  	[dreg:$0x2] =	wrdreg s16  }
0xb5: {  	[dreg:$0x3] =	wrdreg s24  }
0xb6: {  	[dreg:$0x4] =	wrdreg $0x9  }
0xb7: {  	_ =	task.clear_ibuf [dreg:s7], $0x5FFFF;
	_ =	strace $0x90000046  }
0xb8: {  	s29 =	simm.s32 $0x9;
	_ =	strace $0x80000048  }
0xb9: {  	_ =	swait.ge [sflag:s29], $0x1  }
0xba: {  	[sflag:s29] =	ssyncadd.s32 $0xFFFFFFFF  }
0xbb: {  	_ =	strace $0x90000048  }
0xbc: {  	_ =	sfence  }
0xbd: {  	s30 =	sld [smem:$0x0];
	_ =	sdelay $0x2  }
0xbe: {  	s31 =	sshll.u32 s1, $0xD;
	s1 =	sshrl.u32 s1, $0x2  }
0xbf: {  	s3 =	sand.u32 $0x4000, s31;
	s1 =	sadd.s32 s1, s30  }
0xc0: {  	s0 =	sor.u32 s3, s0;
	s1 =	sshll.u32 s1, $0x11  }
0xc1: {  	s0 =	sor.u32 s1, s0  }
0xc2: {  	s0 =	sadd.s32 $0x8F2B, s0  }
0xc3: {  	[sflag:s0] =	ssyncadd.remote.s32 $0x1  }
0xc4: {  	_ =	sfence.sel $0xFFFF  }
0xc5: {  	[dreg:$0x0] =	wrdreg $0xFFFFFFFF;
	(pc) =	sbr.abs _section_cstart, $3  }
0xc6: {  	[dreg:$0x1] =	wrdreg $0xFFFFFFFF  }
0xc7: {  	_ =	task.clear_ibuf [dreg:s7], $0x2FFFF;
	_ =	strace $0x9FFFFFFF  }
0xc8: {  	(tm) =	ssettm $0x7FFFFFFF  }
0xc9: {  	_ =	shalt  }
tec
execute0_lowered:
.L_overlay_start_1:
0x0: {  	(tag) =	ssettag $0x1  }
0x1: {  	s2 =	rddreg [dreg:$0x0]  }
0x2: {  	s4 =	rddreg [dreg:$0x1]  }
0x3: {  	s0 =	rddreg [dreg:$0x2];
	s3 =	srdreg.scid  }
0x4: {  	s1 =	stileid.u32;
	s9 =	simm.s32 $0x1400;
	s10 =	simm.s32 $0x2400  }
0x5: {  	s11 =	simm.s32 $0x3400;
	s12 =	simm.s32 $0x4400;
	s13 =	simm.s32 $0x5400  }
0x6: {  	s14 =	simm.s32 $0x6400;
	s15 =	simm.s32 $0x7400;
	s16 =	simm.s32 $0x8400  }
0x7: {  	s17 =	simm.s32 $0x1;
	s18 =	simm.s32 $0x20;
	s19 =	simm.s32 $0x0  }
0x8: {  	s5 =	sand.u32 $0x1, s3;
	s6 =	sshll.u32 s1, $0x1;
	s7 =	smul.u32 $0x140000, s1  }
0x9: {  	s3 =	simm.s32 $0x0;
	s6 =	sor.u32 s5, s6;
	s8 =	smul.u32 $0xA0000, s5  }
0xa: {  	[smem:$0x7FF] =	sst s3;
	s5 =	ssub.s32 $0x2, s5;
	s6 =	smul.u32 $0x280, s6  }
0xb: {  	_ =	strace $0x80000047;
	s31 =	sshrl.u32 s5, $0x1;
	s7 =	sadd.s32 s8, s7  }
0xc: {  	s5 =	ssub.s32 s5, s31;
	s8 =	simm.s32 $0x80;
	s7 =	sshrl.u32 s7, $0x3  }
0xd: {  	s6 =	sadd.s32 s6, s4;
	s5 =	smax.u32 s5, $0x1;
	s7 =	sadd.s32 s7, s4  }
0xe: {  	s4 =	sadd.s32 $0x30C00, s6;
	s6 =	sadd.s32 $0x35C00, s7;
	s7 =	simm.s32 $0x2  }
.LBB2_1:
0xf: {  	[tilespmem:s3], [sflag:$0x2] =	stream.linear.gather [hbm4b:s4+s3], $0x1400, $0x38;
	[tilespmem:$0x9400] =	vst v63  }
0x10: {  	_ =	swait.ge [sflag:s7], $0x1400  }
0x11: {  	[sflag:s7] =	ssyncset.done $0x0  }
0x12: {  	s20 =	simm.s32 $0x0;
	[sflag:s7] =	ssyncadd.s32 $0xFFFFEC00  }
0x13: {  	[tilespmem:s9], [sflag:$0x1] =	stream.indirect.gather [hbm4b:s2+s8], $0x20, s20, s8, $0xb8;
	[tilespmem:$0x9400] =	vst v63  }
0x14: {  	s24 =	simm.s32 $0x80  }
0x15: {  	[tilespmem:s10], [sflag:$0x1] =	stream.indirect.gather [hbm4b:s2+s8], $0x20, s24, s8, $0xb8;
	[tilespmem:$0x9400] =	vst v63  }
0x16: {  	s25 =	simm.s32 $0x100  }
0x17: {  	[tilespmem:s11], [sflag:$0x1] =	stream.indirect.gather [hbm4b:s2+s8], $0x20, s25, s8, $0xb8;
	[tilespmem:$0x9400] =	vst v63  }
0x18: {  	s26 =	simm.s32 $0x180  }
0x19: {  	[tilespmem:s12], [sflag:$0x1] =	stream.indirect.gather [hbm4b:s2+s8], $0x20, s26, s8, $0xb8;
	[tilespmem:$0x9400] =	vst v63  }
0x1a: {  	s28 =	simm.s32 $0x200  }
0x1b: {  	[tilespmem:s13], [sflag:$0x1] =	stream.indirect.gather [hbm4b:s2+s8], $0x20, s28, s8, $0xb8;
	[tilespmem:$0x9400] =	vst v63  }
0x1c: {  	s29 =	simm.s32 $0x280  }
0x1d: {  	[tilespmem:s14], [sflag:$0x1] =	stream.indirect.gather [hbm4b:s2+s8], $0x20, s29, s8, $0xb8;
	[tilespmem:$0x9400] =	vst v63  }
0x1e: {  	s30 =	simm.s32 $0x300  }
0x1f: {  	[tilespmem:s15], [sflag:$0x1] =	stream.indirect.gather [hbm4b:s2+s8], $0x20, s30, s8, $0xb8;
	[tilespmem:$0x9400] =	vst v63  }
0x20: {  	s31 =	simm.s32 $0x380  }
0x21: {  	[tilespmem:s16], [sflag:$0x1] =	stream.indirect.gather [hbm4b:s2+s8], $0x20, s31, s8, $0xb8;
	[tilespmem:$0x9400] =	vst v63  }
0x22: {  	_ =	swait.ge [sflag:s17], $0x1000  }
0x23: {  	[sflag:s17] =	ssyncset.done $0x0  }
0x24: {  	[sflag:s17] =	ssyncadd.s32 $0xFFFFF000  }
0x25: {  	_ =	swait.ge [sflag:s17], $0x1000  }
0x26: {  	[sflag:s17] =	ssyncset.done $0x0  }
0x27: {  	[sflag:s17] =	ssyncadd.s32 $0xFFFFF000  }
0x28: {  	_ =	swait.ge [sflag:s17], $0x1000  }
0x29: {  	[sflag:s17] =	ssyncset.done $0x0  }
0x2a: {  	[sflag:s17] =	ssyncadd.s32 $0xFFFFF000  }
0x2b: {  	_ =	swait.ge [sflag:s17], $0x1000  }
0x2c: {  	[sflag:s17] =	ssyncset.done $0x0  }
0x2d: {  	[sflag:s17] =	ssyncadd.s32 $0xFFFFF000  }
0x2e: {  	_ =	swait.ge [sflag:s17], $0x1000  }
0x2f: {  	[sflag:s17] =	ssyncset.done $0x0  }
0x30: {  	[sflag:s17] =	ssyncadd.s32 $0xFFFFF000  }
0x31: {  	_ =	swait.ge [sflag:s17], $0x1000  }
0x32: {  	[sflag:s17] =	ssyncset.done $0x0  }
0x33: {  	[sflag:s17] =	ssyncadd.s32 $0xFFFFF000  }
0x34: {  	_ =	swait.ge [sflag:s17], $0x1000  }
0x35: {  	[sflag:s17] =	ssyncset.done $0x0  }
0x36: {  	[sflag:s17] =	ssyncadd.s32 $0xFFFFF000  }
0x37: {  	_ =	swait.ge [sflag:s17], $0x1000  }
0x38: {  	[sflag:s17] =	ssyncset.done $0x0  }
0x39: {  	[sflag:s17] =	ssyncadd.s32 $0xFFFFF000  }
0x3a: {  	[hbm4b:s6+s18] =	stream.strided.scatter [tilespmem:s9], [sflag:$0x2], $0x8000, s8, s18, $0x38;
	[tilespmem:$0x9400] =	vst v63  }
0x3b: {  	s21 =	simm.s32 $0x1000;
	_ =	swait.ge [sflag:s7], $0x8000  }
0x3c: {  	s23 =	simm.s32 $0x2000;
	s20 =	sadd.s32 $0x4000, s6;
	[sflag:s7] =	ssyncset.done $0x0  }
.LBB2_2:
0x3d: {  	s24 =	sshra.s32 s21, $0x2  }
0x3e: {  	[sflag:s7] =	ssyncadd.s32 $0xFFFF8000;
	s21 =	smov.u32 s23;
	s22 =	sadd.s32 $0x1000, s23  }
0x3f: {  	[tilespmem:s9], [sflag:$0x1] =	stream.indirect.gather [hbm4b:s2+s8], $0x20, s24, s8, $0xb8;
	[tilespmem:$0x9400] =	vst v63  }
0x40: {  	p0 =	sne.s32 s23, $0x4000;
	s23 =	sadd.s32 $0x80, s24  }
0x41: {  	[tilespmem:s10], [sflag:$0x1] =	stream.indirect.gather [hbm4b:s2+s8], $0x20, s23, s8, $0xb8;
	[tilespmem:$0x9400] =	vst v63  }
0x42: {  	s23 =	sadd.s32 $0x100, s24  }
0x43: {  	[tilespmem:s11], [sflag:$0x1] =	stream.indirect.gather [hbm4b:s2+s8], $0x20, s23, s8, $0xb8;
	[tilespmem:$0x9400] =	vst v63  }
0x44: {  	s23 =	sadd.s32 $0x180, s24  }
0x45: {  	[tilespmem:s12], [sflag:$0x1] =	stream.indirect.gather [hbm4b:s2+s8], $0x20, s23, s8, $0xb8;
	[tilespmem:$0x9400] =	vst v63  }
0x46: {  	s23 =	sadd.s32 $0x200, s24  }
0x47: {  	[tilespmem:s13], [sflag:$0x1] =	stream.indirect.gather [hbm4b:s2+s8], $0x20, s23, s8, $0xb8;
	[tilespmem:$0x9400] =	vst v63  }
0x48: {  	s23 =	sadd.s32 $0x280, s24  }
0x49: {  	[tilespmem:s14], [sflag:$0x1] =	stream.indirect.gather [hbm4b:s2+s8], $0x20, s23, s8, $0xb8;
	[tilespmem:$0x9400] =	vst v63  }
0x4a: {  	s23 =	sadd.s32 $0x300, s24  }
0x4b: {  	[tilespmem:s15], [sflag:$0x1] =	stream.indirect.gather [hbm4b:s2+s8], $0x20, s23, s8, $0xb8;
	[tilespmem:$0x9400] =	vst v63  }
0x4c: {  	s23 =	sadd.s32 $0x380, s24  }
0x4d: {  	[tilespmem:s16], [sflag:$0x1] =	stream.indirect.gather [hbm4b:s2+s8], $0x20, s23, s8, $0xb8;
	[tilespmem:$0x9400] =	vst v63  }
0x4e: {  	_ =	swait.ge [sflag:s17], $0x1000  }
0x4f: {  	[sflag:s17] =	ssyncset.done $0x0  }
0x50: {  	[sflag:s17] =	ssyncadd.s32 $0xFFFFF000  }
0x51: {  	_ =	swait.ge [sflag:s17], $0x1000  }
0x52: {  	[sflag:s17] =	ssyncset.done $0x0  }
0x53: {  	[sflag:s17] =	ssyncadd.s32 $0xFFFFF000  }
0x54: {  	_ =	swait.ge [sflag:s17], $0x1000  }
0x55: {  	[sflag:s17] =	ssyncset.done $0x0  }
0x56: {  	[sflag:s17] =	ssyncadd.s32 $0xFFFFF000  }
0x57: {  	_ =	swait.ge [sflag:s17], $0x1000  }
0x58: {  	[sflag:s17] =	ssyncset.done $0x0  }
0x59: {  	[sflag:s17] =	ssyncadd.s32 $0xFFFFF000  }
0x5a: {  	_ =	swait.ge [sflag:s17], $0x1000  }
0x5b: {  	[sflag:s17] =	ssyncset.done $0x0  }
0x5c: {  	[sflag:s17] =	ssyncadd.s32 $0xFFFFF000  }
0x5d: {  	_ =	swait.ge [sflag:s17], $0x1000  }
0x5e: {  	[sflag:s17] =	ssyncset.done $0x0  }
0x5f: {  	[sflag:s17] =	ssyncadd.s32 $0xFFFFF000  }
0x60: {  	_ =	swait.ge [sflag:s17], $0x1000  }
0x61: {  	[sflag:s17] =	ssyncset.done $0x0  }
0x62: {  	[sflag:s17] =	ssyncadd.s32 $0xFFFFF000  }
0x63: {  	_ =	swait.ge [sflag:s17], $0x1000  }
.Ltmp0:
0x64: {  	[sflag:s17] =	ssyncset.done $0x0;
	(pc) =	sbr.rel @p0 .LBB2_2-.Ltmp0, $4  }
0x65: {  	[sflag:s17] =	ssyncadd.s32 $0xFFFFF000  }
0x66: {  	[hbm4b:s20+s18] =	stream.strided.scatter [tilespmem:s9], [sflag:$0x2], $0x8000, s8, s18, $0x38;
	[tilespmem:$0x9400] =	vst v63  }
0x67: {  	_ =	swait.ge [sflag:s7], $0x8000  }
0x68: {  	s23 =	smov.u32 s22;
	s20 =	sadd.s32 $0x4000, s20;
	[sflag:s7] =	ssyncset.done $0x0  }
0x69: {  	s21 =	sshra.s32 s21, $0x2;
	[sflag:s7] =	ssyncadd.s32 $0xFFFF8000  }
0x6a: {  	[tilespmem:s9], [sflag:$0x1] =	stream.indirect.gather [hbm4b:s2+s8], $0x20, s21, s8, $0xb8;
	[tilespmem:$0x9400] =	vst v63  }
0x6b: {  	s22 =	sadd.s32 $0x80, s21  }
0x6c: {  	[tilespmem:s10], [sflag:$0x1] =	stream.indirect.gather [hbm4b:s2+s8], $0x20, s22, s8, $0xb8;
	[tilespmem:$0x9400] =	vst v63  }
0x6d: {  	s26 =	sadd.s32 $0x100, s21  }
0x6e: {  	[tilespmem:s11], [sflag:$0x1] =	stream.indirect.gather [hbm4b:s2+s8], $0x20, s26, s8, $0xb8;
	[tilespmem:$0x9400] =	vst v63  }
0x6f: {  	s28 =	sadd.s32 $0x180, s21  }
0x70: {  	[tilespmem:s12], [sflag:$0x1] =	stream.indirect.gather [hbm4b:s2+s8], $0x20, s28, s8, $0xb8;
	[tilespmem:$0x9400] =	vst v63  }
0x71: {  	s29 =	sadd.s32 $0x200, s21  }
0x72: {  	[tilespmem:s13], [sflag:$0x1] =	stream.indirect.gather [hbm4b:s2+s8], $0x20, s29, s8, $0xb8;
	[tilespmem:$0x9400] =	vst v63  }
0x73: {  	s30 =	sadd.s32 $0x280, s21  }
0x74: {  	[tilespmem:s14], [sflag:$0x1] =	stream.indirect.gather [hbm4b:s2+s8], $0x20, s30, s8, $0xb8;
	[tilespmem:$0x9400] =	vst v63  }
0x75: {  	s31 =	sadd.s32 $0x300, s21  }
0x76: {  	[tilespmem:s15], [sflag:$0x1] =	stream.indirect.gather [hbm4b:s2+s8], $0x20, s31, s8, $0xb8;
	[tilespmem:$0x9400] =	vst v63  }
0x77: {  	s21 =	sadd.s32 $0x380, s21  }
0x78: {  	[tilespmem:s16], [sflag:$0x1] =	stream.indirect.gather [hbm4b:s2+s8], $0x20, s21, s8, $0xb8;
	[tilespmem:$0x9400] =	vst v63  }
0x79: {  	_ =	swait.ge [sflag:s17], $0x1000  }
0x7a: {  	[sflag:s17] =	ssyncset.done $0x0  }
0x7b: {  	[sflag:s17] =	ssyncadd.s32 $0xFFFFF000  }
0x7c: {  	_ =	swait.ge [sflag:s17], $0x1000  }
0x7d: {  	[sflag:s17] =	ssyncset.done $0x0  }
0x7e: {  	[sflag:s17] =	ssyncadd.s32 $0xFFFFF000  }
0x7f: {  	_ =	swait.ge [sflag:s17], $0x1000  }
0x80: {  	[sflag:s17] =	ssyncset.done $0x0  }
0x81: {  	[sflag:s17] =	ssyncadd.s32 $0xFFFFF000  }
0x82: {  	_ =	swait.ge [sflag:s17], $0x1000  }
0x83: {  	[sflag:s17] =	ssyncset.done $0x0  }
0x84: {  	[sflag:s17] =	ssyncadd.s32 $0xFFFFF000  }
0x85: {  	_ =	swait.ge [sflag:s17], $0x1000  }
0x86: {  	[sflag:s17] =	ssyncset.done $0x0  }
0x87: {  	[sflag:s17] =	ssyncadd.s32 $0xFFFFF000  }
0x88: {  	_ =	swait.ge [sflag:s17], $0x1000  }
0x89: {  	[sflag:s17] =	ssyncset.done $0x0  }
0x8a: {  	[sflag:s17] =	ssyncadd.s32 $0xFFFFF000  }
0x8b: {  	_ =	swait.ge [sflag:s17], $0x1000  }
0x8c: {  	[sflag:s17] =	ssyncset.done $0x0  }
0x8d: {  	[sflag:s17] =	ssyncadd.s32 $0xFFFFF000  }
0x8e: {  	s19 =	sadd.s32 $0x1, s19;
	_ =	swait.ge [sflag:s17], $0x1000  }
0x8f: {  	p0 =	sne.s32 s19, s5;
	[sflag:s17] =	ssyncset.done $0x0  }
.Ltmp1:
0x90: {  	[sflag:s17] =	ssyncadd.s32 $0xFFFFF000;
	(pc) =	sbr.rel @p0 .LBB2_1-.Ltmp1, $4  }
0x91: {  	[hbm4b:s20+s18] =	stream.strided.scatter [tilespmem:s9], [sflag:$0x2], $0x8000, s8, s18, $0x38;
	[tilespmem:$0x9400] =	vst v63  }
0x92: {  	_ =	swait.ge [sflag:s7], $0x8000  }
0x93: {  	[sflag:s7] =	ssyncset.done $0x0  }
0x94: {  	[sflag:s7] =	ssyncadd.s32 $0xFFFF8000  }
0x95: {  	_ =	sfence.sel $0x180000  }
0x96: {  	[bflag:$0x0] =	sbarrier.arrive $0xFFFF  }
0x97: {  	p0 =	sne.s32 s1, $0x0;
	_ =	strace $0x90000047  }
0x98: {  	s0 =	sadd.s32 @!p0 $0x100000, s0;
	[bflag:$0x2] =	sbarrier.arrive $0xFFFF  }
0x99: {  	[sflag:s0] =	ssyncadd.tile.s32 @!p0 $0x1;
	_ =	shalt  }
.Lfunc_end2:
_tile_overlayer_lowered:
.L_overlay_start_2:
0x9a: {  	(tag) =	ssettag $0x2  }
0x9b: {  	s0 =	rddreg [dreg:$0x0];
	s2 =	stileid.u32  }
0x9c: {  	s1 =	rddreg [dreg:$0x1];
	p0 =	sne.s32 s2, $0x0  }
0x9d: {  	s3 =	rddreg [dreg:$0x2];
	[bflag:$0x3] =	sbarrier.arrive $0xFFFF;
	s2 =	simm.s32 @!p0 $0x1C02  }
0x9e: {  	[timem:s3], [sflag:s2] =	dma.local @!p0 [hbm:s0], s1  }
0x9f: {  	s0 =	simm.s32 @!p0 $0x2  }
0xa0: {  	_ =	swait.ge @!p0 [sflag:s0], s1  }
0xa1: {  	s1 =	ssub.s32 @!p0 $0x0, s1;
	[sflag:s0] =	ssyncset.done @!p0 $0x0  }
0xa2: {  	[sflag:s0] =	ssyncadd.s32 @!p0 s1  }
0xa3: {  	[bflag:$0x3] =	sbarrier.arrive $0xFFFF  }
0xa4: {  	_ =	shalt  }

// kernel: kernel.19.cloned.1.call-start
scs
__scs_entry_jumppad:
0x0: {  	(pc) =	sbr.rel $0x88, $3  }
0x1: {  	(tag) =	ssettag $0x0;
	lr =	simm.s32 $0x1  }
0x2: {  	[smem:$0x3F89] =	sst lr;
	_ =	strace $0xD0000000  }
0x3: {  	_ = 	snop  }
0x4: {  	_ = 	snop  }
0x5: {  	_ = 	snop  }
0x6: {  	_ = 	snop  }
0x7: {  	_ = 	snop  }
__scs_overlays_trampoline_lowered:
0x8: {  	[smem:$0x3F98] =	sst s0  }
0x9: {  	[smem:$0x3F99] =	sst s1  }
0xa: {  	[smem:$0x3F9A] =	sst s2  }
0xb: {  	[smem:$0x3F9B] =	sst s3  }
0xc: {  	[smem:$0x3F9C] =	sst s4  }
0xd: {  	[smem:$0x3F9D] =	sst s5  }
0xe: {  	[smem:$0x3F9E] =	sst s6  }
0xf: {  	[smem:$0x3F9F] =	sst s7  }
0x10: {  	[smem:$0x3FA0] =	sst s8  }
0x11: {  	[smem:$0x3FA1] =	sst s9;
	s0 =	simm.s32 @!p0 $0x0  }
0x12: {  	s1 =	sld [smem:$0x3F87];
	s0 =	simm.s32 @p0 $0x1  }
0x13: {  	[smem:$0x3FA2] =	sst s0;
	s0 =	simm.s32 @!p1 $0x0  }
0x14: {  	s2 =	sld [smem:$0x3F86];
	s0 =	simm.s32 @p1 $0x1  }
0x15: {  	[smem:$0x3FA3] =	sst s0;
	s0 =	simm.s32 @!p2 $0x0  }
0x16: {  	s3 =	sld [smem:$0x3FDB];
	s0 =	simm.s32 @p2 $0x1  }
0x17: {  	s4 =	simm.s32 $0x1BF5;
	[smem:$0x3FA5] =	sst s0  }
0x18: {  	s0 =	sld [smem:$0x3F88];
	_ =	swait.ge [sflag:s4], $0x0  }
0x19: {  	s7 =	sld [smem:$0x3F89]  }
0x1a: {  	s8 =	sadd.s32 $0xFFFFE003, lr  }
0x1b: {  	s9 =	sadd.s32 $0xFFFFFEF7, lr;
	s5 =	simm.s32 $0xFFFFFFFF;
	p2 =	slt.u32 s8, $0xFFFFF086  }
0x1c: {  	p1 =	slt.u32 s9, $0xF7A;
	s5 =	simm.s32 @!p2 $0x0  }
0x1d: {  	s5 =	simm.s32 @p1 $0x1;
	p0 =	seq.s32 s7, s2  }
0x1e: {  	s7 =	smul.u32 @!p0 $0xF7A, s2;
	p2 =	seq.s32 @!p0 s5, $0x0  }
0x1f: {  	s9 =	smul.u32 $0xF7A, s1;
	s8 =	simm.s32 @!p0 $0x1BF5;
	p2 =	por !p2, p0  }
0x20: {  	[sflag:s8] =	ssyncset.s32 @!p0 $0xFFFFF086;
	s6 =	sadd.s32 @!p0 s3, s7;
	s7 =	simm.s32 @!p0 $0x108  }
0x21: {  	s3 =	sadd.s32 s3, s9;
	s6 =	sadd.s32 @!p0 $0x88, s6;
	s7 =	simm.s32 @p2 $0x1082  }
0x22: {  	[simem:s7], [sflag:s8] =	dma.local @!p0 [hbm:s6], $0xF7A  }
0x23: {  	s9 =	sor.u32 $0xD0000000, s2;
	s6 =	simm.s32 $0x108;
	_ =	swait.ge @!p0 [sflag:s8], $0x0  }
0x24: {  	s3 =	sadd.s32 $0x88, s3;
	s6 =	simm.s32 @!p1 $0x1082;
	[sflag:s4] =	ssyncset.s32 $0xFFFFF086  }
0x25: {  	[simem:s6], [sflag:s4] =	dma.local [hbm:s3], $0xF7A  }
0x26: {  	[smem:$0x3F89] =	sst s1;
	(tag) =	ssettag s2;
	_ =	strace s9  }
0x27: {  	s1 =	sld [smem:$0x3F99]  }
0x28: {  	s2 =	sld [smem:$0x3F9A]  }
0x29: {  	s4 =	sld [smem:$0x3F9C]  }
0x2a: {  	p0 =	seq.s32 s5, $0x0;
	s5 =	sld [smem:$0x3F9D]  }
0x2b: {  	s6 =	sld [smem:$0x3F9E]  }
0x2c: {  	s7 =	sld [smem:$0x3F9F]  }
0x2d: {  	s3 =	simm.s32 $0x108;
	s8 =	sld [smem:$0x3FA0]  }
0x2e: {  	s3 =	simm.s32 @!p0 $0x1082;
	s9 =	sld [smem:$0x3FA1]  }
0x2f: {  	lr =	sadd.s32 s0, s3;
	s0 =	sld [smem:$0x3F98]  }
0x30: {  	s3 =	sld [smem:$0x3F9B]  }
0x31: {  	[smem:$0x3FA4] =	sst s10  }
0x32: {  	s10 =	sld [smem:$0x3FA2];
	_ =	sdelay $0x3  }
0x33: {  	p0 =	seq.s32 s10, $0x1;
	s10 =	sld [smem:$0x3FA4];
	_ =	sdelay $0x3  }
0x34: {  	[smem:$0x3FA4] =	sst s10  }
0x35: {  	s10 =	sld [smem:$0x3FA3];
	_ =	sdelay $0x3  }
0x36: {  	p1 =	seq.s32 s10, $0x1;
	s10 =	sld [smem:$0x3FA4];
	_ =	sdelay $0x3  }
0x37: {  	[smem:$0x3FA4] =	sst s10  }
0x38: {  	s10 =	sld [smem:$0x3FA5]  }
0x39: {  	_ = 	snop;
	(pc) =	sbr.ind lr, $3  }
0x3a: {  	_ = 	snop  }
0x3b: {  	_ = 	snop  }
0x3c: {  	p2 =	seq.s32 s10, $0x1;
	s10 =	sld [smem:$0x3FA4]  }
0x3d: {  	_ =	shalt  }
0x3e: {  	_ =	shalt  }
0x3f: {  	_ =	shalt  }
0x40: {  	_ =	shalt  }
0x41: {  	_ =	shalt  }
0x42: {  	_ =	shalt  }
0x43: {  	_ =	shalt  }
0x44: {  	_ =	shalt  }
0x45: {  	_ =	shalt  }
0x46: {  	_ =	shalt  }
0x47: {  	_ =	shalt  }
0x48: {  	_ =	shalt  }
0x49: {  	_ =	shalt  }
0x4a: {  	_ =	shalt  }
0x4b: {  	_ =	shalt  }
0x4c: {  	_ =	shalt  }
0x4d: {  	_ =	shalt  }
0x4e: {  	_ =	shalt  }
0x4f: {  	_ =	shalt  }
0x50: {  	_ =	shalt  }
0x51: {  	_ =	shalt  }
0x52: {  	_ =	shalt  }
0x53: {  	_ =	shalt  }
0x54: {  	_ =	shalt  }
0x55: {  	_ =	shalt  }
0x56: {  	_ =	shalt  }
0x57: {  	_ =	shalt  }
0x58: {  	_ =	shalt  }
0x59: {  	_ =	shalt  }
0x5a: {  	_ =	shalt  }
0x5b: {  	_ =	shalt  }
0x5c: {  	_ =	shalt  }
0x5d: {  	_ =	shalt  }
0x5e: {  	_ =	shalt  }
0x5f: {  	_ =	shalt  }
0x60: {  	_ =	shalt  }
0x61: {  	_ =	shalt  }
0x62: {  	_ =	shalt  }
0x63: {  	_ =	shalt  }
0x64: {  	_ =	shalt  }
0x65: {  	_ =	shalt  }
0x66: {  	_ =	shalt  }
0x67: {  	_ =	shalt  }
0x68: {  	_ =	shalt  }
0x69: {  	_ =	shalt  }
0x6a: {  	_ =	shalt  }
0x6b: {  	_ =	shalt  }
0x6c: {  	_ =	shalt  }
0x6d: {  	_ =	shalt  }
0x6e: {  	_ =	shalt  }
0x6f: {  	_ =	shalt  }
0x70: {  	_ =	shalt  }
0x71: {  	_ =	shalt  }
0x72: {  	_ =	shalt  }
0x73: {  	_ =	shalt  }
0x74: {  	_ =	shalt  }
0x75: {  	_ =	shalt  }
0x76: {  	_ =	shalt  }
0x77: {  	_ =	shalt  }
0x78: {  	_ =	shalt  }
0x79: {  	_ =	shalt  }
0x7a: {  	_ =	shalt  }
0x7b: {  	_ =	shalt  }
0x7c: {  	_ =	shalt  }
0x7d: {  	_ =	shalt  }
0x7e: {  	_ =	shalt  }
0x7f: {  	_ =	shalt  }
0x80: {  	_ =	shalt  }
0x81: {  	_ =	shalt  }
0x82: {  	_ =	shalt  }
0x83: {  	_ =	shalt  }
0x84: {  	_ =	shalt  }
0x85: {  	_ =	shalt  }
0x86: {  	_ =	shalt  }
0x87: {  	_ =	shalt  }
.Lfunc_end0:
.L_simem_size_0:
called_computation.1_lowered:
.L_overlay_start_0:
0x88: {  	s2 =	sld [smem:$0x3FD9]  }
0x89: {  	s3 =	sld [smem:$0x3FFE];
	_ =	sdelay $0x1  }
0x8a: {  	s1 =	srdreg.scid  }
0x8b: {  	s0 =	sand.u32 $0x1, s1  }
0x8c: {  	s16 =	sshll.u32 s0, $0xA;
	s2 =	sadd.s32 s3, s2  }
0x8d: {  	s2 =	sadd.s32 s2, s16  }
0x8e: {  	[smem:$0x3FB0] =	sst s2  }
0x8f: {  	_ = 	snop  }
0x90: {  	(tm) =	ssettm $0x1  }
0x91: {  	s17 =	sld [smem:$0x3FFB];
	_ =	sdelay $0x3  }
0x92: {  	_ =	strace s17  }
0x93: {  	s2 =	sld [smem:$0x3FFC];
	_ =	sdelay $0x3  }
0x94: {  	_ =	strace s2  }
0x95: {  	s2 =	sld [smem:$0x3FFD];
	_ =	sdelay $0x3  }
0x96: {  	_ =	strace s2  }
0x97: {  	_ =	strace $0x8FFFFFFF  }
0x98: {  	s18 =	sld [smem:$0x3FDB];
	_ =	sdelay $0x1  }
0x99: {  	s19 =	simm.s32 $_scs_section_size  }
0x9a: {  	s4 =	simm.s32 $_size__tile_overlayer_lowered;
	s5 =	simm.s32 $_tile_overlayer_lowered  }
0x9b: {  	s22 =	simm.s32 $0x1BFF;
	s21 =	sshll.u32 s5, $0x1;
	s2 =	sadd.s32 s19, s18  }
0x9c: {  	s6 =	simm.s32 $0x0;
	s20 =	sshll.u32 s4, $0x1;
	s4 =	sadd.s32 s21, s2  }
0x9d: {  	[timem:s6], [sflag:s22] =	dma.local [hbm:s4], s20  }
0x9e: {  	_ =	swait.ge [sflag:s22], s20  }
0x9f: {  	s3 =	ssub.s32 $0x0, s20;
	[sflag:s22] =	ssyncset.done $0x0  }
0xa0: {  	[sflag:s22] =	ssyncadd.s32 s3;
	_ =	sdelay $0x1  }
0xa1: {  	s23 =	simm.s32 $0x1B8B  }
0xa2: {  	_ =	swait.ge [sflag:s23], $0x1  }
0xa3: {  	[sflag:s23] =	ssyncset.done $0x0  }
0xa4: {  	s25 =	simm.s32 $0x1B8E;
	s24 =	sld [smem:$0x3FFE];
	[sflag:s23] =	ssyncadd.s32 $0xFFFFFFFF  }
0xa5: {  	s26 =	simm.s32 $execute0_lowered;
	[smem:$0x3FD2] =	sst s25  }
0xa6: {  	s4 =	sshll.u32 s26, $0x1;
	_ =	strace $0x80000049;
	[dreg:$0x1] =	wrdreg $0xFFFFFFFF  }
0xa7: {  	s28 =	simm.s32 $_size_execute0_lowered;
	s2 =	sadd.s32 s2, s4;
	[dreg:$0x0] =	wrdreg $0x0  }
0xa8: {  	s4 =	sshll.u32 s28, $0x1;
	[dreg:$0x2] =	wrdreg s2  }
0xa9: {  	[dreg:$0x3] =	wrdreg s4  }
0xaa: {  	[dreg:$0x4] =	wrdreg $0xC0  }
0xab: {  	_ =	task [dreg:s6], $0x5FFFF  }
0xac: {  	[dreg:$0x1] =	wrdreg $0xFFFFFFFF  }
0xad: {  	[dreg:$0x0] =	wrdreg $0x60  }
0xae: {  	[dreg:$0x2] =	wrdreg s24  }
0xaf: {  	[dreg:$0x3] =	wrdreg $0x114000  }
0xb0: {  	[dreg:$0x4] =	wrdreg $0x9  }
0xb1: {  	_ =	task.clear_ibuf [dreg:s6], $0x5FFFF;
	_ =	strace $0x90000049  }
0xb2: {  	s29 =	simm.s32 $0x9;
	_ =	strace $0x8000004B  }
0xb3: {  	_ =	swait.ge [sflag:s29], $0x1  }
0xb4: {  	[sflag:s29] =	ssyncadd.s32 $0xFFFFFFFF  }
0xb5: {  	_ =	strace $0x9000004B  }
0xb6: {  	_ =	sfence  }
0xb7: {  	s30 =	sld [smem:$0x0];
	_ =	sdelay $0x2  }
0xb8: {  	s31 =	sshll.u32 s1, $0xD;
	s1 =	sshrl.u32 s1, $0x2  }
0xb9: {  	s3 =	sand.u32 $0x4000, s31;
	s1 =	sadd.s32 s1, s30  }
0xba: {  	s0 =	sor.u32 s3, s0;
	s1 =	sshll.u32 s1, $0x11  }
0xbb: {  	s0 =	sor.u32 s1, s0  }
0xbc: {  	s0 =	sadd.s32 $0x8F2B, s0  }
0xbd: {  	[sflag:s0] =	ssyncadd.remote.s32 $0x1  }
0xbe: {  	_ =	sfence.sel $0xFFFF  }
0xbf: {  	[dreg:$0x0] =	wrdreg $0xFFFFFFFF;
	(pc) =	sbr.abs _section_cstart, $3  }
0xc0: {  	[dreg:$0x1] =	wrdreg $0xFFFFFFFF  }
0xc1: {  	_ =	task.clear_ibuf [dreg:s6], $0x2FFFF;
	_ =	strace $0x9FFFFFFF  }
0xc2: {  	(tm) =	ssettm $0x7FFFFFFF  }
0xc3: {  	_ =	shalt  }
tec
execute0_lowered:
.L_overlay_start_1:
0x0: {  	(tag) =	ssettag $0x1  }
0x1: {  	s1 =	srdreg.scid;
	s0 =	stileid.u32  }
0x2: {  	s4 =	rddreg [dreg:$0x0];
	s17 =	simm.s32 $0x0;
	s6 =	smul.u32 $0x2720, s0  }
0x3: {  	s28 =	simm.s32 $0x0;
	s1 =	sand.u32 $0x1, s1;
	s7 =	smul.u32 $0x27200, s0  }
0x4: {  	s2 =	sshll.u32 s0, $0x1;
	[smem:$0x7FF] =	sst s17;
	s8 =	smul.u32 $0x140000, s0  }
0x5: {  	s9 =	sadd.s32 $0x52EE00, s4;
	s12 =	smul.u32 $0x2800, s0;
	s22 =	sshll.u32 s0, $0x6  }
0x6: {  	s17 =	simm.s32 $0x80;
	s3 =	sor.u32 s1, s2;
	s10 =	smul.u32 $0xA0000, s1  }
0x7: {  	s2 =	rddreg [dreg:$0x1];
	_ =	strace $0x8000004A;
	s14 =	smul.u32 $0x1400, s1  }
0x8: {  	s18 =	ssub.s32 $0x2, s1;
	p0 =	seq.s32 s1, $0x1;
	s5 =	smul.u32 $0x280, s3  }
0x9: {  	s13 =	sshrl.u32 s18, $0x1;
	s7 =	sshrl.u32 s7, $0x2;
	s15 =	sadd.s32 s6, s4  }
0xa: {  	s13 =	ssub.s32 s18, s13;
	s16 =	sadd.s32 s7, s2;
	s19 =	sadd.s32 $0x35C00, s15  }
0xb: {  	s20 =	sadd.s32 s10, s8;
	s21 =	sadd.s32 s14, s12;
	s12 =	simm.s32 $0x1  }
0xc: {  	s14 =	simm.s32 $0x10;
	s18 =	simm.s32 $0x1400;
	s11 =	sadd.s32 s5, s4  }
0xd: {  	[dreg:$0x9] =	wrdreg s19;
	s8 =	sshrl.u32 s20, $0x3;
	s6 =	sshll.u32 s21, $0x4  }
0xe: {  	s5 =	sor.u32 $0x1C03, s22;
	s7 =	smax.u32 s13, $0x1;
	s13 =	simm.s32 $0x8  }
0xf: {  	s19 =	simm.s32 $0x3400;
	s20 =	simm.s32 $0x5400;
	s21 =	simm.s32 $0x7400  }
0x10: {  	s22 =	simm.s32 $0x9400;
	s23 =	sadd.s32 s8, s9;
	s24 =	sadd.s32 s6, s9  }
0x11: {  	s6 =	sadd.s32 $0x529E00, s11;
	s8 =	simm.s32 $0x84000;
	s11 =	sshrl.u32 s16, $0x3  }
0x12: {  	s16 =	simm.s32 $0x40;
	[dreg:$0x3] =	wrdreg s23;
	s25 =	sadd.s32 $0x3800, s24  }
0x13: {  	s26 =	sadd.s32 $0x3000, s24;
	s29 =	sadd.s32 $0x2800, s24;
	[dreg:$0x4] =	wrdreg s25  }
0x14: {  	s30 =	sadd.s32 $0x2000, s24;
	s8 =	simm.s32 @!p0 $0x5CE00;
	[dreg:$0x5] =	wrdreg s26  }
0x15: {  	s31 =	sadd.s32 $0x1800, s24;
	s9 =	sadd.s32 $0x1000, s24;
	[dreg:$0x6] =	wrdreg s29  }
0x16: {  	s10 =	sadd.s32 $0x800, s24;
	s23 =	simm.s32 $0xB400;
	[dreg:$0x7] =	wrdreg s30  }
0x17: {  	s24 =	simm.s32 $0xD400;
	s8 =	sadd.s32 s8, s15;
	[dreg:$0x8] =	wrdreg s31  }
0x18: {  	s15 =	simm.s32 $0x3;
	s25 =	simm.s32 $0xF400;
	s26 =	simm.s32 $0x2  }
.LBB2_1:
0x19: {  	s0 =	rddreg [dreg:$0x9]  }
0x1a: {  	[spmem:s11@s13], [sflag:s5] =	dma.strided [hbm:s0@s14], $0x1390, s12, $0x8   }
0x1b: {  	_ =	swait.ge [sflag:s15], $0x1390  }
0x1c: {  	[sflag:s15] =	ssyncset.done $0x0  }
0x1d: {  	s0 =	simm.s32 $0x0;
	[sflag:s15] =	ssyncadd.s32 $0xFFFFEC70  }
0x1e: {  	[tilespmem:s0], [sflag:$0x3] =	stream.linear.gather [hbm4b:s6+s0], $0x1400, $0x38;
	[tilespmem:$0x1B080] =	vst v63  }
0x1f: {  	_ =	swait.ge [sflag:s15], $0x1400  }
0x20: {  	[sflag:s15] =	ssyncset.done $0x0  }
0x21: {  	[sflag:s15] =	ssyncadd.s32 $0xFFFFEC00  }
0x22: {  	[bflag:$0x0] =	sbarrier.arrive $0xFFFF  }
0x23: {  	s1 =	rddreg [dreg:$0x3]  }
0x24: {  	s1 =	sadd.s32 $0x0, s1  }
0x25: {  	[tilespmem:s18], [sflag:$0x1] =	stream.strided.gather [hbm4b:s1+s16], $0x2000, s17, s16, $0x38;
	[tilespmem:$0x1B080] =	vst v63  }
0x26: {  	s3 =	sadd.s32 $0x0, s10  }
0x27: {  	[tilespmem:s19], [sflag:$0x1] =	stream.strided.gather [hbm4b:s3+s16], $0x2000, s17, s16, $0x38;
	[tilespmem:$0x1B080] =	vst v63  }
0x28: {  	s4 =	sadd.s32 $0x0, s9;
	s29 =	rddreg [dreg:$0x8]  }
0x29: {  	[tilespmem:s20], [sflag:$0x1] =	stream.strided.gather [hbm4b:s4+s16], $0x2000, s17, s16, $0x38;
	[tilespmem:$0x1B080] =	vst v63  }
0x2a: {  	s30 =	rddreg [dreg:$0x7];
	s3 =	sadd.s32 $0x0, s29  }
0x2b: {  	[tilespmem:s21], [sflag:$0x1] =	stream.strided.gather [hbm4b:s3+s16], $0x2000, s17, s16, $0x38;
	[tilespmem:$0x1B080] =	vst v63  }
0x2c: {  	s29 =	rddreg [dreg:$0x6];
	s4 =	sadd.s32 $0x0, s30  }
0x2d: {  	[tilespmem:s22], [sflag:$0x1] =	stream.strided.gather [hbm4b:s4+s16], $0x2000, s17, s16, $0x38;
	[tilespmem:$0x1B080] =	vst v63  }
0x2e: {  	s30 =	rddreg [dreg:$0x5];
	s3 =	sadd.s32 $0x0, s29  }
0x2f: {  	[tilespmem:s23], [sflag:$0x1] =	stream.strided.gather [hbm4b:s3+s16], $0x2000, s17, s16, $0x38;
	[tilespmem:$0x1B080] =	vst v63  }
0x30: {  	s29 =	rddreg [dreg:$0x4];
	s4 =	sadd.s32 $0x0, s30  }
0x31: {  	[tilespmem:s24], [sflag:$0x1] =	stream.strided.gather [hbm4b:s4+s16], $0x2000, s17, s16, $0x38;
	[tilespmem:$0x1B080] =	vst v63  }
0x32: {  	s3 =	sadd.s32 $0x0, s29  }
0x33: {  	[tilespmem:s25], [sflag:$0x1] =	stream.strided.gather [hbm4b:s3+s16], $0x2000, s17, s16, $0x38;
	[tilespmem:$0x1B080] =	vst v63  }
0x34: {  	_ =	swait.ge [sflag:s12], $0x2000  }
0x35: {  	[sflag:s12] =	ssyncset.done $0x0  }
0x36: {  	[sflag:s12] =	ssyncadd.s32 $0xFFFFE000  }
0x37: {  	_ =	swait.ge [sflag:s12], $0x2000  }
0x38: {  	[sflag:s12] =	ssyncset.done $0x0  }
0x39: {  	[sflag:s12] =	ssyncadd.s32 $0xFFFFE000  }
0x3a: {  	_ =	swait.ge [sflag:s12], $0x2000  }
0x3b: {  	[sflag:s12] =	ssyncset.done $0x0  }
0x3c: {  	[sflag:s12] =	ssyncadd.s32 $0xFFFFE000  }
0x3d: {  	_ =	swait.ge [sflag:s12], $0x2000  }
0x3e: {  	[sflag:s12] =	ssyncset.done $0x0  }
0x3f: {  	[sflag:s12] =	ssyncadd.s32 $0xFFFFE000  }
0x40: {  	_ =	swait.ge [sflag:s12], $0x2000  }
0x41: {  	[sflag:s12] =	ssyncset.done $0x0  }
0x42: {  	[sflag:s12] =	ssyncadd.s32 $0xFFFFE000  }
0x43: {  	_ =	swait.ge [sflag:s12], $0x2000  }
0x44: {  	[sflag:s12] =	ssyncset.done $0x0  }
0x45: {  	[sflag:s12] =	ssyncadd.s32 $0xFFFFE000  }
0x46: {  	_ =	swait.ge [sflag:s12], $0x2000  }
0x47: {  	[sflag:s12] =	ssyncset.done $0x0  }
0x48: {  	[sflag:s12] =	ssyncadd.s32 $0xFFFFE000  }
0x49: {  	_ =	swait.ge [sflag:s12], $0x2000  }
0x4a: {  	[sflag:s12] =	ssyncset.done $0x0  }
0x4b: {  	[sflag:s12] =	ssyncadd.s32 $0xFFFFE000  }
0x4c: {  	[spmem:s2] =	stream.indirect.scatter.add.f32 [tilespmem:s18], [sflag:$0x2], $0x40, s0, s17, $0xb8;
	[tilespmem:$0x1B080] =	vst v63  }
0x4d: {  	s4 =	simm.s32 $0x80  }
0x4e: {  	[spmem:s2] =	stream.indirect.scatter.add.f32 [tilespmem:s19], [sflag:$0x2], $0x40, s4, s17, $0xb8;
	[tilespmem:$0x1B080] =	vst v63  }
0x4f: {  	s0 =	simm.s32 $0x100  }
0x50: {  	[spmem:s2] =	stream.indirect.scatter.add.f32 [tilespmem:s20], [sflag:$0x2], $0x40, s0, s17, $0xb8;
	[tilespmem:$0x1B080] =	vst v63  }
0x51: {  	s3 =	simm.s32 $0x180  }
0x52: {  	[spmem:s2] =	stream.indirect.scatter.add.f32 [tilespmem:s21], [sflag:$0x2], $0x40, s3, s17, $0xb8;
	[tilespmem:$0x1B080] =	vst v63  }
0x53: {  	s4 =	simm.s32 $0x200  }
0x54: {  	[spmem:s2] =	stream.indirect.scatter.add.f32 [tilespmem:s22], [sflag:$0x2], $0x40, s4, s17, $0xb8;
	[tilespmem:$0x1B080] =	vst v63  }
0x55: {  	s0 =	simm.s32 $0x280  }
0x56: {  	[spmem:s2] =	stream.indirect.scatter.add.f32 [tilespmem:s23], [sflag:$0x2], $0x40, s0, s17, $0xb8;
	[tilespmem:$0x1B080] =	vst v63  }
0x57: {  	s3 =	simm.s32 $0x300  }
0x58: {  	[spmem:s2] =	stream.indirect.scatter.add.f32 [tilespmem:s24], [sflag:$0x2], $0x40, s3, s17, $0xb8;
	[tilespmem:$0x1B080] =	vst v63  }
0x59: {  	s4 =	simm.s32 $0x380  }
0x5a: {  	[spmem:s2] =	stream.indirect.scatter.add.f32 [tilespmem:s25], [sflag:$0x2], $0x40, s4, s17, $0xb8;
	[tilespmem:$0x1B080] =	vst v63  }
0x5b: {  	_ =	swait.ge [sflag:s26], $0x2000  }
0x5c: {  	[sflag:s26] =	ssyncset.done $0x0  }
0x5d: {  	[sflag:s26] =	ssyncadd.s32 $0xFFFFE000  }
0x5e: {  	_ =	swait.ge [sflag:s26], $0x2000  }
0x5f: {  	[sflag:s26] =	ssyncset.done $0x0  }
0x60: {  	[sflag:s26] =	ssyncadd.s32 $0xFFFFE000  }
0x61: {  	_ =	swait.ge [sflag:s26], $0x2000  }
0x62: {  	[sflag:s26] =	ssyncset.done $0x0  }
0x63: {  	[sflag:s26] =	ssyncadd.s32 $0xFFFFE000  }
0x64: {  	_ =	swait.ge [sflag:s26], $0x2000  }
0x65: {  	[sflag:s26] =	ssyncset.done $0x0  }
0x66: {  	[sflag:s26] =	ssyncadd.s32 $0xFFFFE000  }
0x67: {  	_ =	swait.ge [sflag:s26], $0x2000  }
0x68: {  	[sflag:s26] =	ssyncset.done $0x0  }
0x69: {  	[sflag:s26] =	ssyncadd.s32 $0xFFFFE000  }
0x6a: {  	_ =	swait.ge [sflag:s26], $0x2000  }
0x6b: {  	[sflag:s26] =	ssyncset.done $0x0  }
0x6c: {  	[sflag:s26] =	ssyncadd.s32 $0xFFFFE000  }
0x6d: {  	_ =	swait.ge [sflag:s26], $0x2000  }
0x6e: {  	[sflag:s26] =	ssyncset.done $0x0  }
0x6f: {  	[sflag:s26] =	ssyncadd.s32 $0xFFFFE000  }
0x70: {  	s31 =	simm.s32 $0x8000;
	s30 =	simm.s32 $0x4000;
	_ =	swait.ge [sflag:s26], $0x2000  }
0x71: {  	s29 =	simm.s32 $0x0;
	s1 =	rddreg [dreg:$0x3];
	[sflag:s26] =	ssyncset.done $0x0  }
.LBB2_2:
0x72: {  	[sflag:s26] =	ssyncadd.s32 $0xFFFFE000;
	s1 =	sadd.s32 s30, s1  }
0x73: {  	[tilespmem:s18], [sflag:$0x1] =	stream.strided.gather [hbm4b:s1+s16], $0x2000, s17, s16, $0x38;
	[tilespmem:$0x1B080] =	vst v63  }
0x74: {  	s4 =	sadd.s32 s30, s10  }
0x75: {  	[tilespmem:s19], [sflag:$0x1] =	stream.strided.gather [hbm4b:s4+s16], $0x2000, s17, s16, $0x38;
	[tilespmem:$0x1B080] =	vst v63  }
0x76: {  	s3 =	rddreg [dreg:$0x8];
	s1 =	sadd.s32 s30, s9  }
0x77: {  	[tilespmem:s20], [sflag:$0x1] =	stream.strided.gather [hbm4b:s1+s16], $0x2000, s17, s16, $0x38;
	[tilespmem:$0x1B080] =	vst v63  }
0x78: {  	s4 =	rddreg [dreg:$0x7];
	s1 =	sadd.s32 s30, s3  }
0x79: {  	[tilespmem:s21], [sflag:$0x1] =	stream.strided.gather [hbm4b:s1+s16], $0x2000, s17, s16, $0x38;
	[tilespmem:$0x1B080] =	vst v63  }
0x7a: {  	s3 =	rddreg [dreg:$0x6];
	s1 =	sadd.s32 s30, s4  }
0x7b: {  	[tilespmem:s22], [sflag:$0x1] =	stream.strided.gather [hbm4b:s1+s16], $0x2000, s17, s16, $0x38;
	[tilespmem:$0x1B080] =	vst v63  }
0x7c: {  	s4 =	rddreg [dreg:$0x5];
	s1 =	sadd.s32 s30, s3  }
0x7d: {  	[tilespmem:s23], [sflag:$0x1] =	stream.strided.gather [hbm4b:s1+s16], $0x2000, s17, s16, $0x38;
	[tilespmem:$0x1B080] =	vst v63  }
0x7e: {  	s4 =	sadd.s32 s30, s4;
	s3 =	rddreg [dreg:$0x4]  }
0x7f: {  	[tilespmem:s24], [sflag:$0x1] =	stream.strided.gather [hbm4b:s4+s16], $0x2000, s17, s16, $0x38;
	[tilespmem:$0x1B080] =	vst v63  }
0x80: {  	s3 =	sadd.s32 s30, s3  }
0x81: {  	[tilespmem:s25], [sflag:$0x1] =	stream.strided.gather [hbm4b:s3+s16], $0x2000, s17, s16, $0x38;
	[tilespmem:$0x1B080] =	vst v63  }
0x82: {  	_ =	swait.ge [sflag:s12], $0x2000  }
0x83: {  	[sflag:s12] =	ssyncset.done $0x0  }
0x84: {  	[sflag:s12] =	ssyncadd.s32 $0xFFFFE000  }
0x85: {  	_ =	swait.ge [sflag:s12], $0x2000  }
0x86: {  	[sflag:s12] =	ssyncset.done $0x0  }
0x87: {  	[sflag:s12] =	ssyncadd.s32 $0xFFFFE000  }
0x88: {  	_ =	swait.ge [sflag:s12], $0x2000  }
0x89: {  	[sflag:s12] =	ssyncset.done $0x0  }
0x8a: {  	[sflag:s12] =	ssyncadd.s32 $0xFFFFE000  }
0x8b: {  	_ =	swait.ge [sflag:s12], $0x2000  }
0x8c: {  	[sflag:s12] =	ssyncset.done $0x0  }
0x8d: {  	[sflag:s12] =	ssyncadd.s32 $0xFFFFE000  }
0x8e: {  	_ =	swait.ge [sflag:s12], $0x2000  }
0x8f: {  	[sflag:s12] =	ssyncset.done $0x0  }
0x90: {  	[sflag:s12] =	ssyncadd.s32 $0xFFFFE000  }
0x91: {  	_ =	swait.ge [sflag:s12], $0x2000  }
0x92: {  	[sflag:s12] =	ssyncset.done $0x0  }
0x93: {  	[sflag:s12] =	ssyncadd.s32 $0xFFFFE000  }
0x94: {  	_ =	swait.ge [sflag:s12], $0x2000  }
0x95: {  	[sflag:s12] =	ssyncset.done $0x0  }
0x96: {  	[sflag:s12] =	ssyncadd.s32 $0xFFFFE000  }
0x97: {  	_ =	swait.ge [sflag:s12], $0x2000  }
0x98: {  	[sflag:s12] =	ssyncset.done $0x0  }
0x99: {  	s29 =	sadd.s32 $0x400, s29;
	[sflag:s12] =	ssyncadd.s32 $0xFFFFE000  }
0x9a: {  	[spmem:s2] =	stream.indirect.scatter.add.f32 [tilespmem:s18], [sflag:$0x2], $0x40, s29, s17, $0xb8;
	[tilespmem:$0x1B080] =	vst v63  }
0x9b: {  	s4 =	sadd.s32 $0x80, s29  }
0x9c: {  	[spmem:s2] =	stream.indirect.scatter.add.f32 [tilespmem:s19], [sflag:$0x2], $0x40, s4, s17, $0xb8;
	[tilespmem:$0x1B080] =	vst v63  }
0x9d: {  	s1 =	sadd.s32 $0x100, s29  }
0x9e: {  	[spmem:s2] =	stream.indirect.scatter.add.f32 [tilespmem:s20], [sflag:$0x2], $0x40, s1, s17, $0xb8;
	[tilespmem:$0x1B080] =	vst v63  }
0x9f: {  	s3 =	sadd.s32 $0x180, s29  }
0xa0: {  	[spmem:s2] =	stream.indirect.scatter.add.f32 [tilespmem:s21], [sflag:$0x2], $0x40, s3, s17, $0xb8;
	[tilespmem:$0x1B080] =	vst v63  }
0xa1: {  	s4 =	sadd.s32 $0x200, s29  }
0xa2: {  	[spmem:s2] =	stream.indirect.scatter.add.f32 [tilespmem:s22], [sflag:$0x2], $0x40, s4, s17, $0xb8;
	[tilespmem:$0x1B080] =	vst v63  }
0xa3: {  	s1 =	sadd.s32 $0x280, s29  }
0xa4: {  	[spmem:s2] =	stream.indirect.scatter.add.f32 [tilespmem:s23], [sflag:$0x2], $0x40, s1, s17, $0xb8;
	[tilespmem:$0x1B080] =	vst v63  }
0xa5: {  	s3 =	sadd.s32 $0x300, s29  }
0xa6: {  	[spmem:s2] =	stream.indirect.scatter.add.f32 [tilespmem:s24], [sflag:$0x2], $0x40, s3, s17, $0xb8;
	[tilespmem:$0x1B080] =	vst v63  }
0xa7: {  	s4 =	sadd.s32 $0x380, s29  }
0xa8: {  	[spmem:s2] =	stream.indirect.scatter.add.f32 [tilespmem:s25], [sflag:$0x2], $0x40, s4, s17, $0xb8;
	[tilespmem:$0x1B080] =	vst v63  }
0xa9: {  	_ =	swait.ge [sflag:s26], $0x2000  }
0xaa: {  	[sflag:s26] =	ssyncset.done $0x0  }
0xab: {  	[sflag:s26] =	ssyncadd.s32 $0xFFFFE000  }
0xac: {  	_ =	swait.ge [sflag:s26], $0x2000  }
0xad: {  	[sflag:s26] =	ssyncset.done $0x0  }
0xae: {  	[sflag:s26] =	ssyncadd.s32 $0xFFFFE000  }
0xaf: {  	_ =	swait.ge [sflag:s26], $0x2000  }
0xb0: {  	[sflag:s26] =	ssyncset.done $0x0  }
0xb1: {  	[sflag:s26] =	ssyncadd.s32 $0xFFFFE000  }
0xb2: {  	_ =	swait.ge [sflag:s26], $0x2000  }
0xb3: {  	[sflag:s26] =	ssyncset.done $0x0  }
0xb4: {  	[sflag:s26] =	ssyncadd.s32 $0xFFFFE000  }
0xb5: {  	_ =	swait.ge [sflag:s26], $0x2000  }
0xb6: {  	[sflag:s26] =	ssyncset.done $0x0  }
0xb7: {  	[sflag:s26] =	ssyncadd.s32 $0xFFFFE000  }
0xb8: {  	_ =	swait.ge [sflag:s26], $0x2000  }
0xb9: {  	[sflag:s26] =	ssyncset.done $0x0  }
0xba: {  	p0 =	sne.s32 s31, $0x10000;
	[sflag:s26] =	ssyncadd.s32 $0xFFFFE000  }
.Ltmp0:
0xbb: {  	_ =	swait.ge [sflag:s26], $0x2000;
	(pc) =	sbr.rel @p0 .LBB2_2-.Ltmp0, $4  }
0xbc: {  	[sflag:s26] =	ssyncset.done $0x0  }
0xbd: {  	[sflag:s26] =	ssyncadd.s32 $0xFFFFE000  }
0xbe: {  	s0 =	smov.u32 s31;
	s31 =	sadd.s32 $0x4000, s31;
	_ =	swait.ge [sflag:s26], $0x2000  }
0xbf: {  	s30 =	smov.u32 s0;
	s1 =	rddreg [dreg:$0x3];
	[sflag:s26] =	ssyncset.done $0x0  }
0xc0: {  	[sflag:s26] =	ssyncadd.s32 $0xFFFFE000;
	s0 =	sadd.s32 s30, s1  }
0xc1: {  	[tilespmem:s18], [sflag:$0x1] =	stream.strided.gather [hbm4b:s0+s16], $0x2000, s17, s16, $0x38;
	[tilespmem:$0x1B080] =	vst v63  }
0xc2: {  	s4 =	sadd.s32 s30, s10  }
0xc3: {  	[tilespmem:s19], [sflag:$0x1] =	stream.strided.gather [hbm4b:s4+s16], $0x2000, s17, s16, $0x38;
	[tilespmem:$0x1B080] =	vst v63  }
0xc4: {  	s31 =	rddreg [dreg:$0x8];
	s3 =	sadd.s32 s30, s9  }
0xc5: {  	[tilespmem:s20], [sflag:$0x1] =	stream.strided.gather [hbm4b:s3+s16], $0x2000, s17, s16, $0x38;
	[tilespmem:$0x1B080] =	vst v63  }
0xc6: {  	s1 =	sadd.s32 s30, s31;
	s4 =	rddreg [dreg:$0x7]  }
0xc7: {  	[tilespmem:s21], [sflag:$0x1] =	stream.strided.gather [hbm4b:s1+s16], $0x2000, s17, s16, $0x38;
	[tilespmem:$0x1B080] =	vst v63  }
0xc8: {  	s31 =	rddreg [dreg:$0x6];
	s0 =	sadd.s32 s30, s4  }
0xc9: {  	[tilespmem:s22], [sflag:$0x1] =	stream.strided.gather [hbm4b:s0+s16], $0x2000, s17, s16, $0x38;
	[tilespmem:$0x1B080] =	vst v63  }
0xca: {  	s3 =	rddreg [dreg:$0x5];
	s1 =	sadd.s32 s30, s31  }
0xcb: {  	[tilespmem:s23], [sflag:$0x1] =	stream.strided.gather [hbm4b:s1+s16], $0x2000, s17, s16, $0x38;
	[tilespmem:$0x1B080] =	vst v63  }
0xcc: {  	s4 =	rddreg [dreg:$0x4];
	s0 =	sadd.s32 s30, s3  }
0xcd: {  	[tilespmem:s24], [sflag:$0x1] =	stream.strided.gather [hbm4b:s0+s16], $0x2000, s17, s16, $0x38;
	[tilespmem:$0x1B080] =	vst v63  }
0xce: {  	s30 =	sadd.s32 s30, s4  }
0xcf: {  	[tilespmem:s25], [sflag:$0x1] =	stream.strided.gather [hbm4b:s30+s16], $0x2000, s17, s16, $0x38;
	[tilespmem:$0x1B080] =	vst v63  }
0xd0: {  	_ =	swait.ge [sflag:s12], $0x2000  }
0xd1: {  	[sflag:s12] =	ssyncset.done $0x0  }
0xd2: {  	[sflag:s12] =	ssyncadd.s32 $0xFFFFE000  }
0xd3: {  	_ =	swait.ge [sflag:s12], $0x2000  }
0xd4: {  	[sflag:s12] =	ssyncset.done $0x0  }
0xd5: {  	[sflag:s12] =	ssyncadd.s32 $0xFFFFE000  }
0xd6: {  	_ =	swait.ge [sflag:s12], $0x2000  }
0xd7: {  	[sflag:s12] =	ssyncset.done $0x0  }
0xd8: {  	[sflag:s12] =	ssyncadd.s32 $0xFFFFE000  }
0xd9: {  	_ =	swait.ge [sflag:s12], $0x2000  }
0xda: {  	[sflag:s12] =	ssyncset.done $0x0  }
0xdb: {  	[sflag:s12] =	ssyncadd.s32 $0xFFFFE000  }
0xdc: {  	_ =	swait.ge [sflag:s12], $0x2000  }
0xdd: {  	[sflag:s12] =	ssyncset.done $0x0  }
0xde: {  	[sflag:s12] =	ssyncadd.s32 $0xFFFFE000  }
0xdf: {  	_ =	swait.ge [sflag:s12], $0x2000  }
0xe0: {  	[sflag:s12] =	ssyncset.done $0x0  }
0xe1: {  	[sflag:s12] =	ssyncadd.s32 $0xFFFFE000  }
0xe2: {  	_ =	swait.ge [sflag:s12], $0x2000  }
0xe3: {  	[sflag:s12] =	ssyncset.done $0x0  }
0xe4: {  	[sflag:s12] =	ssyncadd.s32 $0xFFFFE000  }
0xe5: {  	_ =	swait.ge [sflag:s12], $0x2000  }
0xe6: {  	[sflag:s12] =	ssyncset.done $0x0  }
0xe7: {  	s0 =	sadd.s32 $0x400, s29;
	[sflag:s12] =	ssyncadd.s32 $0xFFFFE000  }
0xe8: {  	[spmem:s2] =	stream.indirect.scatter.add.f32 [tilespmem:s18], [sflag:$0x2], $0x40, s0, s17, $0xb8;
	[tilespmem:$0x1B080] =	vst v63  }
0xe9: {  	s31 =	sadd.s32 $0x80, s0  }
0xea: {  	[spmem:s2] =	stream.indirect.scatter.add.f32 [tilespmem:s19], [sflag:$0x2], $0x40, s31, s17, $0xb8;
	[tilespmem:$0x1B080] =	vst v63  }
0xeb: {  	s3 =	sadd.s32 $0x100, s0  }
0xec: {  	[spmem:s2] =	stream.indirect.scatter.add.f32 [tilespmem:s20], [sflag:$0x2], $0x40, s3, s17, $0xb8;
	[tilespmem:$0x1B080] =	vst v63  }
0xed: {  	s4 =	sadd.s32 $0x180, s0  }
0xee: {  	[spmem:s2] =	stream.indirect.scatter.add.f32 [tilespmem:s21], [sflag:$0x2], $0x40, s4, s17, $0xb8;
	[tilespmem:$0x1B080] =	vst v63  }
0xef: {  	s29 =	sadd.s32 $0x200, s0  }
0xf0: {  	[spmem:s2] =	stream.indirect.scatter.add.f32 [tilespmem:s22], [sflag:$0x2], $0x40, s29, s17, $0xb8;
	[tilespmem:$0x1B080] =	vst v63  }
0xf1: {  	s30 =	sadd.s32 $0x280, s0  }
0xf2: {  	[spmem:s2] =	stream.indirect.scatter.add.f32 [tilespmem:s23], [sflag:$0x2], $0x40, s30, s17, $0xb8;
	[tilespmem:$0x1B080] =	vst v63  }
0xf3: {  	s31 =	sadd.s32 $0x300, s0  }
0xf4: {  	[spmem:s2] =	stream.indirect.scatter.add.f32 [tilespmem:s24], [sflag:$0x2], $0x40, s31, s17, $0xb8;
	[tilespmem:$0x1B080] =	vst v63  }
0xf5: {  	s0 =	sadd.s32 $0x380, s0  }
0xf6: {  	[spmem:s2] =	stream.indirect.scatter.add.f32 [tilespmem:s25], [sflag:$0x2], $0x40, s0, s17, $0xb8;
	[tilespmem:$0x1B080] =	vst v63  }
0xf7: {  	_ =	swait.ge [sflag:s26], $0x2000  }
0xf8: {  	[sflag:s26] =	ssyncset.done $0x0  }
0xf9: {  	[sflag:s26] =	ssyncadd.s32 $0xFFFFE000  }
0xfa: {  	_ =	swait.ge [sflag:s26], $0x2000  }
0xfb: {  	[sflag:s26] =	ssyncset.done $0x0  }
0xfc: {  	[sflag:s26] =	ssyncadd.s32 $0xFFFFE000  }
0xfd: {  	_ =	swait.ge [sflag:s26], $0x2000  }
0xfe: {  	[sflag:s26] =	ssyncset.done $0x0  }
0xff: {  	[sflag:s26] =	ssyncadd.s32 $0xFFFFE000  }
0x100: {  	_ =	swait.ge [sflag:s26], $0x2000  }
0x101: {  	[sflag:s26] =	ssyncset.done $0x0  }
0x102: {  	[sflag:s26] =	ssyncadd.s32 $0xFFFFE000  }
0x103: {  	_ =	swait.ge [sflag:s26], $0x2000  }
0x104: {  	[sflag:s26] =	ssyncset.done $0x0  }
0x105: {  	[sflag:s26] =	ssyncadd.s32 $0xFFFFE000  }
0x106: {  	_ =	swait.ge [sflag:s26], $0x2000  }
0x107: {  	[sflag:s26] =	ssyncset.done $0x0  }
0x108: {  	[sflag:s26] =	ssyncadd.s32 $0xFFFFE000  }
0x109: {  	_ =	swait.ge [sflag:s26], $0x2000  }
0x10a: {  	[sflag:s26] =	ssyncset.done $0x0  }
0x10b: {  	[sflag:s26] =	ssyncadd.s32 $0xFFFFE000  }
0x10c: {  	_ =	swait.ge [sflag:s26], $0x2000  }
0x10d: {  	s28 =	sadd.s32 $0x1, s28;
	[sflag:s26] =	ssyncset.done $0x0  }
0x10e: {  	p0 =	sne.s32 s28, s7;
	[sflag:s26] =	ssyncadd.s32 $0xFFFFE000  }
.Ltmp1:
0x10f: {  	[bflag:$0x0] =	sbarrier.arrive $0xFFFF;
	(pc) =	sbr.rel @p0 .LBB2_1-.Ltmp1, $4  }
0x110: {  	[hbm:s8@s14], [sflag:s5] =	dma.strided [spmem:s11@s13], $0x1390, s12, $0x8   }
0x111: {  	_ =	swait.ge [sflag:s15], $0x1390  }
0x112: {  	[sflag:s15] =	ssyncset.done $0x0  }
0x113: {  	[sflag:s15] =	ssyncadd.s32 $0xFFFFEC70  }
0x114: {  	_ =	sfence.sel $0x180000  }
0x115: {  	[bflag:$0x0] =	sbarrier.arrive $0xFFFF  }
0x116: {  	_ =	strace $0x9000004A  }
0x117: {  	s0 =	stileid.u32;
	[bflag:$0x2] =	sbarrier.arrive $0xFFFF  }
0x118: {  	p0 =	sne.s32 s0, $0x0;
	s0 =	rddreg [dreg:$0x2]  }
0x119: {  	s0 =	sadd.s32 @!p0 $0x100000, s0  }
0x11a: {  	[sflag:s0] =	ssyncadd.tile.s32 @!p0 $0x1;
	_ =	shalt  }
.Lfunc_end2:
_tile_overlayer_lowered:
.L_overlay_start_2:
0x11b: {  	(tag) =	ssettag $0x2  }
0x11c: {  	s0 =	rddreg [dreg:$0x0];
	s2 =	stileid.u32  }
0x11d: {  	s1 =	rddreg [dreg:$0x1];
	p0 =	sne.s32 s2, $0x0  }
0x11e: {  	s3 =	rddreg [dreg:$0x2];
	[bflag:$0x3] =	sbarrier.arrive $0xFFFF;
	s2 =	simm.s32 @!p0 $0x1C03  }
0x11f: {  	[timem:s3], [sflag:s2] =	dma.local @!p0 [hbm:s0], s1  }
0x120: {  	s0 =	simm.s32 @!p0 $0x3  }
0x121: {  	_ =	swait.ge @!p0 [sflag:s0], s1  }
0x122: {  	s1 =	ssub.s32 @!p0 $0x0, s1;
	[sflag:s0] =	ssyncset.done @!p0 $0x0  }
0x123: {  	[sflag:s0] =	ssyncadd.s32 @!p0 s1  }
0x124: {  	[bflag:$0x3] =	sbarrier.arrive $0xFFFF  }
0x125: {  	_ =	shalt  }

// kernel: kernel.22.cloned.1.call-start
scs
__scs_entry_jumppad:
0x0: {  	(pc) =	sbr.rel $0x88, $3  }
0x1: {  	(tag) =	ssettag $0x0;
	lr =	simm.s32 $0x1  }
0x2: {  	[smem:$0x3F89] =	sst lr;
	_ =	strace $0xD0000000  }
0x3: {  	_ = 	snop  }
0x4: {  	_ = 	snop  }
0x5: {  	_ = 	snop  }
0x6: {  	_ = 	snop  }
0x7: {  	_ = 	snop  }
__scs_overlays_trampoline_lowered:
0x8: {  	[smem:$0x3F98] =	sst s0  }
0x9: {  	[smem:$0x3F99] =	sst s1  }
0xa: {  	[smem:$0x3F9A] =	sst s2  }
0xb: {  	[smem:$0x3F9B] =	sst s3  }
0xc: {  	[smem:$0x3F9C] =	sst s4  }
0xd: {  	[smem:$0x3F9D] =	sst s5  }
0xe: {  	[smem:$0x3F9E] =	sst s6  }
0xf: {  	[smem:$0x3F9F] =	sst s7  }
0x10: {  	[smem:$0x3FA0] =	sst s8  }
0x11: {  	[smem:$0x3FA1] =	sst s9;
	s0 =	simm.s32 @!p0 $0x0  }
0x12: {  	s1 =	sld [smem:$0x3F87];
	s0 =	simm.s32 @p0 $0x1  }
0x13: {  	[smem:$0x3FA2] =	sst s0;
	s0 =	simm.s32 @!p1 $0x0  }
0x14: {  	s2 =	sld [smem:$0x3F86];
	s0 =	simm.s32 @p1 $0x1  }
0x15: {  	[smem:$0x3FA3] =	sst s0;
	s0 =	simm.s32 @!p2 $0x0  }
0x16: {  	s3 =	sld [smem:$0x3FDB];
	s0 =	simm.s32 @p2 $0x1  }
0x17: {  	s4 =	simm.s32 $0x1BF5;
	[smem:$0x3FA5] =	sst s0  }
0x18: {  	s0 =	sld [smem:$0x3F88];
	_ =	swait.ge [sflag:s4], $0x0  }
0x19: {  	s7 =	sld [smem:$0x3F89]  }
0x1a: {  	s8 =	sadd.s32 $0xFFFFE003, lr  }
0x1b: {  	s9 =	sadd.s32 $0xFFFFFEF7, lr;
	s5 =	simm.s32 $0xFFFFFFFF;
	p2 =	slt.u32 s8, $0xFFFFF086  }
0x1c: {  	p1 =	slt.u32 s9, $0xF7A;
	s5 =	simm.s32 @!p2 $0x0  }
0x1d: {  	s5 =	simm.s32 @p1 $0x1;
	p0 =	seq.s32 s7, s2  }
0x1e: {  	s7 =	smul.u32 @!p0 $0xF7A, s2;
	p2 =	seq.s32 @!p0 s5, $0x0  }
0x1f: {  	s9 =	smul.u32 $0xF7A, s1;
	s8 =	simm.s32 @!p0 $0x1BF5;
	p2 =	por !p2, p0  }
0x20: {  	[sflag:s8] =	ssyncset.s32 @!p0 $0xFFFFF086;
	s6 =	sadd.s32 @!p0 s3, s7;
	s7 =	simm.s32 @!p0 $0x108  }
0x21: {  	s3 =	sadd.s32 s3, s9;
	s6 =	sadd.s32 @!p0 $0x88, s6;
	s7 =	simm.s32 @p2 $0x1082  }
0x22: {  	[simem:s7], [sflag:s8] =	dma.local @!p0 [hbm:s6], $0xF7A  }
0x23: {  	s9 =	sor.u32 $0xD0000000, s2;
	s6 =	simm.s32 $0x108;
	_ =	swait.ge @!p0 [sflag:s8], $0x0  }
0x24: {  	s3 =	sadd.s32 $0x88, s3;
	s6 =	simm.s32 @!p1 $0x1082;
	[sflag:s4] =	ssyncset.s32 $0xFFFFF086  }
0x25: {  	[simem:s6], [sflag:s4] =	dma.local [hbm:s3], $0xF7A  }
0x26: {  	[smem:$0x3F89] =	sst s1;
	(tag) =	ssettag s2;
	_ =	strace s9  }
0x27: {  	s1 =	sld [smem:$0x3F99]  }
0x28: {  	s2 =	sld [smem:$0x3F9A]  }
0x29: {  	s4 =	sld [smem:$0x3F9C]  }
0x2a: {  	p0 =	seq.s32 s5, $0x0;
	s5 =	sld [smem:$0x3F9D]  }
0x2b: {  	s6 =	sld [smem:$0x3F9E]  }
0x2c: {  	s7 =	sld [smem:$0x3F9F]  }
0x2d: {  	s3 =	simm.s32 $0x108;
	s8 =	sld [smem:$0x3FA0]  }
0x2e: {  	s3 =	simm.s32 @!p0 $0x1082;
	s9 =	sld [smem:$0x3FA1]  }
0x2f: {  	lr =	sadd.s32 s0, s3;
	s0 =	sld [smem:$0x3F98]  }
0x30: {  	s3 =	sld [smem:$0x3F9B]  }
0x31: {  	[smem:$0x3FA4] =	sst s10  }
0x32: {  	s10 =	sld [smem:$0x3FA2];
	_ =	sdelay $0x3  }
0x33: {  	p0 =	seq.s32 s10, $0x1;
	s10 =	sld [smem:$0x3FA4];
	_ =	sdelay $0x3  }
0x34: {  	[smem:$0x3FA4] =	sst s10  }
0x35: {  	s10 =	sld [smem:$0x3FA3];
	_ =	sdelay $0x3  }
0x36: {  	p1 =	seq.s32 s10, $0x1;
	s10 =	sld [smem:$0x3FA4];
	_ =	sdelay $0x3  }
0x37: {  	[smem:$0x3FA4] =	sst s10  }
0x38: {  	s10 =	sld [smem:$0x3FA5]  }
0x39: {  	_ = 	snop;
	(pc) =	sbr.ind lr, $3  }
0x3a: {  	_ = 	snop  }
0x3b: {  	_ = 	snop  }
0x3c: {  	p2 =	seq.s32 s10, $0x1;
	s10 =	sld [smem:$0x3FA4]  }
0x3d: {  	_ =	shalt  }
0x3e: {  	_ =	shalt  }
0x3f: {  	_ =	shalt  }
0x40: {  	_ =	shalt  }
0x41: {  	_ =	shalt  }
0x42: {  	_ =	shalt  }
0x43: {  	_ =	shalt  }
0x44: {  	_ =	shalt  }
0x45: {  	_ =	shalt  }
0x46: {  	_ =	shalt  }
0x47: {  	_ =	shalt  }
0x48: {  	_ =	shalt  }
0x49: {  	_ =	shalt  }
0x4a: {  	_ =	shalt  }
0x4b: {  	_ =	shalt  }
0x4c: {  	_ =	shalt  }
0x4d: {  	_ =	shalt  }
0x4e: {  	_ =	shalt  }
0x4f: {  	_ =	shalt  }
0x50: {  	_ =	shalt  }
0x51: {  	_ =	shalt  }
0x52: {  	_ =	shalt  }
0x53: {  	_ =	shalt  }
0x54: {  	_ =	shalt  }
0x55: {  	_ =	shalt  }
0x56: {  	_ =	shalt  }
0x57: {  	_ =	shalt  }
0x58: {  	_ =	shalt  }
0x59: {  	_ =	shalt  }
0x5a: {  	_ =	shalt  }
0x5b: {  	_ =	shalt  }
0x5c: {  	_ =	shalt  }
0x5d: {  	_ =	shalt  }
0x5e: {  	_ =	shalt  }
0x5f: {  	_ =	shalt  }
0x60: {  	_ =	shalt  }
0x61: {  	_ =	shalt  }
0x62: {  	_ =	shalt  }
0x63: {  	_ =	shalt  }
0x64: {  	_ =	shalt  }
0x65: {  	_ =	shalt  }
0x66: {  	_ =	shalt  }
0x67: {  	_ =	shalt  }
0x68: {  	_ =	shalt  }
0x69: {  	_ =	shalt  }
0x6a: {  	_ =	shalt  }
0x6b: {  	_ =	shalt  }
0x6c: {  	_ =	shalt  }
0x6d: {  	_ =	shalt  }
0x6e: {  	_ =	shalt  }
0x6f: {  	_ =	shalt  }
0x70: {  	_ =	shalt  }
0x71: {  	_ =	shalt  }
0x72: {  	_ =	shalt  }
0x73: {  	_ =	shalt  }
0x74: {  	_ =	shalt  }
0x75: {  	_ =	shalt  }
0x76: {  	_ =	shalt  }
0x77: {  	_ =	shalt  }
0x78: {  	_ =	shalt  }
0x79: {  	_ =	shalt  }
0x7a: {  	_ =	shalt  }
0x7b: {  	_ =	shalt  }
0x7c: {  	_ =	shalt  }
0x7d: {  	_ =	shalt  }
0x7e: {  	_ =	shalt  }
0x7f: {  	_ =	shalt  }
0x80: {  	_ =	shalt  }
0x81: {  	_ =	shalt  }
0x82: {  	_ =	shalt  }
0x83: {  	_ =	shalt  }
0x84: {  	_ =	shalt  }
0x85: {  	_ =	shalt  }
0x86: {  	_ =	shalt  }
0x87: {  	_ =	shalt  }
.Lfunc_end0:
.L_simem_size_0:
called_computation.2_lowered:
.L_overlay_start_0:
0x88: {  	s2 =	sld [smem:$0x3FD9]  }
0x89: {  	s3 =	sld [smem:$0x3FFE];
	_ =	sdelay $0x1  }
0x8a: {  	s1 =	srdreg.scid  }
0x8b: {  	s0 =	sand.u32 $0x1, s1  }
0x8c: {  	s14 =	sshll.u32 s0, $0xA;
	s2 =	sadd.s32 s3, s2  }
0x8d: {  	s2 =	sadd.s32 s2, s14  }
0x8e: {  	[smem:$0x3FB0] =	sst s2  }
0x8f: {  	_ = 	snop  }
0x90: {  	s2 =	sld [smem:$0x3FD0];
	_ =	sdelay $0x2  }
0x91: {  	s15 =	simm.s32 $0xA;
	s4 =	simm.s32 $0x10  }
0x92: {  	[smem:s4], [sflag:s15] =	dma.local [hbm:s2], $0x1  }
0x93: {  	_ =	swait.eq [sflag:s15], $0x1  }
0x94: {  	[sflag:s15] =	ssyncset.done $0x0  }
0x95: {  	[sflag:s15] =	ssyncadd.s32 $0xFFFFFFFF  }
0x96: {  	s16 =	sld [smem:$0x11];
	(tm) =	ssettm $0x1  }
0x97: {  	s17 =	sld [smem:$0x3FFB];
	_ =	sdelay $0x3  }
0x98: {  	_ =	strace s17  }
0x99: {  	s3 =	sld [smem:$0x3FFC];
	_ =	sdelay $0x3  }
0x9a: {  	_ =	strace s3  }
0x9b: {  	s3 =	sld [smem:$0x3FFD];
	_ =	sdelay $0x3  }
0x9c: {  	_ =	strace s3  }
0x9d: {  	_ =	strace $0x8FFFFFFF  }
0x9e: {  	s18 =	sld [smem:$0x3FDB];
	_ =	sdelay $0x1  }
0x9f: {  	s19 =	simm.s32 $_scs_section_size  }
0xa0: {  	s5 =	simm.s32 $_size__tile_overlayer_lowered;
	s6 =	simm.s32 $_tile_overlayer_lowered  }
0xa1: {  	s22 =	simm.s32 $0x1BFF;
	s21 =	sshll.u32 s6, $0x1;
	s3 =	sadd.s32 s19, s18  }
0xa2: {  	s7 =	simm.s32 $0x0;
	s20 =	sshll.u32 s5, $0x1;
	s5 =	sadd.s32 s21, s3  }
0xa3: {  	[timem:s7], [sflag:s22] =	dma.local [hbm:s5], s20  }
0xa4: {  	_ =	swait.ge [sflag:s22], s20  }
0xa5: {  	s4 =	ssub.s32 $0x0, s20;
	[sflag:s22] =	ssyncset.done $0x0  }
0xa6: {  	[sflag:s22] =	ssyncadd.s32 s4;
	_ =	sdelay $0x1  }
0xa7: {  	s23 =	simm.s32 $0x1B8B  }
0xa8: {  	_ =	swait.ge [sflag:s23], $0x1  }
0xa9: {  	[sflag:s23] =	ssyncset.done $0x0  }
0xaa: {  	s25 =	simm.s32 $0x1B8E;
	s24 =	sld [smem:$0x3FFE];
	[sflag:s23] =	ssyncadd.s32 $0xFFFFFFFF  }
0xab: {  	s26 =	simm.s32 $execute0_lowered;
	[smem:$0x3FD2] =	sst s25  }
0xac: {  	s5 =	sshll.u32 s26, $0x1;
	_ =	strace $0x8000004C;
	[dreg:$0x1] =	wrdreg $0xFFFFFFFF  }
0xad: {  	s28 =	simm.s32 $_size_execute0_lowered;
	s3 =	sadd.s32 s3, s5;
	[dreg:$0x0] =	wrdreg $0x0  }
0xae: {  	s5 =	sshll.u32 s28, $0x1;
	[dreg:$0x2] =	wrdreg s3  }
0xaf: {  	[dreg:$0x3] =	wrdreg s5  }
0xb0: {  	[dreg:$0x4] =	wrdreg $0xC0  }
0xb1: {  	_ =	task [dreg:s7], $0x5FFFF  }
0xb2: {  	[dreg:$0x1] =	wrdreg $0xFFFFFFFF  }
0xb3: {  	[dreg:$0x0] =	wrdreg $0x60  }
0xb4: {  	[dreg:$0x2] =	wrdreg s16  }
0xb5: {  	[dreg:$0x3] =	wrdreg s24  }
0xb6: {  	[dreg:$0x4] =	wrdreg $0x9  }
0xb7: {  	_ =	task.clear_ibuf [dreg:s7], $0x5FFFF;
	_ =	strace $0x9000004C  }
0xb8: {  	s29 =	simm.s32 $0x9;
	_ =	strace $0x8000004E  }
0xb9: {  	_ =	swait.ge [sflag:s29], $0x1  }
0xba: {  	[sflag:s29] =	ssyncadd.s32 $0xFFFFFFFF  }
0xbb: {  	_ =	strace $0x9000004E  }
0xbc: {  	_ =	sfence  }
0xbd: {  	s30 =	sld [smem:$0x0];
	_ =	sdelay $0x2  }
0xbe: {  	s31 =	sshll.u32 s1, $0xD;
	s1 =	sshrl.u32 s1, $0x2  }
0xbf: {  	s3 =	sand.u32 $0x4000, s31;
	s1 =	sadd.s32 s1, s30  }
0xc0: {  	s0 =	sor.u32 s3, s0;
	s1 =	sshll.u32 s1, $0x11  }
0xc1: {  	s0 =	sor.u32 s1, s0  }
0xc2: {  	s0 =	sadd.s32 $0x8F2B, s0  }
0xc3: {  	[sflag:s0] =	ssyncadd.remote.s32 $0x1  }
0xc4: {  	_ =	sfence.sel $0xFFFF  }
0xc5: {  	[dreg:$0x0] =	wrdreg $0xFFFFFFFF;
	(pc) =	sbr.abs _section_cstart, $3  }
0xc6: {  	[dreg:$0x1] =	wrdreg $0xFFFFFFFF  }
0xc7: {  	_ =	task.clear_ibuf [dreg:s7], $0x2FFFF;
	_ =	strace $0x9FFFFFFF  }
0xc8: {  	(tm) =	ssettm $0x7FFFFFFF  }
0xc9: {  	_ =	shalt  }
tec
execute0_lowered:
.L_overlay_start_1:
0x0: {  	(tag) =	ssettag $0x1  }
0x1: {  	s2 =	rddreg [dreg:$0x0]  }
0x2: {  	s4 =	rddreg [dreg:$0x1]  }
0x3: {  	s0 =	rddreg [dreg:$0x2];
	s3 =	srdreg.scid  }
0x4: {  	s1 =	stileid.u32;
	s9 =	simm.s32 $0x1400;
	s10 =	simm.s32 $0x2400  }
0x5: {  	s11 =	simm.s32 $0x3400;
	s12 =	simm.s32 $0x4400;
	s13 =	simm.s32 $0x5400  }
0x6: {  	s14 =	simm.s32 $0x6400;
	s15 =	simm.s32 $0x7400;
	s16 =	simm.s32 $0x8400  }
0x7: {  	s17 =	simm.s32 $0x1;
	s18 =	simm.s32 $0x20;
	s19 =	simm.s32 $0x0  }
0x8: {  	s5 =	sand.u32 $0x1, s3;
	s6 =	sshll.u32 s1, $0x1;
	s7 =	smul.u32 $0x140000, s1  }
0x9: {  	s3 =	simm.s32 $0x0;
	s6 =	sor.u32 s5, s6;
	s8 =	smul.u32 $0xA0000, s5  }
0xa: {  	[smem:$0x7FF] =	sst s3;
	s5 =	ssub.s32 $0x2, s5;
	s6 =	smul.u32 $0x280, s6  }
0xb: {  	_ =	strace $0x8000004D;
	s31 =	sshrl.u32 s5, $0x1;
	s7 =	sadd.s32 s8, s7  }
0xc: {  	s5 =	ssub.s32 s5, s31;
	s8 =	simm.s32 $0x80;
	s7 =	sshrl.u32 s7, $0x3  }
0xd: {  	s6 =	sadd.s32 s6, s4;
	s5 =	smax.u32 s5, $0x1;
	s7 =	sadd.s32 s7, s4  }
0xe: {  	s4 =	sadd.s32 $0x30C00, s6;
	s6 =	sadd.s32 $0x52EE00, s7;
	s7 =	simm.s32 $0x2  }
.LBB2_1:
0xf: {  	[tilespmem:s3], [sflag:$0x2] =	stream.linear.gather [hbm4b:s4+s3], $0x1400, $0x38;
	[tilespmem:$0x9400] =	vst v63  }
0x10: {  	_ =	swait.ge [sflag:s7], $0x1400  }
0x11: {  	[sflag:s7] =	ssyncset.done $0x0  }
0x12: {  	s20 =	simm.s32 $0x0;
	[sflag:s7] =	ssyncadd.s32 $0xFFFFEC00  }
0x13: {  	[tilespmem:s9], [sflag:$0x1] =	stream.indirect.gather [hbm4b:s2+s8], $0x20, s20, s8, $0xb8;
	[tilespmem:$0x9400] =	vst v63  }
0x14: {  	s24 =	simm.s32 $0x80  }
0x15: {  	[tilespmem:s10], [sflag:$0x1] =	stream.indirect.gather [hbm4b:s2+s8], $0x20, s24, s8, $0xb8;
	[tilespmem:$0x9400] =	vst v63  }
0x16: {  	s25 =	simm.s32 $0x100  }
0x17: {  	[tilespmem:s11], [sflag:$0x1] =	stream.indirect.gather [hbm4b:s2+s8], $0x20, s25, s8, $0xb8;
	[tilespmem:$0x9400] =	vst v63  }
0x18: {  	s26 =	simm.s32 $0x180  }
0x19: {  	[tilespmem:s12], [sflag:$0x1] =	stream.indirect.gather [hbm4b:s2+s8], $0x20, s26, s8, $0xb8;
	[tilespmem:$0x9400] =	vst v63  }
0x1a: {  	s28 =	simm.s32 $0x200  }
0x1b: {  	[tilespmem:s13], [sflag:$0x1] =	stream.indirect.gather [hbm4b:s2+s8], $0x20, s28, s8, $0xb8;
	[tilespmem:$0x9400] =	vst v63  }
0x1c: {  	s29 =	simm.s32 $0x280  }
0x1d: {  	[tilespmem:s14], [sflag:$0x1] =	stream.indirect.gather [hbm4b:s2+s8], $0x20, s29, s8, $0xb8;
	[tilespmem:$0x9400] =	vst v63  }
0x1e: {  	s30 =	simm.s32 $0x300  }
0x1f: {  	[tilespmem:s15], [sflag:$0x1] =	stream.indirect.gather [hbm4b:s2+s8], $0x20, s30, s8, $0xb8;
	[tilespmem:$0x9400] =	vst v63  }
0x20: {  	s31 =	simm.s32 $0x380  }
0x21: {  	[tilespmem:s16], [sflag:$0x1] =	stream.indirect.gather [hbm4b:s2+s8], $0x20, s31, s8, $0xb8;
	[tilespmem:$0x9400] =	vst v63  }
0x22: {  	_ =	swait.ge [sflag:s17], $0x1000  }
0x23: {  	[sflag:s17] =	ssyncset.done $0x0  }
0x24: {  	[sflag:s17] =	ssyncadd.s32 $0xFFFFF000  }
0x25: {  	_ =	swait.ge [sflag:s17], $0x1000  }
0x26: {  	[sflag:s17] =	ssyncset.done $0x0  }
0x27: {  	[sflag:s17] =	ssyncadd.s32 $0xFFFFF000  }
0x28: {  	_ =	swait.ge [sflag:s17], $0x1000  }
0x29: {  	[sflag:s17] =	ssyncset.done $0x0  }
0x2a: {  	[sflag:s17] =	ssyncadd.s32 $0xFFFFF000  }
0x2b: {  	_ =	swait.ge [sflag:s17], $0x1000  }
0x2c: {  	[sflag:s17] =	ssyncset.done $0x0  }
0x2d: {  	[sflag:s17] =	ssyncadd.s32 $0xFFFFF000  }
0x2e: {  	_ =	swait.ge [sflag:s17], $0x1000  }
0x2f: {  	[sflag:s17] =	ssyncset.done $0x0  }
0x30: {  	[sflag:s17] =	ssyncadd.s32 $0xFFFFF000  }
0x31: {  	_ =	swait.ge [sflag:s17], $0x1000  }
0x32: {  	[sflag:s17] =	ssyncset.done $0x0  }
0x33: {  	[sflag:s17] =	ssyncadd.s32 $0xFFFFF000  }
0x34: {  	_ =	swait.ge [sflag:s17], $0x1000  }
0x35: {  	[sflag:s17] =	ssyncset.done $0x0  }
0x36: {  	[sflag:s17] =	ssyncadd.s32 $0xFFFFF000  }
0x37: {  	_ =	swait.ge [sflag:s17], $0x1000  }
0x38: {  	[sflag:s17] =	ssyncset.done $0x0  }
0x39: {  	[sflag:s17] =	ssyncadd.s32 $0xFFFFF000  }
0x3a: {  	[hbm4b:s6+s18] =	stream.strided.scatter [tilespmem:s9], [sflag:$0x2], $0x8000, s8, s18, $0x38;
	[tilespmem:$0x9400] =	vst v63  }
0x3b: {  	s21 =	simm.s32 $0x1000;
	_ =	swait.ge [sflag:s7], $0x8000  }
0x3c: {  	s23 =	simm.s32 $0x2000;
	s20 =	sadd.s32 $0x4000, s6;
	[sflag:s7] =	ssyncset.done $0x0  }
.LBB2_2:
0x3d: {  	s24 =	sshra.s32 s21, $0x2  }
0x3e: {  	[sflag:s7] =	ssyncadd.s32 $0xFFFF8000;
	s21 =	smov.u32 s23;
	s22 =	sadd.s32 $0x1000, s23  }
0x3f: {  	[tilespmem:s9], [sflag:$0x1] =	stream.indirect.gather [hbm4b:s2+s8], $0x20, s24, s8, $0xb8;
	[tilespmem:$0x9400] =	vst v63  }
0x40: {  	p0 =	sne.s32 s23, $0x4000;
	s23 =	sadd.s32 $0x80, s24  }
0x41: {  	[tilespmem:s10], [sflag:$0x1] =	stream.indirect.gather [hbm4b:s2+s8], $0x20, s23, s8, $0xb8;
	[tilespmem:$0x9400] =	vst v63  }
0x42: {  	s23 =	sadd.s32 $0x100, s24  }
0x43: {  	[tilespmem:s11], [sflag:$0x1] =	stream.indirect.gather [hbm4b:s2+s8], $0x20, s23, s8, $0xb8;
	[tilespmem:$0x9400] =	vst v63  }
0x44: {  	s23 =	sadd.s32 $0x180, s24  }
0x45: {  	[tilespmem:s12], [sflag:$0x1] =	stream.indirect.gather [hbm4b:s2+s8], $0x20, s23, s8, $0xb8;
	[tilespmem:$0x9400] =	vst v63  }
0x46: {  	s23 =	sadd.s32 $0x200, s24  }
0x47: {  	[tilespmem:s13], [sflag:$0x1] =	stream.indirect.gather [hbm4b:s2+s8], $0x20, s23, s8, $0xb8;
	[tilespmem:$0x9400] =	vst v63  }
0x48: {  	s23 =	sadd.s32 $0x280, s24  }
0x49: {  	[tilespmem:s14], [sflag:$0x1] =	stream.indirect.gather [hbm4b:s2+s8], $0x20, s23, s8, $0xb8;
	[tilespmem:$0x9400] =	vst v63  }
0x4a: {  	s23 =	sadd.s32 $0x300, s24  }
0x4b: {  	[tilespmem:s15], [sflag:$0x1] =	stream.indirect.gather [hbm4b:s2+s8], $0x20, s23, s8, $0xb8;
	[tilespmem:$0x9400] =	vst v63  }
0x4c: {  	s23 =	sadd.s32 $0x380, s24  }
0x4d: {  	[tilespmem:s16], [sflag:$0x1] =	stream.indirect.gather [hbm4b:s2+s8], $0x20, s23, s8, $0xb8;
	[tilespmem:$0x9400] =	vst v63  }
0x4e: {  	_ =	swait.ge [sflag:s17], $0x1000  }
0x4f: {  	[sflag:s17] =	ssyncset.done $0x0  }
0x50: {  	[sflag:s17] =	ssyncadd.s32 $0xFFFFF000  }
0x51: {  	_ =	swait.ge [sflag:s17], $0x1000  }
0x52: {  	[sflag:s17] =	ssyncset.done $0x0  }
0x53: {  	[sflag:s17] =	ssyncadd.s32 $0xFFFFF000  }
0x54: {  	_ =	swait.ge [sflag:s17], $0x1000  }
0x55: {  	[sflag:s17] =	ssyncset.done $0x0  }
0x56: {  	[sflag:s17] =	ssyncadd.s32 $0xFFFFF000  }
0x57: {  	_ =	swait.ge [sflag:s17], $0x1000  }
0x58: {  	[sflag:s17] =	ssyncset.done $0x0  }
0x59: {  	[sflag:s17] =	ssyncadd.s32 $0xFFFFF000  }
0x5a: {  	_ =	swait.ge [sflag:s17], $0x1000  }
0x5b: {  	[sflag:s17] =	ssyncset.done $0x0  }
0x5c: {  	[sflag:s17] =	ssyncadd.s32 $0xFFFFF000  }
0x5d: {  	_ =	swait.ge [sflag:s17], $0x1000  }
0x5e: {  	[sflag:s17] =	ssyncset.done $0x0  }
0x5f: {  	[sflag:s17] =	ssyncadd.s32 $0xFFFFF000  }
0x60: {  	_ =	swait.ge [sflag:s17], $0x1000  }
0x61: {  	[sflag:s17] =	ssyncset.done $0x0  }
0x62: {  	[sflag:s17] =	ssyncadd.s32 $0xFFFFF000  }
0x63: {  	_ =	swait.ge [sflag:s17], $0x1000  }
.Ltmp0:
0x64: {  	[sflag:s17] =	ssyncset.done $0x0;
	(pc) =	sbr.rel @p0 .LBB2_2-.Ltmp0, $4  }
0x65: {  	[sflag:s17] =	ssyncadd.s32 $0xFFFFF000  }
0x66: {  	[hbm4b:s20+s18] =	stream.strided.scatter [tilespmem:s9], [sflag:$0x2], $0x8000, s8, s18, $0x38;
	[tilespmem:$0x9400] =	vst v63  }
0x67: {  	_ =	swait.ge [sflag:s7], $0x8000  }
0x68: {  	s23 =	smov.u32 s22;
	s20 =	sadd.s32 $0x4000, s20;
	[sflag:s7] =	ssyncset.done $0x0  }
0x69: {  	s21 =	sshra.s32 s21, $0x2;
	[sflag:s7] =	ssyncadd.s32 $0xFFFF8000  }
0x6a: {  	[tilespmem:s9], [sflag:$0x1] =	stream.indirect.gather [hbm4b:s2+s8], $0x20, s21, s8, $0xb8;
	[tilespmem:$0x9400] =	vst v63  }
0x6b: {  	s22 =	sadd.s32 $0x80, s21  }
0x6c: {  	[tilespmem:s10], [sflag:$0x1] =	stream.indirect.gather [hbm4b:s2+s8], $0x20, s22, s8, $0xb8;
	[tilespmem:$0x9400] =	vst v63  }
0x6d: {  	s26 =	sadd.s32 $0x100, s21  }
0x6e: {  	[tilespmem:s11], [sflag:$0x1] =	stream.indirect.gather [hbm4b:s2+s8], $0x20, s26, s8, $0xb8;
	[tilespmem:$0x9400] =	vst v63  }
0x6f: {  	s28 =	sadd.s32 $0x180, s21  }
0x70: {  	[tilespmem:s12], [sflag:$0x1] =	stream.indirect.gather [hbm4b:s2+s8], $0x20, s28, s8, $0xb8;
	[tilespmem:$0x9400] =	vst v63  }
0x71: {  	s29 =	sadd.s32 $0x200, s21  }
0x72: {  	[tilespmem:s13], [sflag:$0x1] =	stream.indirect.gather [hbm4b:s2+s8], $0x20, s29, s8, $0xb8;
	[tilespmem:$0x9400] =	vst v63  }
0x73: {  	s30 =	sadd.s32 $0x280, s21  }
0x74: {  	[tilespmem:s14], [sflag:$0x1] =	stream.indirect.gather [hbm4b:s2+s8], $0x20, s30, s8, $0xb8;
	[tilespmem:$0x9400] =	vst v63  }
0x75: {  	s31 =	sadd.s32 $0x300, s21  }
0x76: {  	[tilespmem:s15], [sflag:$0x1] =	stream.indirect.gather [hbm4b:s2+s8], $0x20, s31, s8, $0xb8;
	[tilespmem:$0x9400] =	vst v63  }
0x77: {  	s21 =	sadd.s32 $0x380, s21  }
0x78: {  	[tilespmem:s16], [sflag:$0x1] =	stream.indirect.gather [hbm4b:s2+s8], $0x20, s21, s8, $0xb8;
	[tilespmem:$0x9400] =	vst v63  }
0x79: {  	_ =	swait.ge [sflag:s17], $0x1000  }
0x7a: {  	[sflag:s17] =	ssyncset.done $0x0  }
0x7b: {  	[sflag:s17] =	ssyncadd.s32 $0xFFFFF000  }
0x7c: {  	_ =	swait.ge [sflag:s17], $0x1000  }
0x7d: {  	[sflag:s17] =	ssyncset.done $0x0  }
0x7e: {  	[sflag:s17] =	ssyncadd.s32 $0xFFFFF000  }
0x7f: {  	_ =	swait.ge [sflag:s17], $0x1000  }
0x80: {  	[sflag:s17] =	ssyncset.done $0x0  }
0x81: {  	[sflag:s17] =	ssyncadd.s32 $0xFFFFF000  }
0x82: {  	_ =	swait.ge [sflag:s17], $0x1000  }
0x83: {  	[sflag:s17] =	ssyncset.done $0x0  }
0x84: {  	[sflag:s17] =	ssyncadd.s32 $0xFFFFF000  }
0x85: {  	_ =	swait.ge [sflag:s17], $0x1000  }
0x86: {  	[sflag:s17] =	ssyncset.done $0x0  }
0x87: {  	[sflag:s17] =	ssyncadd.s32 $0xFFFFF000  }
0x88: {  	_ =	swait.ge [sflag:s17], $0x1000  }
0x89: {  	[sflag:s17] =	ssyncset.done $0x0  }
0x8a: {  	[sflag:s17] =	ssyncadd.s32 $0xFFFFF000  }
0x8b: {  	_ =	swait.ge [sflag:s17], $0x1000  }
0x8c: {  	[sflag:s17] =	ssyncset.done $0x0  }
0x8d: {  	[sflag:s17] =	ssyncadd.s32 $0xFFFFF000  }
0x8e: {  	s19 =	sadd.s32 $0x1, s19;
	_ =	swait.ge [sflag:s17], $0x1000  }
0x8f: {  	p0 =	sne.s32 s19, s5;
	[sflag:s17] =	ssyncset.done $0x0  }
.Ltmp1:
0x90: {  	[sflag:s17] =	ssyncadd.s32 $0xFFFFF000;
	(pc) =	sbr.rel @p0 .LBB2_1-.Ltmp1, $4  }
0x91: {  	[hbm4b:s20+s18] =	stream.strided.scatter [tilespmem:s9], [sflag:$0x2], $0x8000, s8, s18, $0x38;
	[tilespmem:$0x9400] =	vst v63  }
0x92: {  	_ =	swait.ge [sflag:s7], $0x8000  }
0x93: {  	[sflag:s7] =	ssyncset.done $0x0  }
0x94: {  	[sflag:s7] =	ssyncadd.s32 $0xFFFF8000  }
0x95: {  	_ =	sfence.sel $0x180000  }
0x96: {  	[bflag:$0x0] =	sbarrier.arrive $0xFFFF  }
0x97: {  	p0 =	sne.s32 s1, $0x0;
	_ =	strace $0x9000004D  }
0x98: {  	s0 =	sadd.s32 @!p0 $0x100000, s0;
	[bflag:$0x2] =	sbarrier.arrive $0xFFFF  }
0x99: {  	[sflag:s0] =	ssyncadd.tile.s32 @!p0 $0x1;
	_ =	shalt  }
.Lfunc_end2:
_tile_overlayer_lowered:
.L_overlay_start_2:
0x9a: {  	(tag) =	ssettag $0x2  }
0x9b: {  	s0 =	rddreg [dreg:$0x0];
	s2 =	stileid.u32  }
0x9c: {  	s1 =	rddreg [dreg:$0x1];
	p0 =	sne.s32 s2, $0x0  }
0x9d: {  	s3 =	rddreg [dreg:$0x2];
	[bflag:$0x3] =	sbarrier.arrive $0xFFFF;
	s2 =	simm.s32 @!p0 $0x1C02  }
0x9e: {  	[timem:s3], [sflag:s2] =	dma.local @!p0 [hbm:s0], s1  }
0x9f: {  	s0 =	simm.s32 @!p0 $0x2  }
0xa0: {  	_ =	swait.ge @!p0 [sflag:s0], s1  }
0xa1: {  	s1 =	ssub.s32 @!p0 $0x0, s1;
	[sflag:s0] =	ssyncset.done @!p0 $0x0  }
0xa2: {  	[sflag:s0] =	ssyncadd.s32 @!p0 s1  }
0xa3: {  	[bflag:$0x3] =	sbarrier.arrive $0xFFFF  }
0xa4: {  	_ =	shalt  }

// kernel: kernel.25.cloned.1.call-start
scs
__scs_entry_jumppad:
0x0: {  	(pc) =	sbr.rel $0x88, $3  }
0x1: {  	(tag) =	ssettag $0x0;
	lr =	simm.s32 $0x1  }
0x2: {  	[smem:$0x3F89] =	sst lr;
	_ =	strace $0xD0000000  }
0x3: {  	_ = 	snop  }
0x4: {  	_ = 	snop  }
0x5: {  	_ = 	snop  }
0x6: {  	_ = 	snop  }
0x7: {  	_ = 	snop  }
__scs_overlays_trampoline_lowered:
0x8: {  	[smem:$0x3F98] =	sst s0  }
0x9: {  	[smem:$0x3F99] =	sst s1  }
0xa: {  	[smem:$0x3F9A] =	sst s2  }
0xb: {  	[smem:$0x3F9B] =	sst s3  }
0xc: {  	[smem:$0x3F9C] =	sst s4  }
0xd: {  	[smem:$0x3F9D] =	sst s5  }
0xe: {  	[smem:$0x3F9E] =	sst s6  }
0xf: {  	[smem:$0x3F9F] =	sst s7  }
0x10: {  	[smem:$0x3FA0] =	sst s8  }
0x11: {  	[smem:$0x3FA1] =	sst s9;
	s0 =	simm.s32 @!p0 $0x0  }
0x12: {  	s1 =	sld [smem:$0x3F87];
	s0 =	simm.s32 @p0 $0x1  }
0x13: {  	[smem:$0x3FA2] =	sst s0;
	s0 =	simm.s32 @!p1 $0x0  }
0x14: {  	s2 =	sld [smem:$0x3F86];
	s0 =	simm.s32 @p1 $0x1  }
0x15: {  	[smem:$0x3FA3] =	sst s0;
	s0 =	simm.s32 @!p2 $0x0  }
0x16: {  	s3 =	sld [smem:$0x3FDB];
	s0 =	simm.s32 @p2 $0x1  }
0x17: {  	s4 =	simm.s32 $0x1BF5;
	[smem:$0x3FA5] =	sst s0  }
0x18: {  	s0 =	sld [smem:$0x3F88];
	_ =	swait.ge [sflag:s4], $0x0  }
0x19: {  	s7 =	sld [smem:$0x3F89]  }
0x1a: {  	s8 =	sadd.s32 $0xFFFFE003, lr  }
0x1b: {  	s9 =	sadd.s32 $0xFFFFFEF7, lr;
	s5 =	simm.s32 $0xFFFFFFFF;
	p2 =	slt.u32 s8, $0xFFFFF086  }
0x1c: {  	p1 =	slt.u32 s9, $0xF7A;
	s5 =	simm.s32 @!p2 $0x0  }
0x1d: {  	s5 =	simm.s32 @p1 $0x1;
	p0 =	seq.s32 s7, s2  }
0x1e: {  	s7 =	smul.u32 @!p0 $0xF7A, s2;
	p2 =	seq.s32 @!p0 s5, $0x0  }
0x1f: {  	s9 =	smul.u32 $0xF7A, s1;
	s8 =	simm.s32 @!p0 $0x1BF5;
	p2 =	por !p2, p0  }
0x20: {  	[sflag:s8] =	ssyncset.s32 @!p0 $0xFFFFF086;
	s6 =	sadd.s32 @!p0 s3, s7;
	s7 =	simm.s32 @!p0 $0x108  }
0x21: {  	s3 =	sadd.s32 s3, s9;
	s6 =	sadd.s32 @!p0 $0x88, s6;
	s7 =	simm.s32 @p2 $0x1082  }
0x22: {  	[simem:s7], [sflag:s8] =	dma.local @!p0 [hbm:s6], $0xF7A  }
0x23: {  	s9 =	sor.u32 $0xD0000000, s2;
	s6 =	simm.s32 $0x108;
	_ =	swait.ge @!p0 [sflag:s8], $0x0  }
0x24: {  	s3 =	sadd.s32 $0x88, s3;
	s6 =	simm.s32 @!p1 $0x1082;
	[sflag:s4] =	ssyncset.s32 $0xFFFFF086  }
0x25: {  	[simem:s6], [sflag:s4] =	dma.local [hbm:s3], $0xF7A  }
0x26: {  	[smem:$0x3F89] =	sst s1;
	(tag) =	ssettag s2;
	_ =	strace s9  }
0x27: {  	s1 =	sld [smem:$0x3F99]  }
0x28: {  	s2 =	sld [smem:$0x3F9A]  }
0x29: {  	s4 =	sld [smem:$0x3F9C]  }
0x2a: {  	p0 =	seq.s32 s5, $0x0;
	s5 =	sld [smem:$0x3F9D]  }
0x2b: {  	s6 =	sld [smem:$0x3F9E]  }
0x2c: {  	s7 =	sld [smem:$0x3F9F]  }
0x2d: {  	s3 =	simm.s32 $0x108;
	s8 =	sld [smem:$0x3FA0]  }
0x2e: {  	s3 =	simm.s32 @!p0 $0x1082;
	s9 =	sld [smem:$0x3FA1]  }
0x2f: {  	lr =	sadd.s32 s0, s3;
	s0 =	sld [smem:$0x3F98]  }
0x30: {  	s3 =	sld [smem:$0x3F9B]  }
0x31: {  	[smem:$0x3FA4] =	sst s10  }
0x32: {  	s10 =	sld [smem:$0x3FA2];
	_ =	sdelay $0x3  }
0x33: {  	p0 =	seq.s32 s10, $0x1;
	s10 =	sld [smem:$0x3FA4];
	_ =	sdelay $0x3  }
0x34: {  	[smem:$0x3FA4] =	sst s10  }
0x35: {  	s10 =	sld [smem:$0x3FA3];
	_ =	sdelay $0x3  }
0x36: {  	p1 =	seq.s32 s10, $0x1;
	s10 =	sld [smem:$0x3FA4];
	_ =	sdelay $0x3  }
0x37: {  	[smem:$0x3FA4] =	sst s10  }
0x38: {  	s10 =	sld [smem:$0x3FA5]  }
0x39: {  	_ = 	snop;
	(pc) =	sbr.ind lr, $3  }
0x3a: {  	_ = 	snop  }
0x3b: {  	_ = 	snop  }
0x3c: {  	p2 =	seq.s32 s10, $0x1;
	s10 =	sld [smem:$0x3FA4]  }
0x3d: {  	_ =	shalt  }
0x3e: {  	_ =	shalt  }
0x3f: {  	_ =	shalt  }
0x40: {  	_ =	shalt  }
0x41: {  	_ =	shalt  }
0x42: {  	_ =	shalt  }
0x43: {  	_ =	shalt  }
0x44: {  	_ =	shalt  }
0x45: {  	_ =	shalt  }
0x46: {  	_ =	shalt  }
0x47: {  	_ =	shalt  }
0x48: {  	_ =	shalt  }
0x49: {  	_ =	shalt  }
0x4a: {  	_ =	shalt  }
0x4b: {  	_ =	shalt  }
0x4c: {  	_ =	shalt  }
0x4d: {  	_ =	shalt  }
0x4e: {  	_ =	shalt  }
0x4f: {  	_ =	shalt  }
0x50: {  	_ =	shalt  }
0x51: {  	_ =	shalt  }
0x52: {  	_ =	shalt  }
0x53: {  	_ =	shalt  }
0x54: {  	_ =	shalt  }
0x55: {  	_ =	shalt  }
0x56: {  	_ =	shalt  }
0x57: {  	_ =	shalt  }
0x58: {  	_ =	shalt  }
0x59: {  	_ =	shalt  }
0x5a: {  	_ =	shalt  }
0x5b: {  	_ =	shalt  }
0x5c: {  	_ =	shalt  }
0x5d: {  	_ =	shalt  }
0x5e: {  	_ =	shalt  }
0x5f: {  	_ =	shalt  }
0x60: {  	_ =	shalt  }
0x61: {  	_ =	shalt  }
0x62: {  	_ =	shalt  }
0x63: {  	_ =	shalt  }
0x64: {  	_ =	shalt  }
0x65: {  	_ =	shalt  }
0x66: {  	_ =	shalt  }
0x67: {  	_ =	shalt  }
0x68: {  	_ =	shalt  }
0x69: {  	_ =	shalt  }
0x6a: {  	_ =	shalt  }
0x6b: {  	_ =	shalt  }
0x6c: {  	_ =	shalt  }
0x6d: {  	_ =	shalt  }
0x6e: {  	_ =	shalt  }
0x6f: {  	_ =	shalt  }
0x70: {  	_ =	shalt  }
0x71: {  	_ =	shalt  }
0x72: {  	_ =	shalt  }
0x73: {  	_ =	shalt  }
0x74: {  	_ =	shalt  }
0x75: {  	_ =	shalt  }
0x76: {  	_ =	shalt  }
0x77: {  	_ =	shalt  }
0x78: {  	_ =	shalt  }
0x79: {  	_ =	shalt  }
0x7a: {  	_ =	shalt  }
0x7b: {  	_ =	shalt  }
0x7c: {  	_ =	shalt  }
0x7d: {  	_ =	shalt  }
0x7e: {  	_ =	shalt  }
0x7f: {  	_ =	shalt  }
0x80: {  	_ =	shalt  }
0x81: {  	_ =	shalt  }
0x82: {  	_ =	shalt  }
0x83: {  	_ =	shalt  }
0x84: {  	_ =	shalt  }
0x85: {  	_ =	shalt  }
0x86: {  	_ =	shalt  }
0x87: {  	_ =	shalt  }
.Lfunc_end0:
.L_simem_size_0:
called_computation.3_lowered:
.L_overlay_start_0:
0x88: {  	s2 =	sld [smem:$0x3FD9]  }
0x89: {  	s3 =	sld [smem:$0x3FFE];
	_ =	sdelay $0x1  }
0x8a: {  	s1 =	srdreg.scid  }
0x8b: {  	s0 =	sand.u32 $0x1, s1  }
0x8c: {  	s16 =	sshll.u32 s0, $0xA;
	s2 =	sadd.s32 s3, s2  }
0x8d: {  	s2 =	sadd.s32 s2, s16  }
0x8e: {  	[smem:$0x3FB0] =	sst s2  }
0x8f: {  	_ = 	snop  }
0x90: {  	(tm) =	ssettm $0x1  }
0x91: {  	s17 =	sld [smem:$0x3FFB];
	_ =	sdelay $0x3  }
0x92: {  	_ =	strace s17  }
0x93: {  	s2 =	sld [smem:$0x3FFC];
	_ =	sdelay $0x3  }
0x94: {  	_ =	strace s2  }
0x95: {  	s2 =	sld [smem:$0x3FFD];
	_ =	sdelay $0x3  }
0x96: {  	_ =	strace s2  }
0x97: {  	_ =	strace $0x8FFFFFFF  }
0x98: {  	s18 =	sld [smem:$0x3FDB];
	_ =	sdelay $0x1  }
0x99: {  	s19 =	simm.s32 $_scs_section_size  }
0x9a: {  	s4 =	simm.s32 $_size__tile_overlayer_lowered;
	s5 =	simm.s32 $_tile_overlayer_lowered  }
0x9b: {  	s22 =	simm.s32 $0x1BFF;
	s21 =	sshll.u32 s5, $0x1;
	s2 =	sadd.s32 s19, s18  }
0x9c: {  	s6 =	simm.s32 $0x0;
	s20 =	sshll.u32 s4, $0x1;
	s4 =	sadd.s32 s21, s2  }
0x9d: {  	[timem:s6], [sflag:s22] =	dma.local [hbm:s4], s20  }
0x9e: {  	_ =	swait.ge [sflag:s22], s20  }
0x9f: {  	s3 =	ssub.s32 $0x0, s20;
	[sflag:s22] =	ssyncset.done $0x0  }
0xa0: {  	[sflag:s22] =	ssyncadd.s32 s3;
	_ =	sdelay $0x1  }
0xa1: {  	s23 =	simm.s32 $0x1B8B  }
0xa2: {  	_ =	swait.ge [sflag:s23], $0x1  }
0xa3: {  	[sflag:s23] =	ssyncset.done $0x0  }
0xa4: {  	s25 =	simm.s32 $0x1B8E;
	s24 =	sld [smem:$0x3FFE];
	[sflag:s23] =	ssyncadd.s32 $0xFFFFFFFF  }
0xa5: {  	s26 =	simm.s32 $execute0_lowered;
	[smem:$0x3FD2] =	sst s25  }
0xa6: {  	s4 =	sshll.u32 s26, $0x1;
	_ =	strace $0x8000004F;
	[dreg:$0x1] =	wrdreg $0xFFFFFFFF  }
0xa7: {  	s28 =	simm.s32 $_size_execute0_lowered;
	s2 =	sadd.s32 s2, s4;
	[dreg:$0x0] =	wrdreg $0x0  }
0xa8: {  	s4 =	sshll.u32 s28, $0x1;
	[dreg:$0x2] =	wrdreg s2  }
0xa9: {  	[dreg:$0x3] =	wrdreg s4  }
0xaa: {  	[dreg:$0x4] =	wrdreg $0xC0  }
0xab: {  	_ =	task [dreg:s6], $0x5FFFF  }
0xac: {  	[dreg:$0x1] =	wrdreg $0xFFFFFFFF  }
0xad: {  	[dreg:$0x0] =	wrdreg $0x60  }
0xae: {  	[dreg:$0x2] =	wrdreg s24  }
0xaf: {  	[dreg:$0x3] =	wrdreg $0x114000  }
0xb0: {  	[dreg:$0x4] =	wrdreg $0x9  }
0xb1: {  	_ =	task.clear_ibuf [dreg:s6], $0x5FFFF;
	_ =	strace $0x9000004F  }
0xb2: {  	s29 =	simm.s32 $0x9;
	_ =	strace $0x80000051  }
0xb3: {  	_ =	swait.ge [sflag:s29], $0x1  }
0xb4: {  	[sflag:s29] =	ssyncadd.s32 $0xFFFFFFFF  }
0xb5: {  	_ =	strace $0x90000051  }
0xb6: {  	_ =	sfence  }
0xb7: {  	s30 =	sld [smem:$0x0];
	_ =	sdelay $0x2  }
0xb8: {  	s31 =	sshll.u32 s1, $0xD;
	s1 =	sshrl.u32 s1, $0x2  }
0xb9: {  	s3 =	sand.u32 $0x4000, s31;
	s1 =	sadd.s32 s1, s30  }
0xba: {  	s0 =	sor.u32 s3, s0;
	s1 =	sshll.u32 s1, $0x11  }
0xbb: {  	s0 =	sor.u32 s1, s0  }
0xbc: {  	s0 =	sadd.s32 $0x8F2B, s0  }
0xbd: {  	[sflag:s0] =	ssyncadd.remote.s32 $0x1  }
0xbe: {  	_ =	sfence.sel $0xFFFF  }
0xbf: {  	[dreg:$0x0] =	wrdreg $0xFFFFFFFF;
	(pc) =	sbr.abs _section_cstart, $3  }
0xc0: {  	[dreg:$0x1] =	wrdreg $0xFFFFFFFF  }
0xc1: {  	_ =	task.clear_ibuf [dreg:s6], $0x2FFFF;
	_ =	strace $0x9FFFFFFF  }
0xc2: {  	(tm) =	ssettm $0x7FFFFFFF  }
0xc3: {  	_ =	shalt  }
tec
execute0_lowered:
.L_overlay_start_1:
0x0: {  	(tag) =	ssettag $0x1  }
0x1: {  	s1 =	srdreg.scid;
	s0 =	stileid.u32  }
0x2: {  	s4 =	rddreg [dreg:$0x0];
	s17 =	simm.s32 $0x0;
	s6 =	smul.u32 $0x2720, s0  }
0x3: {  	s28 =	simm.s32 $0x0;
	s1 =	sand.u32 $0x1, s1;
	s7 =	smul.u32 $0x27200, s0  }
0x4: {  	s2 =	sshll.u32 s0, $0x1;
	[smem:$0x7FF] =	sst s17;
	s8 =	smul.u32 $0x140000, s0  }
0x5: {  	s9 =	sadd.s32 $0x7AEE00, s4;
	s12 =	smul.u32 $0x2800, s0;
	s22 =	sshll.u32 s0, $0x6  }
0x6: {  	s17 =	simm.s32 $0x80;
	s3 =	sor.u32 s1, s2;
	s10 =	smul.u32 $0xA0000, s1  }
0x7: {  	s2 =	rddreg [dreg:$0x1];
	_ =	strace $0x80000050;
	s14 =	smul.u32 $0x1400, s1  }
0x8: {  	s18 =	ssub.s32 $0x2, s1;
	p0 =	seq.s32 s1, $0x1;
	s5 =	smul.u32 $0x280, s3  }
0x9: {  	s13 =	sshrl.u32 s18, $0x1;
	s7 =	sshrl.u32 s7, $0x2;
	s15 =	sadd.s32 s6, s4  }
0xa: {  	s13 =	ssub.s32 s18, s13;
	s16 =	sadd.s32 s7, s2;
	s19 =	sadd.s32 $0x35C00, s15  }
0xb: {  	s20 =	sadd.s32 s10, s8;
	s21 =	sadd.s32 s14, s12;
	s12 =	simm.s32 $0x1  }
0xc: {  	s14 =	simm.s32 $0x10;
	s18 =	simm.s32 $0x1400;
	s11 =	sadd.s32 s5, s4  }
0xd: {  	[dreg:$0x9] =	wrdreg s19;
	s8 =	sshrl.u32 s20, $0x3;
	s6 =	sshll.u32 s21, $0x4  }
0xe: {  	s5 =	sor.u32 $0x1C03, s22;
	s7 =	smax.u32 s13, $0x1;
	s13 =	simm.s32 $0x8  }
0xf: {  	s19 =	simm.s32 $0x3400;
	s20 =	simm.s32 $0x5400;
	s21 =	simm.s32 $0x7400  }
0x10: {  	s22 =	simm.s32 $0x9400;
	s23 =	sadd.s32 s8, s9;
	s24 =	sadd.s32 s6, s9  }
0x11: {  	s6 =	sadd.s32 $0x529E00, s11;
	s8 =	simm.s32 $0x84000;
	s11 =	sshrl.u32 s16, $0x3  }
0x12: {  	s16 =	simm.s32 $0x40;
	[dreg:$0x3] =	wrdreg s23;
	s25 =	sadd.s32 $0x3800, s24  }
0x13: {  	s26 =	sadd.s32 $0x3000, s24;
	s29 =	sadd.s32 $0x2800, s24;
	[dreg:$0x4] =	wrdreg s25  }
0x14: {  	s30 =	sadd.s32 $0x2000, s24;
	s8 =	simm.s32 @!p0 $0x5CE00;
	[dreg:$0x5] =	wrdreg s26  }
0x15: {  	s31 =	sadd.s32 $0x1800, s24;
	s9 =	sadd.s32 $0x1000, s24;
	[dreg:$0x6] =	wrdreg s29  }
0x16: {  	s10 =	sadd.s32 $0x800, s24;
	s23 =	simm.s32 $0xB400;
	[dreg:$0x7] =	wrdreg s30  }
0x17: {  	s24 =	simm.s32 $0xD400;
	s8 =	sadd.s32 s8, s15;
	[dreg:$0x8] =	wrdreg s31  }
0x18: {  	s15 =	simm.s32 $0x3;
	s25 =	simm.s32 $0xF400;
	s26 =	simm.s32 $0x2  }
.LBB2_1:
0x19: {  	s0 =	rddreg [dreg:$0x9]  }
0x1a: {  	[spmem:s11@s13], [sflag:s5] =	dma.strided [hbm:s0@s14], $0x1390, s12, $0x8   }
0x1b: {  	_ =	swait.ge [sflag:s15], $0x1390  }
0x1c: {  	[sflag:s15] =	ssyncset.done $0x0  }
0x1d: {  	s0 =	simm.s32 $0x0;
	[sflag:s15] =	ssyncadd.s32 $0xFFFFEC70  }
0x1e: {  	[tilespmem:s0], [sflag:$0x3] =	stream.linear.gather [hbm4b:s6+s0], $0x1400, $0x38;
	[tilespmem:$0x1B080] =	vst v63  }
0x1f: {  	_ =	swait.ge [sflag:s15], $0x1400  }
0x20: {  	[sflag:s15] =	ssyncset.done $0x0  }
0x21: {  	[sflag:s15] =	ssyncadd.s32 $0xFFFFEC00  }
0x22: {  	[bflag:$0x0] =	sbarrier.arrive $0xFFFF  }
0x23: {  	s1 =	rddreg [dreg:$0x3]  }
0x24: {  	s1 =	sadd.s32 $0x0, s1  }
0x25: {  	[tilespmem:s18], [sflag:$0x1] =	stream.strided.gather [hbm4b:s1+s16], $0x2000, s17, s16, $0x38;
	[tilespmem:$0x1B080] =	vst v63  }
0x26: {  	s3 =	sadd.s32 $0x0, s10  }
0x27: {  	[tilespmem:s19], [sflag:$0x1] =	stream.strided.gather [hbm4b:s3+s16], $0x2000, s17, s16, $0x38;
	[tilespmem:$0x1B080] =	vst v63  }
0x28: {  	s4 =	sadd.s32 $0x0, s9;
	s29 =	rddreg [dreg:$0x8]  }
0x29: {  	[tilespmem:s20], [sflag:$0x1] =	stream.strided.gather [hbm4b:s4+s16], $0x2000, s17, s16, $0x38;
	[tilespmem:$0x1B080] =	vst v63  }
0x2a: {  	s30 =	rddreg [dreg:$0x7];
	s3 =	sadd.s32 $0x0, s29  }
0x2b: {  	[tilespmem:s21], [sflag:$0x1] =	stream.strided.gather [hbm4b:s3+s16], $0x2000, s17, s16, $0x38;
	[tilespmem:$0x1B080] =	vst v63  }
0x2c: {  	s29 =	rddreg [dreg:$0x6];
	s4 =	sadd.s32 $0x0, s30  }
0x2d: {  	[tilespmem:s22], [sflag:$0x1] =	stream.strided.gather [hbm4b:s4+s16], $0x2000, s17, s16, $0x38;
	[tilespmem:$0x1B080] =	vst v63  }
0x2e: {  	s30 =	rddreg [dreg:$0x5];
	s3 =	sadd.s32 $0x0, s29  }
0x2f: {  	[tilespmem:s23], [sflag:$0x1] =	stream.strided.gather [hbm4b:s3+s16], $0x2000, s17, s16, $0x38;
	[tilespmem:$0x1B080] =	vst v63  }
0x30: {  	s29 =	rddreg [dreg:$0x4];
	s4 =	sadd.s32 $0x0, s30  }
0x31: {  	[tilespmem:s24], [sflag:$0x1] =	stream.strided.gather [hbm4b:s4+s16], $0x2000, s17, s16, $0x38;
	[tilespmem:$0x1B080] =	vst v63  }
0x32: {  	s3 =	sadd.s32 $0x0, s29  }
0x33: {  	[tilespmem:s25], [sflag:$0x1] =	stream.strided.gather [hbm4b:s3+s16], $0x2000, s17, s16, $0x38;
	[tilespmem:$0x1B080] =	vst v63  }
0x34: {  	_ =	swait.ge [sflag:s12], $0x2000  }
0x35: {  	[sflag:s12] =	ssyncset.done $0x0  }
0x36: {  	[sflag:s12] =	ssyncadd.s32 $0xFFFFE000  }
0x37: {  	_ =	swait.ge [sflag:s12], $0x2000  }
0x38: {  	[sflag:s12] =	ssyncset.done $0x0  }
0x39: {  	[sflag:s12] =	ssyncadd.s32 $0xFFFFE000  }
0x3a: {  	_ =	swait.ge [sflag:s12], $0x2000  }
0x3b: {  	[sflag:s12] =	ssyncset.done $0x0  }
0x3c: {  	[sflag:s12] =	ssyncadd.s32 $0xFFFFE000  }
0x3d: {  	_ =	swait.ge [sflag:s12], $0x2000  }
0x3e: {  	[sflag:s12] =	ssyncset.done $0x0  }
0x3f: {  	[sflag:s12] =	ssyncadd.s32 $0xFFFFE000  }
0x40: {  	_ =	swait.ge [sflag:s12], $0x2000  }
0x41: {  	[sflag:s12] =	ssyncset.done $0x0  }
0x42: {  	[sflag:s12] =	ssyncadd.s32 $0xFFFFE000  }
0x43: {  	_ =	swait.ge [sflag:s12], $0x2000  }
0x44: {  	[sflag:s12] =	ssyncset.done $0x0  }
0x45: {  	[sflag:s12] =	ssyncadd.s32 $0xFFFFE000  }
0x46: {  	_ =	swait.ge [sflag:s12], $0x2000  }
0x47: {  	[sflag:s12] =	ssyncset.done $0x0  }
0x48: {  	[sflag:s12] =	ssyncadd.s32 $0xFFFFE000  }
0x49: {  	_ =	swait.ge [sflag:s12], $0x2000  }
0x4a: {  	[sflag:s12] =	ssyncset.done $0x0  }
0x4b: {  	[sflag:s12] =	ssyncadd.s32 $0xFFFFE000  }
0x4c: {  	[spmem:s2] =	stream.indirect.scatter.add.f32 [tilespmem:s18], [sflag:$0x2], $0x40, s0, s17, $0xb8;
	[tilespmem:$0x1B080] =	vst v63  }
0x4d: {  	s4 =	simm.s32 $0x80  }
0x4e: {  	[spmem:s2] =	stream.indirect.scatter.add.f32 [tilespmem:s19], [sflag:$0x2], $0x40, s4, s17, $0xb8;
	[tilespmem:$0x1B080] =	vst v63  }
0x4f: {  	s0 =	simm.s32 $0x100  }
0x50: {  	[spmem:s2] =	stream.indirect.scatter.add.f32 [tilespmem:s20], [sflag:$0x2], $0x40, s0, s17, $0xb8;
	[tilespmem:$0x1B080] =	vst v63  }
0x51: {  	s3 =	simm.s32 $0x180  }
0x52: {  	[spmem:s2] =	stream.indirect.scatter.add.f32 [tilespmem:s21], [sflag:$0x2], $0x40, s3, s17, $0xb8;
	[tilespmem:$0x1B080] =	vst v63  }
0x53: {  	s4 =	simm.s32 $0x200  }
0x54: {  	[spmem:s2] =	stream.indirect.scatter.add.f32 [tilespmem:s22], [sflag:$0x2], $0x40, s4, s17, $0xb8;
	[tilespmem:$0x1B080] =	vst v63  }
0x55: {  	s0 =	simm.s32 $0x280  }
0x56: {  	[spmem:s2] =	stream.indirect.scatter.add.f32 [tilespmem:s23], [sflag:$0x2], $0x40, s0, s17, $0xb8;
	[tilespmem:$0x1B080] =	vst v63  }
0x57: {  	s3 =	simm.s32 $0x300  }
0x58: {  	[spmem:s2] =	stream.indirect.scatter.add.f32 [tilespmem:s24], [sflag:$0x2], $0x40, s3, s17, $0xb8;
	[tilespmem:$0x1B080] =	vst v63  }
0x59: {  	s4 =	simm.s32 $0x380  }
0x5a: {  	[spmem:s2] =	stream.indirect.scatter.add.f32 [tilespmem:s25], [sflag:$0x2], $0x40, s4, s17, $0xb8;
	[tilespmem:$0x1B080] =	vst v63  }
0x5b: {  	_ =	swait.ge [sflag:s26], $0x2000  }
0x5c: {  	[sflag:s26] =	ssyncset.done $0x0  }
0x5d: {  	[sflag:s26] =	ssyncadd.s32 $0xFFFFE000  }
0x5e: {  	_ =	swait.ge [sflag:s26], $0x2000  }
0x5f: {  	[sflag:s26] =	ssyncset.done $0x0  }
0x60: {  	[sflag:s26] =	ssyncadd.s32 $0xFFFFE000  }
0x61: {  	_ =	swait.ge [sflag:s26], $0x2000  }
0x62: {  	[sflag:s26] =	ssyncset.done $0x0  }
0x63: {  	[sflag:s26] =	ssyncadd.s32 $0xFFFFE000  }
0x64: {  	_ =	swait.ge [sflag:s26], $0x2000  }
0x65: {  	[sflag:s26] =	ssyncset.done $0x0  }
0x66: {  	[sflag:s26] =	ssyncadd.s32 $0xFFFFE000  }
0x67: {  	_ =	swait.ge [sflag:s26], $0x2000  }
0x68: {  	[sflag:s26] =	ssyncset.done $0x0  }
0x69: {  	[sflag:s26] =	ssyncadd.s32 $0xFFFFE000  }
0x6a: {  	_ =	swait.ge [sflag:s26], $0x2000  }
0x6b: {  	[sflag:s26] =	ssyncset.done $0x0  }
0x6c: {  	[sflag:s26] =	ssyncadd.s32 $0xFFFFE000  }
0x6d: {  	_ =	swait.ge [sflag:s26], $0x2000  }
0x6e: {  	[sflag:s26] =	ssyncset.done $0x0  }
0x6f: {  	[sflag:s26] =	ssyncadd.s32 $0xFFFFE000  }
0x70: {  	s31 =	simm.s32 $0x8000;
	s30 =	simm.s32 $0x4000;
	_ =	swait.ge [sflag:s26], $0x2000  }
0x71: {  	s29 =	simm.s32 $0x0;
	s1 =	rddreg [dreg:$0x3];
	[sflag:s26] =	ssyncset.done $0x0  }
.LBB2_2:
0x72: {  	[sflag:s26] =	ssyncadd.s32 $0xFFFFE000;
	s1 =	sadd.s32 s30, s1  }
0x73: {  	[tilespmem:s18], [sflag:$0x1] =	stream.strided.gather [hbm4b:s1+s16], $0x2000, s17, s16, $0x38;
	[tilespmem:$0x1B080] =	vst v63  }
0x74: {  	s4 =	sadd.s32 s30, s10  }
0x75: {  	[tilespmem:s19], [sflag:$0x1] =	stream.strided.gather [hbm4b:s4+s16], $0x2000, s17, s16, $0x38;
	[tilespmem:$0x1B080] =	vst v63  }
0x76: {  	s3 =	rddreg [dreg:$0x8];
	s1 =	sadd.s32 s30, s9  }
0x77: {  	[tilespmem:s20], [sflag:$0x1] =	stream.strided.gather [hbm4b:s1+s16], $0x2000, s17, s16, $0x38;
	[tilespmem:$0x1B080] =	vst v63  }
0x78: {  	s4 =	rddreg [dreg:$0x7];
	s1 =	sadd.s32 s30, s3  }
0x79: {  	[tilespmem:s21], [sflag:$0x1] =	stream.strided.gather [hbm4b:s1+s16], $0x2000, s17, s16, $0x38;
	[tilespmem:$0x1B080] =	vst v63  }
0x7a: {  	s3 =	rddreg [dreg:$0x6];
	s1 =	sadd.s32 s30, s4  }
0x7b: {  	[tilespmem:s22], [sflag:$0x1] =	stream.strided.gather [hbm4b:s1+s16], $0x2000, s17, s16, $0x38;
	[tilespmem:$0x1B080] =	vst v63  }
0x7c: {  	s4 =	rddreg [dreg:$0x5];
	s1 =	sadd.s32 s30, s3  }
0x7d: {  	[tilespmem:s23], [sflag:$0x1] =	stream.strided.gather [hbm4b:s1+s16], $0x2000, s17, s16, $0x38;
	[tilespmem:$0x1B080] =	vst v63  }
0x7e: {  	s4 =	sadd.s32 s30, s4;
	s3 =	rddreg [dreg:$0x4]  }
0x7f: {  	[tilespmem:s24], [sflag:$0x1] =	stream.strided.gather [hbm4b:s4+s16], $0x2000, s17, s16, $0x38;
	[tilespmem:$0x1B080] =	vst v63  }
0x80: {  	s3 =	sadd.s32 s30, s3  }
0x81: {  	[tilespmem:s25], [sflag:$0x1] =	stream.strided.gather [hbm4b:s3+s16], $0x2000, s17, s16, $0x38;
	[tilespmem:$0x1B080] =	vst v63  }
0x82: {  	_ =	swait.ge [sflag:s12], $0x2000  }
0x83: {  	[sflag:s12] =	ssyncset.done $0x0  }
0x84: {  	[sflag:s12] =	ssyncadd.s32 $0xFFFFE000  }
0x85: {  	_ =	swait.ge [sflag:s12], $0x2000  }
0x86: {  	[sflag:s12] =	ssyncset.done $0x0  }
0x87: {  	[sflag:s12] =	ssyncadd.s32 $0xFFFFE000  }
0x88: {  	_ =	swait.ge [sflag:s12], $0x2000  }
0x89: {  	[sflag:s12] =	ssyncset.done $0x0  }
0x8a: {  	[sflag:s12] =	ssyncadd.s32 $0xFFFFE000  }
0x8b: {  	_ =	swait.ge [sflag:s12], $0x2000  }
0x8c: {  	[sflag:s12] =	ssyncset.done $0x0  }
0x8d: {  	[sflag:s12] =	ssyncadd.s32 $0xFFFFE000  }
0x8e: {  	_ =	swait.ge [sflag:s12], $0x2000  }
0x8f: {  	[sflag:s12] =	ssyncset.done $0x0  }
0x90: {  	[sflag:s12] =	ssyncadd.s32 $0xFFFFE000  }
0x91: {  	_ =	swait.ge [sflag:s12], $0x2000  }
0x92: {  	[sflag:s12] =	ssyncset.done $0x0  }
0x93: {  	[sflag:s12] =	ssyncadd.s32 $0xFFFFE000  }
0x94: {  	_ =	swait.ge [sflag:s12], $0x2000  }
0x95: {  	[sflag:s12] =	ssyncset.done $0x0  }
0x96: {  	[sflag:s12] =	ssyncadd.s32 $0xFFFFE000  }
0x97: {  	_ =	swait.ge [sflag:s12], $0x2000  }
0x98: {  	[sflag:s12] =	ssyncset.done $0x0  }
0x99: {  	s29 =	sadd.s32 $0x400, s29;
	[sflag:s12] =	ssyncadd.s32 $0xFFFFE000  }
0x9a: {  	[spmem:s2] =	stream.indirect.scatter.add.f32 [tilespmem:s18], [sflag:$0x2], $0x40, s29, s17, $0xb8;
	[tilespmem:$0x1B080] =	vst v63  }
0x9b: {  	s4 =	sadd.s32 $0x80, s29  }
0x9c: {  	[spmem:s2] =	stream.indirect.scatter.add.f32 [tilespmem:s19], [sflag:$0x2], $0x40, s4, s17, $0xb8;
	[tilespmem:$0x1B080] =	vst v63  }
0x9d: {  	s1 =	sadd.s32 $0x100, s29  }
0x9e: {  	[spmem:s2] =	stream.indirect.scatter.add.f32 [tilespmem:s20], [sflag:$0x2], $0x40, s1, s17, $0xb8;
	[tilespmem:$0x1B080] =	vst v63  }
0x9f: {  	s3 =	sadd.s32 $0x180, s29  }
0xa0: {  	[spmem:s2] =	stream.indirect.scatter.add.f32 [tilespmem:s21], [sflag:$0x2], $0x40, s3, s17, $0xb8;
	[tilespmem:$0x1B080] =	vst v63  }
0xa1: {  	s4 =	sadd.s32 $0x200, s29  }
0xa2: {  	[spmem:s2] =	stream.indirect.scatter.add.f32 [tilespmem:s22], [sflag:$0x2], $0x40, s4, s17, $0xb8;
	[tilespmem:$0x1B080] =	vst v63  }
0xa3: {  	s1 =	sadd.s32 $0x280, s29  }
0xa4: {  	[spmem:s2] =	stream.indirect.scatter.add.f32 [tilespmem:s23], [sflag:$0x2], $0x40, s1, s17, $0xb8;
	[tilespmem:$0x1B080] =	vst v63  }
0xa5: {  	s3 =	sadd.s32 $0x300, s29  }
0xa6: {  	[spmem:s2] =	stream.indirect.scatter.add.f32 [tilespmem:s24], [sflag:$0x2], $0x40, s3, s17, $0xb8;
	[tilespmem:$0x1B080] =	vst v63  }
0xa7: {  	s4 =	sadd.s32 $0x380, s29  }
0xa8: {  	[spmem:s2] =	stream.indirect.scatter.add.f32 [tilespmem:s25], [sflag:$0x2], $0x40, s4, s17, $0xb8;
	[tilespmem:$0x1B080] =	vst v63  }
0xa9: {  	_ =	swait.ge [sflag:s26], $0x2000  }
0xaa: {  	[sflag:s26] =	ssyncset.done $0x0  }
0xab: {  	[sflag:s26] =	ssyncadd.s32 $0xFFFFE000  }
0xac: {  	_ =	swait.ge [sflag:s26], $0x2000  }
0xad: {  	[sflag:s26] =	ssyncset.done $0x0  }
0xae: {  	[sflag:s26] =	ssyncadd.s32 $0xFFFFE000  }
0xaf: {  	_ =	swait.ge [sflag:s26], $0x2000  }
0xb0: {  	[sflag:s26] =	ssyncset.done $0x0  }
0xb1: {  	[sflag:s26] =	ssyncadd.s32 $0xFFFFE000  }
0xb2: {  	_ =	swait.ge [sflag:s26], $0x2000  }
0xb3: {  	[sflag:s26] =	ssyncset.done $0x0  }
0xb4: {  	[sflag:s26] =	ssyncadd.s32 $0xFFFFE000  }
0xb5: {  	_ =	swait.ge [sflag:s26], $0x2000  }
0xb6: {  	[sflag:s26] =	ssyncset.done $0x0  }
0xb7: {  	[sflag:s26] =	ssyncadd.s32 $0xFFFFE000  }
0xb8: {  	_ =	swait.ge [sflag:s26], $0x2000  }
0xb9: {  	[sflag:s26] =	ssyncset.done $0x0  }
0xba: {  	p0 =	sne.s32 s31, $0x10000;
	[sflag:s26] =	ssyncadd.s32 $0xFFFFE000  }
.Ltmp0:
0xbb: {  	_ =	swait.ge [sflag:s26], $0x2000;
	(pc) =	sbr.rel @p0 .LBB2_2-.Ltmp0, $4  }
0xbc: {  	[sflag:s26] =	ssyncset.done $0x0  }
0xbd: {  	[sflag:s26] =	ssyncadd.s32 $0xFFFFE000  }
0xbe: {  	s0 =	smov.u32 s31;
	s31 =	sadd.s32 $0x4000, s31;
	_ =	swait.ge [sflag:s26], $0x2000  }
0xbf: {  	s30 =	smov.u32 s0;
	s1 =	rddreg [dreg:$0x3];
	[sflag:s26] =	ssyncset.done $0x0  }
0xc0: {  	[sflag:s26] =	ssyncadd.s32 $0xFFFFE000;
	s0 =	sadd.s32 s30, s1  }
0xc1: {  	[tilespmem:s18], [sflag:$0x1] =	stream.strided.gather [hbm4b:s0+s16], $0x2000, s17, s16, $0x38;
	[tilespmem:$0x1B080] =	vst v63  }
0xc2: {  	s4 =	sadd.s32 s30, s10  }
0xc3: {  	[tilespmem:s19], [sflag:$0x1] =	stream.strided.gather [hbm4b:s4+s16], $0x2000, s17, s16, $0x38;
	[tilespmem:$0x1B080] =	vst v63  }
0xc4: {  	s31 =	rddreg [dreg:$0x8];
	s3 =	sadd.s32 s30, s9  }
0xc5: {  	[tilespmem:s20], [sflag:$0x1] =	stream.strided.gather [hbm4b:s3+s16], $0x2000, s17, s16, $0x38;
	[tilespmem:$0x1B080] =	vst v63  }
0xc6: {  	s1 =	sadd.s32 s30, s31;
	s4 =	rddreg [dreg:$0x7]  }
0xc7: {  	[tilespmem:s21], [sflag:$0x1] =	stream.strided.gather [hbm4b:s1+s16], $0x2000, s17, s16, $0x38;
	[tilespmem:$0x1B080] =	vst v63  }
0xc8: {  	s31 =	rddreg [dreg:$0x6];
	s0 =	sadd.s32 s30, s4  }
0xc9: {  	[tilespmem:s22], [sflag:$0x1] =	stream.strided.gather [hbm4b:s0+s16], $0x2000, s17, s16, $0x38;
	[tilespmem:$0x1B080] =	vst v63  }
0xca: {  	s3 =	rddreg [dreg:$0x5];
	s1 =	sadd.s32 s30, s31  }
0xcb: {  	[tilespmem:s23], [sflag:$0x1] =	stream.strided.gather [hbm4b:s1+s16], $0x2000, s17, s16, $0x38;
	[tilespmem:$0x1B080] =	vst v63  }
0xcc: {  	s4 =	rddreg [dreg:$0x4];
	s0 =	sadd.s32 s30, s3  }
0xcd: {  	[tilespmem:s24], [sflag:$0x1] =	stream.strided.gather [hbm4b:s0+s16], $0x2000, s17, s16, $0x38;
	[tilespmem:$0x1B080] =	vst v63  }
0xce: {  	s30 =	sadd.s32 s30, s4  }
0xcf: {  	[tilespmem:s25], [sflag:$0x1] =	stream.strided.gather [hbm4b:s30+s16], $0x2000, s17, s16, $0x38;
	[tilespmem:$0x1B080] =	vst v63  }
0xd0: {  	_ =	swait.ge [sflag:s12], $0x2000  }
0xd1: {  	[sflag:s12] =	ssyncset.done $0x0  }
0xd2: {  	[sflag:s12] =	ssyncadd.s32 $0xFFFFE000  }
0xd3: {  	_ =	swait.ge [sflag:s12], $0x2000  }
0xd4: {  	[sflag:s12] =	ssyncset.done $0x0  }
0xd5: {  	[sflag:s12] =	ssyncadd.s32 $0xFFFFE000  }
0xd6: {  	_ =	swait.ge [sflag:s12], $0x2000  }
0xd7: {  	[sflag:s12] =	ssyncset.done $0x0  }
0xd8: {  	[sflag:s12] =	ssyncadd.s32 $0xFFFFE000  }
0xd9: {  	_ =	swait.ge [sflag:s12], $0x2000  }
0xda: {  	[sflag:s12] =	ssyncset.done $0x0  }
0xdb: {  	[sflag:s12] =	ssyncadd.s32 $0xFFFFE000  }
0xdc: {  	_ =	swait.ge [sflag:s12], $0x2000  }
0xdd: {  	[sflag:s12] =	ssyncset.done $0x0  }
0xde: {  	[sflag:s12] =	ssyncadd.s32 $0xFFFFE000  }
0xdf: {  	_ =	swait.ge [sflag:s12], $0x2000  }
0xe0: {  	[sflag:s12] =	ssyncset.done $0x0  }
0xe1: {  	[sflag:s12] =	ssyncadd.s32 $0xFFFFE000  }
0xe2: {  	_ =	swait.ge [sflag:s12], $0x2000  }
0xe3: {  	[sflag:s12] =	ssyncset.done $0x0  }
0xe4: {  	[sflag:s12] =	ssyncadd.s32 $0xFFFFE000  }
0xe5: {  	_ =	swait.ge [sflag:s12], $0x2000  }
0xe6: {  	[sflag:s12] =	ssyncset.done $0x0  }
0xe7: {  	s0 =	sadd.s32 $0x400, s29;
	[sflag:s12] =	ssyncadd.s32 $0xFFFFE000  }
0xe8: {  	[spmem:s2] =	stream.indirect.scatter.add.f32 [tilespmem:s18], [sflag:$0x2], $0x40, s0, s17, $0xb8;
	[tilespmem:$0x1B080] =	vst v63  }
0xe9: {  	s31 =	sadd.s32 $0x80, s0  }
0xea: {  	[spmem:s2] =	stream.indirect.scatter.add.f32 [tilespmem:s19], [sflag:$0x2], $0x40, s31, s17, $0xb8;
	[tilespmem:$0x1B080] =	vst v63  }
0xeb: {  	s3 =	sadd.s32 $0x100, s0  }
0xec: {  	[spmem:s2] =	stream.indirect.scatter.add.f32 [tilespmem:s20], [sflag:$0x2], $0x40, s3, s17, $0xb8;
	[tilespmem:$0x1B080] =	vst v63  }
0xed: {  	s4 =	sadd.s32 $0x180, s0  }
0xee: {  	[spmem:s2] =	stream.indirect.scatter.add.f32 [tilespmem:s21], [sflag:$0x2], $0x40, s4, s17, $0xb8;
	[tilespmem:$0x1B080] =	vst v63  }
0xef: {  	s29 =	sadd.s32 $0x200, s0  }
0xf0: {  	[spmem:s2] =	stream.indirect.scatter.add.f32 [tilespmem:s22], [sflag:$0x2], $0x40, s29, s17, $0xb8;
	[tilespmem:$0x1B080] =	vst v63  }
0xf1: {  	s30 =	sadd.s32 $0x280, s0  }
0xf2: {  	[spmem:s2] =	stream.indirect.scatter.add.f32 [tilespmem:s23], [sflag:$0x2], $0x40, s30, s17, $0xb8;
	[tilespmem:$0x1B080] =	vst v63  }
0xf3: {  	s31 =	sadd.s32 $0x300, s0  }
0xf4: {  	[spmem:s2] =	stream.indirect.scatter.add.f32 [tilespmem:s24], [sflag:$0x2], $0x40, s31, s17, $0xb8;
	[tilespmem:$0x1B080] =	vst v63  }
0xf5: {  	s0 =	sadd.s32 $0x380, s0  }
0xf6: {  	[spmem:s2] =	stream.indirect.scatter.add.f32 [tilespmem:s25], [sflag:$0x2], $0x40, s0, s17, $0xb8;
	[tilespmem:$0x1B080] =	vst v63  }
0xf7: {  	_ =	swait.ge [sflag:s26], $0x2000  }
0xf8: {  	[sflag:s26] =	ssyncset.done $0x0  }
0xf9: {  	[sflag:s26] =	ssyncadd.s32 $0xFFFFE000  }
0xfa: {  	_ =	swait.ge [sflag:s26], $0x2000  }
0xfb: {  	[sflag:s26] =	ssyncset.done $0x0  }
0xfc: {  	[sflag:s26] =	ssyncadd.s32 $0xFFFFE000  }
0xfd: {  	_ =	swait.ge [sflag:s26], $0x2000  }
0xfe: {  	[sflag:s26] =	ssyncset.done $0x0  }
0xff: {  	[sflag:s26] =	ssyncadd.s32 $0xFFFFE000  }
0x100: {  	_ =	swait.ge [sflag:s26], $0x2000  }
0x101: {  	[sflag:s26] =	ssyncset.done $0x0  }
0x102: {  	[sflag:s26] =	ssyncadd.s32 $0xFFFFE000  }
0x103: {  	_ =	swait.ge [sflag:s26], $0x2000  }
0x104: {  	[sflag:s26] =	ssyncset.done $0x0  }
0x105: {  	[sflag:s26] =	ssyncadd.s32 $0xFFFFE000  }
0x106: {  	_ =	swait.ge [sflag:s26], $0x2000  }
0x107: {  	[sflag:s26] =	ssyncset.done $0x0  }
0x108: {  	[sflag:s26] =	ssyncadd.s32 $0xFFFFE000  }
0x109: {  	_ =	swait.ge [sflag:s26], $0x2000  }
0x10a: {  	[sflag:s26] =	ssyncset.done $0x0  }
0x10b: {  	[sflag:s26] =	ssyncadd.s32 $0xFFFFE000  }
0x10c: {  	_ =	swait.ge [sflag:s26], $0x2000  }
0x10d: {  	s28 =	sadd.s32 $0x1, s28;
	[sflag:s26] =	ssyncset.done $0x0  }
0x10e: {  	p0 =	sne.s32 s28, s7;
	[sflag:s26] =	ssyncadd.s32 $0xFFFFE000  }
.Ltmp1:
0x10f: {  	[bflag:$0x0] =	sbarrier.arrive $0xFFFF;
	(pc) =	sbr.rel @p0 .LBB2_1-.Ltmp1, $4  }
0x110: {  	[hbm:s8@s14], [sflag:s5] =	dma.strided [spmem:s11@s13], $0x1390, s12, $0x8   }
0x111: {  	_ =	swait.ge [sflag:s15], $0x1390  }
0x112: {  	[sflag:s15] =	ssyncset.done $0x0  }
0x113: {  	[sflag:s15] =	ssyncadd.s32 $0xFFFFEC70  }
0x114: {  	_ =	sfence.sel $0x180000  }
0x115: {  	[bflag:$0x0] =	sbarrier.arrive $0xFFFF  }
0x116: {  	_ =	strace $0x90000050  }
0x117: {  	s0 =	stileid.u32;
	[bflag:$0x2] =	sbarrier.arrive $0xFFFF  }
0x118: {  	p0 =	sne.s32 s0, $0x0;
	s0 =	rddreg [dreg:$0x2]  }
0x119: {  	s0 =	sadd.s32 @!p0 $0x100000, s0  }
0x11a: {  	[sflag:s0] =	ssyncadd.tile.s32 @!p0 $0x1;
	_ =	shalt  }
.Lfunc_end2:
_tile_overlayer_lowered:
.L_overlay_start_2:
0x11b: {  	(tag) =	ssettag $0x2  }
0x11c: {  	s0 =	rddreg [dreg:$0x0];
	s2 =	stileid.u32  }
0x11d: {  	s1 =	rddreg [dreg:$0x1];
	p0 =	sne.s32 s2, $0x0  }
0x11e: {  	s3 =	rddreg [dreg:$0x2];
	[bflag:$0x3] =	sbarrier.arrive $0xFFFF;
	s2 =	simm.s32 @!p0 $0x1C03  }
0x11f: {  	[timem:s3], [sflag:s2] =	dma.local @!p0 [hbm:s0], s1  }
0x120: {  	s0 =	simm.s32 @!p0 $0x3  }
0x121: {  	_ =	swait.ge @!p0 [sflag:s0], s1  }
0x122: {  	s1 =	ssub.s32 @!p0 $0x0, s1;
	[sflag:s0] =	ssyncset.done @!p0 $0x0  }
0x123: {  	[sflag:s0] =	ssyncadd.s32 @!p0 s1  }
0x124: {  	[bflag:$0x3] =	sbarrier.arrive $0xFFFF  }
0x125: {  	_ =	shalt  }

// kernel: kernel.28.cloned.1.call-start
scs
__scs_entry_jumppad:
0x0: {  	(pc) =	sbr.rel $0x88, $3  }
0x1: {  	(tag) =	ssettag $0x0;
	lr =	simm.s32 $0x1  }
0x2: {  	[smem:$0x3F89] =	sst lr;
	_ =	strace $0xD0000000  }
0x3: {  	_ = 	snop  }
0x4: {  	_ = 	snop  }
0x5: {  	_ = 	snop  }
0x6: {  	_ = 	snop  }
0x7: {  	_ = 	snop  }
__scs_overlays_trampoline_lowered:
0x8: {  	[smem:$0x3F98] =	sst s0  }
0x9: {  	[smem:$0x3F99] =	sst s1  }
0xa: {  	[smem:$0x3F9A] =	sst s2  }
0xb: {  	[smem:$0x3F9B] =	sst s3  }
0xc: {  	[smem:$0x3F9C] =	sst s4  }
0xd: {  	[smem:$0x3F9D] =	sst s5  }
0xe: {  	[smem:$0x3F9E] =	sst s6  }
0xf: {  	[smem:$0x3F9F] =	sst s7  }
0x10: {  	[smem:$0x3FA0] =	sst s8  }
0x11: {  	[smem:$0x3FA1] =	sst s9;
	s0 =	simm.s32 @!p0 $0x0  }
0x12: {  	s1 =	sld [smem:$0x3F87];
	s0 =	simm.s32 @p0 $0x1  }
0x13: {  	[smem:$0x3FA2] =	sst s0;
	s0 =	simm.s32 @!p1 $0x0  }
0x14: {  	s2 =	sld [smem:$0x3F86];
	s0 =	simm.s32 @p1 $0x1  }
0x15: {  	[smem:$0x3FA3] =	sst s0;
	s0 =	simm.s32 @!p2 $0x0  }
0x16: {  	s3 =	sld [smem:$0x3FDB];
	s0 =	simm.s32 @p2 $0x1  }
0x17: {  	s4 =	simm.s32 $0x1BF5;
	[smem:$0x3FA5] =	sst s0  }
0x18: {  	s0 =	sld [smem:$0x3F88];
	_ =	swait.ge [sflag:s4], $0x0  }
0x19: {  	s7 =	sld [smem:$0x3F89]  }
0x1a: {  	s8 =	sadd.s32 $0xFFFFE003, lr  }
0x1b: {  	s9 =	sadd.s32 $0xFFFFFEF7, lr;
	s5 =	simm.s32 $0xFFFFFFFF;
	p2 =	slt.u32 s8, $0xFFFFF086  }
0x1c: {  	p1 =	slt.u32 s9, $0xF7A;
	s5 =	simm.s32 @!p2 $0x0  }
0x1d: {  	s5 =	simm.s32 @p1 $0x1;
	p0 =	seq.s32 s7, s2  }
0x1e: {  	s7 =	smul.u32 @!p0 $0xF7A, s2;
	p2 =	seq.s32 @!p0 s5, $0x0  }
0x1f: {  	s9 =	smul.u32 $0xF7A, s1;
	s8 =	simm.s32 @!p0 $0x1BF5;
	p2 =	por !p2, p0  }
0x20: {  	[sflag:s8] =	ssyncset.s32 @!p0 $0xFFFFF086;
	s6 =	sadd.s32 @!p0 s3, s7;
	s7 =	simm.s32 @!p0 $0x108  }
0x21: {  	s3 =	sadd.s32 s3, s9;
	s6 =	sadd.s32 @!p0 $0x88, s6;
	s7 =	simm.s32 @p2 $0x1082  }
0x22: {  	[simem:s7], [sflag:s8] =	dma.local @!p0 [hbm:s6], $0xF7A  }
0x23: {  	s9 =	sor.u32 $0xD0000000, s2;
	s6 =	simm.s32 $0x108;
	_ =	swait.ge @!p0 [sflag:s8], $0x0  }
0x24: {  	s3 =	sadd.s32 $0x88, s3;
	s6 =	simm.s32 @!p1 $0x1082;
	[sflag:s4] =	ssyncset.s32 $0xFFFFF086  }
0x25: {  	[simem:s6], [sflag:s4] =	dma.local [hbm:s3], $0xF7A  }
0x26: {  	[smem:$0x3F89] =	sst s1;
	(tag) =	ssettag s2;
	_ =	strace s9  }
0x27: {  	s1 =	sld [smem:$0x3F99]  }
0x28: {  	s2 =	sld [smem:$0x3F9A]  }
0x29: {  	s4 =	sld [smem:$0x3F9C]  }
0x2a: {  	p0 =	seq.s32 s5, $0x0;
	s5 =	sld [smem:$0x3F9D]  }
0x2b: {  	s6 =	sld [smem:$0x3F9E]  }
0x2c: {  	s7 =	sld [smem:$0x3F9F]  }
0x2d: {  	s3 =	simm.s32 $0x108;
	s8 =	sld [smem:$0x3FA0]  }
0x2e: {  	s3 =	simm.s32 @!p0 $0x1082;
	s9 =	sld [smem:$0x3FA1]  }
0x2f: {  	lr =	sadd.s32 s0, s3;
	s0 =	sld [smem:$0x3F98]  }
0x30: {  	s3 =	sld [smem:$0x3F9B]  }
0x31: {  	[smem:$0x3FA4] =	sst s10  }
0x32: {  	s10 =	sld [smem:$0x3FA2];
	_ =	sdelay $0x3  }
0x33: {  	p0 =	seq.s32 s10, $0x1;
	s10 =	sld [smem:$0x3FA4];
	_ =	sdelay $0x3  }
0x34: {  	[smem:$0x3FA4] =	sst s10  }
0x35: {  	s10 =	sld [smem:$0x3FA3];
	_ =	sdelay $0x3  }
0x36: {  	p1 =	seq.s32 s10, $0x1;
	s10 =	sld [smem:$0x3FA4];
	_ =	sdelay $0x3  }
0x37: {  	[smem:$0x3FA4] =	sst s10  }
0x38: {  	s10 =	sld [smem:$0x3FA5]  }
0x39: {  	_ = 	snop;
	(pc) =	sbr.ind lr, $3  }
0x3a: {  	_ = 	snop  }
0x3b: {  	_ = 	snop  }
0x3c: {  	p2 =	seq.s32 s10, $0x1;
	s10 =	sld [smem:$0x3FA4]  }
0x3d: {  	_ =	shalt  }
0x3e: {  	_ =	shalt  }
0x3f: {  	_ =	shalt  }
0x40: {  	_ =	shalt  }
0x41: {  	_ =	shalt  }
0x42: {  	_ =	shalt  }
0x43: {  	_ =	shalt  }
0x44: {  	_ =	shalt  }
0x45: {  	_ =	shalt  }
0x46: {  	_ =	shalt  }
0x47: {  	_ =	shalt  }
0x48: {  	_ =	shalt  }
0x49: {  	_ =	shalt  }
0x4a: {  	_ =	shalt  }
0x4b: {  	_ =	shalt  }
0x4c: {  	_ =	shalt  }
0x4d: {  	_ =	shalt  }
0x4e: {  	_ =	shalt  }
0x4f: {  	_ =	shalt  }
0x50: {  	_ =	shalt  }
0x51: {  	_ =	shalt  }
0x52: {  	_ =	shalt  }
0x53: {  	_ =	shalt  }
0x54: {  	_ =	shalt  }
0x55: {  	_ =	shalt  }
0x56: {  	_ =	shalt  }
0x57: {  	_ =	shalt  }
0x58: {  	_ =	shalt  }
0x59: {  	_ =	shalt  }
0x5a: {  	_ =	shalt  }
0x5b: {  	_ =	shalt  }
0x5c: {  	_ =	shalt  }
0x5d: {  	_ =	shalt  }
0x5e: {  	_ =	shalt  }
0x5f: {  	_ =	shalt  }
0x60: {  	_ =	shalt  }
0x61: {  	_ =	shalt  }
0x62: {  	_ =	shalt  }
0x63: {  	_ =	shalt  }
0x64: {  	_ =	shalt  }
0x65: {  	_ =	shalt  }
0x66: {  	_ =	shalt  }
0x67: {  	_ =	shalt  }
0x68: {  	_ =	shalt  }
0x69: {  	_ =	shalt  }
0x6a: {  	_ =	shalt  }
0x6b: {  	_ =	shalt  }
0x6c: {  	_ =	shalt  }
0x6d: {  	_ =	shalt  }
0x6e: {  	_ =	shalt  }
0x6f: {  	_ =	shalt  }
0x70: {  	_ =	shalt  }
0x71: {  	_ =	shalt  }
0x72: {  	_ =	shalt  }
0x73: {  	_ =	shalt  }
0x74: {  	_ =	shalt  }
0x75: {  	_ =	shalt  }
0x76: {  	_ =	shalt  }
0x77: {  	_ =	shalt  }
0x78: {  	_ =	shalt  }
0x79: {  	_ =	shalt  }
0x7a: {  	_ =	shalt  }
0x7b: {  	_ =	shalt  }
0x7c: {  	_ =	shalt  }
0x7d: {  	_ =	shalt  }
0x7e: {  	_ =	shalt  }
0x7f: {  	_ =	shalt  }
0x80: {  	_ =	shalt  }
0x81: {  	_ =	shalt  }
0x82: {  	_ =	shalt  }
0x83: {  	_ =	shalt  }
0x84: {  	_ =	shalt  }
0x85: {  	_ =	shalt  }
0x86: {  	_ =	shalt  }
0x87: {  	_ =	shalt  }
.Lfunc_end0:
.L_simem_size_0:
called_computation.4_lowered:
.L_overlay_start_0:
0x88: {  	s2 =	sld [smem:$0x3FD9]  }
0x89: {  	s3 =	sld [smem:$0x3FFE];
	_ =	sdelay $0x1  }
0x8a: {  	s1 =	srdreg.scid  }
0x8b: {  	s0 =	sand.u32 $0x1, s1  }
0x8c: {  	s14 =	sshll.u32 s0, $0xA;
	s2 =	sadd.s32 s3, s2  }
0x8d: {  	s2 =	sadd.s32 s2, s14  }
0x8e: {  	[smem:$0x3FB0] =	sst s2  }
0x8f: {  	_ = 	snop  }
0x90: {  	s2 =	sld [smem:$0x3FD0];
	_ =	sdelay $0x2  }
0x91: {  	s15 =	simm.s32 $0xA;
	s4 =	simm.s32 $0x10  }
0x92: {  	[smem:s4], [sflag:s15] =	dma.local [hbm:s2], $0x1  }
0x93: {  	_ =	swait.eq [sflag:s15], $0x1  }
0x94: {  	[sflag:s15] =	ssyncset.done $0x0  }
0x95: {  	[sflag:s15] =	ssyncadd.s32 $0xFFFFFFFF  }
0x96: {  	s16 =	sld [smem:$0x11];
	(tm) =	ssettm $0x1  }
0x97: {  	s17 =	sld [smem:$0x3FFB];
	_ =	sdelay $0x3  }
0x98: {  	_ =	strace s17  }
0x99: {  	s3 =	sld [smem:$0x3FFC];
	_ =	sdelay $0x3  }
0x9a: {  	_ =	strace s3  }
0x9b: {  	s3 =	sld [smem:$0x3FFD];
	_ =	sdelay $0x3  }
0x9c: {  	_ =	strace s3  }
0x9d: {  	_ =	strace $0x8FFFFFFF  }
0x9e: {  	s18 =	sld [smem:$0x3FDB];
	_ =	sdelay $0x1  }
0x9f: {  	s19 =	simm.s32 $_scs_section_size  }
0xa0: {  	s5 =	simm.s32 $_size__tile_overlayer_lowered;
	s6 =	simm.s32 $_tile_overlayer_lowered  }
0xa1: {  	s22 =	simm.s32 $0x1BFF;
	s21 =	sshll.u32 s6, $0x1;
	s3 =	sadd.s32 s19, s18  }
0xa2: {  	s7 =	simm.s32 $0x0;
	s20 =	sshll.u32 s5, $0x1;
	s5 =	sadd.s32 s21, s3  }
0xa3: {  	[timem:s7], [sflag:s22] =	dma.local [hbm:s5], s20  }
0xa4: {  	_ =	swait.ge [sflag:s22], s20  }
0xa5: {  	s4 =	ssub.s32 $0x0, s20;
	[sflag:s22] =	ssyncset.done $0x0  }
0xa6: {  	[sflag:s22] =	ssyncadd.s32 s4;
	_ =	sdelay $0x1  }
0xa7: {  	s23 =	simm.s32 $0x1B8B  }
0xa8: {  	_ =	swait.ge [sflag:s23], $0x1  }
0xa9: {  	[sflag:s23] =	ssyncset.done $0x0  }
0xaa: {  	s25 =	simm.s32 $0x1B8E;
	s24 =	sld [smem:$0x3FFE];
	[sflag:s23] =	ssyncadd.s32 $0xFFFFFFFF  }
0xab: {  	s26 =	simm.s32 $execute0_lowered;
	[smem:$0x3FD2] =	sst s25  }
0xac: {  	s5 =	sshll.u32 s26, $0x1;
	_ =	strace $0x80000052;
	[dreg:$0x1] =	wrdreg $0xFFFFFFFF  }
0xad: {  	s28 =	simm.s32 $_size_execute0_lowered;
	s3 =	sadd.s32 s3, s5;
	[dreg:$0x0] =	wrdreg $0x0  }
0xae: {  	s5 =	sshll.u32 s28, $0x1;
	[dreg:$0x2] =	wrdreg s3  }
0xaf: {  	[dreg:$0x3] =	wrdreg s5  }
0xb0: {  	[dreg:$0x4] =	wrdreg $0xC0  }
0xb1: {  	_ =	task [dreg:s7], $0x5FFFF  }
0xb2: {  	[dreg:$0x1] =	wrdreg $0xFFFFFFFF  }
0xb3: {  	[dreg:$0x0] =	wrdreg $0x60  }
0xb4: {  	[dreg:$0x2] =	wrdreg s16  }
0xb5: {  	[dreg:$0x3] =	wrdreg s24  }
0xb6: {  	[dreg:$0x4] =	wrdreg $0x9  }
0xb7: {  	_ =	task.clear_ibuf [dreg:s7], $0x5FFFF;
	_ =	strace $0x90000052  }
0xb8: {  	s29 =	simm.s32 $0x9;
	_ =	strace $0x80000054  }
0xb9: {  	_ =	swait.ge [sflag:s29], $0x1  }
0xba: {  	[sflag:s29] =	ssyncadd.s32 $0xFFFFFFFF  }
0xbb: {  	_ =	strace $0x90000054  }
0xbc: {  	_ =	sfence  }
0xbd: {  	s30 =	sld [smem:$0x0];
	_ =	sdelay $0x2  }
0xbe: {  	s31 =	sshll.u32 s1, $0xD;
	s1 =	sshrl.u32 s1, $0x2  }
0xbf: {  	s3 =	sand.u32 $0x4000, s31;
	s1 =	sadd.s32 s1, s30  }
0xc0: {  	s0 =	sor.u32 s3, s0;
	s1 =	sshll.u32 s1, $0x11  }
0xc1: {  	s0 =	sor.u32 s1, s0  }
0xc2: {  	s0 =	sadd.s32 $0x8F2B, s0  }
0xc3: {  	[sflag:s0] =	ssyncadd.remote.s32 $0x1  }
0xc4: {  	_ =	sfence.sel $0xFFFF  }
0xc5: {  	[dreg:$0x0] =	wrdreg $0xFFFFFFFF;
	(pc) =	sbr.abs _section_cstart, $3  }
0xc6: {  	[dreg:$0x1] =	wrdreg $0xFFFFFFFF  }
0xc7: {  	_ =	task.clear_ibuf [dreg:s7], $0x2FFFF;
	_ =	strace $0x9FFFFFFF  }
0xc8: {  	(tm) =	ssettm $0x7FFFFFFF  }
0xc9: {  	_ =	shalt  }
tec
execute0_lowered:
.L_overlay_start_1:
0x0: {  	(tag) =	ssettag $0x1  }
0x1: {  	s2 =	rddreg [dreg:$0x0]  }
0x2: {  	s4 =	rddreg [dreg:$0x1]  }
0x3: {  	s0 =	rddreg [dreg:$0x2];
	s3 =	srdreg.scid  }
0x4: {  	s1 =	stileid.u32;
	s9 =	simm.s32 $0x1400;
	s10 =	simm.s32 $0x2400  }
0x5: {  	s11 =	simm.s32 $0x3400;
	s12 =	simm.s32 $0x4400;
	s13 =	simm.s32 $0x5400  }
0x6: {  	s14 =	simm.s32 $0x6400;
	s15 =	simm.s32 $0x7400;
	s16 =	simm.s32 $0x8400  }
0x7: {  	s17 =	simm.s32 $0x1;
	s18 =	simm.s32 $0x20;
	s19 =	simm.s32 $0x0  }
0x8: {  	s5 =	sand.u32 $0x1, s3;
	s6 =	sshll.u32 s1, $0x1;
	s7 =	smul.u32 $0x140000, s1  }
0x9: {  	s3 =	simm.s32 $0x0;
	s6 =	sor.u32 s5, s6;
	s8 =	smul.u32 $0xA0000, s5  }
0xa: {  	[smem:$0x7FF] =	sst s3;
	s5 =	ssub.s32 $0x2, s5;
	s6 =	smul.u32 $0x280, s6  }
0xb: {  	_ =	strace $0x80000053;
	s31 =	sshrl.u32 s5, $0x1;
	s7 =	sadd.s32 s8, s7  }
0xc: {  	s5 =	ssub.s32 s5, s31;
	s8 =	simm.s32 $0x80;
	s7 =	sshrl.u32 s7, $0x3  }
0xd: {  	s6 =	sadd.s32 s6, s4;
	s5 =	smax.u32 s5, $0x1;
	s7 =	sadd.s32 s7, s4  }
0xe: {  	s4 =	sadd.s32 $0x30C00, s6;
	s6 =	sadd.s32 $0x52EE00, s7;
	s7 =	simm.s32 $0x2  }
.LBB2_1:
0xf: {  	[tilespmem:s3], [sflag:$0x2] =	stream.linear.gather [hbm4b:s4+s3], $0x1400, $0x38;
	[tilespmem:$0x9400] =	vst v63  }
0x10: {  	_ =	swait.ge [sflag:s7], $0x1400  }
0x11: {  	[sflag:s7] =	ssyncset.done $0x0  }
0x12: {  	s20 =	simm.s32 $0x0;
	[sflag:s7] =	ssyncadd.s32 $0xFFFFEC00  }
0x13: {  	[tilespmem:s9], [sflag:$0x1] =	stream.indirect.gather [hbm4b:s2+s8], $0x20, s20, s8, $0xb8;
	[tilespmem:$0x9400] =	vst v63  }
0x14: {  	s24 =	simm.s32 $0x80  }
0x15: {  	[tilespmem:s10], [sflag:$0x1] =	stream.indirect.gather [hbm4b:s2+s8], $0x20, s24, s8, $0xb8;
	[tilespmem:$0x9400] =	vst v63  }
0x16: {  	s25 =	simm.s32 $0x100  }
0x17: {  	[tilespmem:s11], [sflag:$0x1] =	stream.indirect.gather [hbm4b:s2+s8], $0x20, s25, s8, $0xb8;
	[tilespmem:$0x9400] =	vst v63  }
0x18: {  	s26 =	simm.s32 $0x180  }
0x19: {  	[tilespmem:s12], [sflag:$0x1] =	stream.indirect.gather [hbm4b:s2+s8], $0x20, s26, s8, $0xb8;
	[tilespmem:$0x9400] =	vst v63  }
0x1a: {  	s28 =	simm.s32 $0x200  }
0x1b: {  	[tilespmem:s13], [sflag:$0x1] =	stream.indirect.gather [hbm4b:s2+s8], $0x20, s28, s8, $0xb8;
	[tilespmem:$0x9400] =	vst v63  }
0x1c: {  	s29 =	simm.s32 $0x280  }
0x1d: {  	[tilespmem:s14], [sflag:$0x1] =	stream.indirect.gather [hbm4b:s2+s8], $0x20, s29, s8, $0xb8;
	[tilespmem:$0x9400] =	vst v63  }
0x1e: {  	s30 =	simm.s32 $0x300  }
0x1f: {  	[tilespmem:s15], [sflag:$0x1] =	stream.indirect.gather [hbm4b:s2+s8], $0x20, s30, s8, $0xb8;
	[tilespmem:$0x9400] =	vst v63  }
0x20: {  	s31 =	simm.s32 $0x380  }
0x21: {  	[tilespmem:s16], [sflag:$0x1] =	stream.indirect.gather [hbm4b:s2+s8], $0x20, s31, s8, $0xb8;
	[tilespmem:$0x9400] =	vst v63  }
0x22: {  	_ =	swait.ge [sflag:s17], $0x1000  }
0x23: {  	[sflag:s17] =	ssyncset.done $0x0  }
0x24: {  	[sflag:s17] =	ssyncadd.s32 $0xFFFFF000  }
0x25: {  	_ =	swait.ge [sflag:s17], $0x1000  }
0x26: {  	[sflag:s17] =	ssyncset.done $0x0  }
0x27: {  	[sflag:s17] =	ssyncadd.s32 $0xFFFFF000  }
0x28: {  	_ =	swait.ge [sflag:s17], $0x1000  }
0x29: {  	[sflag:s17] =	ssyncset.done $0x0  }
0x2a: {  	[sflag:s17] =	ssyncadd.s32 $0xFFFFF000  }
0x2b: {  	_ =	swait.ge [sflag:s17], $0x1000  }
0x2c: {  	[sflag:s17] =	ssyncset.done $0x0  }
0x2d: {  	[sflag:s17] =	ssyncadd.s32 $0xFFFFF000  }
0x2e: {  	_ =	swait.ge [sflag:s17], $0x1000  }
0x2f: {  	[sflag:s17] =	ssyncset.done $0x0  }
0x30: {  	[sflag:s17] =	ssyncadd.s32 $0xFFFFF000  }
0x31: {  	_ =	swait.ge [sflag:s17], $0x1000  }
0x32: {  	[sflag:s17] =	ssyncset.done $0x0  }
0x33: {  	[sflag:s17] =	ssyncadd.s32 $0xFFFFF000  }
0x34: {  	_ =	swait.ge [sflag:s17], $0x1000  }
0x35: {  	[sflag:s17] =	ssyncset.done $0x0  }
0x36: {  	[sflag:s17] =	ssyncadd.s32 $0xFFFFF000  }
0x37: {  	_ =	swait.ge [sflag:s17], $0x1000  }
0x38: {  	[sflag:s17] =	ssyncset.done $0x0  }
0x39: {  	[sflag:s17] =	ssyncadd.s32 $0xFFFFF000  }
0x3a: {  	[hbm4b:s6+s18] =	stream.strided.scatter [tilespmem:s9], [sflag:$0x2], $0x8000, s8, s18, $0x38;
	[tilespmem:$0x9400] =	vst v63  }
0x3b: {  	s21 =	simm.s32 $0x1000;
	_ =	swait.ge [sflag:s7], $0x8000  }
0x3c: {  	s23 =	simm.s32 $0x2000;
	s20 =	sadd.s32 $0x4000, s6;
	[sflag:s7] =	ssyncset.done $0x0  }
.LBB2_2:
0x3d: {  	s24 =	sshra.s32 s21, $0x2  }
0x3e: {  	[sflag:s7] =	ssyncadd.s32 $0xFFFF8000;
	s21 =	smov.u32 s23;
	s22 =	sadd.s32 $0x1000, s23  }
0x3f: {  	[tilespmem:s9], [sflag:$0x1] =	stream.indirect.gather [hbm4b:s2+s8], $0x20, s24, s8, $0xb8;
	[tilespmem:$0x9400] =	vst v63  }
0x40: {  	p0 =	sne.s32 s23, $0x4000;
	s23 =	sadd.s32 $0x80, s24  }
0x41: {  	[tilespmem:s10], [sflag:$0x1] =	stream.indirect.gather [hbm4b:s2+s8], $0x20, s23, s8, $0xb8;
	[tilespmem:$0x9400] =	vst v63  }
0x42: {  	s23 =	sadd.s32 $0x100, s24  }
0x43: {  	[tilespmem:s11], [sflag:$0x1] =	stream.indirect.gather [hbm4b:s2+s8], $0x20, s23, s8, $0xb8;
	[tilespmem:$0x9400] =	vst v63  }
0x44: {  	s23 =	sadd.s32 $0x180, s24  }
0x45: {  	[tilespmem:s12], [sflag:$0x1] =	stream.indirect.gather [hbm4b:s2+s8], $0x20, s23, s8, $0xb8;
	[tilespmem:$0x9400] =	vst v63  }
0x46: {  	s23 =	sadd.s32 $0x200, s24  }
0x47: {  	[tilespmem:s13], [sflag:$0x1] =	stream.indirect.gather [hbm4b:s2+s8], $0x20, s23, s8, $0xb8;
	[tilespmem:$0x9400] =	vst v63  }
0x48: {  	s23 =	sadd.s32 $0x280, s24  }
0x49: {  	[tilespmem:s14], [sflag:$0x1] =	stream.indirect.gather [hbm4b:s2+s8], $0x20, s23, s8, $0xb8;
	[tilespmem:$0x9400] =	vst v63  }
0x4a: {  	s23 =	sadd.s32 $0x300, s24  }
0x4b: {  	[tilespmem:s15], [sflag:$0x1] =	stream.indirect.gather [hbm4b:s2+s8], $0x20, s23, s8, $0xb8;
	[tilespmem:$0x9400] =	vst v63  }
0x4c: {  	s23 =	sadd.s32 $0x380, s24  }
0x4d: {  	[tilespmem:s16], [sflag:$0x1] =	stream.indirect.gather [hbm4b:s2+s8], $0x20, s23, s8, $0xb8;
	[tilespmem:$0x9400] =	vst v63  }
0x4e: {  	_ =	swait.ge [sflag:s17], $0x1000  }
0x4f: {  	[sflag:s17] =	ssyncset.done $0x0  }
0x50: {  	[sflag:s17] =	ssyncadd.s32 $0xFFFFF000  }
0x51: {  	_ =	swait.ge [sflag:s17], $0x1000  }
0x52: {  	[sflag:s17] =	ssyncset.done $0x0  }
0x53: {  	[sflag:s17] =	ssyncadd.s32 $0xFFFFF000  }
0x54: {  	_ =	swait.ge [sflag:s17], $0x1000  }
0x55: {  	[sflag:s17] =	ssyncset.done $0x0  }
0x56: {  	[sflag:s17] =	ssyncadd.s32 $0xFFFFF000  }
0x57: {  	_ =	swait.ge [sflag:s17], $0x1000  }
0x58: {  	[sflag:s17] =	ssyncset.done $0x0  }
0x59: {  	[sflag:s17] =	ssyncadd.s32 $0xFFFFF000  }
0x5a: {  	_ =	swait.ge [sflag:s17], $0x1000  }
0x5b: {  	[sflag:s17] =	ssyncset.done $0x0  }
0x5c: {  	[sflag:s17] =	ssyncadd.s32 $0xFFFFF000  }
0x5d: {  	_ =	swait.ge [sflag:s17], $0x1000  }
0x5e: {  	[sflag:s17] =	ssyncset.done $0x0  }
0x5f: {  	[sflag:s17] =	ssyncadd.s32 $0xFFFFF000  }
0x60: {  	_ =	swait.ge [sflag:s17], $0x1000  }
0x61: {  	[sflag:s17] =	ssyncset.done $0x0  }
0x62: {  	[sflag:s17] =	ssyncadd.s32 $0xFFFFF000  }
0x63: {  	_ =	swait.ge [sflag:s17], $0x1000  }
.Ltmp0:
0x64: {  	[sflag:s17] =	ssyncset.done $0x0;
	(pc) =	sbr.rel @p0 .LBB2_2-.Ltmp0, $4  }
0x65: {  	[sflag:s17] =	ssyncadd.s32 $0xFFFFF000  }
0x66: {  	[hbm4b:s20+s18] =	stream.strided.scatter [tilespmem:s9], [sflag:$0x2], $0x8000, s8, s18, $0x38;
	[tilespmem:$0x9400] =	vst v63  }
0x67: {  	_ =	swait.ge [sflag:s7], $0x8000  }
0x68: {  	s23 =	smov.u32 s22;
	s20 =	sadd.s32 $0x4000, s20;
	[sflag:s7] =	ssyncset.done $0x0  }
0x69: {  	s21 =	sshra.s32 s21, $0x2;
	[sflag:s7] =	ssyncadd.s32 $0xFFFF8000  }
0x6a: {  	[tilespmem:s9], [sflag:$0x1] =	stream.indirect.gather [hbm4b:s2+s8], $0x20, s21, s8, $0xb8;
	[tilespmem:$0x9400] =	vst v63  }
0x6b: {  	s22 =	sadd.s32 $0x80, s21  }
0x6c: {  	[tilespmem:s10], [sflag:$0x1] =	stream.indirect.gather [hbm4b:s2+s8], $0x20, s22, s8, $0xb8;
	[tilespmem:$0x9400] =	vst v63  }
0x6d: {  	s26 =	sadd.s32 $0x100, s21  }
0x6e: {  	[tilespmem:s11], [sflag:$0x1] =	stream.indirect.gather [hbm4b:s2+s8], $0x20, s26, s8, $0xb8;
	[tilespmem:$0x9400] =	vst v63  }
0x6f: {  	s28 =	sadd.s32 $0x180, s21  }
0x70: {  	[tilespmem:s12], [sflag:$0x1] =	stream.indirect.gather [hbm4b:s2+s8], $0x20, s28, s8, $0xb8;
	[tilespmem:$0x9400] =	vst v63  }
0x71: {  	s29 =	sadd.s32 $0x200, s21  }
0x72: {  	[tilespmem:s13], [sflag:$0x1] =	stream.indirect.gather [hbm4b:s2+s8], $0x20, s29, s8, $0xb8;
	[tilespmem:$0x9400] =	vst v63  }
0x73: {  	s30 =	sadd.s32 $0x280, s21  }
0x74: {  	[tilespmem:s14], [sflag:$0x1] =	stream.indirect.gather [hbm4b:s2+s8], $0x20, s30, s8, $0xb8;
	[tilespmem:$0x9400] =	vst v63  }
0x75: {  	s31 =	sadd.s32 $0x300, s21  }
0x76: {  	[tilespmem:s15], [sflag:$0x1] =	stream.indirect.gather [hbm4b:s2+s8], $0x20, s31, s8, $0xb8;
	[tilespmem:$0x9400] =	vst v63  }
0x77: {  	s21 =	sadd.s32 $0x380, s21  }
0x78: {  	[tilespmem:s16], [sflag:$0x1] =	stream.indirect.gather [hbm4b:s2+s8], $0x20, s21, s8, $0xb8;
	[tilespmem:$0x9400] =	vst v63  }
0x79: {  	_ =	swait.ge [sflag:s17], $0x1000  }
0x7a: {  	[sflag:s17] =	ssyncset.done $0x0  }
0x7b: {  	[sflag:s17] =	ssyncadd.s32 $0xFFFFF000  }
0x7c: {  	_ =	swait.ge [sflag:s17], $0x1000  }
0x7d: {  	[sflag:s17] =	ssyncset.done $0x0  }
0x7e: {  	[sflag:s17] =	ssyncadd.s32 $0xFFFFF000  }
0x7f: {  	_ =	swait.ge [sflag:s17], $0x1000  }
0x80: {  	[sflag:s17] =	ssyncset.done $0x0  }
0x81: {  	[sflag:s17] =	ssyncadd.s32 $0xFFFFF000  }
0x82: {  	_ =	swait.ge [sflag:s17], $0x1000  }
0x83: {  	[sflag:s17] =	ssyncset.done $0x0  }
0x84: {  	[sflag:s17] =	ssyncadd.s32 $0xFFFFF000  }
0x85: {  	_ =	swait.ge [sflag:s17], $0x1000  }
0x86: {  	[sflag:s17] =	ssyncset.done $0x0  }
0x87: {  	[sflag:s17] =	ssyncadd.s32 $0xFFFFF000  }
0x88: {  	_ =	swait.ge [sflag:s17], $0x1000  }
0x89: {  	[sflag:s17] =	ssyncset.done $0x0  }
0x8a: {  	[sflag:s17] =	ssyncadd.s32 $0xFFFFF000  }
0x8b: {  	_ =	swait.ge [sflag:s17], $0x1000  }
0x8c: {  	[sflag:s17] =	ssyncset.done $0x0  }
0x8d: {  	[sflag:s17] =	ssyncadd.s32 $0xFFFFF000  }
0x8e: {  	s19 =	sadd.s32 $0x1, s19;
	_ =	swait.ge [sflag:s17], $0x1000  }
0x8f: {  	p0 =	sne.s32 s19, s5;
	[sflag:s17] =	ssyncset.done $0x0  }
.Ltmp1:
0x90: {  	[sflag:s17] =	ssyncadd.s32 $0xFFFFF000;
	(pc) =	sbr.rel @p0 .LBB2_1-.Ltmp1, $4  }
0x91: {  	[hbm4b:s20+s18] =	stream.strided.scatter [tilespmem:s9], [sflag:$0x2], $0x8000, s8, s18, $0x38;
	[tilespmem:$0x9400] =	vst v63  }
0x92: {  	_ =	swait.ge [sflag:s7], $0x8000  }
0x93: {  	[sflag:s7] =	ssyncset.done $0x0  }
0x94: {  	[sflag:s7] =	ssyncadd.s32 $0xFFFF8000  }
0x95: {  	_ =	sfence.sel $0x180000  }
0x96: {  	[bflag:$0x0] =	sbarrier.arrive $0xFFFF  }
0x97: {  	p0 =	sne.s32 s1, $0x0;
	_ =	strace $0x90000053  }
0x98: {  	s0 =	sadd.s32 @!p0 $0x100000, s0;
	[bflag:$0x2] =	sbarrier.arrive $0xFFFF  }
0x99: {  	[sflag:s0] =	ssyncadd.tile.s32 @!p0 $0x1;
	_ =	shalt  }
.Lfunc_end2:
_tile_overlayer_lowered:
.L_overlay_start_2:
0x9a: {  	(tag) =	ssettag $0x2  }
0x9b: {  	s0 =	rddreg [dreg:$0x0];
	s2 =	stileid.u32  }
0x9c: {  	s1 =	rddreg [dreg:$0x1];
	p0 =	sne.s32 s2, $0x0  }
0x9d: {  	s3 =	rddreg [dreg:$0x2];
	[bflag:$0x3] =	sbarrier.arrive $0xFFFF;
	s2 =	simm.s32 @!p0 $0x1C02  }
0x9e: {  	[timem:s3], [sflag:s2] =	dma.local @!p0 [hbm:s0], s1  }
0x9f: {  	s0 =	simm.s32 @!p0 $0x2  }
0xa0: {  	_ =	swait.ge @!p0 [sflag:s0], s1  }
0xa1: {  	s1 =	ssub.s32 @!p0 $0x0, s1;
	[sflag:s0] =	ssyncset.done @!p0 $0x0  }
0xa2: {  	[sflag:s0] =	ssyncadd.s32 @!p0 s1  }
0xa3: {  	[bflag:$0x3] =	sbarrier.arrive $0xFFFF  }
0xa4: {  	_ =	shalt  }

// kernel: kernel.31.cloned.1.call-start
scs
__scs_entry_jumppad:
0x0: {  	(pc) =	sbr.rel $0x88, $3  }
0x1: {  	(tag) =	ssettag $0x0;
	lr =	simm.s32 $0x1  }
0x2: {  	[smem:$0x3F89] =	sst lr;
	_ =	strace $0xD0000000  }
0x3: {  	_ = 	snop  }
0x4: {  	_ = 	snop  }
0x5: {  	_ = 	snop  }
0x6: {  	_ = 	snop  }
0x7: {  	_ = 	snop  }
__scs_overlays_trampoline_lowered:
0x8: {  	[smem:$0x3F98] =	sst s0  }
0x9: {  	[smem:$0x3F99] =	sst s1  }
0xa: {  	[smem:$0x3F9A] =	sst s2  }
0xb: {  	[smem:$0x3F9B] =	sst s3  }
0xc: {  	[smem:$0x3F9C] =	sst s4  }
0xd: {  	[smem:$0x3F9D] =	sst s5  }
0xe: {  	[smem:$0x3F9E] =	sst s6  }
0xf: {  	[smem:$0x3F9F] =	sst s7  }
0x10: {  	[smem:$0x3FA0] =	sst s8  }
0x11: {  	[smem:$0x3FA1] =	sst s9;
	s0 =	simm.s32 @!p0 $0x0  }
0x12: {  	s1 =	sld [smem:$0x3F87];
	s0 =	simm.s32 @p0 $0x1  }
0x13: {  	[smem:$0x3FA2] =	sst s0;
	s0 =	simm.s32 @!p1 $0x0  }
0x14: {  	s2 =	sld [smem:$0x3F86];
	s0 =	simm.s32 @p1 $0x1  }
0x15: {  	[smem:$0x3FA3] =	sst s0;
	s0 =	simm.s32 @!p2 $0x0  }
0x16: {  	s3 =	sld [smem:$0x3FDB];
	s0 =	simm.s32 @p2 $0x1  }
0x17: {  	s4 =	simm.s32 $0x1BF5;
	[smem:$0x3FA5] =	sst s0  }
0x18: {  	s0 =	sld [smem:$0x3F88];
	_ =	swait.ge [sflag:s4], $0x0  }
0x19: {  	s7 =	sld [smem:$0x3F89]  }
0x1a: {  	s8 =	sadd.s32 $0xFFFFE003, lr  }
0x1b: {  	s9 =	sadd.s32 $0xFFFFFEF7, lr;
	s5 =	simm.s32 $0xFFFFFFFF;
	p2 =	slt.u32 s8, $0xFFFFF086  }
0x1c: {  	p1 =	slt.u32 s9, $0xF7A;
	s5 =	simm.s32 @!p2 $0x0  }
0x1d: {  	s5 =	simm.s32 @p1 $0x1;
	p0 =	seq.s32 s7, s2  }
0x1e: {  	s7 =	smul.u32 @!p0 $0xF7A, s2;
	p2 =	seq.s32 @!p0 s5, $0x0  }
0x1f: {  	s9 =	smul.u32 $0xF7A, s1;
	s8 =	simm.s32 @!p0 $0x1BF5;
	p2 =	por !p2, p0  }
0x20: {  	[sflag:s8] =	ssyncset.s32 @!p0 $0xFFFFF086;
	s6 =	sadd.s32 @!p0 s3, s7;
	s7 =	simm.s32 @!p0 $0x108  }
0x21: {  	s3 =	sadd.s32 s3, s9;
	s6 =	sadd.s32 @!p0 $0x88, s6;
	s7 =	simm.s32 @p2 $0x1082  }
0x22: {  	[simem:s7], [sflag:s8] =	dma.local @!p0 [hbm:s6], $0xF7A  }
0x23: {  	s9 =	sor.u32 $0xD0000000, s2;
	s6 =	simm.s32 $0x108;
	_ =	swait.ge @!p0 [sflag:s8], $0x0  }
0x24: {  	s3 =	sadd.s32 $0x88, s3;
	s6 =	simm.s32 @!p1 $0x1082;
	[sflag:s4] =	ssyncset.s32 $0xFFFFF086  }
0x25: {  	[simem:s6], [sflag:s4] =	dma.local [hbm:s3], $0xF7A  }
0x26: {  	[smem:$0x3F89] =	sst s1;
	(tag) =	ssettag s2;
	_ =	strace s9  }
0x27: {  	s1 =	sld [smem:$0x3F99]  }
0x28: {  	s2 =	sld [smem:$0x3F9A]  }
0x29: {  	s4 =	sld [smem:$0x3F9C]  }
0x2a: {  	p0 =	seq.s32 s5, $0x0;
	s5 =	sld [smem:$0x3F9D]  }
0x2b: {  	s6 =	sld [smem:$0x3F9E]  }
0x2c: {  	s7 =	sld [smem:$0x3F9F]  }
0x2d: {  	s3 =	simm.s32 $0x108;
	s8 =	sld [smem:$0x3FA0]  }
0x2e: {  	s3 =	simm.s32 @!p0 $0x1082;
	s9 =	sld [smem:$0x3FA1]  }
0x2f: {  	lr =	sadd.s32 s0, s3;
	s0 =	sld [smem:$0x3F98]  }
0x30: {  	s3 =	sld [smem:$0x3F9B]  }
0x31: {  	[smem:$0x3FA4] =	sst s10  }
0x32: {  	s10 =	sld [smem:$0x3FA2];
	_ =	sdelay $0x3  }
0x33: {  	p0 =	seq.s32 s10, $0x1;
	s10 =	sld [smem:$0x3FA4];
	_ =	sdelay $0x3  }
0x34: {  	[smem:$0x3FA4] =	sst s10  }
0x35: {  	s10 =	sld [smem:$0x3FA3];
	_ =	sdelay $0x3  }
0x36: {  	p1 =	seq.s32 s10, $0x1;
	s10 =	sld [smem:$0x3FA4];
	_ =	sdelay $0x3  }
0x37: {  	[smem:$0x3FA4] =	sst s10  }
0x38: {  	s10 =	sld [smem:$0x3FA5]  }
0x39: {  	_ = 	snop;
	(pc) =	sbr.ind lr, $3  }
0x3a: {  	_ = 	snop  }
0x3b: {  	_ = 	snop  }
0x3c: {  	p2 =	seq.s32 s10, $0x1;
	s10 =	sld [smem:$0x3FA4]  }
0x3d: {  	_ =	shalt  }
0x3e: {  	_ =	shalt  }
0x3f: {  	_ =	shalt  }
0x40: {  	_ =	shalt  }
0x41: {  	_ =	shalt  }
0x42: {  	_ =	shalt  }
0x43: {  	_ =	shalt  }
0x44: {  	_ =	shalt  }
0x45: {  	_ =	shalt  }
0x46: {  	_ =	shalt  }
0x47: {  	_ =	shalt  }
0x48: {  	_ =	shalt  }
0x49: {  	_ =	shalt  }
0x4a: {  	_ =	shalt  }
0x4b: {  	_ =	shalt  }
0x4c: {  	_ =	shalt  }
0x4d: {  	_ =	shalt  }
0x4e: {  	_ =	shalt  }
0x4f: {  	_ =	shalt  }
0x50: {  	_ =	shalt  }
0x51: {  	_ =	shalt  }
0x52: {  	_ =	shalt  }
0x53: {  	_ =	shalt  }
0x54: {  	_ =	shalt  }
0x55: {  	_ =	shalt  }
0x56: {  	_ =	shalt  }
0x57: {  	_ =	shalt  }
0x58: {  	_ =	shalt  }
0x59: {  	_ =	shalt  }
0x5a: {  	_ =	shalt  }
0x5b: {  	_ =	shalt  }
0x5c: {  	_ =	shalt  }
0x5d: {  	_ =	shalt  }
0x5e: {  	_ =	shalt  }
0x5f: {  	_ =	shalt  }
0x60: {  	_ =	shalt  }
0x61: {  	_ =	shalt  }
0x62: {  	_ =	shalt  }
0x63: {  	_ =	shalt  }
0x64: {  	_ =	shalt  }
0x65: {  	_ =	shalt  }
0x66: {  	_ =	shalt  }
0x67: {  	_ =	shalt  }
0x68: {  	_ =	shalt  }
0x69: {  	_ =	shalt  }
0x6a: {  	_ =	shalt  }
0x6b: {  	_ =	shalt  }
0x6c: {  	_ =	shalt  }
0x6d: {  	_ =	shalt  }
0x6e: {  	_ =	shalt  }
0x6f: {  	_ =	shalt  }
0x70: {  	_ =	shalt  }
0x71: {  	_ =	shalt  }
0x72: {  	_ =	shalt  }
0x73: {  	_ =	shalt  }
0x74: {  	_ =	shalt  }
0x75: {  	_ =	shalt  }
0x76: {  	_ =	shalt  }
0x77: {  	_ =	shalt  }
0x78: {  	_ =	shalt  }
0x79: {  	_ =	shalt  }
0x7a: {  	_ =	shalt  }
0x7b: {  	_ =	shalt  }
0x7c: {  	_ =	shalt  }
0x7d: {  	_ =	shalt  }
0x7e: {  	_ =	shalt  }
0x7f: {  	_ =	shalt  }
0x80: {  	_ =	shalt  }
0x81: {  	_ =	shalt  }
0x82: {  	_ =	shalt  }
0x83: {  	_ =	shalt  }
0x84: {  	_ =	shalt  }
0x85: {  	_ =	shalt  }
0x86: {  	_ =	shalt  }
0x87: {  	_ =	shalt  }
.Lfunc_end0:
.L_simem_size_0:
called_computation.5_lowered:
.L_overlay_start_0:
0x88: {  	s2 =	sld [smem:$0x3FD9]  }
0x89: {  	s3 =	sld [smem:$0x3FFE];
	_ =	sdelay $0x1  }
0x8a: {  	s1 =	srdreg.scid  }
0x8b: {  	s0 =	sand.u32 $0x1, s1  }
0x8c: {  	s16 =	sshll.u32 s0, $0xA;
	s2 =	sadd.s32 s3, s2  }
0x8d: {  	s2 =	sadd.s32 s2, s16  }
0x8e: {  	[smem:$0x3FB0] =	sst s2  }
0x8f: {  	_ = 	snop  }
0x90: {  	(tm) =	ssettm $0x1  }
0x91: {  	s17 =	sld [smem:$0x3FFB];
	_ =	sdelay $0x3  }
0x92: {  	_ =	strace s17  }
0x93: {  	s2 =	sld [smem:$0x3FFC];
	_ =	sdelay $0x3  }
0x94: {  	_ =	strace s2  }
0x95: {  	s2 =	sld [smem:$0x3FFD];
	_ =	sdelay $0x3  }
0x96: {  	_ =	strace s2  }
0x97: {  	_ =	strace $0x8FFFFFFF  }
0x98: {  	s18 =	sld [smem:$0x3FDB];
	_ =	sdelay $0x1  }
0x99: {  	s19 =	simm.s32 $_scs_section_size  }
0x9a: {  	s4 =	simm.s32 $_size__tile_overlayer_lowered;
	s5 =	simm.s32 $_tile_overlayer_lowered  }
0x9b: {  	s22 =	simm.s32 $0x1BFF;
	s21 =	sshll.u32 s5, $0x1;
	s2 =	sadd.s32 s19, s18  }
0x9c: {  	s6 =	simm.s32 $0x0;
	s20 =	sshll.u32 s4, $0x1;
	s4 =	sadd.s32 s21, s2  }
0x9d: {  	[timem:s6], [sflag:s22] =	dma.local [hbm:s4], s20  }
0x9e: {  	_ =	swait.ge [sflag:s22], s20  }
0x9f: {  	s3 =	ssub.s32 $0x0, s20;
	[sflag:s22] =	ssyncset.done $0x0  }
0xa0: {  	[sflag:s22] =	ssyncadd.s32 s3;
	_ =	sdelay $0x1  }
0xa1: {  	s23 =	simm.s32 $0x1B8B  }
0xa2: {  	_ =	swait.ge [sflag:s23], $0x1  }
0xa3: {  	[sflag:s23] =	ssyncset.done $0x0  }
0xa4: {  	s25 =	simm.s32 $0x1B8E;
	s24 =	sld [smem:$0x3FFE];
	[sflag:s23] =	ssyncadd.s32 $0xFFFFFFFF  }
0xa5: {  	s26 =	simm.s32 $execute0_lowered;
	[smem:$0x3FD2] =	sst s25  }
0xa6: {  	s4 =	sshll.u32 s26, $0x1;
	_ =	strace $0x80000055;
	[dreg:$0x1] =	wrdreg $0xFFFFFFFF  }
0xa7: {  	s28 =	simm.s32 $_size_execute0_lowered;
	s2 =	sadd.s32 s2, s4;
	[dreg:$0x0] =	wrdreg $0x0  }
0xa8: {  	s4 =	sshll.u32 s28, $0x1;
	[dreg:$0x2] =	wrdreg s2  }
0xa9: {  	[dreg:$0x3] =	wrdreg s4  }
0xaa: {  	[dreg:$0x4] =	wrdreg $0xC0  }
0xab: {  	_ =	task [dreg:s6], $0x5FFFF  }
0xac: {  	[dreg:$0x1] =	wrdreg $0xFFFFFFFF  }
0xad: {  	[dreg:$0x0] =	wrdreg $0x60  }
0xae: {  	[dreg:$0x2] =	wrdreg s24  }
0xaf: {  	[dreg:$0x3] =	wrdreg $0x114000  }
0xb0: {  	[dreg:$0x4] =	wrdreg $0x9  }
0xb1: {  	_ =	task.clear_ibuf [dreg:s6], $0x5FFFF;
	_ =	strace $0x90000055  }
0xb2: {  	s29 =	simm.s32 $0x9;
	_ =	strace $0x80000057  }
0xb3: {  	_ =	swait.ge [sflag:s29], $0x1  }
0xb4: {  	[sflag:s29] =	ssyncadd.s32 $0xFFFFFFFF  }
0xb5: {  	_ =	strace $0x90000057  }
0xb6: {  	_ =	sfence  }
0xb7: {  	s30 =	sld [smem:$0x0];
	_ =	sdelay $0x2  }
0xb8: {  	s31 =	sshll.u32 s1, $0xD;
	s1 =	sshrl.u32 s1, $0x2  }
0xb9: {  	s3 =	sand.u32 $0x4000, s31;
	s1 =	sadd.s32 s1, s30  }
0xba: {  	s0 =	sor.u32 s3, s0;
	s1 =	sshll.u32 s1, $0x11  }
0xbb: {  	s0 =	sor.u32 s1, s0  }
0xbc: {  	s0 =	sadd.s32 $0x8F2B, s0  }
0xbd: {  	[sflag:s0] =	ssyncadd.remote.s32 $0x1  }
0xbe: {  	_ =	sfence.sel $0xFFFF  }
0xbf: {  	[dreg:$0x0] =	wrdreg $0xFFFFFFFF;
	(pc) =	sbr.abs _section_cstart, $3  }
0xc0: {  	[dreg:$0x1] =	wrdreg $0xFFFFFFFF  }
0xc1: {  	_ =	task.clear_ibuf [dreg:s6], $0x2FFFF;
	_ =	strace $0x9FFFFFFF  }
0xc2: {  	(tm) =	ssettm $0x7FFFFFFF  }
0xc3: {  	_ =	shalt  }
tec
execute0_lowered:
.L_overlay_start_1:
0x0: {  	(tag) =	ssettag $0x1  }
0x1: {  	s1 =	srdreg.scid;
	s0 =	stileid.u32  }
0x2: {  	s4 =	rddreg [dreg:$0x0];
	s17 =	simm.s32 $0x0;
	s6 =	smul.u32 $0x2720, s0  }
0x3: {  	s28 =	simm.s32 $0x0;
	s1 =	sand.u32 $0x1, s1;
	s7 =	smul.u32 $0x27200, s0  }
0x4: {  	s2 =	sshll.u32 s0, $0x1;
	[smem:$0x7FF] =	sst s17;
	s8 =	smul.u32 $0x140000, s0  }
0x5: {  	s9 =	sadd.s32 $0x7AEE00, s4;
	s12 =	smul.u32 $0x2800, s0;
	s22 =	sshll.u32 s0, $0x6  }
0x6: {  	s17 =	simm.s32 $0x80;
	s3 =	sor.u32 s1, s2;
	s10 =	smul.u32 $0xA0000, s1  }
0x7: {  	s2 =	rddreg [dreg:$0x1];
	_ =	strace $0x80000056;
	s14 =	smul.u32 $0x1400, s1  }
0x8: {  	s18 =	ssub.s32 $0x2, s1;
	p0 =	seq.s32 s1, $0x1;
	s5 =	smul.u32 $0x280, s3  }
0x9: {  	s13 =	sshrl.u32 s18, $0x1;
	s7 =	sshrl.u32 s7, $0x2;
	s15 =	sadd.s32 s6, s4  }
0xa: {  	s13 =	ssub.s32 s18, s13;
	s16 =	sadd.s32 s7, s2;
	s19 =	sadd.s32 $0x35C00, s15  }
0xb: {  	s20 =	sadd.s32 s10, s8;
	s21 =	sadd.s32 s14, s12;
	s12 =	simm.s32 $0x1  }
0xc: {  	s14 =	simm.s32 $0x10;
	s18 =	simm.s32 $0x1400;
	s11 =	sadd.s32 s5, s4  }
0xd: {  	[dreg:$0x9] =	wrdreg s19;
	s8 =	sshrl.u32 s20, $0x3;
	s6 =	sshll.u32 s21, $0x4  }
0xe: {  	s5 =	sor.u32 $0x1C03, s22;
	s7 =	smax.u32 s13, $0x1;
	s13 =	simm.s32 $0x8  }
0xf: {  	s19 =	simm.s32 $0x3400;
	s20 =	simm.s32 $0x5400;
	s21 =	simm.s32 $0x7400  }
0x10: {  	s22 =	simm.s32 $0x9400;
	s23 =	sadd.s32 s8, s9;
	s24 =	sadd.s32 s6, s9  }
0x11: {  	s6 =	sadd.s32 $0x529E00, s11;
	s8 =	simm.s32 $0x556000;
	s11 =	sshrl.u32 s16, $0x3  }
0x12: {  	s16 =	simm.s32 $0x40;
	[dreg:$0x3] =	wrdreg s23;
	s25 =	sadd.s32 $0x3800, s24  }
0x13: {  	s26 =	sadd.s32 $0x3000, s24;
	s29 =	sadd.s32 $0x2800, s24;
	[dreg:$0x4] =	wrdreg s25  }
0x14: {  	s30 =	sadd.s32 $0x2000, s24;
	s8 =	simm.s32 @!p0 $0x52EE00;
	[dreg:$0x5] =	wrdreg s26  }
0x15: {  	s31 =	sadd.s32 $0x1800, s24;
	s9 =	sadd.s32 $0x1000, s24;
	[dreg:$0x6] =	wrdreg s29  }
0x16: {  	s10 =	sadd.s32 $0x800, s24;
	s23 =	simm.s32 $0xB400;
	[dreg:$0x7] =	wrdreg s30  }
0x17: {  	s24 =	simm.s32 $0xD400;
	s8 =	sadd.s32 s8, s15;
	[dreg:$0x8] =	wrdreg s31  }
0x18: {  	s15 =	simm.s32 $0x3;
	s25 =	simm.s32 $0xF400;
	s26 =	simm.s32 $0x2  }
.LBB2_1:
0x19: {  	s0 =	rddreg [dreg:$0x9]  }
0x1a: {  	[spmem:s11@s13], [sflag:s5] =	dma.strided [hbm:s0@s14], $0x1390, s12, $0x8   }
0x1b: {  	_ =	swait.ge [sflag:s15], $0x1390  }
0x1c: {  	[sflag:s15] =	ssyncset.done $0x0  }
0x1d: {  	s0 =	simm.s32 $0x0;
	[sflag:s15] =	ssyncadd.s32 $0xFFFFEC70  }
0x1e: {  	[tilespmem:s0], [sflag:$0x3] =	stream.linear.gather [hbm4b:s6+s0], $0x1400, $0x38;
	[tilespmem:$0x1B080] =	vst v63  }
0x1f: {  	_ =	swait.ge [sflag:s15], $0x1400  }
0x20: {  	[sflag:s15] =	ssyncset.done $0x0  }
0x21: {  	[sflag:s15] =	ssyncadd.s32 $0xFFFFEC00  }
0x22: {  	[bflag:$0x0] =	sbarrier.arrive $0xFFFF  }
0x23: {  	s1 =	rddreg [dreg:$0x3]  }
0x24: {  	s1 =	sadd.s32 $0x0, s1  }
0x25: {  	[tilespmem:s18], [sflag:$0x1] =	stream.strided.gather [hbm4b:s1+s16], $0x2000, s17, s16, $0x38;
	[tilespmem:$0x1B080] =	vst v63  }
0x26: {  	s3 =	sadd.s32 $0x0, s10  }
0x27: {  	[tilespmem:s19], [sflag:$0x1] =	stream.strided.gather [hbm4b:s3+s16], $0x2000, s17, s16, $0x38;
	[tilespmem:$0x1B080] =	vst v63  }
0x28: {  	s4 =	sadd.s32 $0x0, s9;
	s29 =	rddreg [dreg:$0x8]  }
0x29: {  	[tilespmem:s20], [sflag:$0x1] =	stream.strided.gather [hbm4b:s4+s16], $0x2000, s17, s16, $0x38;
	[tilespmem:$0x1B080] =	vst v63  }
0x2a: {  	s30 =	rddreg [dreg:$0x7];
	s3 =	sadd.s32 $0x0, s29  }
0x2b: {  	[tilespmem:s21], [sflag:$0x1] =	stream.strided.gather [hbm4b:s3+s16], $0x2000, s17, s16, $0x38;
	[tilespmem:$0x1B080] =	vst v63  }
0x2c: {  	s29 =	rddreg [dreg:$0x6];
	s4 =	sadd.s32 $0x0, s30  }
0x2d: {  	[tilespmem:s22], [sflag:$0x1] =	stream.strided.gather [hbm4b:s4+s16], $0x2000, s17, s16, $0x38;
	[tilespmem:$0x1B080] =	vst v63  }
0x2e: {  	s30 =	rddreg [dreg:$0x5];
	s3 =	sadd.s32 $0x0, s29  }
0x2f: {  	[tilespmem:s23], [sflag:$0x1] =	stream.strided.gather [hbm4b:s3+s16], $0x2000, s17, s16, $0x38;
	[tilespmem:$0x1B080] =	vst v63  }
0x30: {  	s29 =	rddreg [dreg:$0x4];
	s4 =	sadd.s32 $0x0, s30  }
0x31: {  	[tilespmem:s24], [sflag:$0x1] =	stream.strided.gather [hbm4b:s4+s16], $0x2000, s17, s16, $0x38;
	[tilespmem:$0x1B080] =	vst v63  }
0x32: {  	s3 =	sadd.s32 $0x0, s29  }
0x33: {  	[tilespmem:s25], [sflag:$0x1] =	stream.strided.gather [hbm4b:s3+s16], $0x2000, s17, s16, $0x38;
	[tilespmem:$0x1B080] =	vst v63  }
0x34: {  	_ =	swait.ge [sflag:s12], $0x2000  }
0x35: {  	[sflag:s12] =	ssyncset.done $0x0  }
0x36: {  	[sflag:s12] =	ssyncadd.s32 $0xFFFFE000  }
0x37: {  	_ =	swait.ge [sflag:s12], $0x2000  }
0x38: {  	[sflag:s12] =	ssyncset.done $0x0  }
0x39: {  	[sflag:s12] =	ssyncadd.s32 $0xFFFFE000  }
0x3a: {  	_ =	swait.ge [sflag:s12], $0x2000  }
0x3b: {  	[sflag:s12] =	ssyncset.done $0x0  }
0x3c: {  	[sflag:s12] =	ssyncadd.s32 $0xFFFFE000  }
0x3d: {  	_ =	swait.ge [sflag:s12], $0x2000  }
0x3e: {  	[sflag:s12] =	ssyncset.done $0x0  }
0x3f: {  	[sflag:s12] =	ssyncadd.s32 $0xFFFFE000  }
0x40: {  	_ =	swait.ge [sflag:s12], $0x2000  }
0x41: {  	[sflag:s12] =	ssyncset.done $0x0  }
0x42: {  	[sflag:s12] =	ssyncadd.s32 $0xFFFFE000  }
0x43: {  	_ =	swait.ge [sflag:s12], $0x2000  }
0x44: {  	[sflag:s12] =	ssyncset.done $0x0  }
0x45: {  	[sflag:s12] =	ssyncadd.s32 $0xFFFFE000  }
0x46: {  	_ =	swait.ge [sflag:s12], $0x2000  }
0x47: {  	[sflag:s12] =	ssyncset.done $0x0  }
0x48: {  	[sflag:s12] =	ssyncadd.s32 $0xFFFFE000  }
0x49: {  	_ =	swait.ge [sflag:s12], $0x2000  }
0x4a: {  	[sflag:s12] =	ssyncset.done $0x0  }
0x4b: {  	[sflag:s12] =	ssyncadd.s32 $0xFFFFE000  }
0x4c: {  	[spmem:s2] =	stream.indirect.scatter.add.f32 [tilespmem:s18], [sflag:$0x2], $0x40, s0, s17, $0xb8;
	[tilespmem:$0x1B080] =	vst v63  }
0x4d: {  	s4 =	simm.s32 $0x80  }
0x4e: {  	[spmem:s2] =	stream.indirect.scatter.add.f32 [tilespmem:s19], [sflag:$0x2], $0x40, s4, s17, $0xb8;
	[tilespmem:$0x1B080] =	vst v63  }
0x4f: {  	s0 =	simm.s32 $0x100  }
0x50: {  	[spmem:s2] =	stream.indirect.scatter.add.f32 [tilespmem:s20], [sflag:$0x2], $0x40, s0, s17, $0xb8;
	[tilespmem:$0x1B080] =	vst v63  }
0x51: {  	s3 =	simm.s32 $0x180  }
0x52: {  	[spmem:s2] =	stream.indirect.scatter.add.f32 [tilespmem:s21], [sflag:$0x2], $0x40, s3, s17, $0xb8;
	[tilespmem:$0x1B080] =	vst v63  }
0x53: {  	s4 =	simm.s32 $0x200  }
0x54: {  	[spmem:s2] =	stream.indirect.scatter.add.f32 [tilespmem:s22], [sflag:$0x2], $0x40, s4, s17, $0xb8;
	[tilespmem:$0x1B080] =	vst v63  }
0x55: {  	s0 =	simm.s32 $0x280  }
0x56: {  	[spmem:s2] =	stream.indirect.scatter.add.f32 [tilespmem:s23], [sflag:$0x2], $0x40, s0, s17, $0xb8;
	[tilespmem:$0x1B080] =	vst v63  }
0x57: {  	s3 =	simm.s32 $0x300  }
0x58: {  	[spmem:s2] =	stream.indirect.scatter.add.f32 [tilespmem:s24], [sflag:$0x2], $0x40, s3, s17, $0xb8;
	[tilespmem:$0x1B080] =	vst v63  }
0x59: {  	s4 =	simm.s32 $0x380  }
0x5a: {  	[spmem:s2] =	stream.indirect.scatter.add.f32 [tilespmem:s25], [sflag:$0x2], $0x40, s4, s17, $0xb8;
	[tilespmem:$0x1B080] =	vst v63  }
0x5b: {  	_ =	swait.ge [sflag:s26], $0x2000  }
0x5c: {  	[sflag:s26] =	ssyncset.done $0x0  }
0x5d: {  	[sflag:s26] =	ssyncadd.s32 $0xFFFFE000  }
0x5e: {  	_ =	swait.ge [sflag:s26], $0x2000  }
0x5f: {  	[sflag:s26] =	ssyncset.done $0x0  }
0x60: {  	[sflag:s26] =	ssyncadd.s32 $0xFFFFE000  }
0x61: {  	_ =	swait.ge [sflag:s26], $0x2000  }
0x62: {  	[sflag:s26] =	ssyncset.done $0x0  }
0x63: {  	[sflag:s26] =	ssyncadd.s32 $0xFFFFE000  }
0x64: {  	_ =	swait.ge [sflag:s26], $0x2000  }
0x65: {  	[sflag:s26] =	ssyncset.done $0x0  }
0x66: {  	[sflag:s26] =	ssyncadd.s32 $0xFFFFE000  }
0x67: {  	_ =	swait.ge [sflag:s26], $0x2000  }
0x68: {  	[sflag:s26] =	ssyncset.done $0x0  }
0x69: {  	[sflag:s26] =	ssyncadd.s32 $0xFFFFE000  }
0x6a: {  	_ =	swait.ge [sflag:s26], $0x2000  }
0x6b: {  	[sflag:s26] =	ssyncset.done $0x0  }
0x6c: {  	[sflag:s26] =	ssyncadd.s32 $0xFFFFE000  }
0x6d: {  	_ =	swait.ge [sflag:s26], $0x2000  }
0x6e: {  	[sflag:s26] =	ssyncset.done $0x0  }
0x6f: {  	[sflag:s26] =	ssyncadd.s32 $0xFFFFE000  }
0x70: {  	s31 =	simm.s32 $0x8000;
	s30 =	simm.s32 $0x4000;
	_ =	swait.ge [sflag:s26], $0x2000  }
0x71: {  	s29 =	simm.s32 $0x0;
	s1 =	rddreg [dreg:$0x3];
	[sflag:s26] =	ssyncset.done $0x0  }
.LBB2_2:
0x72: {  	[sflag:s26] =	ssyncadd.s32 $0xFFFFE000;
	s1 =	sadd.s32 s30, s1  }
0x73: {  	[tilespmem:s18], [sflag:$0x1] =	stream.strided.gather [hbm4b:s1+s16], $0x2000, s17, s16, $0x38;
	[tilespmem:$0x1B080] =	vst v63  }
0x74: {  	s4 =	sadd.s32 s30, s10  }
0x75: {  	[tilespmem:s19], [sflag:$0x1] =	stream.strided.gather [hbm4b:s4+s16], $0x2000, s17, s16, $0x38;
	[tilespmem:$0x1B080] =	vst v63  }
0x76: {  	s3 =	rddreg [dreg:$0x8];
	s1 =	sadd.s32 s30, s9  }
0x77: {  	[tilespmem:s20], [sflag:$0x1] =	stream.strided.gather [hbm4b:s1+s16], $0x2000, s17, s16, $0x38;
	[tilespmem:$0x1B080] =	vst v63  }
0x78: {  	s4 =	rddreg [dreg:$0x7];
	s1 =	sadd.s32 s30, s3  }
0x79: {  	[tilespmem:s21], [sflag:$0x1] =	stream.strided.gather [hbm4b:s1+s16], $0x2000, s17, s16, $0x38;
	[tilespmem:$0x1B080] =	vst v63  }
0x7a: {  	s3 =	rddreg [dreg:$0x6];
	s1 =	sadd.s32 s30, s4  }
0x7b: {  	[tilespmem:s22], [sflag:$0x1] =	stream.strided.gather [hbm4b:s1+s16], $0x2000, s17, s16, $0x38;
	[tilespmem:$0x1B080] =	vst v63  }
0x7c: {  	s4 =	rddreg [dreg:$0x5];
	s1 =	sadd.s32 s30, s3  }
0x7d: {  	[tilespmem:s23], [sflag:$0x1] =	stream.strided.gather [hbm4b:s1+s16], $0x2000, s17, s16, $0x38;
	[tilespmem:$0x1B080] =	vst v63  }
0x7e: {  	s4 =	sadd.s32 s30, s4;
	s3 =	rddreg [dreg:$0x4]  }
0x7f: {  	[tilespmem:s24], [sflag:$0x1] =	stream.strided.gather [hbm4b:s4+s16], $0x2000, s17, s16, $0x38;
	[tilespmem:$0x1B080] =	vst v63  }
0x80: {  	s3 =	sadd.s32 s30, s3  }
0x81: {  	[tilespmem:s25], [sflag:$0x1] =	stream.strided.gather [hbm4b:s3+s16], $0x2000, s17, s16, $0x38;
	[tilespmem:$0x1B080] =	vst v63  }
0x82: {  	_ =	swait.ge [sflag:s12], $0x2000  }
0x83: {  	[sflag:s12] =	ssyncset.done $0x0  }
0x84: {  	[sflag:s12] =	ssyncadd.s32 $0xFFFFE000  }
0x85: {  	_ =	swait.ge [sflag:s12], $0x2000  }
0x86: {  	[sflag:s12] =	ssyncset.done $0x0  }
0x87: {  	[sflag:s12] =	ssyncadd.s32 $0xFFFFE000  }
0x88: {  	_ =	swait.ge [sflag:s12], $0x2000  }
0x89: {  	[sflag:s12] =	ssyncset.done $0x0  }
0x8a: {  	[sflag:s12] =	ssyncadd.s32 $0xFFFFE000  }
0x8b: {  	_ =	swait.ge [sflag:s12], $0x2000  }
0x8c: {  	[sflag:s12] =	ssyncset.done $0x0  }
0x8d: {  	[sflag:s12] =	ssyncadd.s32 $0xFFFFE000  }
0x8e: {  	_ =	swait.ge [sflag:s12], $0x2000  }
0x8f: {  	[sflag:s12] =	ssyncset.done $0x0  }
0x90: {  	[sflag:s12] =	ssyncadd.s32 $0xFFFFE000  }
0x91: {  	_ =	swait.ge [sflag:s12], $0x2000  }
0x92: {  	[sflag:s12] =	ssyncset.done $0x0  }
0x93: {  	[sflag:s12] =	ssyncadd.s32 $0xFFFFE000  }
0x94: {  	_ =	swait.ge [sflag:s12], $0x2000  }
0x95: {  	[sflag:s12] =	ssyncset.done $0x0  }
0x96: {  	[sflag:s12] =	ssyncadd.s32 $0xFFFFE000  }
0x97: {  	_ =	swait.ge [sflag:s12], $0x2000  }
0x98: {  	[sflag:s12] =	ssyncset.done $0x0  }
0x99: {  	s29 =	sadd.s32 $0x400, s29;
	[sflag:s12] =	ssyncadd.s32 $0xFFFFE000  }
0x9a: {  	[spmem:s2] =	stream.indirect.scatter.add.f32 [tilespmem:s18], [sflag:$0x2], $0x40, s29, s17, $0xb8;
	[tilespmem:$0x1B080] =	vst v63  }
0x9b: {  	s4 =	sadd.s32 $0x80, s29  }
0x9c: {  	[spmem:s2] =	stream.indirect.scatter.add.f32 [tilespmem:s19], [sflag:$0x2], $0x40, s4, s17, $0xb8;
	[tilespmem:$0x1B080] =	vst v63  }
0x9d: {  	s1 =	sadd.s32 $0x100, s29  }
0x9e: {  	[spmem:s2] =	stream.indirect.scatter.add.f32 [tilespmem:s20], [sflag:$0x2], $0x40, s1, s17, $0xb8;
	[tilespmem:$0x1B080] =	vst v63  }
0x9f: {  	s3 =	sadd.s32 $0x180, s29  }
0xa0: {  	[spmem:s2] =	stream.indirect.scatter.add.f32 [tilespmem:s21], [sflag:$0x2], $0x40, s3, s17, $0xb8;
	[tilespmem:$0x1B080] =	vst v63  }
0xa1: {  	s4 =	sadd.s32 $0x200, s29  }
0xa2: {  	[spmem:s2] =	stream.indirect.scatter.add.f32 [tilespmem:s22], [sflag:$0x2], $0x40, s4, s17, $0xb8;
	[tilespmem:$0x1B080] =	vst v63  }
0xa3: {  	s1 =	sadd.s32 $0x280, s29  }
0xa4: {  	[spmem:s2] =	stream.indirect.scatter.add.f32 [tilespmem:s23], [sflag:$0x2], $0x40, s1, s17, $0xb8;
	[tilespmem:$0x1B080] =	vst v63  }
0xa5: {  	s3 =	sadd.s32 $0x300, s29  }
0xa6: {  	[spmem:s2] =	stream.indirect.scatter.add.f32 [tilespmem:s24], [sflag:$0x2], $0x40, s3, s17, $0xb8;
	[tilespmem:$0x1B080] =	vst v63  }
0xa7: {  	s4 =	sadd.s32 $0x380, s29  }
0xa8: {  	[spmem:s2] =	stream.indirect.scatter.add.f32 [tilespmem:s25], [sflag:$0x2], $0x40, s4, s17, $0xb8;
	[tilespmem:$0x1B080] =	vst v63  }
0xa9: {  	_ =	swait.ge [sflag:s26], $0x2000  }
0xaa: {  	[sflag:s26] =	ssyncset.done $0x0  }
0xab: {  	[sflag:s26] =	ssyncadd.s32 $0xFFFFE000  }
0xac: {  	_ =	swait.ge [sflag:s26], $0x2000  }
0xad: {  	[sflag:s26] =	ssyncset.done $0x0  }
0xae: {  	[sflag:s26] =	ssyncadd.s32 $0xFFFFE000  }
0xaf: {  	_ =	swait.ge [sflag:s26], $0x2000  }
0xb0: {  	[sflag:s26] =	ssyncset.done $0x0  }
0xb1: {  	[sflag:s26] =	ssyncadd.s32 $0xFFFFE000  }
0xb2: {  	_ =	swait.ge [sflag:s26], $0x2000  }
0xb3: {  	[sflag:s26] =	ssyncset.done $0x0  }
0xb4: {  	[sflag:s26] =	ssyncadd.s32 $0xFFFFE000  }
0xb5: {  	_ =	swait.ge [sflag:s26], $0x2000  }
0xb6: {  	[sflag:s26] =	ssyncset.done $0x0  }
0xb7: {  	[sflag:s26] =	ssyncadd.s32 $0xFFFFE000  }
0xb8: {  	_ =	swait.ge [sflag:s26], $0x2000  }
0xb9: {  	[sflag:s26] =	ssyncset.done $0x0  }
0xba: {  	p0 =	sne.s32 s31, $0x10000;
	[sflag:s26] =	ssyncadd.s32 $0xFFFFE000  }
.Ltmp0:
0xbb: {  	_ =	swait.ge [sflag:s26], $0x2000;
	(pc) =	sbr.rel @p0 .LBB2_2-.Ltmp0, $4  }
0xbc: {  	[sflag:s26] =	ssyncset.done $0x0  }
0xbd: {  	[sflag:s26] =	ssyncadd.s32 $0xFFFFE000  }
0xbe: {  	s0 =	smov.u32 s31;
	s31 =	sadd.s32 $0x4000, s31;
	_ =	swait.ge [sflag:s26], $0x2000  }
0xbf: {  	s30 =	smov.u32 s0;
	s1 =	rddreg [dreg:$0x3];
	[sflag:s26] =	ssyncset.done $0x0  }
0xc0: {  	[sflag:s26] =	ssyncadd.s32 $0xFFFFE000;
	s0 =	sadd.s32 s30, s1  }
0xc1: {  	[tilespmem:s18], [sflag:$0x1] =	stream.strided.gather [hbm4b:s0+s16], $0x2000, s17, s16, $0x38;
	[tilespmem:$0x1B080] =	vst v63  }
0xc2: {  	s4 =	sadd.s32 s30, s10  }
0xc3: {  	[tilespmem:s19], [sflag:$0x1] =	stream.strided.gather [hbm4b:s4+s16], $0x2000, s17, s16, $0x38;
	[tilespmem:$0x1B080] =	vst v63  }
0xc4: {  	s31 =	rddreg [dreg:$0x8];
	s3 =	sadd.s32 s30, s9  }
0xc5: {  	[tilespmem:s20], [sflag:$0x1] =	stream.strided.gather [hbm4b:s3+s16], $0x2000, s17, s16, $0x38;
	[tilespmem:$0x1B080] =	vst v63  }
0xc6: {  	s1 =	sadd.s32 s30, s31;
	s4 =	rddreg [dreg:$0x7]  }
0xc7: {  	[tilespmem:s21], [sflag:$0x1] =	stream.strided.gather [hbm4b:s1+s16], $0x2000, s17, s16, $0x38;
	[tilespmem:$0x1B080] =	vst v63  }
0xc8: {  	s31 =	rddreg [dreg:$0x6];
	s0 =	sadd.s32 s30, s4  }
0xc9: {  	[tilespmem:s22], [sflag:$0x1] =	stream.strided.gather [hbm4b:s0+s16], $0x2000, s17, s16, $0x38;
	[tilespmem:$0x1B080] =	vst v63  }
0xca: {  	s3 =	rddreg [dreg:$0x5];
	s1 =	sadd.s32 s30, s31  }
0xcb: {  	[tilespmem:s23], [sflag:$0x1] =	stream.strided.gather [hbm4b:s1+s16], $0x2000, s17, s16, $0x38;
	[tilespmem:$0x1B080] =	vst v63  }
0xcc: {  	s4 =	rddreg [dreg:$0x4];
	s0 =	sadd.s32 s30, s3  }
0xcd: {  	[tilespmem:s24], [sflag:$0x1] =	stream.strided.gather [hbm4b:s0+s16], $0x2000, s17, s16, $0x38;
	[tilespmem:$0x1B080] =	vst v63  }
0xce: {  	s30 =	sadd.s32 s30, s4  }
0xcf: {  	[tilespmem:s25], [sflag:$0x1] =	stream.strided.gather [hbm4b:s30+s16], $0x2000, s17, s16, $0x38;
	[tilespmem:$0x1B080] =	vst v63  }
0xd0: {  	_ =	swait.ge [sflag:s12], $0x2000  }
0xd1: {  	[sflag:s12] =	ssyncset.done $0x0  }
0xd2: {  	[sflag:s12] =	ssyncadd.s32 $0xFFFFE000  }
0xd3: {  	_ =	swait.ge [sflag:s12], $0x2000  }
0xd4: {  	[sflag:s12] =	ssyncset.done $0x0  }
0xd5: {  	[sflag:s12] =	ssyncadd.s32 $0xFFFFE000  }
0xd6: {  	_ =	swait.ge [sflag:s12], $0x2000  }
0xd7: {  	[sflag:s12] =	ssyncset.done $0x0  }
0xd8: {  	[sflag:s12] =	ssyncadd.s32 $0xFFFFE000  }
0xd9: {  	_ =	swait.ge [sflag:s12], $0x2000  }
0xda: {  	[sflag:s12] =	ssyncset.done $0x0  }
0xdb: {  	[sflag:s12] =	ssyncadd.s32 $0xFFFFE000  }
0xdc: {  	_ =	swait.ge [sflag:s12], $0x2000  }
0xdd: {  	[sflag:s12] =	ssyncset.done $0x0  }
0xde: {  	[sflag:s12] =	ssyncadd.s32 $0xFFFFE000  }
0xdf: {  	_ =	swait.ge [sflag:s12], $0x2000  }
0xe0: {  	[sflag:s12] =	ssyncset.done $0x0  }
0xe1: {  	[sflag:s12] =	ssyncadd.s32 $0xFFFFE000  }
0xe2: {  	_ =	swait.ge [sflag:s12], $0x2000  }
0xe3: {  	[sflag:s12] =	ssyncset.done $0x0  }
0xe4: {  	[sflag:s12] =	ssyncadd.s32 $0xFFFFE000  }
0xe5: {  	_ =	swait.ge [sflag:s12], $0x2000  }
0xe6: {  	[sflag:s12] =	ssyncset.done $0x0  }
0xe7: {  	s0 =	sadd.s32 $0x400, s29;
	[sflag:s12] =	ssyncadd.s32 $0xFFFFE000  }
0xe8: {  	[spmem:s2] =	stream.indirect.scatter.add.f32 [tilespmem:s18], [sflag:$0x2], $0x40, s0, s17, $0xb8;
	[tilespmem:$0x1B080] =	vst v63  }
0xe9: {  	s31 =	sadd.s32 $0x80, s0  }
0xea: {  	[spmem:s2] =	stream.indirect.scatter.add.f32 [tilespmem:s19], [sflag:$0x2], $0x40, s31, s17, $0xb8;
	[tilespmem:$0x1B080] =	vst v63  }
0xeb: {  	s3 =	sadd.s32 $0x100, s0  }
0xec: {  	[spmem:s2] =	stream.indirect.scatter.add.f32 [tilespmem:s20], [sflag:$0x2], $0x40, s3, s17, $0xb8;
	[tilespmem:$0x1B080] =	vst v63  }
0xed: {  	s4 =	sadd.s32 $0x180, s0  }
0xee: {  	[spmem:s2] =	stream.indirect.scatter.add.f32 [tilespmem:s21], [sflag:$0x2], $0x40, s4, s17, $0xb8;
	[tilespmem:$0x1B080] =	vst v63  }
0xef: {  	s29 =	sadd.s32 $0x200, s0  }
0xf0: {  	[spmem:s2] =	stream.indirect.scatter.add.f32 [tilespmem:s22], [sflag:$0x2], $0x40, s29, s17, $0xb8;
	[tilespmem:$0x1B080] =	vst v63  }
0xf1: {  	s30 =	sadd.s32 $0x280, s0  }
0xf2: {  	[spmem:s2] =	stream.indirect.scatter.add.f32 [tilespmem:s23], [sflag:$0x2], $0x40, s30, s17, $0xb8;
	[tilespmem:$0x1B080] =	vst v63  }
0xf3: {  	s31 =	sadd.s32 $0x300, s0  }
0xf4: {  	[spmem:s2] =	stream.indirect.scatter.add.f32 [tilespmem:s24], [sflag:$0x2], $0x40, s31, s17, $0xb8;
	[tilespmem:$0x1B080] =	vst v63  }
0xf5: {  	s0 =	sadd.s32 $0x380, s0  }
0xf6: {  	[spmem:s2] =	stream.indirect.scatter.add.f32 [tilespmem:s25], [sflag:$0x2], $0x40, s0, s17, $0xb8;
	[tilespmem:$0x1B080] =	vst v63  }
0xf7: {  	_ =	swait.ge [sflag:s26], $0x2000  }
0xf8: {  	[sflag:s26] =	ssyncset.done $0x0  }
0xf9: {  	[sflag:s26] =	ssyncadd.s32 $0xFFFFE000  }
0xfa: {  	_ =	swait.ge [sflag:s26], $0x2000  }
0xfb: {  	[sflag:s26] =	ssyncset.done $0x0  }
0xfc: {  	[sflag:s26] =	ssyncadd.s32 $0xFFFFE000  }
0xfd: {  	_ =	swait.ge [sflag:s26], $0x2000  }
0xfe: {  	[sflag:s26] =	ssyncset.done $0x0  }
0xff: {  	[sflag:s26] =	ssyncadd.s32 $0xFFFFE000  }
0x100: {  	_ =	swait.ge [sflag:s26], $0x2000  }
0x101: {  	[sflag:s26] =	ssyncset.done $0x0  }
0x102: {  	[sflag:s26] =	ssyncadd.s32 $0xFFFFE000  }
0x103: {  	_ =	swait.ge [sflag:s26], $0x2000  }
0x104: {  	[sflag:s26] =	ssyncset.done $0x0  }
0x105: {  	[sflag:s26] =	ssyncadd.s32 $0xFFFFE000  }
0x106: {  	_ =	swait.ge [sflag:s26], $0x2000  }
0x107: {  	[sflag:s26] =	ssyncset.done $0x0  }
0x108: {  	[sflag:s26] =	ssyncadd.s32 $0xFFFFE000  }
0x109: {  	_ =	swait.ge [sflag:s26], $0x2000  }
0x10a: {  	[sflag:s26] =	ssyncset.done $0x0  }
0x10b: {  	[sflag:s26] =	ssyncadd.s32 $0xFFFFE000  }
0x10c: {  	_ =	swait.ge [sflag:s26], $0x2000  }
0x10d: {  	s28 =	sadd.s32 $0x1, s28;
	[sflag:s26] =	ssyncset.done $0x0  }
0x10e: {  	p0 =	sne.s32 s28, s7;
	[sflag:s26] =	ssyncadd.s32 $0xFFFFE000  }
.Ltmp1:
0x10f: {  	[bflag:$0x0] =	sbarrier.arrive $0xFFFF;
	(pc) =	sbr.rel @p0 .LBB2_1-.Ltmp1, $4  }
0x110: {  	[hbm:s8@s14], [sflag:s5] =	dma.strided [spmem:s11@s13], $0x1390, s12, $0x8   }
0x111: {  	_ =	swait.ge [sflag:s15], $0x1390  }
0x112: {  	[sflag:s15] =	ssyncset.done $0x0  }
0x113: {  	[sflag:s15] =	ssyncadd.s32 $0xFFFFEC70  }
0x114: {  	_ =	sfence.sel $0x180000  }
0x115: {  	[bflag:$0x0] =	sbarrier.arrive $0xFFFF  }
0x116: {  	_ =	strace $0x90000056  }
0x117: {  	s0 =	stileid.u32;
	[bflag:$0x2] =	sbarrier.arrive $0xFFFF  }
0x118: {  	p0 =	sne.s32 s0, $0x0;
	s0 =	rddreg [dreg:$0x2]  }
0x119: {  	s0 =	sadd.s32 @!p0 $0x100000, s0  }
0x11a: {  	[sflag:s0] =	ssyncadd.tile.s32 @!p0 $0x1;
	_ =	shalt  }
.Lfunc_end2:
_tile_overlayer_lowered:
.L_overlay_start_2:
0x11b: {  	(tag) =	ssettag $0x2  }
0x11c: {  	s0 =	rddreg [dreg:$0x0];
	s2 =	stileid.u32  }
0x11d: {  	s1 =	rddreg [dreg:$0x1];
	p0 =	sne.s32 s2, $0x0  }
0x11e: {  	s3 =	rddreg [dreg:$0x2];
	[bflag:$0x3] =	sbarrier.arrive $0xFFFF;
	s2 =	simm.s32 @!p0 $0x1C03  }
0x11f: {  	[timem:s3], [sflag:s2] =	dma.local @!p0 [hbm:s0], s1  }
0x120: {  	s0 =	simm.s32 @!p0 $0x3  }
0x121: {  	_ =	swait.ge @!p0 [sflag:s0], s1  }
0x122: {  	s1 =	ssub.s32 @!p0 $0x0, s1;
	[sflag:s0] =	ssyncset.done @!p0 $0x0  }
0x123: {  	[sflag:s0] =	ssyncadd.s32 @!p0 s1  }
0x124: {  	[bflag:$0x3] =	sbarrier.arrive $0xFFFF  }
0x125: {  	_ =	shalt  }

</sc_bundles>
